<compile_context>
chip_gen: v7x
topology: tpu7x:2x2x1
jax: 0.10.2.dev20260603
libtpu: 0.0.44.dev20260713+nightly
codegen_flags: <defaults>
</compile_context>

<pallas_src>
import functools

import jax
import jax.numpy as jnp
from jax import lax
from jax.experimental import pallas as pl
from jax.experimental.pallas import tpu as pltpu
from jax.experimental.pallas import tpu_sc as plsc

N = 100000
E = 1600000
D = 32
DE = 4
L = 4
G = 128

NC = 2
NS = 16
K = 128
CPT = 782
EPT = CPT * K
E_PAD = NS * EPT

H = 50048
N_PAD = NC * H
SPM_ROWS = H + 8
ZROWS = H // NS

BN = 2000
NBLK = N // BN


def _precise_dot(a, b):
    return jnp.dot(a, b, precision=lax.Precision.HIGHEST,
                   preferred_element_type=jnp.float32)



def _edge_body(a_hbm, b_hbm, src_hbm, dst_hbm, ea_hbm, we_hbm, mb_hbm,
               z_hbm, agg_hbm, src_v, dst_v, dloc_v, ea_v, a_v, b_v, m_v,
               we_v, mb_v, agg_sh, sem_a, sem_b):
    c = lax.axis_index("c")
    s = lax.axis_index("s")
    hbase = c * H

    pltpu.sync_copy(we_hbm, we_v)
    pltpu.sync_copy(mb_hbm, mb_v)
    pltpu.sync_copy(z_hbm, agg_sh.at[pl.ds(s * ZROWS, ZROWS), :])
    plsc.subcore_barrier()

    w0 = [we_v[k, pl.ds(0, 16)] for k in range(DE)]
    w1 = [we_v[k, pl.ds(16, 16)] for k in range(DE)]
    mb0 = mb_v[pl.ds(0, 16)]
    mb1 = mb_v[pl.ds(16, 16)]

    def chunk(i, _):
        base = pl.multiple_of(s * EPT + i * K, K)
        pltpu.sync_copy(src_hbm.at[pl.ds(base, K)], src_v)
        pltpu.sync_copy(dst_hbm.at[pl.ds(base, K)], dst_v)
        pltpu.sync_copy(ea_hbm.at[pl.ds(base * DE, K * DE)], ea_v)
        ga = pltpu.async_copy(a_hbm.at[src_v], a_v, sem_a)
        gb = pltpu.async_copy(b_hbm.at[dst_v], b_v, sem_b)
        ga.wait()
        gb.wait()

        def dl_body(j, _):
            d = dst_v[pl.ds(j * 16, 16)]
            dl = d - hbase
            ok = (dl >= 0) & (dl < H)
            dloc_v[pl.ds(j * 16, 16)] = jnp.where(ok, dl, H)
            return 0

        lax.fori_loop(0, K // 16, dl_body, 0, unroll=True)

        def g_body(g, _):
            av = ea_v[pl.ds(g * 16, 16)]
            for j in range(4):
                e = g * 4 + j
                e0 = av[j * DE]
                e1 = av[j * DE + 1]
                e2 = av[j * DE + 2]
                e3 = av[j * DE + 3]
                m0 = (a_v[e, pl.ds(0, 16)] + b_v[e, pl.ds(0, 16)] + mb0
                      + e0 * w0[0] + e1 * w0[1] + e2 * w0[2] + e3 * w0[3])
                m_v[e, pl.ds(0, 16)] = jnp.maximum(m0, 0.0)
                m1 = (a_v[e, pl.ds(16, 16)] + b_v[e, pl.ds(16, 16)] + mb1
                      + e0 * w1[0] + e1 * w1[1] + e2 * w1[2] + e3 * w1[3])
                m_v[e, pl.ds(16, 16)] = jnp.maximum(m1, 0.0)
            return 0

        lax.fori_loop(0, K // 4, g_body, 0)
        pltpu.sync_copy(m_v, agg_sh.at[dloc_v], add=True)
        return 0

    lax.fori_loop(0, CPT, chunk, 0)
    plsc.subcore_barrier()
    pltpu.sync_copy(agg_sh.at[pl.ds(s * ZROWS, ZROWS), :],
                    agg_hbm.at[pl.ds(hbase + s * ZROWS, ZROWS), :])


_edge_kernel = functools.partial(
    pl.kernel,
    _edge_body,
    out_type=jax.ShapeDtypeStruct((N_PAD, D), jnp.float32),
    mesh=plsc.VectorSubcoreMesh(core_axis_name="c", subcore_axis_name="s"),
    scratch_types=[
        pltpu.VMEM((K,), jnp.int32),
        pltpu.VMEM((K,), jnp.int32),
        pltpu.VMEM((K,), jnp.int32),
        pltpu.VMEM((K * DE,), jnp.float32),
        pltpu.VMEM((K, D), jnp.float32),
        pltpu.VMEM((K, D), jnp.float32),
        pltpu.VMEM((K, D), jnp.float32),
        pltpu.VMEM((DE, D), jnp.float32),
        pltpu.VMEM((D,), jnp.float32),
        pltpu.VMEM_SHARED((SPM_ROWS, D), jnp.float32),
        pltpu.SemaphoreType.DMA,
        pltpu.SemaphoreType.DMA,
    ],
    compiler_params=pltpu.CompilerParams(use_tc_tiling_on_sc=False),
)()



def _pre_body(x_ref, lw_ref, lb_ref, ws_ref, wd_ref, h_ref, a_ref, b_ref):
    h = _precise_dot(x_ref[...], lw_ref[...]) + lb_ref[...]
    h_ref[...] = h
    a_ref[...] = _precise_dot(h, ws_ref[...])
    b_ref[...] = _precise_dot(h, wd_ref[...])


def _upd_body(with_next, h_ref, agg_ref, w1_ref, w2_ref, ub_ref, ws_ref,
              wd_ref, h_ref_o, a_ref=None, b_ref=None):
    h = h_ref[...]
    u = jnp.maximum(_precise_dot(h, w1_ref[...])
                    + _precise_dot(agg_ref[...], w2_ref[...])
                    + ub_ref[...], 0.0)
    hn = h + u
    h_ref_o[...] = hn
    if with_next:
        a_ref[...] = _precise_dot(hn, ws_ref[...])
        b_ref[...] = _precise_dot(hn, wd_ref[...])


def _pool_body(h_ref, bat_ref, pw_ref, pb_ref, out_ref, acc_ref, cnt_ref):
    i = pl.program_id(0)

    @pl.when(i == 0)
    def _():
        acc_ref[...] = jnp.zeros_like(acc_ref)
        cnt_ref[...] = jnp.zeros_like(cnt_ref)

    bb = bat_ref[0, 0, :]
    gi = lax.broadcasted_iota(jnp.int32, (BN, G), 1)
    oh = (bb[:, None] == gi).astype(jnp.float32)
    acc_ref[...] += lax.dot_general(
        oh, h_ref[...], (((0,), (0,)), ((), ())),
        precision=lax.Precision.HIGHEST, preferred_element_type=jnp.float32)
    cnt_ref[...] += jnp.sum(oh, axis=0).reshape(1, G)

    @pl.when(i == NBLK - 1)
    def _():
        cnts = jnp.maximum(cnt_ref[0, :], 1.0)
        hg = acc_ref[...] / cnts[:, None]
        out_ref[0, :] = jnp.sum(hg * pw_ref[...], axis=1) + pb_ref[0, 0]


_row_spec = pl.BlockSpec((BN, D), lambda i: (i, 0))
_w_spec = pl.BlockSpec((D, D), lambda i: (0, 0))
_b_spec = pl.BlockSpec((1, D), lambda i: (0, 0))
_f32 = jnp.float32


def _tc_pre(x, lw, lb, ws, wd):
    return pl.pallas_call(
        _pre_body,
        grid=(NBLK,),
        in_specs=[_row_spec, _w_spec, _b_spec, _w_spec, _w_spec],
        out_specs=[_row_spec, _row_spec, _row_spec],
        out_shape=[jax.ShapeDtypeStruct((N, D), _f32)] * 3,
    )(x, lw, lb, ws, wd)


def _tc_update(h, agg, w1, w2, ub, ws, wd, with_next):
    n_out = 3 if with_next else 1
    out = pl.pallas_call(
        functools.partial(_upd_body, with_next),
        grid=(NBLK,),
        in_specs=[_row_spec, _row_spec, _w_spec, _w_spec, _b_spec,
                  _w_spec, _w_spec],
        out_specs=[_row_spec] * n_out,
        out_shape=[jax.ShapeDtypeStruct((N, D), _f32)] * n_out,
    )(h, agg, w1, w2, ub, ws, wd)
    return out if with_next else (out[0], None, None)


def _tc_pool(h, batch3, pw, pb):
    return pl.pallas_call(
        _pool_body,
        grid=(NBLK,),
        in_specs=[_row_spec,
                  pl.BlockSpec((1, 1, BN), lambda i: (i, 0, 0)),
                  _b_spec,
                  pl.BlockSpec((1, 1), lambda i: (0, 0))],
        out_specs=pl.BlockSpec((1, G), lambda i: (0, 0)),
        out_shape=jax.ShapeDtypeStruct((1, G), _f32),
        scratch_shapes=[pltpu.VMEM((G, D), _f32), pltpu.VMEM((1, G), _f32)],
    )(h, batch3, pw, pb)



def kernel(x, edge_index, edge_attr, batch, lin_in_W, lin_in_b, msg_W,
           msg_b, upd_W, upd_b, pred_W, pred_b):
    src = edge_index[0]
    dst = edge_index[1]
    pad = E_PAD - E
    src_p = jnp.concatenate([src, jnp.zeros((pad,), jnp.int32)])
    dst_p = jnp.concatenate([dst, jnp.full((pad,), N, jnp.int32)])
    ea_p = jnp.concatenate(
        [edge_attr, jnp.zeros((pad, DE), jnp.float32)]).reshape(-1)
    zeros_tile = jnp.zeros((ZROWS, D), jnp.float32)
    batch3 = batch.reshape(NBLK, 1, BN)

    h, a, b = _tc_pre(x, lin_in_W, lin_in_b.reshape(1, D),
                      msg_W[0][:D], msg_W[0][D:2 * D])
    for l in range(L):
        agg = _edge_kernel(a, b, src_p, dst_p, ea_p, msg_W[l][2 * D:],
                           msg_b[l], zeros_tile)
        with_next = l + 1 < L
        nl = l + 1 if with_next else l
        h, a, b = _tc_update(h, agg, upd_W[l][:D], upd_W[l][D:],
                             upd_b[l].reshape(1, D), msg_W[nl][:D],
                             msg_W[nl][D:2 * D], with_next)
    out = _tc_pool(h, batch3, pred_W.reshape(1, D),
                   pred_b.reshape(1, 1))
    return out.reshape(-1)

# --- scband reference (transcript-rebuilt; emitter-appended) ---
"""Pipeline reference for scband-mpnnmodel-42004780154922 (READ-ONLY COPY).

The authoritative reference and input builder live on the scoring server;
editing this copy changes nothing except your own understanding.
"""

import jax, jax.numpy as jnp
import numpy as np

N = 100000
E = 1600000
D = 32
DE = 4
L = 4
G = 128


def setup_inputs(seed: int = 0) -> dict:
    key = jax.random.key(seed)
    ks = jax.random.split(key, 16)
    x = jax.random.normal(ks[0], (N, D), dtype=jnp.float32)
    edge_index = jax.random.randint(ks[1], (2, E), 0, N, dtype=jnp.int32)
    edge_attr = jax.random.normal(ks[2], (E, DE), dtype=jnp.float32)
    batch = jnp.sort(jax.random.randint(ks[3], (N,), 0, G, dtype=jnp.int32))
    lin_in_W = jax.random.normal(ks[4], (D, D), dtype=jnp.float32) * 0.1
    lin_in_b = jnp.zeros((D,), dtype=jnp.float32)
    msg_W = jax.random.normal(ks[5], (L, 2 * D + DE, D), dtype=jnp.float32) * 0.1
    msg_b = jnp.zeros((L, D), dtype=jnp.float32)
    upd_W = jax.random.normal(ks[6], (L, 2 * D, D), dtype=jnp.float32) * 0.1
    upd_b = jnp.zeros((L, D), dtype=jnp.float32)
    pred_W = jax.random.normal(ks[7], (D, 1), dtype=jnp.float32) * 0.1
    pred_b = jnp.zeros((1,), dtype=jnp.float32)
    return {
        "x": x,
        "edge_index": edge_index,
        "edge_attr": edge_attr,
        "batch": batch,
        "lin_in_W": lin_in_W,
        "lin_in_b": lin_in_b,
        "msg_W": msg_W,
        "msg_b": msg_b,
        "upd_W": upd_W,
        "upd_b": upd_b,
        "pred_W": pred_W,
        "pred_b": pred_b,
    }


def reference(x, edge_index, edge_attr, batch, lin_in_W, lin_in_b, msg_W, msg_b, upd_W, upd_b, pred_W, pred_b):
    # lin_in
    h = x @ lin_in_W + lin_in_b
    src = edge_index[0]
    dst = edge_index[1]
    # residual message passing layers: h = h + conv(h, edge_index, edge_attr)
    for l in range(L):
        m_in = jnp.concatenate([h[src], h[dst], edge_attr], axis=1)  # gather
        m = jax.nn.relu(m_in @ msg_W[l] + msg_b[l])  # message MLP
        agg = jax.ops.segment_sum(m, dst, num_segments=N)  # scatter-add aggregate
        u_in = jnp.concatenate([h, agg], axis=1)
        u = jax.nn.relu(u_in @ upd_W[l] + upd_b[l])  # update MLP
        h = h + u
    # global mean pool over graphs
    counts = jax.ops.segment_sum(jnp.ones((N,), jnp.float32), batch, num_segments=G)
    hg = jax.ops.segment_sum(h, batch, num_segments=G) / jnp.maximum(counts, 1.0)[:, None]
    out = hg @ pred_W + pred_b
    return out.reshape(-1)

if __name__ == "__main__":
    import jax
    _d = setup_inputs()
    print(jax.jit(kernel)(*tuple(_d.values())))

</pallas_src>

<mosaic_0001>
#map = affine_map<(d0, d1) -> (0, 0)>
#map1 = affine_map<(d0, d1) -> (0)>
module attributes {stable_mosaic.version = 14 : i64} {
  func.func @_edge_body(%arg0: i32, %arg1: i32, %arg2: memref<100000x32xf32, #tpu.memory_space<hbm>>, %arg3: memref<100000x32xf32, #tpu.memory_space<hbm>>, %arg4: memref<1601536xi32, #tpu.memory_space<hbm>>, %arg5: memref<1601536xi32, #tpu.memory_space<hbm>>, %arg6: memref<6406144xf32, #tpu.memory_space<hbm>>, %arg7: memref<4x32xf32, #tpu.memory_space<hbm>>, %arg8: memref<32xf32, #tpu.memory_space<hbm>>, %arg9: memref<3128x32xf32, #tpu.memory_space<hbm>>, %arg10: memref<100096x32xf32, #tpu.memory_space<hbm>>, %arg11: memref<128xi32, #tpu.memory_space<vmem>>, %arg12: memref<128xi32, #tpu.memory_space<vmem>>, %arg13: memref<128xi32, #tpu.memory_space<vmem>>, %arg14: memref<512xf32, #tpu.memory_space<vmem>>, %arg15: memref<128x32xf32, #tpu.memory_space<vmem>>, %arg16: memref<128x32xf32, #tpu.memory_space<vmem>>, %arg17: memref<128x32xf32, #tpu.memory_space<vmem>>, %arg18: memref<4x32xf32, #tpu.memory_space<vmem>>, %arg19: memref<32xf32, #tpu.memory_space<vmem>>, %arg20: memref<50056x32xf32, #tpu.memory_space<vmem_shared>>, %arg21: memref<!tpu.dma_semaphore, #tpu.memory_space<semaphore_mem>>, %arg22: memref<!tpu.dma_semaphore, #tpu.memory_space<semaphore_mem>>) attributes {dimension_semantics = [#tpu.dimension_semantics<core_parallel>, #tpu.dimension_semantics<subcore_parallel>], iteration_bounds = array<i64: 2, 16>, scalar_prefetch = 0 : i64, scratch_operands = 12 : i64, tpu.core_type = #tpu.core_type<sc_vector_subcore>, window_params = [{transform_indices = #map}, {transform_indices = #map}, {transform_indices = #map1}, {transform_indices = #map1}, {transform_indices = #map1}, {transform_indices = #map}, {transform_indices = #map1}, {transform_indices = #map}, {transform_indices = #map}]} {
    %mul3A = arith.constant 50048 : i32
    %mul3A_0 = arith.muli %arg0, %mul3A : i32
    "tpu.region"() ({
      %run_scoped3A = tpu.sem_alloc : memref<!tpu.dma_semaphore, #tpu.memory_space<semaphore_mem>>
      tpu.enqueue_dma source(%arg7 : memref<4x32xf32, #tpu.memory_space<hbm>>) target(%arg18 : memref<4x32xf32, #tpu.memory_space<vmem>>) target_semaphore(%run_scoped3A : memref<!tpu.dma_semaphore, #tpu.memory_space<semaphore_mem>>)
      tpu.wait_dma2 semaphore(%run_scoped3A : memref<!tpu.dma_semaphore, #tpu.memory_space<semaphore_mem>>) src(%arg7 : memref<4x32xf32, #tpu.memory_space<hbm>>) dst(%arg18 : memref<4x32xf32, #tpu.memory_space<vmem>>)
      tpu.yield
    }) : () -> ()
    "tpu.region"() ({
      %run_scoped3A = tpu.sem_alloc : memref<!tpu.dma_semaphore, #tpu.memory_space<semaphore_mem>>
      tpu.enqueue_dma source(%arg8 : memref<32xf32, #tpu.memory_space<hbm>>) target(%arg19 : memref<32xf32, #tpu.memory_space<vmem>>) target_semaphore(%run_scoped3A : memref<!tpu.dma_semaphore, #tpu.memory_space<semaphore_mem>>)
      tpu.wait_dma2 semaphore(%run_scoped3A : memref<!tpu.dma_semaphore, #tpu.memory_space<semaphore_mem>>) src(%arg8 : memref<32xf32, #tpu.memory_space<hbm>>) dst(%arg19 : memref<32xf32, #tpu.memory_space<vmem>>)
      tpu.yield
    }) : () -> ()
    %mul3A_1 = arith.constant 3128 : i32
    %mul3A_2 = arith.muli %arg1, %mul3A_1 : i32
    "tpu.region"() ({
      %run_scoped3A = tpu.sem_alloc : memref<!tpu.dma_semaphore, #tpu.memory_space<semaphore_mem>>
      %dma_start3A = arith.constant 0 : i32
      %dma_start3A_59 = tpu.memref_slice %arg20[%mul3A_2, %dma_start3A] : memref<50056x32xf32, #tpu.memory_space<vmem_shared>> -> memref<3128x32xf32, #tpu.memory_space<vmem_shared>>
      tpu.enqueue_dma source(%arg9 : memref<3128x32xf32, #tpu.memory_space<hbm>>) target(%dma_start3A_59 : memref<3128x32xf32, #tpu.memory_space<vmem_shared>>) target_semaphore(%run_scoped3A : memref<!tpu.dma_semaphore, #tpu.memory_space<semaphore_mem>>)
      %dma_wait3A = arith.constant 0 : i32
      %dma_wait3A_60 = tpu.memref_slice %arg20[%mul3A_2, %dma_wait3A] : memref<50056x32xf32, #tpu.memory_space<vmem_shared>> -> memref<3128x32xf32, #tpu.memory_space<vmem_shared>>
      tpu.wait_dma2 semaphore(%run_scoped3A : memref<!tpu.dma_semaphore, #tpu.memory_space<semaphore_mem>>) src(%arg9 : memref<3128x32xf32, #tpu.memory_space<hbm>>) dst(%dma_wait3A_60 : memref<3128x32xf32, #tpu.memory_space<vmem_shared>>)
      tpu.yield
    }) : () -> ()
    %barrier3A = arith.constant 0 : index
    tpu.barrier barrier_id(%barrier3A)
    %get3A = arith.constant 0 : i32
    %get3A_3 = arith.index_cast %get3A : i32 to index
    %get3A_4 = arith.constant 0 : index
    %get3A_5 = tpu.vector_load %arg18[%get3A_3, %get3A_4] {strides = array<i32>} : memref<4x32xf32, #tpu.memory_space<vmem>>, vector<1x16xf32>,
    %get3A_6 = vector.shape_cast %get3A_5 : vector<1x16xf32> to vector<16xf32>
    %get3A_7 = arith.constant 1 : i32
    %get3A_8 = arith.index_cast %get3A_7 : i32 to index
    %get3A_9 = arith.constant 0 : index
    %get3A_10 = tpu.vector_load %arg18[%get3A_8, %get3A_9] {strides = array<i32>} : memref<4x32xf32, #tpu.memory_space<vmem>>, vector<1x16xf32>,
    %get3A_11 = vector.shape_cast %get3A_10 : vector<1x16xf32> to vector<16xf32>
    %get3A_12 = arith.constant 2 : i32
    %get3A_13 = arith.index_cast %get3A_12 : i32 to index
    %get3A_14 = arith.constant 0 : index
    %get3A_15 = tpu.vector_load %arg18[%get3A_13, %get3A_14] {strides = array<i32>} : memref<4x32xf32, #tpu.memory_space<vmem>>, vector<1x16xf32>,
    %get3A_16 = vector.shape_cast %get3A_15 : vector<1x16xf32> to vector<16xf32>
    %get3A_17 = arith.constant 3 : i32
    %get3A_18 = arith.index_cast %get3A_17 : i32 to index
    %get3A_19 = arith.constant 0 : index
    %get3A_20 = tpu.vector_load %arg18[%get3A_18, %get3A_19] {strides = array<i32>} : memref<4x32xf32, #tpu.memory_space<vmem>>, vector<1x16xf32>,
    %get3A_21 = vector.shape_cast %get3A_20 : vector<1x16xf32> to vector<16xf32>
    %get3A_22 = arith.constant 0 : i32
    %get3A_23 = arith.index_cast %get3A_22 : i32 to index
    %get3A_24 = arith.constant 16 : index
    %get3A_25 = tpu.vector_load %arg18[%get3A_23, %get3A_24] {strides = array<i32>} : memref<4x32xf32, #tpu.memory_space<vmem>>, vector<1x16xf32>,
    %get3A_26 = vector.shape_cast %get3A_25 : vector<1x16xf32> to vector<16xf32>
    %get3A_27 = arith.constant 1 : i32
    %get3A_28 = arith.index_cast %get3A_27 : i32 to index
    %get3A_29 = arith.constant 16 : index
    %get3A_30 = tpu.vector_load %arg18[%get3A_28, %get3A_29] {strides = array<i32>} : memref<4x32xf32, #tpu.memory_space<vmem>>, vector<1x16xf32>,
    %get3A_31 = vector.shape_cast %get3A_30 : vector<1x16xf32> to vector<16xf32>
    %get3A_32 = arith.constant 2 : i32
    %get3A_33 = arith.index_cast %get3A_32 : i32 to index
    %get3A_34 = arith.constant 16 : index
    %get3A_35 = tpu.vector_load %arg18[%get3A_33, %get3A_34] {strides = array<i32>} : memref<4x32xf32, #tpu.memory_space<vmem>>, vector<1x16xf32>,
    %get3A_36 = vector.shape_cast %get3A_35 : vector<1x16xf32> to vector<16xf32>
    %get3A_37 = arith.constant 3 : i32
    %get3A_38 = arith.index_cast %get3A_37 : i32 to index
    %get3A_39 = arith.constant 16 : index
    %get3A_40 = tpu.vector_load %arg18[%get3A_38, %get3A_39] {strides = array<i32>} : memref<4x32xf32, #tpu.memory_space<vmem>>, vector<1x16xf32>,
    %get3A_41 = vector.shape_cast %get3A_40 : vector<1x16xf32> to vector<16xf32>
    %get3A_42 = arith.constant 0 : index
    %get3A_43 = tpu.vector_load %arg19[%get3A_42] {strides = array<i32>} : memref<32xf32, #tpu.memory_space<vmem>>, vector<16xf32>,
    %get3A_44 = vector.shape_cast %get3A_43 : vector<16xf32> to vector<16xf32>
    %get3A_45 = arith.constant 16 : index
    %get3A_46 = tpu.vector_load %arg19[%get3A_45] {strides = array<i32>} : memref<32xf32, #tpu.memory_space<vmem>>, vector<16xf32>,
    %get3A_47 = vector.shape_cast %get3A_46 : vector<16xf32> to vector<16xf32>
    %scan3A = arith.constant 0 : i32
    %scan3A_48 = arith.constant 0 : i32
    %scan3A_49 = arith.constant 782 : i32
    %scan3A_50 = arith.addi %scan3A_48, %scan3A_49 : i32
    %scan3A_51 = arith.constant 1 : i32
    %scan3A_52 = scf.for %scan3A_59 = %scan3A_48 to %scan3A_50 step %scan3A_51 iter_args(%scan3A_60 = %scan3A) -> (i32)  : i32 {
      %mul3A_61 = arith.constant 100096 : i32
      %mul3A_62 = arith.muli %arg1, %mul3A_61 : i32
      %mul3A_63 = arith.constant 128 : i32
      %mul3A_64 = arith.muli %scan3A_59, %mul3A_63 : i32
      %add3A_65 = arith.addi %mul3A_62, %mul3A_64 : i32
      %multiple_of3A = tpu.assume_multiple %add3A_65, 128 : i32
      "tpu.region"() ({
        %run_scoped3A = tpu.sem_alloc : memref<!tpu.dma_semaphore, #tpu.memory_space<semaphore_mem>>
        %dma_start3A_280 = tpu.memref_slice %arg4[%multiple_of3A] : memref<1601536xi32, #tpu.memory_space<hbm>> -> memref<128xi32, #tpu.memory_space<hbm>>
        %dma_start3A_281 = tpu.memref_slice %arg4[%multiple_of3A] : memref<1601536xi32, #tpu.memory_space<hbm>> -> memref<128xi32, #tpu.memory_space<hbm>>
        tpu.enqueue_dma source(%dma_start3A_281 : memref<128xi32, #tpu.memory_space<hbm>>) target(%arg11 : memref<128xi32, #tpu.memory_space<vmem>>) target_semaphore(%run_scoped3A : memref<!tpu.dma_semaphore, #tpu.memory_space<semaphore_mem>>)
        %dma_wait3A_282 = tpu.memref_slice %arg4[%multiple_of3A] : memref<1601536xi32, #tpu.memory_space<hbm>> -> memref<128xi32, #tpu.memory_space<hbm>>
        %dma_wait3A_283 = tpu.memref_slice %arg4[%multiple_of3A] : memref<1601536xi32, #tpu.memory_space<hbm>> -> memref<128xi32, #tpu.memory_space<hbm>>
        tpu.wait_dma2 semaphore(%run_scoped3A : memref<!tpu.dma_semaphore, #tpu.memory_space<semaphore_mem>>) src(%dma_wait3A_283 : memref<128xi32, #tpu.memory_space<hbm>>) dst(%arg11 : memref<128xi32, #tpu.memory_space<vmem>>)
        tpu.yield
      }) : () -> ()
      "tpu.region"() ({
        %run_scoped3A = tpu.sem_alloc : memref<!tpu.dma_semaphore, #tpu.memory_space<semaphore_mem>>
        %dma_start3A_280 = tpu.memref_slice %arg5[%multiple_of3A] : memref<1601536xi32, #tpu.memory_space<hbm>> -> memref<128xi32, #tpu.memory_space<hbm>>
        %dma_start3A_281 = tpu.memref_slice %arg5[%multiple_of3A] : memref<1601536xi32, #tpu.memory_space<hbm>> -> memref<128xi32, #tpu.memory_space<hbm>>
        tpu.enqueue_dma source(%dma_start3A_281 : memref<128xi32, #tpu.memory_space<hbm>>) target(%arg12 : memref<128xi32, #tpu.memory_space<vmem>>) target_semaphore(%run_scoped3A : memref<!tpu.dma_semaphore, #tpu.memory_space<semaphore_mem>>)
        %dma_wait3A_282 = tpu.memref_slice %arg5[%multiple_of3A] : memref<1601536xi32, #tpu.memory_space<hbm>> -> memref<128xi32, #tpu.memory_space<hbm>>
        %dma_wait3A_283 = tpu.memref_slice %arg5[%multiple_of3A] : memref<1601536xi32, #tpu.memory_space<hbm>> -> memref<128xi32, #tpu.memory_space<hbm>>
        tpu.wait_dma2 semaphore(%run_scoped3A : memref<!tpu.dma_semaphore, #tpu.memory_space<semaphore_mem>>) src(%dma_wait3A_283 : memref<128xi32, #tpu.memory_space<hbm>>) dst(%arg12 : memref<128xi32, #tpu.memory_space<vmem>>)
        tpu.yield
      }) : () -> ()
      %mul3A_66 = arith.constant 4 : i32
      %mul3A_67 = arith.muli %multiple_of3A, %mul3A_66 : i32
      "tpu.region"() ({
        %run_scoped3A = tpu.sem_alloc : memref<!tpu.dma_semaphore, #tpu.memory_space<semaphore_mem>>
        %dma_start3A_280 = tpu.memref_slice %arg6[%mul3A_67] : memref<6406144xf32, #tpu.memory_space<hbm>> -> memref<512xf32, #tpu.memory_space<hbm>>
        %dma_start3A_281 = tpu.memref_slice %arg6[%mul3A_67] : memref<6406144xf32, #tpu.memory_space<hbm>> -> memref<512xf32, #tpu.memory_space<hbm>>
        tpu.enqueue_dma source(%dma_start3A_281 : memref<512xf32, #tpu.memory_space<hbm>>) target(%arg14 : memref<512xf32, #tpu.memory_space<vmem>>) target_semaphore(%run_scoped3A : memref<!tpu.dma_semaphore, #tpu.memory_space<semaphore_mem>>)
        %dma_wait3A_282 = tpu.memref_slice %arg6[%mul3A_67] : memref<6406144xf32, #tpu.memory_space<hbm>> -> memref<512xf32, #tpu.memory_space<hbm>>
        %dma_wait3A_283 = tpu.memref_slice %arg6[%mul3A_67] : memref<6406144xf32, #tpu.memory_space<hbm>> -> memref<512xf32, #tpu.memory_space<hbm>>
        tpu.wait_dma2 semaphore(%run_scoped3A : memref<!tpu.dma_semaphore, #tpu.memory_space<semaphore_mem>>) src(%dma_wait3A_283 : memref<512xf32, #tpu.memory_space<hbm>>) dst(%arg14 : memref<512xf32, #tpu.memory_space<vmem>>)
        tpu.yield
      }) : () -> ()
      %dma_start3A = arith.constant 0 : i32
      %dma_start3A_68 = arith.constant 0 : i32
      %dma_start3A_69 = tpu.memref_slice %arg2[%dma_start3A, %dma_start3A_68] : memref<100000x32xf32, #tpu.memory_space<hbm>> -> memref<100000x32xf32, #tpu.memory_space<hbm>>
      tpu.enqueue_indirect_dma source(%dma_start3A_69 : memref<100000x32xf32, #tpu.memory_space<hbm>>) target(%arg15 : memref<128x32xf32, #tpu.memory_space<vmem>>) offsets(%arg11 : memref<128xi32, #tpu.memory_space<vmem>>) semaphore(%arg21 : memref<!tpu.dma_semaphore, #tpu.memory_space<semaphore_mem>>)
      %dma_start3A_70 = arith.constant 0 : i32
      %dma_start3A_71 = arith.constant 0 : i32
      %dma_start3A_72 = tpu.memref_slice %arg3[%dma_start3A_70, %dma_start3A_71] : memref<100000x32xf32, #tpu.memory_space<hbm>> -> memref<100000x32xf32, #tpu.memory_space<hbm>>
      tpu.enqueue_indirect_dma source(%dma_start3A_72 : memref<100000x32xf32, #tpu.memory_space<hbm>>) target(%arg16 : memref<128x32xf32, #tpu.memory_space<vmem>>) offsets(%arg12 : memref<128xi32, #tpu.memory_space<vmem>>) semaphore(%arg22 : memref<!tpu.dma_semaphore, #tpu.memory_space<semaphore_mem>>)
      %dma_wait3A = arith.constant 0 : i32
      %dma_wait3A_73 = arith.constant 0 : i32
      %dma_wait3A_74 = tpu.memref_slice %arg2[%dma_wait3A, %dma_wait3A_73] : memref<100000x32xf32, #tpu.memory_space<hbm>> -> memref<100000x32xf32, #tpu.memory_space<hbm>>
      tpu.wait_indirect_dma semaphore(%arg21 : memref<!tpu.dma_semaphore, #tpu.memory_space<semaphore_mem>>) src(%dma_wait3A_74 : memref<100000x32xf32, #tpu.memory_space<hbm>>) dst(%arg15 : memref<128x32xf32, #tpu.memory_space<vmem>>)
      %dma_wait3A_75 = arith.constant 0 : i32
      %dma_wait3A_76 = arith.constant 0 : i32
      %dma_wait3A_77 = tpu.memref_slice %arg3[%dma_wait3A_75, %dma_wait3A_76] : memref<100000x32xf32, #tpu.memory_space<hbm>> -> memref<100000x32xf32, #tpu.memory_space<hbm>>
      tpu.wait_indirect_dma semaphore(%arg22 : memref<!tpu.dma_semaphore, #tpu.memory_space<semaphore_mem>>) src(%dma_wait3A_77 : memref<100000x32xf32, #tpu.memory_space<hbm>>) dst(%arg16 : memref<128x32xf32, #tpu.memory_space<vmem>>)
      %scan3A_78 = arith.constant 0 : i32
      %scan3A_79 = arith.constant 0 : i32
      %mul3A_80 = arith.constant 16 : i32
      %mul3A_81 = arith.muli %scan3A_79, %mul3A_80 : i32
      %get3A_82 = arith.index_cast %mul3A_81 : i32 to index
      %get3A_83 = tpu.vector_load %arg12[%get3A_82] {strides = array<i32>} : memref<128xi32, #tpu.memory_space<vmem>>, vector<16xi32>,
      %get3A_84 = vector.shape_cast %get3A_83 : vector<16xi32> to vector<16xi32>
      %sub3A = vector.broadcast %mul3A_0 : i32 to vector<16xi32>
      %sub3A_85 = arith.subi %get3A_84, %sub3A : vector<16xi32>
      %ge3A = arith.constant 0 : i32
      %ge3A_86 = vector.broadcast %ge3A : i32 to vector<16xi32>
      %ge3A_87 = arith.cmpi sge, %sub3A_85, %ge3A_86 : vector<16xi32>
      %lt3A = arith.constant 50048 : i32
      %lt3A_88 = vector.broadcast %lt3A : i32 to vector<16xi32>
      %lt3A_89 = arith.cmpi slt, %sub3A_85, %lt3A_88 : vector<16xi32>
      %and3A = arith.andi %ge3A_87, %lt3A_89 : vector<16xi1>
      %jit3A = arith.constant 50048 : i32
      %broadcast_in_dim3A = vector.broadcast %jit3A : i32 to vector<16xi32>
      %select_n3A = arith.select %and3A, %sub3A_85, %broadcast_in_dim3A : vector<16xi1>, vector<16xi32>
      %mul3A_90 = arith.constant 16 : i32
      %mul3A_91 = arith.muli %scan3A_79, %mul3A_90 : i32
      %swap3A = arith.index_cast %mul3A_91 : i32 to index
      %swap3A_92 = tpu.vector_load %arg13[%swap3A] {strides = array<i32>} : memref<128xi32, #tpu.memory_space<vmem>>, vector<16xi32>,
      %swap3A_93 = vector.shape_cast %swap3A_92 : vector<16xi32> to vector<16xi32>
      %swap3A_94 = vector.shape_cast %select_n3A : vector<16xi32> to vector<16xi32>
      tpu.vector_store %arg13[%swap3A], %swap3A_94 {strides = array<i32>} : memref<128xi32, #tpu.memory_space<vmem>>, vector<16xi32>,
      %scan3A_95 = arith.constant 0 : i32
      %scan3A_96 = arith.constant 1 : i32
      %mul3A_97 = arith.constant 16 : i32
      %mul3A_98 = arith.muli %scan3A_96, %mul3A_97 : i32
      %get3A_99 = arith.index_cast %mul3A_98 : i32 to index
      %get3A_100 = tpu.vector_load %arg12[%get3A_99] {strides = array<i32>} : memref<128xi32, #tpu.memory_space<vmem>>, vector<16xi32>,
      %get3A_101 = vector.shape_cast %get3A_100 : vector<16xi32> to vector<16xi32>
      %sub3A_102 = vector.broadcast %mul3A_0 : i32 to vector<16xi32>
      %sub3A_103 = arith.subi %get3A_101, %sub3A_102 : vector<16xi32>
      %ge3A_104 = arith.constant 0 : i32
      %ge3A_105 = vector.broadcast %ge3A_104 : i32 to vector<16xi32>
      %ge3A_106 = arith.cmpi sge, %sub3A_103, %ge3A_105 : vector<16xi32>
      %lt3A_107 = arith.constant 50048 : i32
      %lt3A_108 = vector.broadcast %lt3A_107 : i32 to vector<16xi32>
      %lt3A_109 = arith.cmpi slt, %sub3A_103, %lt3A_108 : vector<16xi32>
      %and3A_110 = arith.andi %ge3A_106, %lt3A_109 : vector<16xi1>
      %jit3A_111 = arith.constant 50048 : i32
      %broadcast_in_dim3A_112 = vector.broadcast %jit3A_111 : i32 to vector<16xi32>
      %select_n3A_113 = arith.select %and3A_110, %sub3A_103, %broadcast_in_dim3A_112 : vector<16xi1>, vector<16xi32>
      %mul3A_114 = arith.constant 16 : i32
      %mul3A_115 = arith.muli %scan3A_96, %mul3A_114 : i32
      %swap3A_116 = arith.index_cast %mul3A_115 : i32 to index
      %swap3A_117 = tpu.vector_load %arg13[%swap3A_116] {strides = array<i32>} : memref<128xi32, #tpu.memory_space<vmem>>, vector<16xi32>,
      %swap3A_118 = vector.shape_cast %swap3A_117 : vector<16xi32> to vector<16xi32>
      %swap3A_119 = vector.shape_cast %select_n3A_113 : vector<16xi32> to vector<16xi32>
      tpu.vector_store %arg13[%swap3A_116], %swap3A_119 {strides = array<i32>} : memref<128xi32, #tpu.memory_space<vmem>>, vector<16xi32>,
      %scan3A_120 = arith.constant 0 : i32
      %scan3A_121 = arith.constant 2 : i32
      %mul3A_122 = arith.constant 16 : i32
      %mul3A_123 = arith.muli %scan3A_121, %mul3A_122 : i32
      %get3A_124 = arith.index_cast %mul3A_123 : i32 to index
      %get3A_125 = tpu.vector_load %arg12[%get3A_124] {strides = array<i32>} : memref<128xi32, #tpu.memory_space<vmem>>, vector<16xi32>,
      %get3A_126 = vector.shape_cast %get3A_125 : vector<16xi32> to vector<16xi32>
      %sub3A_127 = vector.broadcast %mul3A_0 : i32 to vector<16xi32>
      %sub3A_128 = arith.subi %get3A_126, %sub3A_127 : vector<16xi32>
      %ge3A_129 = arith.constant 0 : i32
      %ge3A_130 = vector.broadcast %ge3A_129 : i32 to vector<16xi32>
      %ge3A_131 = arith.cmpi sge, %sub3A_128, %ge3A_130 : vector<16xi32>
      %lt3A_132 = arith.constant 50048 : i32
      %lt3A_133 = vector.broadcast %lt3A_132 : i32 to vector<16xi32>
      %lt3A_134 = arith.cmpi slt, %sub3A_128, %lt3A_133 : vector<16xi32>
      %and3A_135 = arith.andi %ge3A_131, %lt3A_134 : vector<16xi1>
      %jit3A_136 = arith.constant 50048 : i32
      %broadcast_in_dim3A_137 = vector.broadcast %jit3A_136 : i32 to vector<16xi32>
      %select_n3A_138 = arith.select %and3A_135, %sub3A_128, %broadcast_in_dim3A_137 : vector<16xi1>, vector<16xi32>
      %mul3A_139 = arith.constant 16 : i32
      %mul3A_140 = arith.muli %scan3A_121, %mul3A_139 : i32
      %swap3A_141 = arith.index_cast %mul3A_140 : i32 to index
      %swap3A_142 = tpu.vector_load %arg13[%swap3A_141] {strides = array<i32>} : memref<128xi32, #tpu.memory_space<vmem>>, vector<16xi32>,
      %swap3A_143 = vector.shape_cast %swap3A_142 : vector<16xi32> to vector<16xi32>
      %swap3A_144 = vector.shape_cast %select_n3A_138 : vector<16xi32> to vector<16xi32>
      tpu.vector_store %arg13[%swap3A_141], %swap3A_144 {strides = array<i32>} : memref<128xi32, #tpu.memory_space<vmem>>, vector<16xi32>,
      %scan3A_145 = arith.constant 0 : i32
      %scan3A_146 = arith.constant 3 : i32
      %mul3A_147 = arith.constant 16 : i32
      %mul3A_148 = arith.muli %scan3A_146, %mul3A_147 : i32
      %get3A_149 = arith.index_cast %mul3A_148 : i32 to index
      %get3A_150 = tpu.vector_load %arg12[%get3A_149] {strides = array<i32>} : memref<128xi32, #tpu.memory_space<vmem>>, vector<16xi32>,
      %get3A_151 = vector.shape_cast %get3A_150 : vector<16xi32> to vector<16xi32>
      %sub3A_152 = vector.broadcast %mul3A_0 : i32 to vector<16xi32>
      %sub3A_153 = arith.subi %get3A_151, %sub3A_152 : vector<16xi32>
      %ge3A_154 = arith.constant 0 : i32
      %ge3A_155 = vector.broadcast %ge3A_154 : i32 to vector<16xi32>
      %ge3A_156 = arith.cmpi sge, %sub3A_153, %ge3A_155 : vector<16xi32>
      %lt3A_157 = arith.constant 50048 : i32
      %lt3A_158 = vector.broadcast %lt3A_157 : i32 to vector<16xi32>
      %lt3A_159 = arith.cmpi slt, %sub3A_153, %lt3A_158 : vector<16xi32>
      %and3A_160 = arith.andi %ge3A_156, %lt3A_159 : vector<16xi1>
      %jit3A_161 = arith.constant 50048 : i32
      %broadcast_in_dim3A_162 = vector.broadcast %jit3A_161 : i32 to vector<16xi32>
      %select_n3A_163 = arith.select %and3A_160, %sub3A_153, %broadcast_in_dim3A_162 : vector<16xi1>, vector<16xi32>
      %mul3A_164 = arith.constant 16 : i32
      %mul3A_165 = arith.muli %scan3A_146, %mul3A_164 : i32
      %swap3A_166 = arith.index_cast %mul3A_165 : i32 to index
      %swap3A_167 = tpu.vector_load %arg13[%swap3A_166] {strides = array<i32>} : memref<128xi32, #tpu.memory_space<vmem>>, vector<16xi32>,
      %swap3A_168 = vector.shape_cast %swap3A_167 : vector<16xi32> to vector<16xi32>
      %swap3A_169 = vector.shape_cast %select_n3A_163 : vector<16xi32> to vector<16xi32>
      tpu.vector_store %arg13[%swap3A_166], %swap3A_169 {strides = array<i32>} : memref<128xi32, #tpu.memory_space<vmem>>, vector<16xi32>,
      %scan3A_170 = arith.constant 0 : i32
      %scan3A_171 = arith.constant 4 : i32
      %mul3A_172 = arith.constant 16 : i32
      %mul3A_173 = arith.muli %scan3A_171, %mul3A_172 : i32
      %get3A_174 = arith.index_cast %mul3A_173 : i32 to index
      %get3A_175 = tpu.vector_load %arg12[%get3A_174] {strides = array<i32>} : memref<128xi32, #tpu.memory_space<vmem>>, vector<16xi32>,
      %get3A_176 = vector.shape_cast %get3A_175 : vector<16xi32> to vector<16xi32>
      %sub3A_177 = vector.broadcast %mul3A_0 : i32 to vector<16xi32>
      %sub3A_178 = arith.subi %get3A_176, %sub3A_177 : vector<16xi32>
      %ge3A_179 = arith.constant 0 : i32
      %ge3A_180 = vector.broadcast %ge3A_179 : i32 to vector<16xi32>
      %ge3A_181 = arith.cmpi sge, %sub3A_178, %ge3A_180 : vector<16xi32>
      %lt3A_182 = arith.constant 50048 : i32
      %lt3A_183 = vector.broadcast %lt3A_182 : i32 to vector<16xi32>
      %lt3A_184 = arith.cmpi slt, %sub3A_178, %lt3A_183 : vector<16xi32>
      %and3A_185 = arith.andi %ge3A_181, %lt3A_184 : vector<16xi1>
      %jit3A_186 = arith.constant 50048 : i32
      %broadcast_in_dim3A_187 = vector.broadcast %jit3A_186 : i32 to vector<16xi32>
      %select_n3A_188 = arith.select %and3A_185, %sub3A_178, %broadcast_in_dim3A_187 : vector<16xi1>, vector<16xi32>
      %mul3A_189 = arith.constant 16 : i32
      %mul3A_190 = arith.muli %scan3A_171, %mul3A_189 : i32
      %swap3A_191 = arith.index_cast %mul3A_190 : i32 to index
      %swap3A_192 = tpu.vector_load %arg13[%swap3A_191] {strides = array<i32>} : memref<128xi32, #tpu.memory_space<vmem>>, vector<16xi32>,
      %swap3A_193 = vector.shape_cast %swap3A_192 : vector<16xi32> to vector<16xi32>
      %swap3A_194 = vector.shape_cast %select_n3A_188 : vector<16xi32> to vector<16xi32>
      tpu.vector_store %arg13[%swap3A_191], %swap3A_194 {strides = array<i32>} : memref<128xi32, #tpu.memory_space<vmem>>, vector<16xi32>,
      %scan3A_195 = arith.constant 0 : i32
      %scan3A_196 = arith.constant 5 : i32
      %mul3A_197 = arith.constant 16 : i32
      %mul3A_198 = arith.muli %scan3A_196, %mul3A_197 : i32
      %get3A_199 = arith.index_cast %mul3A_198 : i32 to index
      %get3A_200 = tpu.vector_load %arg12[%get3A_199] {strides = array<i32>} : memref<128xi32, #tpu.memory_space<vmem>>, vector<16xi32>,
      %get3A_201 = vector.shape_cast %get3A_200 : vector<16xi32> to vector<16xi32>
      %sub3A_202 = vector.broadcast %mul3A_0 : i32 to vector<16xi32>
      %sub3A_203 = arith.subi %get3A_201, %sub3A_202 : vector<16xi32>
      %ge3A_204 = arith.constant 0 : i32
      %ge3A_205 = vector.broadcast %ge3A_204 : i32 to vector<16xi32>
      %ge3A_206 = arith.cmpi sge, %sub3A_203, %ge3A_205 : vector<16xi32>
      %lt3A_207 = arith.constant 50048 : i32
      %lt3A_208 = vector.broadcast %lt3A_207 : i32 to vector<16xi32>
      %lt3A_209 = arith.cmpi slt, %sub3A_203, %lt3A_208 : vector<16xi32>
      %and3A_210 = arith.andi %ge3A_206, %lt3A_209 : vector<16xi1>
      %jit3A_211 = arith.constant 50048 : i32
      %broadcast_in_dim3A_212 = vector.broadcast %jit3A_211 : i32 to vector<16xi32>
      %select_n3A_213 = arith.select %and3A_210, %sub3A_203, %broadcast_in_dim3A_212 : vector<16xi1>, vector<16xi32>
      %mul3A_214 = arith.constant 16 : i32
      %mul3A_215 = arith.muli %scan3A_196, %mul3A_214 : i32
      %swap3A_216 = arith.index_cast %mul3A_215 : i32 to index
      %swap3A_217 = tpu.vector_load %arg13[%swap3A_216] {strides = array<i32>} : memref<128xi32, #tpu.memory_space<vmem>>, vector<16xi32>,
      %swap3A_218 = vector.shape_cast %swap3A_217 : vector<16xi32> to vector<16xi32>
      %swap3A_219 = vector.shape_cast %select_n3A_213 : vector<16xi32> to vector<16xi32>
      tpu.vector_store %arg13[%swap3A_216], %swap3A_219 {strides = array<i32>} : memref<128xi32, #tpu.memory_space<vmem>>, vector<16xi32>,
      %scan3A_220 = arith.constant 0 : i32
      %scan3A_221 = arith.constant 6 : i32
      %mul3A_222 = arith.constant 16 : i32
      %mul3A_223 = arith.muli %scan3A_221, %mul3A_222 : i32
      %get3A_224 = arith.index_cast %mul3A_223 : i32 to index
      %get3A_225 = tpu.vector_load %arg12[%get3A_224] {strides = array<i32>} : memref<128xi32, #tpu.memory_space<vmem>>, vector<16xi32>,
      %get3A_226 = vector.shape_cast %get3A_225 : vector<16xi32> to vector<16xi32>
      %sub3A_227 = vector.broadcast %mul3A_0 : i32 to vector<16xi32>
      %sub3A_228 = arith.subi %get3A_226, %sub3A_227 : vector<16xi32>
      %ge3A_229 = arith.constant 0 : i32
      %ge3A_230 = vector.broadcast %ge3A_229 : i32 to vector<16xi32>
      %ge3A_231 = arith.cmpi sge, %sub3A_228, %ge3A_230 : vector<16xi32>
      %lt3A_232 = arith.constant 50048 : i32
      %lt3A_233 = vector.broadcast %lt3A_232 : i32 to vector<16xi32>
      %lt3A_234 = arith.cmpi slt, %sub3A_228, %lt3A_233 : vector<16xi32>
      %and3A_235 = arith.andi %ge3A_231, %lt3A_234 : vector<16xi1>
      %jit3A_236 = arith.constant 50048 : i32
      %broadcast_in_dim3A_237 = vector.broadcast %jit3A_236 : i32 to vector<16xi32>
      %select_n3A_238 = arith.select %and3A_235, %sub3A_228, %broadcast_in_dim3A_237 : vector<16xi1>, vector<16xi32>
      %mul3A_239 = arith.constant 16 : i32
      %mul3A_240 = arith.muli %scan3A_221, %mul3A_239 : i32
      %swap3A_241 = arith.index_cast %mul3A_240 : i32 to index
      %swap3A_242 = tpu.vector_load %arg13[%swap3A_241] {strides = array<i32>} : memref<128xi32, #tpu.memory_space<vmem>>, vector<16xi32>,
      %swap3A_243 = vector.shape_cast %swap3A_242 : vector<16xi32> to vector<16xi32>
      %swap3A_244 = vector.shape_cast %select_n3A_238 : vector<16xi32> to vector<16xi32>
      tpu.vector_store %arg13[%swap3A_241], %swap3A_244 {strides = array<i32>} : memref<128xi32, #tpu.memory_space<vmem>>, vector<16xi32>,
      %scan3A_245 = arith.constant 0 : i32
      %scan3A_246 = arith.constant 7 : i32
      %mul3A_247 = arith.constant 16 : i32
      %mul3A_248 = arith.muli %scan3A_246, %mul3A_247 : i32
      %get3A_249 = arith.index_cast %mul3A_248 : i32 to index
      %get3A_250 = tpu.vector_load %arg12[%get3A_249] {strides = array<i32>} : memref<128xi32, #tpu.memory_space<vmem>>, vector<16xi32>,
      %get3A_251 = vector.shape_cast %get3A_250 : vector<16xi32> to vector<16xi32>
      %sub3A_252 = vector.broadcast %mul3A_0 : i32 to vector<16xi32>
      %sub3A_253 = arith.subi %get3A_251, %sub3A_252 : vector<16xi32>
      %ge3A_254 = arith.constant 0 : i32
      %ge3A_255 = vector.broadcast %ge3A_254 : i32 to vector<16xi32>
      %ge3A_256 = arith.cmpi sge, %sub3A_253, %ge3A_255 : vector<16xi32>
      %lt3A_257 = arith.constant 50048 : i32
      %lt3A_258 = vector.broadcast %lt3A_257 : i32 to vector<16xi32>
      %lt3A_259 = arith.cmpi slt, %sub3A_253, %lt3A_258 : vector<16xi32>
      %and3A_260 = arith.andi %ge3A_256, %lt3A_259 : vector<16xi1>
      %jit3A_261 = arith.constant 50048 : i32
      %broadcast_in_dim3A_262 = vector.broadcast %jit3A_261 : i32 to vector<16xi32>
      %select_n3A_263 = arith.select %and3A_260, %sub3A_253, %broadcast_in_dim3A_262 : vector<16xi1>, vector<16xi32>
      %mul3A_264 = arith.constant 16 : i32
      %mul3A_265 = arith.muli %scan3A_246, %mul3A_264 : i32
      %swap3A_266 = arith.index_cast %mul3A_265 : i32 to index
      %swap3A_267 = tpu.vector_load %arg13[%swap3A_266] {strides = array<i32>} : memref<128xi32, #tpu.memory_space<vmem>>, vector<16xi32>,
      %swap3A_268 = vector.shape_cast %swap3A_267 : vector<16xi32> to vector<16xi32>
      %swap3A_269 = vector.shape_cast %select_n3A_263 : vector<16xi32> to vector<16xi32>
      tpu.vector_store %arg13[%swap3A_266], %swap3A_269 {strides = array<i32>} : memref<128xi32, #tpu.memory_space<vmem>>, vector<16xi32>,
      %scan3A_270 = arith.constant 0 : i32
      %scan3A_271 = arith.constant 8 : i32
      %scan3A_272 = arith.constant 0 : i32
      %scan3A_273 = arith.constant 0 : i32
      %scan3A_274 = arith.constant 32 : i32
      %scan3A_275 = arith.addi %scan3A_273, %scan3A_274 : i32
      %scan3A_276 = arith.constant 1 : i32
      %scan3A_277 = scf.for %scan3A_280 = %scan3A_273 to %scan3A_275 step %scan3A_276 iter_args(%scan3A_281 = %scan3A_272) -> (i32)  : i32 {
        %mul3A_282 = arith.constant 16 : i32
        %mul3A_283 = arith.muli %scan3A_280, %mul3A_282 : i32
        %get3A_284 = arith.index_cast %mul3A_283 : i32 to index
        %get3A_285 = tpu.vector_load %arg14[%get3A_284] {strides = array<i32>} : memref<512xf32, #tpu.memory_space<vmem>>, vector<16xf32>,
        %get3A_286 = vector.shape_cast %get3A_285 : vector<16xf32> to vector<16xf32>
        %mul3A_287 = arith.constant 4 : i32
        %mul3A_288 = arith.muli %scan3A_280, %mul3A_287 : i32
        %add3A_289 = arith.constant 0 : i32
        %add3A_290 = arith.addi %mul3A_288, %add3A_289 : i32
        %slice3A = vector.extract_strided_slice %get3A_286 {offsets = [0], sizes = [1], strides = [1]} : vector<16xf32> to vector<1xf32>
        %squeeze3A = vector.extract %slice3A[0] : f32 from vector<1xf32>
        %slice3A_291 = vector.extract_strided_slice %get3A_286 {offsets = [1], sizes = [1], strides = [1]} : vector<16xf32> to vector<1xf32>
        %squeeze3A_292 = vector.extract %slice3A_291[0] : f32 from vector<1xf32>
        %slice3A_293 = vector.extract_strided_slice %get3A_286 {offsets = [2], sizes = [1], strides = [1]} : vector<16xf32> to vector<1xf32>
        %squeeze3A_294 = vector.extract %slice3A_293[0] : f32 from vector<1xf32>
        %slice3A_295 = vector.extract_strided_slice %get3A_286 {offsets = [3], sizes = [1], strides = [1]} : vector<16xf32> to vector<1xf32>
        %squeeze3A_296 = vector.extract %slice3A_295[0] : f32 from vector<1xf32>
        %get3A_297 = arith.index_cast %add3A_290 : i32 to index
        %get3A_298 = arith.constant 0 : index
        %get3A_299 = tpu.vector_load %arg15[%get3A_297, %get3A_298] {strides = array<i32>} : memref<128x32xf32, #tpu.memory_space<vmem>>, vector<1x16xf32>,
        %get3A_300 = vector.shape_cast %get3A_299 : vector<1x16xf32> to vector<16xf32>
        %get3A_301 = arith.index_cast %add3A_290 : i32 to index
        %get3A_302 = arith.constant 0 : index
        %get3A_303 = tpu.vector_load %arg16[%get3A_301, %get3A_302] {strides = array<i32>} : memref<128x32xf32, #tpu.memory_space<vmem>>, vector<1x16xf32>,
        %get3A_304 = vector.shape_cast %get3A_303 : vector<1x16xf32> to vector<16xf32>
        %add3A_305 = arith.addf %get3A_300, %get3A_304 : vector<16xf32>
        %add3A_306 = arith.addf %add3A_305, %get3A_44 : vector<16xf32>
        %mul3A_307 = vector.broadcast %squeeze3A : f32 to vector<16xf32>
        %mul3A_308 = arith.mulf %mul3A_307, %get3A_6 : vector<16xf32>
        %add3A_309 = arith.addf %add3A_306, %mul3A_308 : vector<16xf32>
        %mul3A_310 = vector.broadcast %squeeze3A_292 : f32 to vector<16xf32>
        %mul3A_311 = arith.mulf %mul3A_310, %get3A_11 : vector<16xf32>
        %add3A_312 = arith.addf %add3A_309, %mul3A_311 : vector<16xf32>
        %mul3A_313 = vector.broadcast %squeeze3A_294 : f32 to vector<16xf32>
        %mul3A_314 = arith.mulf %mul3A_313, %get3A_16 : vector<16xf32>
        %add3A_315 = arith.addf %add3A_312, %mul3A_314 : vector<16xf32>
        %mul3A_316 = vector.broadcast %squeeze3A_296 : f32 to vector<16xf32>
        %mul3A_317 = arith.mulf %mul3A_316, %get3A_21 : vector<16xf32>
        %add3A_318 = arith.addf %add3A_315, %mul3A_317 : vector<16xf32>
        %max3A = arith.constant 0.000000e+00 : f32
        %max3A_319 = vector.broadcast %max3A : f32 to vector<16xf32>
        %max3A_320 = arith.maximumf %add3A_318, %max3A_319 : vector<16xf32>
        %swap3A_321 = arith.index_cast %add3A_290 : i32 to index
        %swap3A_322 = arith.constant 0 : index
        %swap3A_323 = tpu.vector_load %arg17[%swap3A_321, %swap3A_322] {strides = array<i32>} : memref<128x32xf32, #tpu.memory_space<vmem>>, vector<1x16xf32>,
        %swap3A_324 = vector.shape_cast %swap3A_323 : vector<1x16xf32> to vector<16xf32>
        %swap3A_325 = vector.shape_cast %max3A_320 : vector<16xf32> to vector<1x16xf32>
        tpu.vector_store %arg17[%swap3A_321, %swap3A_322], %swap3A_325 {strides = array<i32>} : memref<128x32xf32, #tpu.memory_space<vmem>>, vector<1x16xf32>,
        %get3A_326 = arith.index_cast %add3A_290 : i32 to index
        %get3A_327 = arith.constant 16 : index
        %get3A_328 = tpu.vector_load %arg15[%get3A_326, %get3A_327] {strides = array<i32>} : memref<128x32xf32, #tpu.memory_space<vmem>>, vector<1x16xf32>,
        %get3A_329 = vector.shape_cast %get3A_328 : vector<1x16xf32> to vector<16xf32>
        %get3A_330 = arith.index_cast %add3A_290 : i32 to index
        %get3A_331 = arith.constant 16 : index
        %get3A_332 = tpu.vector_load %arg16[%get3A_330, %get3A_331] {strides = array<i32>} : memref<128x32xf32, #tpu.memory_space<vmem>>, vector<1x16xf32>,
        %get3A_333 = vector.shape_cast %get3A_332 : vector<1x16xf32> to vector<16xf32>
        %add3A_334 = arith.addf %get3A_329, %get3A_333 : vector<16xf32>
        %add3A_335 = arith.addf %add3A_334, %get3A_47 : vector<16xf32>
        %mul3A_336 = vector.broadcast %squeeze3A : f32 to vector<16xf32>
        %mul3A_337 = arith.mulf %mul3A_336, %get3A_26 : vector<16xf32>
        %add3A_338 = arith.addf %add3A_335, %mul3A_337 : vector<16xf32>
        %mul3A_339 = vector.broadcast %squeeze3A_292 : f32 to vector<16xf32>
        %mul3A_340 = arith.mulf %mul3A_339, %get3A_31 : vector<16xf32>
        %add3A_341 = arith.addf %add3A_338, %mul3A_340 : vector<16xf32>
        %mul3A_342 = vector.broadcast %squeeze3A_294 : f32 to vector<16xf32>
        %mul3A_343 = arith.mulf %mul3A_342, %get3A_36 : vector<16xf32>
        %add3A_344 = arith.addf %add3A_341, %mul3A_343 : vector<16xf32>
        %mul3A_345 = vector.broadcast %squeeze3A_296 : f32 to vector<16xf32>
        %mul3A_346 = arith.mulf %mul3A_345, %get3A_41 : vector<16xf32>
        %add3A_347 = arith.addf %add3A_344, %mul3A_346 : vector<16xf32>
        %max3A_348 = arith.constant 0.000000e+00 : f32
        %max3A_349 = vector.broadcast %max3A_348 : f32 to vector<16xf32>
        %max3A_350 = arith.maximumf %add3A_347, %max3A_349 : vector<16xf32>
        %swap3A_351 = arith.index_cast %add3A_290 : i32 to index
        %swap3A_352 = arith.constant 16 : index
        %swap3A_353 = tpu.vector_load %arg17[%swap3A_351, %swap3A_352] {strides = array<i32>} : memref<128x32xf32, #tpu.memory_space<vmem>>, vector<1x16xf32>,
        %swap3A_354 = vector.shape_cast %swap3A_353 : vector<1x16xf32> to vector<16xf32>
        %swap3A_355 = vector.shape_cast %max3A_350 : vector<16xf32> to vector<1x16xf32>
        tpu.vector_store %arg17[%swap3A_351, %swap3A_352], %swap3A_355 {strides = array<i32>} : memref<128x32xf32, #tpu.memory_space<vmem>>, vector<1x16xf32>,
        %mul3A_356 = arith.constant 4 : i32
        %mul3A_357 = arith.muli %scan3A_280, %mul3A_356 : i32
        %add3A_358 = arith.constant 1 : i32
        %add3A_359 = arith.addi %mul3A_357, %add3A_358 : i32
        %slice3A_360 = vector.extract_strided_slice %get3A_286 {offsets = [4], sizes = [1], strides = [1]} : vector<16xf32> to vector<1xf32>
        %squeeze3A_361 = vector.extract %slice3A_360[0] : f32 from vector<1xf32>
        %slice3A_362 = vector.extract_strided_slice %get3A_286 {offsets = [5], sizes = [1], strides = [1]} : vector<16xf32> to vector<1xf32>
        %squeeze3A_363 = vector.extract %slice3A_362[0] : f32 from vector<1xf32>
        %slice3A_364 = vector.extract_strided_slice %get3A_286 {offsets = [6], sizes = [1], strides = [1]} : vector<16xf32> to vector<1xf32>
        %squeeze3A_365 = vector.extract %slice3A_364[0] : f32 from vector<1xf32>
        %slice3A_366 = vector.extract_strided_slice %get3A_286 {offsets = [7], sizes = [1], strides = [1]} : vector<16xf32> to vector<1xf32>
        %squeeze3A_367 = vector.extract %slice3A_366[0] : f32 from vector<1xf32>
        %get3A_368 = arith.index_cast %add3A_359 : i32 to index
        %get3A_369 = arith.constant 0 : index
        %get3A_370 = tpu.vector_load %arg15[%get3A_368, %get3A_369] {strides = array<i32>} : memref<128x32xf32, #tpu.memory_space<vmem>>, vector<1x16xf32>,
        %get3A_371 = vector.shape_cast %get3A_370 : vector<1x16xf32> to vector<16xf32>
        %get3A_372 = arith.index_cast %add3A_359 : i32 to index
        %get3A_373 = arith.constant 0 : index
        %get3A_374 = tpu.vector_load %arg16[%get3A_372, %get3A_373] {strides = array<i32>} : memref<128x32xf32, #tpu.memory_space<vmem>>, vector<1x16xf32>,
        %get3A_375 = vector.shape_cast %get3A_374 : vector<1x16xf32> to vector<16xf32>
        %add3A_376 = arith.addf %get3A_371, %get3A_375 : vector<16xf32>
        %add3A_377 = arith.addf %add3A_376, %get3A_44 : vector<16xf32>
        %mul3A_378 = vector.broadcast %squeeze3A_361 : f32 to vector<16xf32>
        %mul3A_379 = arith.mulf %mul3A_378, %get3A_6 : vector<16xf32>
        %add3A_380 = arith.addf %add3A_377, %mul3A_379 : vector<16xf32>
        %mul3A_381 = vector.broadcast %squeeze3A_363 : f32 to vector<16xf32>
        %mul3A_382 = arith.mulf %mul3A_381, %get3A_11 : vector<16xf32>
        %add3A_383 = arith.addf %add3A_380, %mul3A_382 : vector<16xf32>
        %mul3A_384 = vector.broadcast %squeeze3A_365 : f32 to vector<16xf32>
        %mul3A_385 = arith.mulf %mul3A_384, %get3A_16 : vector<16xf32>
        %add3A_386 = arith.addf %add3A_383, %mul3A_385 : vector<16xf32>
        %mul3A_387 = vector.broadcast %squeeze3A_367 : f32 to vector<16xf32>
        %mul3A_388 = arith.mulf %mul3A_387, %get3A_21 : vector<16xf32>
        %add3A_389 = arith.addf %add3A_386, %mul3A_388 : vector<16xf32>
        %max3A_390 = arith.constant 0.000000e+00 : f32
        %max3A_391 = vector.broadcast %max3A_390 : f32 to vector<16xf32>
        %max3A_392 = arith.maximumf %add3A_389, %max3A_391 : vector<16xf32>
        %swap3A_393 = arith.index_cast %add3A_359 : i32 to index
        %swap3A_394 = arith.constant 0 : index
        %swap3A_395 = tpu.vector_load %arg17[%swap3A_393, %swap3A_394] {strides = array<i32>} : memref<128x32xf32, #tpu.memory_space<vmem>>, vector<1x16xf32>,
        %swap3A_396 = vector.shape_cast %swap3A_395 : vector<1x16xf32> to vector<16xf32>
        %swap3A_397 = vector.shape_cast %max3A_392 : vector<16xf32> to vector<1x16xf32>
        tpu.vector_store %arg17[%swap3A_393, %swap3A_394], %swap3A_397 {strides = array<i32>} : memref<128x32xf32, #tpu.memory_space<vmem>>, vector<1x16xf32>,
        %get3A_398 = arith.index_cast %add3A_359 : i32 to index
        %get3A_399 = arith.constant 16 : index
        %get3A_400 = tpu.vector_load %arg15[%get3A_398, %get3A_399] {strides = array<i32>} : memref<128x32xf32, #tpu.memory_space<vmem>>, vector<1x16xf32>,
        %get3A_401 = vector.shape_cast %get3A_400 : vector<1x16xf32> to vector<16xf32>
        %get3A_402 = arith.index_cast %add3A_359 : i32 to index
        %get3A_403 = arith.constant 16 : index
        %get3A_404 = tpu.vector_load %arg16[%get3A_402, %get3A_403] {strides = array<i32>} : memref<128x32xf32, #tpu.memory_space<vmem>>, vector<1x16xf32>,
        %get3A_405 = vector.shape_cast %get3A_404 : vector<1x16xf32> to vector<16xf32>
        %add3A_406 = arith.addf %get3A_401, %get3A_405 : vector<16xf32>
        %add3A_407 = arith.addf %add3A_406, %get3A_47 : vector<16xf32>
        %mul3A_408 = vector.broadcast %squeeze3A_361 : f32 to vector<16xf32>
        %mul3A_409 = arith.mulf %mul3A_408, %get3A_26 : vector<16xf32>
        %add3A_410 = arith.addf %add3A_407, %mul3A_409 : vector<16xf32>
        %mul3A_411 = vector.broadcast %squeeze3A_363 : f32 to vector<16xf32>
        %mul3A_412 = arith.mulf %mul3A_411, %get3A_31 : vector<16xf32>
        %add3A_413 = arith.addf %add3A_410, %mul3A_412 : vector<16xf32>
        %mul3A_414 = vector.broadcast %squeeze3A_365 : f32 to vector<16xf32>
        %mul3A_415 = arith.mulf %mul3A_414, %get3A_36 : vector<16xf32>
        %add3A_416 = arith.addf %add3A_413, %mul3A_415 : vector<16xf32>
        %mul3A_417 = vector.broadcast %squeeze3A_367 : f32 to vector<16xf32>
        %mul3A_418 = arith.mulf %mul3A_417, %get3A_41 : vector<16xf32>
        %add3A_419 = arith.addf %add3A_416, %mul3A_418 : vector<16xf32>
        %max3A_420 = arith.constant 0.000000e+00 : f32
        %max3A_421 = vector.broadcast %max3A_420 : f32 to vector<16xf32>
        %max3A_422 = arith.maximumf %add3A_419, %max3A_421 : vector<16xf32>
        %swap3A_423 = arith.index_cast %add3A_359 : i32 to index
        %swap3A_424 = arith.constant 16 : index
        %swap3A_425 = tpu.vector_load %arg17[%swap3A_423, %swap3A_424] {strides = array<i32>} : memref<128x32xf32, #tpu.memory_space<vmem>>, vector<1x16xf32>,
        %swap3A_426 = vector.shape_cast %swap3A_425 : vector<1x16xf32> to vector<16xf32>
        %swap3A_427 = vector.shape_cast %max3A_422 : vector<16xf32> to vector<1x16xf32>
        tpu.vector_store %arg17[%swap3A_423, %swap3A_424], %swap3A_427 {strides = array<i32>} : memref<128x32xf32, #tpu.memory_space<vmem>>, vector<1x16xf32>,
        %mul3A_428 = arith.constant 4 : i32
        %mul3A_429 = arith.muli %scan3A_280, %mul3A_428 : i32
        %add3A_430 = arith.constant 2 : i32
        %add3A_431 = arith.addi %mul3A_429, %add3A_430 : i32
        %slice3A_432 = vector.extract_strided_slice %get3A_286 {offsets = [8], sizes = [1], strides = [1]} : vector<16xf32> to vector<1xf32>
        %squeeze3A_433 = vector.extract %slice3A_432[0] : f32 from vector<1xf32>
        %slice3A_434 = vector.extract_strided_slice %get3A_286 {offsets = [9], sizes = [1], strides = [1]} : vector<16xf32> to vector<1xf32>
        %squeeze3A_435 = vector.extract %slice3A_434[0] : f32 from vector<1xf32>
        %slice3A_436 = vector.extract_strided_slice %get3A_286 {offsets = [10], sizes = [1], strides = [1]} : vector<16xf32> to vector<1xf32>
        %squeeze3A_437 = vector.extract %slice3A_436[0] : f32 from vector<1xf32>
        %slice3A_438 = vector.extract_strided_slice %get3A_286 {offsets = [11], sizes = [1], strides = [1]} : vector<16xf32> to vector<1xf32>
        %squeeze3A_439 = vector.extract %slice3A_438[0] : f32 from vector<1xf32>
        %get3A_440 = arith.index_cast %add3A_431 : i32 to index
        %get3A_441 = arith.constant 0 : index
        %get3A_442 = tpu.vector_load %arg15[%get3A_440, %get3A_441] {strides = array<i32>} : memref<128x32xf32, #tpu.memory_space<vmem>>, vector<1x16xf32>,
        %get3A_443 = vector.shape_cast %get3A_442 : vector<1x16xf32> to vector<16xf32>
        %get3A_444 = arith.index_cast %add3A_431 : i32 to index
        %get3A_445 = arith.constant 0 : index
        %get3A_446 = tpu.vector_load %arg16[%get3A_444, %get3A_445] {strides = array<i32>} : memref<128x32xf32, #tpu.memory_space<vmem>>, vector<1x16xf32>,
        %get3A_447 = vector.shape_cast %get3A_446 : vector<1x16xf32> to vector<16xf32>
        %add3A_448 = arith.addf %get3A_443, %get3A_447 : vector<16xf32>
        %add3A_449 = arith.addf %add3A_448, %get3A_44 : vector<16xf32>
        %mul3A_450 = vector.broadcast %squeeze3A_433 : f32 to vector<16xf32>
        %mul3A_451 = arith.mulf %mul3A_450, %get3A_6 : vector<16xf32>
        %add3A_452 = arith.addf %add3A_449, %mul3A_451 : vector<16xf32>
        %mul3A_453 = vector.broadcast %squeeze3A_435 : f32 to vector<16xf32>
        %mul3A_454 = arith.mulf %mul3A_453, %get3A_11 : vector<16xf32>
        %add3A_455 = arith.addf %add3A_452, %mul3A_454 : vector<16xf32>
        %mul3A_456 = vector.broadcast %squeeze3A_437 : f32 to vector<16xf32>
        %mul3A_457 = arith.mulf %mul3A_456, %get3A_16 : vector<16xf32>
        %add3A_458 = arith.addf %add3A_455, %mul3A_457 : vector<16xf32>
        %mul3A_459 = vector.broadcast %squeeze3A_439 : f32 to vector<16xf32>
        %mul3A_460 = arith.mulf %mul3A_459, %get3A_21 : vector<16xf32>
        %add3A_461 = arith.addf %add3A_458, %mul3A_460 : vector<16xf32>
        %max3A_462 = arith.constant 0.000000e+00 : f32
        %max3A_463 = vector.broadcast %max3A_462 : f32 to vector<16xf32>
        %max3A_464 = arith.maximumf %add3A_461, %max3A_463 : vector<16xf32>
        %swap3A_465 = arith.index_cast %add3A_431 : i32 to index
        %swap3A_466 = arith.constant 0 : index
        %swap3A_467 = tpu.vector_load %arg17[%swap3A_465, %swap3A_466] {strides = array<i32>} : memref<128x32xf32, #tpu.memory_space<vmem>>, vector<1x16xf32>,
        %swap3A_468 = vector.shape_cast %swap3A_467 : vector<1x16xf32> to vector<16xf32>
        %swap3A_469 = vector.shape_cast %max3A_464 : vector<16xf32> to vector<1x16xf32>
        tpu.vector_store %arg17[%swap3A_465, %swap3A_466], %swap3A_469 {strides = array<i32>} : memref<128x32xf32, #tpu.memory_space<vmem>>, vector<1x16xf32>,
        %get3A_470 = arith.index_cast %add3A_431 : i32 to index
        %get3A_471 = arith.constant 16 : index
        %get3A_472 = tpu.vector_load %arg15[%get3A_470, %get3A_471] {strides = array<i32>} : memref<128x32xf32, #tpu.memory_space<vmem>>, vector<1x16xf32>,
        %get3A_473 = vector.shape_cast %get3A_472 : vector<1x16xf32> to vector<16xf32>
        %get3A_474 = arith.index_cast %add3A_431 : i32 to index
        %get3A_475 = arith.constant 16 : index
        %get3A_476 = tpu.vector_load %arg16[%get3A_474, %get3A_475] {strides = array<i32>} : memref<128x32xf32, #tpu.memory_space<vmem>>, vector<1x16xf32>,
        %get3A_477 = vector.shape_cast %get3A_476 : vector<1x16xf32> to vector<16xf32>
        %add3A_478 = arith.addf %get3A_473, %get3A_477 : vector<16xf32>
        %add3A_479 = arith.addf %add3A_478, %get3A_47 : vector<16xf32>
        %mul3A_480 = vector.broadcast %squeeze3A_433 : f32 to vector<16xf32>
        %mul3A_481 = arith.mulf %mul3A_480, %get3A_26 : vector<16xf32>
        %add3A_482 = arith.addf %add3A_479, %mul3A_481 : vector<16xf32>
        %mul3A_483 = vector.broadcast %squeeze3A_435 : f32 to vector<16xf32>
        %mul3A_484 = arith.mulf %mul3A_483, %get3A_31 : vector<16xf32>
        %add3A_485 = arith.addf %add3A_482, %mul3A_484 : vector<16xf32>
        %mul3A_486 = vector.broadcast %squeeze3A_437 : f32 to vector<16xf32>
        %mul3A_487 = arith.mulf %mul3A_486, %get3A_36 : vector<16xf32>
        %add3A_488 = arith.addf %add3A_485, %mul3A_487 : vector<16xf32>
        %mul3A_489 = vector.broadcast %squeeze3A_439 : f32 to vector<16xf32>
        %mul3A_490 = arith.mulf %mul3A_489, %get3A_41 : vector<16xf32>
        %add3A_491 = arith.addf %add3A_488, %mul3A_490 : vector<16xf32>
        %max3A_492 = arith.constant 0.000000e+00 : f32
        %max3A_493 = vector.broadcast %max3A_492 : f32 to vector<16xf32>
        %max3A_494 = arith.maximumf %add3A_491, %max3A_493 : vector<16xf32>
        %swap3A_495 = arith.index_cast %add3A_431 : i32 to index
        %swap3A_496 = arith.constant 16 : index
        %swap3A_497 = tpu.vector_load %arg17[%swap3A_495, %swap3A_496] {strides = array<i32>} : memref<128x32xf32, #tpu.memory_space<vmem>>, vector<1x16xf32>,
        %swap3A_498 = vector.shape_cast %swap3A_497 : vector<1x16xf32> to vector<16xf32>
        %swap3A_499 = vector.shape_cast %max3A_494 : vector<16xf32> to vector<1x16xf32>
        tpu.vector_store %arg17[%swap3A_495, %swap3A_496], %swap3A_499 {strides = array<i32>} : memref<128x32xf32, #tpu.memory_space<vmem>>, vector<1x16xf32>,
        %mul3A_500 = arith.constant 4 : i32
        %mul3A_501 = arith.muli %scan3A_280, %mul3A_500 : i32
        %add3A_502 = arith.constant 3 : i32
        %add3A_503 = arith.addi %mul3A_501, %add3A_502 : i32
        %slice3A_504 = vector.extract_strided_slice %get3A_286 {offsets = [12], sizes = [1], strides = [1]} : vector<16xf32> to vector<1xf32>
        %squeeze3A_505 = vector.extract %slice3A_504[0] : f32 from vector<1xf32>
        %slice3A_506 = vector.extract_strided_slice %get3A_286 {offsets = [13], sizes = [1], strides = [1]} : vector<16xf32> to vector<1xf32>
        %squeeze3A_507 = vector.extract %slice3A_506[0] : f32 from vector<1xf32>
        %slice3A_508 = vector.extract_strided_slice %get3A_286 {offsets = [14], sizes = [1], strides = [1]} : vector<16xf32> to vector<1xf32>
        %squeeze3A_509 = vector.extract %slice3A_508[0] : f32 from vector<1xf32>
        %slice3A_510 = vector.extract_strided_slice %get3A_286 {offsets = [15], sizes = [1], strides = [1]} : vector<16xf32> to vector<1xf32>
        %squeeze3A_511 = vector.extract %slice3A_510[0] : f32 from vector<1xf32>
        %get3A_512 = arith.index_cast %add3A_503 : i32 to index
        %get3A_513 = arith.constant 0 : index
        %get3A_514 = tpu.vector_load %arg15[%get3A_512, %get3A_513] {strides = array<i32>} : memref<128x32xf32, #tpu.memory_space<vmem>>, vector<1x16xf32>,
        %get3A_515 = vector.shape_cast %get3A_514 : vector<1x16xf32> to vector<16xf32>
        %get3A_516 = arith.index_cast %add3A_503 : i32 to index
        %get3A_517 = arith.constant 0 : index
        %get3A_518 = tpu.vector_load %arg16[%get3A_516, %get3A_517] {strides = array<i32>} : memref<128x32xf32, #tpu.memory_space<vmem>>, vector<1x16xf32>,
        %get3A_519 = vector.shape_cast %get3A_518 : vector<1x16xf32> to vector<16xf32>
        %add3A_520 = arith.addf %get3A_515, %get3A_519 : vector<16xf32>
        %add3A_521 = arith.addf %add3A_520, %get3A_44 : vector<16xf32>
        %mul3A_522 = vector.broadcast %squeeze3A_505 : f32 to vector<16xf32>
        %mul3A_523 = arith.mulf %mul3A_522, %get3A_6 : vector<16xf32>
        %add3A_524 = arith.addf %add3A_521, %mul3A_523 : vector<16xf32>
        %mul3A_525 = vector.broadcast %squeeze3A_507 : f32 to vector<16xf32>
        %mul3A_526 = arith.mulf %mul3A_525, %get3A_11 : vector<16xf32>
        %add3A_527 = arith.addf %add3A_524, %mul3A_526 : vector<16xf32>
        %mul3A_528 = vector.broadcast %squeeze3A_509 : f32 to vector<16xf32>
        %mul3A_529 = arith.mulf %mul3A_528, %get3A_16 : vector<16xf32>
        %add3A_530 = arith.addf %add3A_527, %mul3A_529 : vector<16xf32>
        %mul3A_531 = vector.broadcast %squeeze3A_511 : f32 to vector<16xf32>
        %mul3A_532 = arith.mulf %mul3A_531, %get3A_21 : vector<16xf32>
        %add3A_533 = arith.addf %add3A_530, %mul3A_532 : vector<16xf32>
        %max3A_534 = arith.constant 0.000000e+00 : f32
        %max3A_535 = vector.broadcast %max3A_534 : f32 to vector<16xf32>
        %max3A_536 = arith.maximumf %add3A_533, %max3A_535 : vector<16xf32>
        %swap3A_537 = arith.index_cast %add3A_503 : i32 to index
        %swap3A_538 = arith.constant 0 : index
        %swap3A_539 = tpu.vector_load %arg17[%swap3A_537, %swap3A_538] {strides = array<i32>} : memref<128x32xf32, #tpu.memory_space<vmem>>, vector<1x16xf32>,
        %swap3A_540 = vector.shape_cast %swap3A_539 : vector<1x16xf32> to vector<16xf32>
        %swap3A_541 = vector.shape_cast %max3A_536 : vector<16xf32> to vector<1x16xf32>
        tpu.vector_store %arg17[%swap3A_537, %swap3A_538], %swap3A_541 {strides = array<i32>} : memref<128x32xf32, #tpu.memory_space<vmem>>, vector<1x16xf32>,
        %get3A_542 = arith.index_cast %add3A_503 : i32 to index
        %get3A_543 = arith.constant 16 : index
        %get3A_544 = tpu.vector_load %arg15[%get3A_542, %get3A_543] {strides = array<i32>} : memref<128x32xf32, #tpu.memory_space<vmem>>, vector<1x16xf32>,
        %get3A_545 = vector.shape_cast %get3A_544 : vector<1x16xf32> to vector<16xf32>
        %get3A_546 = arith.index_cast %add3A_503 : i32 to index
        %get3A_547 = arith.constant 16 : index
        %get3A_548 = tpu.vector_load %arg16[%get3A_546, %get3A_547] {strides = array<i32>} : memref<128x32xf32, #tpu.memory_space<vmem>>, vector<1x16xf32>,
        %get3A_549 = vector.shape_cast %get3A_548 : vector<1x16xf32> to vector<16xf32>
        %add3A_550 = arith.addf %get3A_545, %get3A_549 : vector<16xf32>
        %add3A_551 = arith.addf %add3A_550, %get3A_47 : vector<16xf32>
        %mul3A_552 = vector.broadcast %squeeze3A_505 : f32 to vector<16xf32>
        %mul3A_553 = arith.mulf %mul3A_552, %get3A_26 : vector<16xf32>
        %add3A_554 = arith.addf %add3A_551, %mul3A_553 : vector<16xf32>
        %mul3A_555 = vector.broadcast %squeeze3A_507 : f32 to vector<16xf32>
        %mul3A_556 = arith.mulf %mul3A_555, %get3A_31 : vector<16xf32>
        %add3A_557 = arith.addf %add3A_554, %mul3A_556 : vector<16xf32>
        %mul3A_558 = vector.broadcast %squeeze3A_509 : f32 to vector<16xf32>
        %mul3A_559 = arith.mulf %mul3A_558, %get3A_36 : vector<16xf32>
        %add3A_560 = arith.addf %add3A_557, %mul3A_559 : vector<16xf32>
        %mul3A_561 = vector.broadcast %squeeze3A_511 : f32 to vector<16xf32>
        %mul3A_562 = arith.mulf %mul3A_561, %get3A_41 : vector<16xf32>
        %add3A_563 = arith.addf %add3A_560, %mul3A_562 : vector<16xf32>
        %max3A_564 = arith.constant 0.000000e+00 : f32
        %max3A_565 = vector.broadcast %max3A_564 : f32 to vector<16xf32>
        %max3A_566 = arith.maximumf %add3A_563, %max3A_565 : vector<16xf32>
        %swap3A_567 = arith.index_cast %add3A_503 : i32 to index
        %swap3A_568 = arith.constant 16 : index
        %swap3A_569 = tpu.vector_load %arg17[%swap3A_567, %swap3A_568] {strides = array<i32>} : memref<128x32xf32, #tpu.memory_space<vmem>>, vector<1x16xf32>,
        %swap3A_570 = vector.shape_cast %swap3A_569 : vector<1x16xf32> to vector<16xf32>
        %swap3A_571 = vector.shape_cast %max3A_566 : vector<16xf32> to vector<1x16xf32>
        tpu.vector_store %arg17[%swap3A_567, %swap3A_568], %swap3A_571 {strides = array<i32>} : memref<128x32xf32, #tpu.memory_space<vmem>>, vector<1x16xf32>,
        %scan3A_572 = arith.constant 0 : i32
        scf.yield %scan3A_572 : i32
      }
      %scan3A_278 = arith.constant 32 : i32
      "tpu.region"() ({
        %run_scoped3A = tpu.sem_alloc : memref<!tpu.dma_semaphore, #tpu.memory_space<semaphore_mem>>
        %dma_start3A_280 = arith.constant 0 : i32
        %dma_start3A_281 = arith.constant 0 : i32
        %dma_start3A_282 = tpu.memref_slice %arg20[%dma_start3A_280, %dma_start3A_281] : memref<50056x32xf32, #tpu.memory_space<vmem_shared>> -> memref<50056x32xf32, #tpu.memory_space<vmem_shared>>
        tpu.enqueue_indirect_dma source(%arg17 : memref<128x32xf32, #tpu.memory_space<vmem>>) target(%dma_start3A_282 : memref<50056x32xf32, #tpu.memory_space<vmem_shared>>) offsets(%arg13 : memref<128xi32, #tpu.memory_space<vmem>>) semaphore(%run_scoped3A : memref<!tpu.dma_semaphore, #tpu.memory_space<semaphore_mem>>) {add = true}
        %dma_wait3A_283 = arith.constant 0 : i32
        %dma_wait3A_284 = arith.constant 0 : i32
        %dma_wait3A_285 = tpu.memref_slice %arg20[%dma_wait3A_283, %dma_wait3A_284] : memref<50056x32xf32, #tpu.memory_space<vmem_shared>> -> memref<50056x32xf32, #tpu.memory_space<vmem_shared>>
        tpu.wait_indirect_dma semaphore(%run_scoped3A : memref<!tpu.dma_semaphore, #tpu.memory_space<semaphore_mem>>) src(%arg17 : memref<128x32xf32, #tpu.memory_space<vmem>>) dst(%dma_wait3A_285 : memref<50056x32xf32, #tpu.memory_space<vmem_shared>>)
        tpu.yield
      }) : () -> ()
      %scan3A_279 = arith.constant 0 : i32
      scf.yield %scan3A_279 : i32
    }
    %scan3A_53 = arith.constant 782 : i32
    %barrier3A_54 = arith.constant 0 : index
    tpu.barrier barrier_id(%barrier3A_54)
    %mul3A_55 = arith.constant 3128 : i32
    %mul3A_56 = arith.muli %arg1, %mul3A_55 : i32
    %mul3A_57 = arith.constant 3128 : i32
    %mul3A_58 = arith.muli %arg1, %mul3A_57 : i32
    %add3A = arith.addi %mul3A_0, %mul3A_58 : i32
    "tpu.region"() ({
      %run_scoped3A = tpu.sem_alloc : memref<!tpu.dma_semaphore, #tpu.memory_space<semaphore_mem>>
      %dma_start3A = arith.constant 0 : i32
      %dma_start3A_59 = tpu.memref_slice %arg10[%add3A, %dma_start3A] : memref<100096x32xf32, #tpu.memory_space<hbm>> -> memref<3128x32xf32, #tpu.memory_space<hbm>>
      %dma_start3A_60 = arith.constant 0 : i32
      %dma_start3A_61 = tpu.memref_slice %arg20[%mul3A_56, %dma_start3A_60] : memref<50056x32xf32, #tpu.memory_space<vmem_shared>> -> memref<3128x32xf32, #tpu.memory_space<vmem_shared>>
      tpu.enqueue_dma source(%dma_start3A_61 : memref<3128x32xf32, #tpu.memory_space<vmem_shared>>) target(%dma_start3A_59 : memref<3128x32xf32, #tpu.memory_space<hbm>>) target_semaphore(%run_scoped3A : memref<!tpu.dma_semaphore, #tpu.memory_space<semaphore_mem>>)
      %dma_wait3A = arith.constant 0 : i32
      %dma_wait3A_62 = tpu.memref_slice %arg10[%add3A, %dma_wait3A] : memref<100096x32xf32, #tpu.memory_space<hbm>> -> memref<3128x32xf32, #tpu.memory_space<hbm>>
      %dma_wait3A_63 = arith.constant 0 : i32
      %dma_wait3A_64 = tpu.memref_slice %arg20[%mul3A_56, %dma_wait3A_63] : memref<50056x32xf32, #tpu.memory_space<vmem_shared>> -> memref<3128x32xf32, #tpu.memory_space<vmem_shared>>
      tpu.wait_dma2 semaphore(%run_scoped3A : memref<!tpu.dma_semaphore, #tpu.memory_space<semaphore_mem>>) src(%dma_wait3A_64 : memref<3128x32xf32, #tpu.memory_space<vmem_shared>>) dst(%dma_wait3A_62 : memref<3128x32xf32, #tpu.memory_space<hbm>>)
      tpu.yield
    }) : () -> ()
    return
  }
}

#map = affine_map<(d0, d1) -> (0, 0)>
#map1 = affine_map<(d0, d1) -> (0)>
module attributes {stable_mosaic.version = 14 : i64} {
  func.func @_edge_body(%arg0: i32, %arg1: i32, %arg2: memref<100000x32xf32, #tpu.memory_space<hbm>>, %arg3: memref<100000x32xf32, #tpu.memory_space<hbm>>, %arg4: memref<1601536xi32, #tpu.memory_space<hbm>>, %arg5: memref<1601536xi32, #tpu.memory_space<hbm>>, %arg6: memref<6406144xf32, #tpu.memory_space<hbm>>, %arg7: memref<4x32xf32, #tpu.memory_space<hbm>>, %arg8: memref<32xf32, #tpu.memory_space<hbm>>, %arg9: memref<3128x32xf32, #tpu.memory_space<hbm>>, %arg10: memref<100096x32xf32, #tpu.memory_space<hbm>>, %arg11: memref<128xi32, #tpu.memory_space<vmem>>, %arg12: memref<128xi32, #tpu.memory_space<vmem>>, %arg13: memref<128xi32, #tpu.memory_space<vmem>>, %arg14: memref<512xf32, #tpu.memory_space<vmem>>, %arg15: memref<128x32xf32, #tpu.memory_space<vmem>>, %arg16: memref<128x32xf32, #tpu.memory_space<vmem>>, %arg17: memref<128x32xf32, #tpu.memory_space<vmem>>, %arg18: memref<4x32xf32, #tpu.memory_space<vmem>>, %arg19: memref<32xf32, #tpu.memory_space<vmem>>, %arg20: memref<50056x32xf32, #tpu.memory_space<vmem_shared>>, %arg21: memref<!tpu.dma_semaphore, #tpu.memory_space<semaphore_mem>>, %arg22: memref<!tpu.dma_semaphore, #tpu.memory_space<semaphore_mem>>) attributes {dimension_semantics = [#tpu.dimension_semantics<core_parallel>, #tpu.dimension_semantics<subcore_parallel>], iteration_bounds = array<i64: 2, 16>, scalar_prefetch = 0 : i64, scratch_operands = 12 : i64, tpu.core_type = #tpu.core_type<sc_vector_subcore>, window_params = [{transform_indices = #map}, {transform_indices = #map}, {transform_indices = #map1}, {transform_indices = #map1}, {transform_indices = #map1}, {transform_indices = #map}, {transform_indices = #map1}, {transform_indices = #map}, {transform_indices = #map}]} {
    %mul3A = arith.constant 50048 : i32
    %mul3A_0 = arith.muli %arg0, %mul3A : i32
    "tpu.region"() ({
      %run_scoped3A = tpu.sem_alloc : memref<!tpu.dma_semaphore, #tpu.memory_space<semaphore_mem>>
      tpu.enqueue_dma source(%arg7 : memref<4x32xf32, #tpu.memory_space<hbm>>) target(%arg18 : memref<4x32xf32, #tpu.memory_space<vmem>>) target_semaphore(%run_scoped3A : memref<!tpu.dma_semaphore, #tpu.memory_space<semaphore_mem>>)
      tpu.wait_dma2 semaphore(%run_scoped3A : memref<!tpu.dma_semaphore, #tpu.memory_space<semaphore_mem>>) src(%arg7 : memref<4x32xf32, #tpu.memory_space<hbm>>) dst(%arg18 : memref<4x32xf32, #tpu.memory_space<vmem>>)
      tpu.yield
    }) : () -> ()
    "tpu.region"() ({
      %run_scoped3A = tpu.sem_alloc : memref<!tpu.dma_semaphore, #tpu.memory_space<semaphore_mem>>
      tpu.enqueue_dma source(%arg8 : memref<32xf32, #tpu.memory_space<hbm>>) target(%arg19 : memref<32xf32, #tpu.memory_space<vmem>>) target_semaphore(%run_scoped3A : memref<!tpu.dma_semaphore, #tpu.memory_space<semaphore_mem>>)
      tpu.wait_dma2 semaphore(%run_scoped3A : memref<!tpu.dma_semaphore, #tpu.memory_space<semaphore_mem>>) src(%arg8 : memref<32xf32, #tpu.memory_space<hbm>>) dst(%arg19 : memref<32xf32, #tpu.memory_space<vmem>>)
      tpu.yield
    }) : () -> ()
    %mul3A_1 = arith.constant 3128 : i32
    %mul3A_2 = arith.muli %arg1, %mul3A_1 : i32
    "tpu.region"() ({
      %run_scoped3A = tpu.sem_alloc : memref<!tpu.dma_semaphore, #tpu.memory_space<semaphore_mem>>
      %dma_start3A = arith.constant 0 : i32
      %dma_start3A_59 = tpu.memref_slice %arg20[%mul3A_2, %dma_start3A] : memref<50056x32xf32, #tpu.memory_space<vmem_shared>> -> memref<3128x32xf32, #tpu.memory_space<vmem_shared>>
      tpu.enqueue_dma source(%arg9 : memref<3128x32xf32, #tpu.memory_space<hbm>>) target(%dma_start3A_59 : memref<3128x32xf32, #tpu.memory_space<vmem_shared>>) target_semaphore(%run_scoped3A : memref<!tpu.dma_semaphore, #tpu.memory_space<semaphore_mem>>)
      %dma_wait3A = arith.constant 0 : i32
      %dma_wait3A_60 = tpu.memref_slice %arg20[%mul3A_2, %dma_wait3A] : memref<50056x32xf32, #tpu.memory_space<vmem_shared>> -> memref<3128x32xf32, #tpu.memory_space<vmem_shared>>
      tpu.wait_dma2 semaphore(%run_scoped3A : memref<!tpu.dma_semaphore, #tpu.memory_space<semaphore_mem>>) src(%arg9 : memref<3128x32xf32, #tpu.memory_space<hbm>>) dst(%dma_wait3A_60 : memref<3128x32xf32, #tpu.memory_space<vmem_shared>>)
      tpu.yield
    }) : () -> ()
    %barrier3A = arith.constant 0 : index
    tpu.barrier barrier_id(%barrier3A)
    %get3A = arith.constant 0 : i32
    %get3A_3 = arith.index_cast %get3A : i32 to index
    %get3A_4 = arith.constant 0 : index
    %get3A_5 = tpu.vector_load %arg18[%get3A_3, %get3A_4] {strides = array<i32>} : memref<4x32xf32, #tpu.memory_space<vmem>>, vector<1x16xf32>,
    %get3A_6 = vector.shape_cast %get3A_5 : vector<1x16xf32> to vector<16xf32>
    %get3A_7 = arith.constant 1 : i32
    %get3A_8 = arith.index_cast %get3A_7 : i32 to index
    %get3A_9 = arith.constant 0 : index
    %get3A_10 = tpu.vector_load %arg18[%get3A_8, %get3A_9] {strides = array<i32>} : memref<4x32xf32, #tpu.memory_space<vmem>>, vector<1x16xf32>,
    %get3A_11 = vector.shape_cast %get3A_10 : vector<1x16xf32> to vector<16xf32>
    %get3A_12 = arith.constant 2 : i32
    %get3A_13 = arith.index_cast %get3A_12 : i32 to index
    %get3A_14 = arith.constant 0 : index
    %get3A_15 = tpu.vector_load %arg18[%get3A_13, %get3A_14] {strides = array<i32>} : memref<4x32xf32, #tpu.memory_space<vmem>>, vector<1x16xf32>,
    %get3A_16 = vector.shape_cast %get3A_15 : vector<1x16xf32> to vector<16xf32>
    %get3A_17 = arith.constant 3 : i32
    %get3A_18 = arith.index_cast %get3A_17 : i32 to index
    %get3A_19 = arith.constant 0 : index
    %get3A_20 = tpu.vector_load %arg18[%get3A_18, %get3A_19] {strides = array<i32>} : memref<4x32xf32, #tpu.memory_space<vmem>>, vector<1x16xf32>,
    %get3A_21 = vector.shape_cast %get3A_20 : vector<1x16xf32> to vector<16xf32>
    %get3A_22 = arith.constant 0 : i32
    %get3A_23 = arith.index_cast %get3A_22 : i32 to index
    %get3A_24 = arith.constant 16 : index
    %get3A_25 = tpu.vector_load %arg18[%get3A_23, %get3A_24] {strides = array<i32>} : memref<4x32xf32, #tpu.memory_space<vmem>>, vector<1x16xf32>,
    %get3A_26 = vector.shape_cast %get3A_25 : vector<1x16xf32> to vector<16xf32>
    %get3A_27 = arith.constant 1 : i32
    %get3A_28 = arith.index_cast %get3A_27 : i32 to index
    %get3A_29 = arith.constant 16 : index
    %get3A_30 = tpu.vector_load %arg18[%get3A_28, %get3A_29] {strides = array<i32>} : memref<4x32xf32, #tpu.memory_space<vmem>>, vector<1x16xf32>,
    %get3A_31 = vector.shape_cast %get3A_30 : vector<1x16xf32> to vector<16xf32>
    %get3A_32 = arith.constant 2 : i32
    %get3A_33 = arith.index_cast %get3A_32 : i32 to index
    %get3A_34 = arith.constant 16 : index
    %get3A_35 = tpu.vector_load %arg18[%get3A_33, %get3A_34] {strides = array<i32>} : memref<4x32xf32, #tpu.memory_space<vmem>>, vector<1x16xf32>,
    %get3A_36 = vector.shape_cast %get3A_35 : vector<1x16xf32> to vector<16xf32>
    %get3A_37 = arith.constant 3 : i32
    %get3A_38 = arith.index_cast %get3A_37 : i32 to index
    %get3A_39 = arith.constant 16 : index
    %get3A_40 = tpu.vector_load %arg18[%get3A_38, %get3A_39] {strides = array<i32>} : memref<4x32xf32, #tpu.memory_space<vmem>>, vector<1x16xf32>,
    %get3A_41 = vector.shape_cast %get3A_40 : vector<1x16xf32> to vector<16xf32>
    %get3A_42 = arith.constant 0 : index
    %get3A_43 = tpu.vector_load %arg19[%get3A_42] {strides = array<i32>} : memref<32xf32, #tpu.memory_space<vmem>>, vector<16xf32>,
    %get3A_44 = vector.shape_cast %get3A_43 : vector<16xf32> to vector<16xf32>
    %get3A_45 = arith.constant 16 : index
    %get3A_46 = tpu.vector_load %arg19[%get3A_45] {strides = array<i32>} : memref<32xf32, #tpu.memory_space<vmem>>, vector<16xf32>,
    %get3A_47 = vector.shape_cast %get3A_46 : vector<16xf32> to vector<16xf32>
    %scan3A = arith.constant 0 : i32
    %scan3A_48 = arith.constant 0 : i32
    %scan3A_49 = arith.constant 782 : i32
    %scan3A_50 = arith.addi %scan3A_48, %scan3A_49 : i32
    %scan3A_51 = arith.constant 1 : i32
    %scan3A_52 = scf.for %scan3A_59 = %scan3A_48 to %scan3A_50 step %scan3A_51 iter_args(%scan3A_60 = %scan3A) -> (i32)  : i32 {
      %mul3A_61 = arith.constant 100096 : i32
      %mul3A_62 = arith.muli %arg1, %mul3A_61 : i32
      %mul3A_63 = arith.constant 128 : i32
      %mul3A_64 = arith.muli %scan3A_59, %mul3A_63 : i32
      %add3A_65 = arith.addi %mul3A_62, %mul3A_64 : i32
      %multiple_of3A = tpu.assume_multiple %add3A_65, 128 : i32
      "tpu.region"() ({
        %run_scoped3A = tpu.sem_alloc : memref<!tpu.dma_semaphore, #tpu.memory_space<semaphore_mem>>
        %dma_start3A_280 = tpu.memref_slice %arg4[%multiple_of3A] : memref<1601536xi32, #tpu.memory_space<hbm>> -> memref<128xi32, #tpu.memory_space<hbm>>
        %dma_start3A_281 = tpu.memref_slice %arg4[%multiple_of3A] : memref<1601536xi32, #tpu.memory_space<hbm>> -> memref<128xi32, #tpu.memory_space<hbm>>
        tpu.enqueue_dma source(%dma_start3A_281 : memref<128xi32, #tpu.memory_space<hbm>>) target(%arg11 : memref<128xi32, #tpu.memory_space<vmem>>) target_semaphore(%run_scoped3A : memref<!tpu.dma_semaphore, #tpu.memory_space<semaphore_mem>>)
        %dma_wait3A_282 = tpu.memref_slice %arg4[%multiple_of3A] : memref<1601536xi32, #tpu.memory_space<hbm>> -> memref<128xi32, #tpu.memory_space<hbm>>
        %dma_wait3A_283 = tpu.memref_slice %arg4[%multiple_of3A] : memref<1601536xi32, #tpu.memory_space<hbm>> -> memref<128xi32, #tpu.memory_space<hbm>>
        tpu.wait_dma2 semaphore(%run_scoped3A : memref<!tpu.dma_semaphore, #tpu.memory_space<semaphore_mem>>) src(%dma_wait3A_283 : memref<128xi32, #tpu.memory_space<hbm>>) dst(%arg11 : memref<128xi32, #tpu.memory_space<vmem>>)
        tpu.yield
      }) : () -> ()
      "tpu.region"() ({
        %run_scoped3A = tpu.sem_alloc : memref<!tpu.dma_semaphore, #tpu.memory_space<semaphore_mem>>
        %dma_start3A_280 = tpu.memref_slice %arg5[%multiple_of3A] : memref<1601536xi32, #tpu.memory_space<hbm>> -> memref<128xi32, #tpu.memory_space<hbm>>
        %dma_start3A_281 = tpu.memref_slice %arg5[%multiple_of3A] : memref<1601536xi32, #tpu.memory_space<hbm>> -> memref<128xi32, #tpu.memory_space<hbm>>
        tpu.enqueue_dma source(%dma_start3A_281 : memref<128xi32, #tpu.memory_space<hbm>>) target(%arg12 : memref<128xi32, #tpu.memory_space<vmem>>) target_semaphore(%run_scoped3A : memref<!tpu.dma_semaphore, #tpu.memory_space<semaphore_mem>>)
        %dma_wait3A_282 = tpu.memref_slice %arg5[%multiple_of3A] : memref<1601536xi32, #tpu.memory_space<hbm>> -> memref<128xi32, #tpu.memory_space<hbm>>
        %dma_wait3A_283 = tpu.memref_slice %arg5[%multiple_of3A] : memref<1601536xi32, #tpu.memory_space<hbm>> -> memref<128xi32, #tpu.memory_space<hbm>>
        tpu.wait_dma2 semaphore(%run_scoped3A : memref<!tpu.dma_semaphore, #tpu.memory_space<semaphore_mem>>) src(%dma_wait3A_283 : memref<128xi32, #tpu.memory_space<hbm>>) dst(%arg12 : memref<128xi32, #tpu.memory_space<vmem>>)
        tpu.yield
      }) : () -> ()
      %mul3A_66 = arith.constant 4 : i32
      %mul3A_67 = arith.muli %multiple_of3A, %mul3A_66 : i32
      "tpu.region"() ({
        %run_scoped3A = tpu.sem_alloc : memref<!tpu.dma_semaphore, #tpu.memory_space<semaphore_mem>>
        %dma_start3A_280 = tpu.memref_slice %arg6[%mul3A_67] : memref<6406144xf32, #tpu.memory_space<hbm>> -> memref<512xf32, #tpu.memory_space<hbm>>
        %dma_start3A_281 = tpu.memref_slice %arg6[%mul3A_67] : memref<6406144xf32, #tpu.memory_space<hbm>> -> memref<512xf32, #tpu.memory_space<hbm>>
        tpu.enqueue_dma source(%dma_start3A_281 : memref<512xf32, #tpu.memory_space<hbm>>) target(%arg14 : memref<512xf32, #tpu.memory_space<vmem>>) target_semaphore(%run_scoped3A : memref<!tpu.dma_semaphore, #tpu.memory_space<semaphore_mem>>)
        %dma_wait3A_282 = tpu.memref_slice %arg6[%mul3A_67] : memref<6406144xf32, #tpu.memory_space<hbm>> -> memref<512xf32, #tpu.memory_space<hbm>>
        %dma_wait3A_283 = tpu.memref_slice %arg6[%mul3A_67] : memref<6406144xf32, #tpu.memory_space<hbm>> -> memref<512xf32, #tpu.memory_space<hbm>>
        tpu.wait_dma2 semaphore(%run_scoped3A : memref<!tpu.dma_semaphore, #tpu.memory_space<semaphore_mem>>) src(%dma_wait3A_283 : memref<512xf32, #tpu.memory_space<hbm>>) dst(%arg14 : memref<512xf32, #tpu.memory_space<vmem>>)
        tpu.yield
      }) : () -> ()
      %dma_start3A = arith.constant 0 : i32
      %dma_start3A_68 = arith.constant 0 : i32
      %dma_start3A_69 = tpu.memref_slice %arg2[%dma_start3A, %dma_start3A_68] : memref<100000x32xf32, #tpu.memory_space<hbm>> -> memref<100000x32xf32, #tpu.memory_space<hbm>>
      tpu.enqueue_indirect_dma source(%dma_start3A_69 : memref<100000x32xf32, #tpu.memory_space<hbm>>) target(%arg15 : memref<128x32xf32, #tpu.memory_space<vmem>>) offsets(%arg11 : memref<128xi32, #tpu.memory_space<vmem>>) semaphore(%arg21 : memref<!tpu.dma_semaphore, #tpu.memory_space<semaphore_mem>>)
      %dma_start3A_70 = arith.constant 0 : i32
      %dma_start3A_71 = arith.constant 0 : i32
      %dma_start3A_72 = tpu.memref_slice %arg3[%dma_start3A_70, %dma_start3A_71] : memref<100000x32xf32, #tpu.memory_space<hbm>> -> memref<100000x32xf32, #tpu.memory_space<hbm>>
      tpu.enqueue_indirect_dma source(%dma_start3A_72 : memref<100000x32xf32, #tpu.memory_space<hbm>>) target(%arg16 : memref<128x32xf32, #tpu.memory_space<vmem>>) offsets(%arg12 : memref<128xi32, #tpu.memory_space<vmem>>) semaphore(%arg22 : memref<!tpu.dma_semaphore, #tpu.memory_space<semaphore_mem>>)
      %dma_wait3A = arith.constant 0 : i32
      %dma_wait3A_73 = arith.constant 0 : i32
      %dma_wait3A_74 = tpu.memref_slice %arg2[%dma_wait3A, %dma_wait3A_73] : memref<100000x32xf32, #tpu.memory_space<hbm>> -> memref<100000x32xf32, #tpu.memory_space<hbm>>
      tpu.wait_indirect_dma semaphore(%arg21 : memref<!tpu.dma_semaphore, #tpu.memory_space<semaphore_mem>>) src(%dma_wait3A_74 : memref<100000x32xf32, #tpu.memory_space<hbm>>) dst(%arg15 : memref<128x32xf32, #tpu.memory_space<vmem>>)
      %dma_wait3A_75 = arith.constant 0 : i32
      %dma_wait3A_76 = arith.constant 0 : i32
      %dma_wait3A_77 = tpu.memref_slice %arg3[%dma_wait3A_75, %dma_wait3A_76] : memref<100000x32xf32, #tpu.memory_space<hbm>> -> memref<100000x32xf32, #tpu.memory_space<hbm>>
      tpu.wait_indirect_dma semaphore(%arg22 : memref<!tpu.dma_semaphore, #tpu.memory_space<semaphore_mem>>) src(%dma_wait3A_77 : memref<100000x32xf32, #tpu.memory_space<hbm>>) dst(%arg16 : memref<128x32xf32, #tpu.memory_space<vmem>>)
      %scan3A_78 = arith.constant 0 : i32
      %scan3A_79 = arith.constant 0 : i32
      %mul3A_80 = arith.constant 16 : i32
      %mul3A_81 = arith.muli %scan3A_79, %mul3A_80 : i32
      %get3A_82 = arith.index_cast %mul3A_81 : i32 to index
      %get3A_83 = tpu.vector_load %arg12[%get3A_82] {strides = array<i32>} : memref<128xi32, #tpu.memory_space<vmem>>, vector<16xi32>,
      %get3A_84 = vector.shape_cast %get3A_83 : vector<16xi32> to vector<16xi32>
      %sub3A = vector.broadcast %mul3A_0 : i32 to vector<16xi32>
      %sub3A_85 = arith.subi %get3A_84, %sub3A : vector<16xi32>
      %ge3A = arith.constant 0 : i32
      %ge3A_86 = vector.broadcast %ge3A : i32 to vector<16xi32>
      %ge3A_87 = arith.cmpi sge, %sub3A_85, %ge3A_86 : vector<16xi32>
      %lt3A = arith.constant 50048 : i32
      %lt3A_88 = vector.broadcast %lt3A : i32 to vector<16xi32>
      %lt3A_89 = arith.cmpi slt, %sub3A_85, %lt3A_88 : vector<16xi32>
      %and3A = arith.andi %ge3A_87, %lt3A_89 : vector<16xi1>
      %jit3A = arith.constant 50048 : i32
      %broadcast_in_dim3A = vector.broadcast %jit3A : i32 to vector<16xi32>
      %select_n3A = arith.select %and3A, %sub3A_85, %broadcast_in_dim3A : vector<16xi1>, vector<16xi32>
      %mul3A_90 = arith.constant 16 : i32
      %mul3A_91 = arith.muli %scan3A_79, %mul3A_90 : i32
      %swap3A = arith.index_cast %mul3A_91 : i32 to index
      %swap3A_92 = tpu.vector_load %arg13[%swap3A] {strides = array<i32>} : memref<128xi32, #tpu.memory_space<vmem>>, vector<16xi32>,
      %swap3A_93 = vector.shape_cast %swap3A_92 : vector<16xi32> to vector<16xi32>
      %swap3A_94 = vector.shape_cast %select_n3A : vector<16xi32> to vector<16xi32>
      tpu.vector_store %arg13[%swap3A], %swap3A_94 {strides = array<i32>} : memref<128xi32, #tpu.memory_space<vmem>>, vector<16xi32>,
      %scan3A_95 = arith.constant 0 : i32
      %scan3A_96 = arith.constant 1 : i32
      %mul3A_97 = arith.constant 16 : i32
      %mul3A_98 = arith.muli %scan3A_96, %mul3A_97 : i32
      %get3A_99 = arith.index_cast %mul3A_98 : i32 to index
      %get3A_100 = tpu.vector_load %arg12[%get3A_99] {strides = array<i32>} : memref<128xi32, #tpu.memory_space<vmem>>, vector<16xi32>,
      %get3A_101 = vector.shape_cast %get3A_100 : vector<16xi32> to vector<16xi32>
      %sub3A_102 = vector.broadcast %mul3A_0 : i32 to vector<16xi32>
      %sub3A_103 = arith.subi %get3A_101, %sub3A_102 : vector<16xi32>
      %ge3A_104 = arith.constant 0 : i32
      %ge3A_105 = vector.broadcast %ge3A_104 : i32 to vector<16xi32>
      %ge3A_106 = arith.cmpi sge, %sub3A_103, %ge3A_105 : vector<16xi32>
      %lt3A_107 = arith.constant 50048 : i32
      %lt3A_108 = vector.broadcast %lt3A_107 : i32 to vector<16xi32>
      %lt3A_109 = arith.cmpi slt, %sub3A_103, %lt3A_108 : vector<16xi32>
      %and3A_110 = arith.andi %ge3A_106, %lt3A_109 : vector<16xi1>
      %jit3A_111 = arith.constant 50048 : i32
      %broadcast_in_dim3A_112 = vector.broadcast %jit3A_111 : i32 to vector<16xi32>
      %select_n3A_113 = arith.select %and3A_110, %sub3A_103, %broadcast_in_dim3A_112 : vector<16xi1>, vector<16xi32>
      %mul3A_114 = arith.constant 16 : i32
      %mul3A_115 = arith.muli %scan3A_96, %mul3A_114 : i32
      %swap3A_116 = arith.index_cast %mul3A_115 : i32 to index
      %swap3A_117 = tpu.vector_load %arg13[%swap3A_116] {strides = array<i32>} : memref<128xi32, #tpu.memory_space<vmem>>, vector<16xi32>,
      %swap3A_118 = vector.shape_cast %swap3A_117 : vector<16xi32> to vector<16xi32>
      %swap3A_119 = vector.shape_cast %select_n3A_113 : vector<16xi32> to vector<16xi32>
      tpu.vector_store %arg13[%swap3A_116], %swap3A_119 {strides = array<i32>} : memref<128xi32, #tpu.memory_space<vmem>>, vector<16xi32>,
      %scan3A_120 = arith.constant 0 : i32
      %scan3A_121 = arith.constant 2 : i32
      %mul3A_122 = arith.constant 16 : i32
      %mul3A_123 = arith.muli %scan3A_121, %mul3A_122 : i32
      %get3A_124 = arith.index_cast %mul3A_123 : i32 to index
      %get3A_125 = tpu.vector_load %arg12[%get3A_124] {strides = array<i32>} : memref<128xi32, #tpu.memory_space<vmem>>, vector<16xi32>,
      %get3A_126 = vector.shape_cast %get3A_125 : vector<16xi32> to vector<16xi32>
      %sub3A_127 = vector.broadcast %mul3A_0 : i32 to vector<16xi32>
      %sub3A_128 = arith.subi %get3A_126, %sub3A_127 : vector<16xi32>
      %ge3A_129 = arith.constant 0 : i32
      %ge3A_130 = vector.broadcast %ge3A_129 : i32 to vector<16xi32>
      %ge3A_131 = arith.cmpi sge, %sub3A_128, %ge3A_130 : vector<16xi32>
      %lt3A_132 = arith.constant 50048 : i32
      %lt3A_133 = vector.broadcast %lt3A_132 : i32 to vector<16xi32>
      %lt3A_134 = arith.cmpi slt, %sub3A_128, %lt3A_133 : vector<16xi32>
      %and3A_135 = arith.andi %ge3A_131, %lt3A_134 : vector<16xi1>
      %jit3A_136 = arith.constant 50048 : i32
      %broadcast_in_dim3A_137 = vector.broadcast %jit3A_136 : i32 to vector<16xi32>
      %select_n3A_138 = arith.select %and3A_135, %sub3A_128, %broadcast_in_dim3A_137 : vector<16xi1>, vector<16xi32>
      %mul3A_139 = arith.constant 16 : i32
      %mul3A_140 = arith.muli %scan3A_121, %mul3A_139 : i32
      %swap3A_141 = arith.index_cast %mul3A_140 : i32 to index
      %swap3A_142 = tpu.vector_load %arg13[%swap3A_141] {strides = array<i32>} : memref<128xi32, #tpu.memory_space<vmem>>, vector<16xi32>,
      %swap3A_143 = vector.shape_cast %swap3A_142 : vector<16xi32> to vector<16xi32>
      %swap3A_144 = vector.shape_cast %select_n3A_138 : vector<16xi32> to vector<16xi32>
      tpu.vector_store %arg13[%swap3A_141], %swap3A_144 {strides = array<i32>} : memref<128xi32, #tpu.memory_space<vmem>>, vector<16xi32>,
      %scan3A_145 = arith.constant 0 : i32
      %scan3A_146 = arith.constant 3 : i32
      %mul3A_147 = arith.constant 16 : i32
      %mul3A_148 = arith.muli %scan3A_146, %mul3A_147 : i32
      %get3A_149 = arith.index_cast %mul3A_148 : i32 to index
      %get3A_150 = tpu.vector_load %arg12[%get3A_149] {strides = array<i32>} : memref<128xi32, #tpu.memory_space<vmem>>, vector<16xi32>,
      %get3A_151 = vector.shape_cast %get3A_150 : vector<16xi32> to vector<16xi32>
      %sub3A_152 = vector.broadcast %mul3A_0 : i32 to vector<16xi32>
      %sub3A_153 = arith.subi %get3A_151, %sub3A_152 : vector<16xi32>
      %ge3A_154 = arith.constant 0 : i32
      %ge3A_155 = vector.broadcast %ge3A_154 : i32 to vector<16xi32>
      %ge3A_156 = arith.cmpi sge, %sub3A_153, %ge3A_155 : vector<16xi32>
      %lt3A_157 = arith.constant 50048 : i32
      %lt3A_158 = vector.broadcast %lt3A_157 : i32 to vector<16xi32>
      %lt3A_159 = arith.cmpi slt, %sub3A_153, %lt3A_158 : vector<16xi32>
      %and3A_160 = arith.andi %ge3A_156, %lt3A_159 : vector<16xi1>
      %jit3A_161 = arith.constant 50048 : i32
      %broadcast_in_dim3A_162 = vector.broadcast %jit3A_161 : i32 to vector<16xi32>
      %select_n3A_163 = arith.select %and3A_160, %sub3A_153, %broadcast_in_dim3A_162 : vector<16xi1>, vector<16xi32>
      %mul3A_164 = arith.constant 16 : i32
      %mul3A_165 = arith.muli %scan3A_146, %mul3A_164 : i32
      %swap3A_166 = arith.index_cast %mul3A_165 : i32 to index
      %swap3A_167 = tpu.vector_load %arg13[%swap3A_166] {strides = array<i32>} : memref<128xi32, #tpu.memory_space<vmem>>, vector<16xi32>,
      %swap3A_168 = vector.shape_cast %swap3A_167 : vector<16xi32> to vector<16xi32>
      %swap3A_169 = vector.shape_cast %select_n3A_163 : vector<16xi32> to vector<16xi32>
      tpu.vector_store %arg13[%swap3A_166], %swap3A_169 {strides = array<i32>} : memref<128xi32, #tpu.memory_space<vmem>>, vector<16xi32>,
      %scan3A_170 = arith.constant 0 : i32
      %scan3A_171 = arith.constant 4 : i32
      %mul3A_172 = arith.constant 16 : i32
      %mul3A_173 = arith.muli %scan3A_171, %mul3A_172 : i32
      %get3A_174 = arith.index_cast %mul3A_173 : i32 to index
      %get3A_175 = tpu.vector_load %arg12[%get3A_174] {strides = array<i32>} : memref<128xi32, #tpu.memory_space<vmem>>, vector<16xi32>,
      %get3A_176 = vector.shape_cast %get3A_175 : vector<16xi32> to vector<16xi32>
      %sub3A_177 = vector.broadcast %mul3A_0 : i32 to vector<16xi32>
      %sub3A_178 = arith.subi %get3A_176, %sub3A_177 : vector<16xi32>
      %ge3A_179 = arith.constant 0 : i32
      %ge3A_180 = vector.broadcast %ge3A_179 : i32 to vector<16xi32>
      %ge3A_181 = arith.cmpi sge, %sub3A_178, %ge3A_180 : vector<16xi32>
      %lt3A_182 = arith.constant 50048 : i32
      %lt3A_183 = vector.broadcast %lt3A_182 : i32 to vector<16xi32>
      %lt3A_184 = arith.cmpi slt, %sub3A_178, %lt3A_183 : vector<16xi32>
      %and3A_185 = arith.andi %ge3A_181, %lt3A_184 : vector<16xi1>
      %jit3A_186 = arith.constant 50048 : i32
      %broadcast_in_dim3A_187 = vector.broadcast %jit3A_186 : i32 to vector<16xi32>
      %select_n3A_188 = arith.select %and3A_185, %sub3A_178, %broadcast_in_dim3A_187 : vector<16xi1>, vector<16xi32>
      %mul3A_189 = arith.constant 16 : i32
      %mul3A_190 = arith.muli %scan3A_171, %mul3A_189 : i32
      %swap3A_191 = arith.index_cast %mul3A_190 : i32 to index
      %swap3A_192 = tpu.vector_load %arg13[%swap3A_191] {strides = array<i32>} : memref<128xi32, #tpu.memory_space<vmem>>, vector<16xi32>,
      %swap3A_193 = vector.shape_cast %swap3A_192 : vector<16xi32> to vector<16xi32>
      %swap3A_194 = vector.shape_cast %select_n3A_188 : vector<16xi32> to vector<16xi32>
      tpu.vector_store %arg13[%swap3A_191], %swap3A_194 {strides = array<i32>} : memref<128xi32, #tpu.memory_space<vmem>>, vector<16xi32>,
      %scan3A_195 = arith.constant 0 : i32
      %scan3A_196 = arith.constant 5 : i32
      %mul3A_197 = arith.constant 16 : i32
      %mul3A_198 = arith.muli %scan3A_196, %mul3A_197 : i32
      %get3A_199 = arith.index_cast %mul3A_198 : i32 to index
      %get3A_200 = tpu.vector_load %arg12[%get3A_199] {strides = array<i32>} : memref<128xi32, #tpu.memory_space<vmem>>, vector<16xi32>,
      %get3A_201 = vector.shape_cast %get3A_200 : vector<16xi32> to vector<16xi32>
      %sub3A_202 = vector.broadcast %mul3A_0 : i32 to vector<16xi32>
      %sub3A_203 = arith.subi %get3A_201, %sub3A_202 : vector<16xi32>
      %ge3A_204 = arith.constant 0 : i32
      %ge3A_205 = vector.broadcast %ge3A_204 : i32 to vector<16xi32>
      %ge3A_206 = arith.cmpi sge, %sub3A_203, %ge3A_205 : vector<16xi32>
      %lt3A_207 = arith.constant 50048 : i32
      %lt3A_208 = vector.broadcast %lt3A_207 : i32 to vector<16xi32>
      %lt3A_209 = arith.cmpi slt, %sub3A_203, %lt3A_208 : vector<16xi32>
      %and3A_210 = arith.andi %ge3A_206, %lt3A_209 : vector<16xi1>
      %jit3A_211 = arith.constant 50048 : i32
      %broadcast_in_dim3A_212 = vector.broadcast %jit3A_211 : i32 to vector<16xi32>
      %select_n3A_213 = arith.select %and3A_210, %sub3A_203, %broadcast_in_dim3A_212 : vector<16xi1>, vector<16xi32>
      %mul3A_214 = arith.constant 16 : i32
      %mul3A_215 = arith.muli %scan3A_196, %mul3A_214 : i32
      %swap3A_216 = arith.index_cast %mul3A_215 : i32 to index
      %swap3A_217 = tpu.vector_load %arg13[%swap3A_216] {strides = array<i32>} : memref<128xi32, #tpu.memory_space<vmem>>, vector<16xi32>,
      %swap3A_218 = vector.shape_cast %swap3A_217 : vector<16xi32> to vector<16xi32>
      %swap3A_219 = vector.shape_cast %select_n3A_213 : vector<16xi32> to vector<16xi32>
      tpu.vector_store %arg13[%swap3A_216], %swap3A_219 {strides = array<i32>} : memref<128xi32, #tpu.memory_space<vmem>>, vector<16xi32>,
      %scan3A_220 = arith.constant 0 : i32
      %scan3A_221 = arith.constant 6 : i32
      %mul3A_222 = arith.constant 16 : i32
      %mul3A_223 = arith.muli %scan3A_221, %mul3A_222 : i32
      %get3A_224 = arith.index_cast %mul3A_223 : i32 to index
      %get3A_225 = tpu.vector_load %arg12[%get3A_224] {strides = array<i32>} : memref<128xi32, #tpu.memory_space<vmem>>, vector<16xi32>,
      %get3A_226 = vector.shape_cast %get3A_225 : vector<16xi32> to vector<16xi32>
      %sub3A_227 = vector.broadcast %mul3A_0 : i32 to vector<16xi32>
      %sub3A_228 = arith.subi %get3A_226, %sub3A_227 : vector<16xi32>
      %ge3A_229 = arith.constant 0 : i32
      %ge3A_230 = vector.broadcast %ge3A_229 : i32 to vector<16xi32>
      %ge3A_231 = arith.cmpi sge, %sub3A_228, %ge3A_230 : vector<16xi32>
      %lt3A_232 = arith.constant 50048 : i32
      %lt3A_233 = vector.broadcast %lt3A_232 : i32 to vector<16xi32>
      %lt3A_234 = arith.cmpi slt, %sub3A_228, %lt3A_233 : vector<16xi32>
      %and3A_235 = arith.andi %ge3A_231, %lt3A_234 : vector<16xi1>
      %jit3A_236 = arith.constant 50048 : i32
      %broadcast_in_dim3A_237 = vector.broadcast %jit3A_236 : i32 to vector<16xi32>
      %select_n3A_238 = arith.select %and3A_235, %sub3A_228, %broadcast_in_dim3A_237 : vector<16xi1>, vector<16xi32>
      %mul3A_239 = arith.constant 16 : i32
      %mul3A_240 = arith.muli %scan3A_221, %mul3A_239 : i32
      %swap3A_241 = arith.index_cast %mul3A_240 : i32 to index
      %swap3A_242 = tpu.vector_load %arg13[%swap3A_241] {strides = array<i32>} : memref<128xi32, #tpu.memory_space<vmem>>, vector<16xi32>,
      %swap3A_243 = vector.shape_cast %swap3A_242 : vector<16xi32> to vector<16xi32>
      %swap3A_244 = vector.shape_cast %select_n3A_238 : vector<16xi32> to vector<16xi32>
      tpu.vector_store %arg13[%swap3A_241], %swap3A_244 {strides = array<i32>} : memref<128xi32, #tpu.memory_space<vmem>>, vector<16xi32>,
      %scan3A_245 = arith.constant 0 : i32
      %scan3A_246 = arith.constant 7 : i32
      %mul3A_247 = arith.constant 16 : i32
      %mul3A_248 = arith.muli %scan3A_246, %mul3A_247 : i32
      %get3A_249 = arith.index_cast %mul3A_248 : i32 to index
      %get3A_250 = tpu.vector_load %arg12[%get3A_249] {strides = array<i32>} : memref<128xi32, #tpu.memory_space<vmem>>, vector<16xi32>,
      %get3A_251 = vector.shape_cast %get3A_250 : vector<16xi32> to vector<16xi32>
      %sub3A_252 = vector.broadcast %mul3A_0 : i32 to vector<16xi32>
      %sub3A_253 = arith.subi %get3A_251, %sub3A_252 : vector<16xi32>
      %ge3A_254 = arith.constant 0 : i32
      %ge3A_255 = vector.broadcast %ge3A_254 : i32 to vector<16xi32>
      %ge3A_256 = arith.cmpi sge, %sub3A_253, %ge3A_255 : vector<16xi32>
      %lt3A_257 = arith.constant 50048 : i32
      %lt3A_258 = vector.broadcast %lt3A_257 : i32 to vector<16xi32>
      %lt3A_259 = arith.cmpi slt, %sub3A_253, %lt3A_258 : vector<16xi32>
      %and3A_260 = arith.andi %ge3A_256, %lt3A_259 : vector<16xi1>
      %jit3A_261 = arith.constant 50048 : i32
      %broadcast_in_dim3A_262 = vector.broadcast %jit3A_261 : i32 to vector<16xi32>
      %select_n3A_263 = arith.select %and3A_260, %sub3A_253, %broadcast_in_dim3A_262 : vector<16xi1>, vector<16xi32>
      %mul3A_264 = arith.constant 16 : i32
      %mul3A_265 = arith.muli %scan3A_246, %mul3A_264 : i32
      %swap3A_266 = arith.index_cast %mul3A_265 : i32 to index
      %swap3A_267 = tpu.vector_load %arg13[%swap3A_266] {strides = array<i32>} : memref<128xi32, #tpu.memory_space<vmem>>, vector<16xi32>,
      %swap3A_268 = vector.shape_cast %swap3A_267 : vector<16xi32> to vector<16xi32>
      %swap3A_269 = vector.shape_cast %select_n3A_263 : vector<16xi32> to vector<16xi32>
      tpu.vector_store %arg13[%swap3A_266], %swap3A_269 {strides = array<i32>} : memref<128xi32, #tpu.memory_space<vmem>>, vector<16xi32>,
      %scan3A_270 = arith.constant 0 : i32
      %scan3A_271 = arith.constant 8 : i32
      %scan3A_272 = arith.constant 0 : i32
      %scan3A_273 = arith.constant 0 : i32
      %scan3A_274 = arith.constant 32 : i32
      %scan3A_275 = arith.addi %scan3A_273, %scan3A_274 : i32
      %scan3A_276 = arith.constant 1 : i32
      %scan3A_277 = scf.for %scan3A_280 = %scan3A_273 to %scan3A_275 step %scan3A_276 iter_args(%scan3A_281 = %scan3A_272) -> (i32)  : i32 {
        %mul3A_282 = arith.constant 16 : i32
        %mul3A_283 = arith.muli %scan3A_280, %mul3A_282 : i32
        %get3A_284 = arith.index_cast %mul3A_283 : i32 to index
        %get3A_285 = tpu.vector_load %arg14[%get3A_284] {strides = array<i32>} : memref<512xf32, #tpu.memory_space<vmem>>, vector<16xf32>,
        %get3A_286 = vector.shape_cast %get3A_285 : vector<16xf32> to vector<16xf32>
        %mul3A_287 = arith.constant 4 : i32
        %mul3A_288 = arith.muli %scan3A_280, %mul3A_287 : i32
        %add3A_289 = arith.constant 0 : i32
        %add3A_290 = arith.addi %mul3A_288, %add3A_289 : i32
        %slice3A = vector.extract_strided_slice %get3A_286 {offsets = [0], sizes = [1], strides = [1]} : vector<16xf32> to vector<1xf32>
        %squeeze3A = vector.extract %slice3A[0] : f32 from vector<1xf32>
        %slice3A_291 = vector.extract_strided_slice %get3A_286 {offsets = [1], sizes = [1], strides = [1]} : vector<16xf32> to vector<1xf32>
        %squeeze3A_292 = vector.extract %slice3A_291[0] : f32 from vector<1xf32>
        %slice3A_293 = vector.extract_strided_slice %get3A_286 {offsets = [2], sizes = [1], strides = [1]} : vector<16xf32> to vector<1xf32>
        %squeeze3A_294 = vector.extract %slice3A_293[0] : f32 from vector<1xf32>
        %slice3A_295 = vector.extract_strided_slice %get3A_286 {offsets = [3], sizes = [1], strides = [1]} : vector<16xf32> to vector<1xf32>
        %squeeze3A_296 = vector.extract %slice3A_295[0] : f32 from vector<1xf32>
        %get3A_297 = arith.index_cast %add3A_290 : i32 to index
        %get3A_298 = arith.constant 0 : index
        %get3A_299 = tpu.vector_load %arg15[%get3A_297, %get3A_298] {strides = array<i32>} : memref<128x32xf32, #tpu.memory_space<vmem>>, vector<1x16xf32>,
        %get3A_300 = vector.shape_cast %get3A_299 : vector<1x16xf32> to vector<16xf32>
        %get3A_301 = arith.index_cast %add3A_290 : i32 to index
        %get3A_302 = arith.constant 0 : index
        %get3A_303 = tpu.vector_load %arg16[%get3A_301, %get3A_302] {strides = array<i32>} : memref<128x32xf32, #tpu.memory_space<vmem>>, vector<1x16xf32>,
        %get3A_304 = vector.shape_cast %get3A_303 : vector<1x16xf32> to vector<16xf32>
        %add3A_305 = arith.addf %get3A_300, %get3A_304 : vector<16xf32>
        %add3A_306 = arith.addf %add3A_305, %get3A_44 : vector<16xf32>
        %mul3A_307 = vector.broadcast %squeeze3A : f32 to vector<16xf32>
        %mul3A_308 = arith.mulf %mul3A_307, %get3A_6 : vector<16xf32>
        %add3A_309 = arith.addf %add3A_306, %mul3A_308 : vector<16xf32>
        %mul3A_310 = vector.broadcast %squeeze3A_292 : f32 to vector<16xf32>
        %mul3A_311 = arith.mulf %mul3A_310, %get3A_11 : vector<16xf32>
        %add3A_312 = arith.addf %add3A_309, %mul3A_311 : vector<16xf32>
        %mul3A_313 = vector.broadcast %squeeze3A_294 : f32 to vector<16xf32>
        %mul3A_314 = arith.mulf %mul3A_313, %get3A_16 : vector<16xf32>
        %add3A_315 = arith.addf %add3A_312, %mul3A_314 : vector<16xf32>
        %mul3A_316 = vector.broadcast %squeeze3A_296 : f32 to vector<16xf32>
        %mul3A_317 = arith.mulf %mul3A_316, %get3A_21 : vector<16xf32>
        %add3A_318 = arith.addf %add3A_315, %mul3A_317 : vector<16xf32>
        %max3A = arith.constant 0.000000e+00 : f32
        %max3A_319 = vector.broadcast %max3A : f32 to vector<16xf32>
        %max3A_320 = arith.maximumf %add3A_318, %max3A_319 : vector<16xf32>
        %swap3A_321 = arith.index_cast %add3A_290 : i32 to index
        %swap3A_322 = arith.constant 0 : index
        %swap3A_323 = tpu.vector_load %arg17[%swap3A_321, %swap3A_322] {strides = array<i32>} : memref<128x32xf32, #tpu.memory_space<vmem>>, vector<1x16xf32>,
        %swap3A_324 = vector.shape_cast %swap3A_323 : vector<1x16xf32> to vector<16xf32>
        %swap3A_325 = vector.shape_cast %max3A_320 : vector<16xf32> to vector<1x16xf32>
        tpu.vector_store %arg17[%swap3A_321, %swap3A_322], %swap3A_325 {strides = array<i32>} : memref<128x32xf32, #tpu.memory_space<vmem>>, vector<1x16xf32>,
        %get3A_326 = arith.index_cast %add3A_290 : i32 to index
        %get3A_327 = arith.constant 16 : index
        %get3A_328 = tpu.vector_load %arg15[%get3A_326, %get3A_327] {strides = array<i32>} : memref<128x32xf32, #tpu.memory_space<vmem>>, vector<1x16xf32>,
        %get3A_329 = vector.shape_cast %get3A_328 : vector<1x16xf32> to vector<16xf32>
        %get3A_330 = arith.index_cast %add3A_290 : i32 to index
        %get3A_331 = arith.constant 16 : index
        %get3A_332 = tpu.vector_load %arg16[%get3A_330, %get3A_331] {strides = array<i32>} : memref<128x32xf32, #tpu.memory_space<vmem>>, vector<1x16xf32>,
        %get3A_333 = vector.shape_cast %get3A_332 : vector<1x16xf32> to vector<16xf32>
        %add3A_334 = arith.addf %get3A_329, %get3A_333 : vector<16xf32>
        %add3A_335 = arith.addf %add3A_334, %get3A_47 : vector<16xf32>
        %mul3A_336 = vector.broadcast %squeeze3A : f32 to vector<16xf32>
        %mul3A_337 = arith.mulf %mul3A_336, %get3A_26 : vector<16xf32>
        %add3A_338 = arith.addf %add3A_335, %mul3A_337 : vector<16xf32>
        %mul3A_339 = vector.broadcast %squeeze3A_292 : f32 to vector<16xf32>
        %mul3A_340 = arith.mulf %mul3A_339, %get3A_31 : vector<16xf32>
        %add3A_341 = arith.addf %add3A_338, %mul3A_340 : vector<16xf32>
        %mul3A_342 = vector.broadcast %squeeze3A_294 : f32 to vector<16xf32>
        %mul3A_343 = arith.mulf %mul3A_342, %get3A_36 : vector<16xf32>
        %add3A_344 = arith.addf %add3A_341, %mul3A_343 : vector<16xf32>
        %mul3A_345 = vector.broadcast %squeeze3A_296 : f32 to vector<16xf32>
        %mul3A_346 = arith.mulf %mul3A_345, %get3A_41 : vector<16xf32>
        %add3A_347 = arith.addf %add3A_344, %mul3A_346 : vector<16xf32>
        %max3A_348 = arith.constant 0.000000e+00 : f32
        %max3A_349 = vector.broadcast %max3A_348 : f32 to vector<16xf32>
        %max3A_350 = arith.maximumf %add3A_347, %max3A_349 : vector<16xf32>
        %swap3A_351 = arith.index_cast %add3A_290 : i32 to index
        %swap3A_352 = arith.constant 16 : index
        %swap3A_353 = tpu.vector_load %arg17[%swap3A_351, %swap3A_352] {strides = array<i32>} : memref<128x32xf32, #tpu.memory_space<vmem>>, vector<1x16xf32>,
        %swap3A_354 = vector.shape_cast %swap3A_353 : vector<1x16xf32> to vector<16xf32>
        %swap3A_355 = vector.shape_cast %max3A_350 : vector<16xf32> to vector<1x16xf32>
        tpu.vector_store %arg17[%swap3A_351, %swap3A_352], %swap3A_355 {strides = array<i32>} : memref<128x32xf32, #tpu.memory_space<vmem>>, vector<1x16xf32>,
        %mul3A_356 = arith.constant 4 : i32
        %mul3A_357 = arith.muli %scan3A_280, %mul3A_356 : i32
        %add3A_358 = arith.constant 1 : i32
        %add3A_359 = arith.addi %mul3A_357, %add3A_358 : i32
        %slice3A_360 = vector.extract_strided_slice %get3A_286 {offsets = [4], sizes = [1], strides = [1]} : vector<16xf32> to vector<1xf32>
        %squeeze3A_361 = vector.extract %slice3A_360[0] : f32 from vector<1xf32>
        %slice3A_362 = vector.extract_strided_slice %get3A_286 {offsets = [5], sizes = [1], strides = [1]} : vector<16xf32> to vector<1xf32>
        %squeeze3A_363 = vector.extract %slice3A_362[0] : f32 from vector<1xf32>
        %slice3A_364 = vector.extract_strided_slice %get3A_286 {offsets = [6], sizes = [1], strides = [1]} : vector<16xf32> to vector<1xf32>
        %squeeze3A_365 = vector.extract %slice3A_364[0] : f32 from vector<1xf32>
        %slice3A_366 = vector.extract_strided_slice %get3A_286 {offsets = [7], sizes = [1], strides = [1]} : vector<16xf32> to vector<1xf32>
        %squeeze3A_367 = vector.extract %slice3A_366[0] : f32 from vector<1xf32>
        %get3A_368 = arith.index_cast %add3A_359 : i32 to index
        %get3A_369 = arith.constant 0 : index
        %get3A_370 = tpu.vector_load %arg15[%get3A_368, %get3A_369] {strides = array<i32>} : memref<128x32xf32, #tpu.memory_space<vmem>>, vector<1x16xf32>,
        %get3A_371 = vector.shape_cast %get3A_370 : vector<1x16xf32> to vector<16xf32>
        %get3A_372 = arith.index_cast %add3A_359 : i32 to index
        %get3A_373 = arith.constant 0 : index
        %get3A_374 = tpu.vector_load %arg16[%get3A_372, %get3A_373] {strides = array<i32>} : memref<128x32xf32, #tpu.memory_space<vmem>>, vector<1x16xf32>,
        %get3A_375 = vector.shape_cast %get3A_374 : vector<1x16xf32> to vector<16xf32>
        %add3A_376 = arith.addf %get3A_371, %get3A_375 : vector<16xf32>
        %add3A_377 = arith.addf %add3A_376, %get3A_44 : vector<16xf32>
        %mul3A_378 = vector.broadcast %squeeze3A_361 : f32 to vector<16xf32>
        %mul3A_379 = arith.mulf %mul3A_378, %get3A_6 : vector<16xf32>
        %add3A_380 = arith.addf %add3A_377, %mul3A_379 : vector<16xf32>
        %mul3A_381 = vector.broadcast %squeeze3A_363 : f32 to vector<16xf32>
        %mul3A_382 = arith.mulf %mul3A_381, %get3A_11 : vector<16xf32>
        %add3A_383 = arith.addf %add3A_380, %mul3A_382 : vector<16xf32>
        %mul3A_384 = vector.broadcast %squeeze3A_365 : f32 to vector<16xf32>
        %mul3A_385 = arith.mulf %mul3A_384, %get3A_16 : vector<16xf32>
        %add3A_386 = arith.addf %add3A_383, %mul3A_385 : vector<16xf32>
        %mul3A_387 = vector.broadcast %squeeze3A_367 : f32 to vector<16xf32>
        %mul3A_388 = arith.mulf %mul3A_387, %get3A_21 : vector<16xf32>
        %add3A_389 = arith.addf %add3A_386, %mul3A_388 : vector<16xf32>
        %max3A_390 = arith.constant 0.000000e+00 : f32
        %max3A_391 = vector.broadcast %max3A_390 : f32 to vector<16xf32>
        %max3A_392 = arith.maximumf %add3A_389, %max3A_391 : vector<16xf32>
        %swap3A_393 = arith.index_cast %add3A_359 : i32 to index
        %swap3A_394 = arith.constant 0 : index
        %swap3A_395 = tpu.vector_load %arg17[%swap3A_393, %swap3A_394] {strides = array<i32>} : memref<128x32xf32, #tpu.memory_space<vmem>>, vector<1x16xf32>,
        %swap3A_396 = vector.shape_cast %swap3A_395 : vector<1x16xf32> to vector<16xf32>
        %swap3A_397 = vector.shape_cast %max3A_392 : vector<16xf32> to vector<1x16xf32>
        tpu.vector_store %arg17[%swap3A_393, %swap3A_394], %swap3A_397 {strides = array<i32>} : memref<128x32xf32, #tpu.memory_space<vmem>>, vector<1x16xf32>,
        %get3A_398 = arith.index_cast %add3A_359 : i32 to index
        %get3A_399 = arith.constant 16 : index
        %get3A_400 = tpu.vector_load %arg15[%get3A_398, %get3A_399] {strides = array<i32>} : memref<128x32xf32, #tpu.memory_space<vmem>>, vector<1x16xf32>,
        %get3A_401 = vector.shape_cast %get3A_400 : vector<1x16xf32> to vector<16xf32>
        %get3A_402 = arith.index_cast %add3A_359 : i32 to index
        %get3A_403 = arith.constant 16 : index
        %get3A_404 = tpu.vector_load %arg16[%get3A_402, %get3A_403] {strides = array<i32>} : memref<128x32xf32, #tpu.memory_space<vmem>>, vector<1x16xf32>,
        %get3A_405 = vector.shape_cast %get3A_404 : vector<1x16xf32> to vector<16xf32>
        %add3A_406 = arith.addf %get3A_401, %get3A_405 : vector<16xf32>
        %add3A_407 = arith.addf %add3A_406, %get3A_47 : vector<16xf32>
        %mul3A_408 = vector.broadcast %squeeze3A_361 : f32 to vector<16xf32>
        %mul3A_409 = arith.mulf %mul3A_408, %get3A_26 : vector<16xf32>
        %add3A_410 = arith.addf %add3A_407, %mul3A_409 : vector<16xf32>
        %mul3A_411 = vector.broadcast %squeeze3A_363 : f32 to vector<16xf32>
        %mul3A_412 = arith.mulf %mul3A_411, %get3A_31 : vector<16xf32>
        %add3A_413 = arith.addf %add3A_410, %mul3A_412 : vector<16xf32>
        %mul3A_414 = vector.broadcast %squeeze3A_365 : f32 to vector<16xf32>
        %mul3A_415 = arith.mulf %mul3A_414, %get3A_36 : vector<16xf32>
        %add3A_416 = arith.addf %add3A_413, %mul3A_415 : vector<16xf32>
        %mul3A_417 = vector.broadcast %squeeze3A_367 : f32 to vector<16xf32>
        %mul3A_418 = arith.mulf %mul3A_417, %get3A_41 : vector<16xf32>
        %add3A_419 = arith.addf %add3A_416, %mul3A_418 : vector<16xf32>
        %max3A_420 = arith.constant 0.000000e+00 : f32
        %max3A_421 = vector.broadcast %max3A_420 : f32 to vector<16xf32>
        %max3A_422 = arith.maximumf %add3A_419, %max3A_421 : vector<16xf32>
        %swap3A_423 = arith.index_cast %add3A_359 : i32 to index
        %swap3A_424 = arith.constant 16 : index
        %swap3A_425 = tpu.vector_load %arg17[%swap3A_423, %swap3A_424] {strides = array<i32>} : memref<128x32xf32, #tpu.memory_space<vmem>>, vector<1x16xf32>,
        %swap3A_426 = vector.shape_cast %swap3A_425 : vector<1x16xf32> to vector<16xf32>
        %swap3A_427 = vector.shape_cast %max3A_422 : vector<16xf32> to vector<1x16xf32>
        tpu.vector_store %arg17[%swap3A_423, %swap3A_424], %swap3A_427 {strides = array<i32>} : memref<128x32xf32, #tpu.memory_space<vmem>>, vector<1x16xf32>,
        %mul3A_428 = arith.constant 4 : i32
        %mul3A_429 = arith.muli %scan3A_280, %mul3A_428 : i32
        %add3A_430 = arith.constant 2 : i32
        %add3A_431 = arith.addi %mul3A_429, %add3A_430 : i32
        %slice3A_432 = vector.extract_strided_slice %get3A_286 {offsets = [8], sizes = [1], strides = [1]} : vector<16xf32> to vector<1xf32>
        %squeeze3A_433 = vector.extract %slice3A_432[0] : f32 from vector<1xf32>
        %slice3A_434 = vector.extract_strided_slice %get3A_286 {offsets = [9], sizes = [1], strides = [1]} : vector<16xf32> to vector<1xf32>
        %squeeze3A_435 = vector.extract %slice3A_434[0] : f32 from vector<1xf32>
        %slice3A_436 = vector.extract_strided_slice %get3A_286 {offsets = [10], sizes = [1], strides = [1]} : vector<16xf32> to vector<1xf32>
        %squeeze3A_437 = vector.extract %slice3A_436[0] : f32 from vector<1xf32>
        %slice3A_438 = vector.extract_strided_slice %get3A_286 {offsets = [11], sizes = [1], strides = [1]} : vector<16xf32> to vector<1xf32>
        %squeeze3A_439 = vector.extract %slice3A_438[0] : f32 from vector<1xf32>
        %get3A_440 = arith.index_cast %add3A_431 : i32 to index
        %get3A_441 = arith.constant 0 : index
        %get3A_442 = tpu.vector_load %arg15[%get3A_440, %get3A_441] {strides = array<i32>} : memref<128x32xf32, #tpu.memory_space<vmem>>, vector<1x16xf32>,
        %get3A_443 = vector.shape_cast %get3A_442 : vector<1x16xf32> to vector<16xf32>
        %get3A_444 = arith.index_cast %add3A_431 : i32 to index
        %get3A_445 = arith.constant 0 : index
        %get3A_446 = tpu.vector_load %arg16[%get3A_444, %get3A_445] {strides = array<i32>} : memref<128x32xf32, #tpu.memory_space<vmem>>, vector<1x16xf32>,
        %get3A_447 = vector.shape_cast %get3A_446 : vector<1x16xf32> to vector<16xf32>
        %add3A_448 = arith.addf %get3A_443, %get3A_447 : vector<16xf32>
        %add3A_449 = arith.addf %add3A_448, %get3A_44 : vector<16xf32>
        %mul3A_450 = vector.broadcast %squeeze3A_433 : f32 to vector<16xf32>
        %mul3A_451 = arith.mulf %mul3A_450, %get3A_6 : vector<16xf32>
        %add3A_452 = arith.addf %add3A_449, %mul3A_451 : vector<16xf32>
        %mul3A_453 = vector.broadcast %squeeze3A_435 : f32 to vector<16xf32>
        %mul3A_454 = arith.mulf %mul3A_453, %get3A_11 : vector<16xf32>
        %add3A_455 = arith.addf %add3A_452, %mul3A_454 : vector<16xf32>
        %mul3A_456 = vector.broadcast %squeeze3A_437 : f32 to vector<16xf32>
        %mul3A_457 = arith.mulf %mul3A_456, %get3A_16 : vector<16xf32>
        %add3A_458 = arith.addf %add3A_455, %mul3A_457 : vector<16xf32>
        %mul3A_459 = vector.broadcast %squeeze3A_439 : f32 to vector<16xf32>
        %mul3A_460 = arith.mulf %mul3A_459, %get3A_21 : vector<16xf32>
        %add3A_461 = arith.addf %add3A_458, %mul3A_460 : vector<16xf32>
        %max3A_462 = arith.constant 0.000000e+00 : f32
        %max3A_463 = vector.broadcast %max3A_462 : f32 to vector<16xf32>
        %max3A_464 = arith.maximumf %add3A_461, %max3A_463 : vector<16xf32>
        %swap3A_465 = arith.index_cast %add3A_431 : i32 to index
        %swap3A_466 = arith.constant 0 : index
        %swap3A_467 = tpu.vector_load %arg17[%swap3A_465, %swap3A_466] {strides = array<i32>} : memref<128x32xf32, #tpu.memory_space<vmem>>, vector<1x16xf32>,
        %swap3A_468 = vector.shape_cast %swap3A_467 : vector<1x16xf32> to vector<16xf32>
        %swap3A_469 = vector.shape_cast %max3A_464 : vector<16xf32> to vector<1x16xf32>
        tpu.vector_store %arg17[%swap3A_465, %swap3A_466], %swap3A_469 {strides = array<i32>} : memref<128x32xf32, #tpu.memory_space<vmem>>, vector<1x16xf32>,
        %get3A_470 = arith.index_cast %add3A_431 : i32 to index
        %get3A_471 = arith.constant 16 : index
        %get3A_472 = tpu.vector_load %arg15[%get3A_470, %get3A_471] {strides = array<i32>} : memref<128x32xf32, #tpu.memory_space<vmem>>, vector<1x16xf32>,
        %get3A_473 = vector.shape_cast %get3A_472 : vector<1x16xf32> to vector<16xf32>
        %get3A_474 = arith.index_cast %add3A_431 : i32 to index
        %get3A_475 = arith.constant 16 : index
        %get3A_476 = tpu.vector_load %arg16[%get3A_474, %get3A_475] {strides = array<i32>} : memref<128x32xf32, #tpu.memory_space<vmem>>, vector<1x16xf32>,
        %get3A_477 = vector.shape_cast %get3A_476 : vector<1x16xf32> to vector<16xf32>
        %add3A_478 = arith.addf %get3A_473, %get3A_477 : vector<16xf32>
        %add3A_479 = arith.addf %add3A_478, %get3A_47 : vector<16xf32>
        %mul3A_480 = vector.broadcast %squeeze3A_433 : f32 to vector<16xf32>
        %mul3A_481 = arith.mulf %mul3A_480, %get3A_26 : vector<16xf32>
        %add3A_482 = arith.addf %add3A_479, %mul3A_481 : vector<16xf32>
        %mul3A_483 = vector.broadcast %squeeze3A_435 : f32 to vector<16xf32>
        %mul3A_484 = arith.mulf %mul3A_483, %get3A_31 : vector<16xf32>
        %add3A_485 = arith.addf %add3A_482, %mul3A_484 : vector<16xf32>
        %mul3A_486 = vector.broadcast %squeeze3A_437 : f32 to vector<16xf32>
        %mul3A_487 = arith.mulf %mul3A_486, %get3A_36 : vector<16xf32>
        %add3A_488 = arith.addf %add3A_485, %mul3A_487 : vector<16xf32>
        %mul3A_489 = vector.broadcast %squeeze3A_439 : f32 to vector<16xf32>
        %mul3A_490 = arith.mulf %mul3A_489, %get3A_41 : vector<16xf32>
        %add3A_491 = arith.addf %add3A_488, %mul3A_490 : vector<16xf32>
        %max3A_492 = arith.constant 0.000000e+00 : f32
        %max3A_493 = vector.broadcast %max3A_492 : f32 to vector<16xf32>
        %max3A_494 = arith.maximumf %add3A_491, %max3A_493 : vector<16xf32>
        %swap3A_495 = arith.index_cast %add3A_431 : i32 to index
        %swap3A_496 = arith.constant 16 : index
        %swap3A_497 = tpu.vector_load %arg17[%swap3A_495, %swap3A_496] {strides = array<i32>} : memref<128x32xf32, #tpu.memory_space<vmem>>, vector<1x16xf32>,
        %swap3A_498 = vector.shape_cast %swap3A_497 : vector<1x16xf32> to vector<16xf32>
        %swap3A_499 = vector.shape_cast %max3A_494 : vector<16xf32> to vector<1x16xf32>
        tpu.vector_store %arg17[%swap3A_495, %swap3A_496], %swap3A_499 {strides = array<i32>} : memref<128x32xf32, #tpu.memory_space<vmem>>, vector<1x16xf32>,
        %mul3A_500 = arith.constant 4 : i32
        %mul3A_501 = arith.muli %scan3A_280, %mul3A_500 : i32
        %add3A_502 = arith.constant 3 : i32
        %add3A_503 = arith.addi %mul3A_501, %add3A_502 : i32
        %slice3A_504 = vector.extract_strided_slice %get3A_286 {offsets = [12], sizes = [1], strides = [1]} : vector<16xf32> to vector<1xf32>
        %squeeze3A_505 = vector.extract %slice3A_504[0] : f32 from vector<1xf32>
        %slice3A_506 = vector.extract_strided_slice %get3A_286 {offsets = [13], sizes = [1], strides = [1]} : vector<16xf32> to vector<1xf32>
        %squeeze3A_507 = vector.extract %slice3A_506[0] : f32 from vector<1xf32>
        %slice3A_508 = vector.extract_strided_slice %get3A_286 {offsets = [14], sizes = [1], strides = [1]} : vector<16xf32> to vector<1xf32>
        %squeeze3A_509 = vector.extract %slice3A_508[0] : f32 from vector<1xf32>
        %slice3A_510 = vector.extract_strided_slice %get3A_286 {offsets = [15], sizes = [1], strides = [1]} : vector<16xf32> to vector<1xf32>
        %squeeze3A_511 = vector.extract %slice3A_510[0] : f32 from vector<1xf32>
        %get3A_512 = arith.index_cast %add3A_503 : i32 to index
        %get3A_513 = arith.constant 0 : index
        %get3A_514 = tpu.vector_load %arg15[%get3A_512, %get3A_513] {strides = array<i32>} : memref<128x32xf32, #tpu.memory_space<vmem>>, vector<1x16xf32>,
        %get3A_515 = vector.shape_cast %get3A_514 : vector<1x16xf32> to vector<16xf32>
        %get3A_516 = arith.index_cast %add3A_503 : i32 to index
        %get3A_517 = arith.constant 0 : index
        %get3A_518 = tpu.vector_load %arg16[%get3A_516, %get3A_517] {strides = array<i32>} : memref<128x32xf32, #tpu.memory_space<vmem>>, vector<1x16xf32>,
        %get3A_519 = vector.shape_cast %get3A_518 : vector<1x16xf32> to vector<16xf32>
        %add3A_520 = arith.addf %get3A_515, %get3A_519 : vector<16xf32>
        %add3A_521 = arith.addf %add3A_520, %get3A_44 : vector<16xf32>
        %mul3A_522 = vector.broadcast %squeeze3A_505 : f32 to vector<16xf32>
        %mul3A_523 = arith.mulf %mul3A_522, %get3A_6 : vector<16xf32>
        %add3A_524 = arith.addf %add3A_521, %mul3A_523 : vector<16xf32>
        %mul3A_525 = vector.broadcast %squeeze3A_507 : f32 to vector<16xf32>
        %mul3A_526 = arith.mulf %mul3A_525, %get3A_11 : vector<16xf32>
        %add3A_527 = arith.addf %add3A_524, %mul3A_526 : vector<16xf32>
        %mul3A_528 = vector.broadcast %squeeze3A_509 : f32 to vector<16xf32>
        %mul3A_529 = arith.mulf %mul3A_528, %get3A_16 : vector<16xf32>
        %add3A_530 = arith.addf %add3A_527, %mul3A_529 : vector<16xf32>
        %mul3A_531 = vector.broadcast %squeeze3A_511 : f32 to vector<16xf32>
        %mul3A_532 = arith.mulf %mul3A_531, %get3A_21 : vector<16xf32>
        %add3A_533 = arith.addf %add3A_530, %mul3A_532 : vector<16xf32>
        %max3A_534 = arith.constant 0.000000e+00 : f32
        %max3A_535 = vector.broadcast %max3A_534 : f32 to vector<16xf32>
        %max3A_536 = arith.maximumf %add3A_533, %max3A_535 : vector<16xf32>
        %swap3A_537 = arith.index_cast %add3A_503 : i32 to index
        %swap3A_538 = arith.constant 0 : index
        %swap3A_539 = tpu.vector_load %arg17[%swap3A_537, %swap3A_538] {strides = array<i32>} : memref<128x32xf32, #tpu.memory_space<vmem>>, vector<1x16xf32>,
        %swap3A_540 = vector.shape_cast %swap3A_539 : vector<1x16xf32> to vector<16xf32>
        %swap3A_541 = vector.shape_cast %max3A_536 : vector<16xf32> to vector<1x16xf32>
        tpu.vector_store %arg17[%swap3A_537, %swap3A_538], %swap3A_541 {strides = array<i32>} : memref<128x32xf32, #tpu.memory_space<vmem>>, vector<1x16xf32>,
        %get3A_542 = arith.index_cast %add3A_503 : i32 to index
        %get3A_543 = arith.constant 16 : index
        %get3A_544 = tpu.vector_load %arg15[%get3A_542, %get3A_543] {strides = array<i32>} : memref<128x32xf32, #tpu.memory_space<vmem>>, vector<1x16xf32>,
        %get3A_545 = vector.shape_cast %get3A_544 : vector<1x16xf32> to vector<16xf32>
        %get3A_546 = arith.index_cast %add3A_503 : i32 to index
        %get3A_547 = arith.constant 16 : index
        %get3A_548 = tpu.vector_load %arg16[%get3A_546, %get3A_547] {strides = array<i32>} : memref<128x32xf32, #tpu.memory_space<vmem>>, vector<1x16xf32>,
        %get3A_549 = vector.shape_cast %get3A_548 : vector<1x16xf32> to vector<16xf32>
        %add3A_550 = arith.addf %get3A_545, %get3A_549 : vector<16xf32>
        %add3A_551 = arith.addf %add3A_550, %get3A_47 : vector<16xf32>
        %mul3A_552 = vector.broadcast %squeeze3A_505 : f32 to vector<16xf32>
        %mul3A_553 = arith.mulf %mul3A_552, %get3A_26 : vector<16xf32>
        %add3A_554 = arith.addf %add3A_551, %mul3A_553 : vector<16xf32>
        %mul3A_555 = vector.broadcast %squeeze3A_507 : f32 to vector<16xf32>
        %mul3A_556 = arith.mulf %mul3A_555, %get3A_31 : vector<16xf32>
        %add3A_557 = arith.addf %add3A_554, %mul3A_556 : vector<16xf32>
        %mul3A_558 = vector.broadcast %squeeze3A_509 : f32 to vector<16xf32>
        %mul3A_559 = arith.mulf %mul3A_558, %get3A_36 : vector<16xf32>
        %add3A_560 = arith.addf %add3A_557, %mul3A_559 : vector<16xf32>
        %mul3A_561 = vector.broadcast %squeeze3A_511 : f32 to vector<16xf32>
        %mul3A_562 = arith.mulf %mul3A_561, %get3A_41 : vector<16xf32>
        %add3A_563 = arith.addf %add3A_560, %mul3A_562 : vector<16xf32>
        %max3A_564 = arith.constant 0.000000e+00 : f32
        %max3A_565 = vector.broadcast %max3A_564 : f32 to vector<16xf32>
        %max3A_566 = arith.maximumf %add3A_563, %max3A_565 : vector<16xf32>
        %swap3A_567 = arith.index_cast %add3A_503 : i32 to index
        %swap3A_568 = arith.constant 16 : index
        %swap3A_569 = tpu.vector_load %arg17[%swap3A_567, %swap3A_568] {strides = array<i32>} : memref<128x32xf32, #tpu.memory_space<vmem>>, vector<1x16xf32>,
        %swap3A_570 = vector.shape_cast %swap3A_569 : vector<1x16xf32> to vector<16xf32>
        %swap3A_571 = vector.shape_cast %max3A_566 : vector<16xf32> to vector<1x16xf32>
        tpu.vector_store %arg17[%swap3A_567, %swap3A_568], %swap3A_571 {strides = array<i32>} : memref<128x32xf32, #tpu.memory_space<vmem>>, vector<1x16xf32>,
        %scan3A_572 = arith.constant 0 : i32
        scf.yield %scan3A_572 : i32
      }
      %scan3A_278 = arith.constant 32 : i32
      "tpu.region"() ({
        %run_scoped3A = tpu.sem_alloc : memref<!tpu.dma_semaphore, #tpu.memory_space<semaphore_mem>>
        %dma_start3A_280 = arith.constant 0 : i32
        %dma_start3A_281 = arith.constant 0 : i32
        %dma_start3A_282 = tpu.memref_slice %arg20[%dma_start3A_280, %dma_start3A_281] : memref<50056x32xf32, #tpu.memory_space<vmem_shared>> -> memref<50056x32xf32, #tpu.memory_space<vmem_shared>>
        tpu.enqueue_indirect_dma source(%arg17 : memref<128x32xf32, #tpu.memory_space<vmem>>) target(%dma_start3A_282 : memref<50056x32xf32, #tpu.memory_space<vmem_shared>>) offsets(%arg13 : memref<128xi32, #tpu.memory_space<vmem>>) semaphore(%run_scoped3A : memref<!tpu.dma_semaphore, #tpu.memory_space<semaphore_mem>>) {add = true}
        %dma_wait3A_283 = arith.constant 0 : i32
        %dma_wait3A_284 = arith.constant 0 : i32
        %dma_wait3A_285 = tpu.memref_slice %arg20[%dma_wait3A_283, %dma_wait3A_284] : memref<50056x32xf32, #tpu.memory_space<vmem_shared>> -> memref<50056x32xf32, #tpu.memory_space<vmem_shared>>
        tpu.wait_indirect_dma semaphore(%run_scoped3A : memref<!tpu.dma_semaphore, #tpu.memory_space<semaphore_mem>>) src(%arg17 : memref<128x32xf32, #tpu.memory_space<vmem>>) dst(%dma_wait3A_285 : memref<50056x32xf32, #tpu.memory_space<vmem_shared>>)
        tpu.yield
      }) : () -> ()
      %scan3A_279 = arith.constant 0 : i32
      scf.yield %scan3A_279 : i32
    }
    %scan3A_53 = arith.constant 782 : i32
    %barrier3A_54 = arith.constant 0 : index
    tpu.barrier barrier_id(%barrier3A_54)
    %mul3A_55 = arith.constant 3128 : i32
    %mul3A_56 = arith.muli %arg1, %mul3A_55 : i32
    %mul3A_57 = arith.constant 3128 : i32
    %mul3A_58 = arith.muli %arg1, %mul3A_57 : i32
    %add3A = arith.addi %mul3A_0, %mul3A_58 : i32
    "tpu.region"() ({
      %run_scoped3A = tpu.sem_alloc : memref<!tpu.dma_semaphore, #tpu.memory_space<semaphore_mem>>
      %dma_start3A = arith.constant 0 : i32
      %dma_start3A_59 = tpu.memref_slice %arg10[%add3A, %dma_start3A] : memref<100096x32xf32, #tpu.memory_space<hbm>> -> memref<3128x32xf32, #tpu.memory_space<hbm>>
      %dma_start3A_60 = arith.constant 0 : i32
      %dma_start3A_61 = tpu.memref_slice %arg20[%mul3A_56, %dma_start3A_60] : memref<50056x32xf32, #tpu.memory_space<vmem_shared>> -> memref<3128x32xf32, #tpu.memory_space<vmem_shared>>
      tpu.enqueue_dma source(%dma_start3A_61 : memref<3128x32xf32, #tpu.memory_space<vmem_shared>>) target(%dma_start3A_59 : memref<3128x32xf32, #tpu.memory_space<hbm>>) target_semaphore(%run_scoped3A : memref<!tpu.dma_semaphore, #tpu.memory_space<semaphore_mem>>)
      %dma_wait3A = arith.constant 0 : i32
      %dma_wait3A_62 = tpu.memref_slice %arg10[%add3A, %dma_wait3A] : memref<100096x32xf32, #tpu.memory_space<hbm>> -> memref<3128x32xf32, #tpu.memory_space<hbm>>
      %dma_wait3A_63 = arith.constant 0 : i32
      %dma_wait3A_64 = tpu.memref_slice %arg20[%mul3A_56, %dma_wait3A_63] : memref<50056x32xf32, #tpu.memory_space<vmem_shared>> -> memref<3128x32xf32, #tpu.memory_space<vmem_shared>>
      tpu.wait_dma2 semaphore(%run_scoped3A : memref<!tpu.dma_semaphore, #tpu.memory_space<semaphore_mem>>) src(%dma_wait3A_64 : memref<3128x32xf32, #tpu.memory_space<vmem_shared>>) dst(%dma_wait3A_62 : memref<3128x32xf32, #tpu.memory_space<hbm>>)
      tpu.yield
    }) : () -> ()
    return
  }
}

#map = affine_map<(d0, d1) -> (0, 0)>
#map1 = affine_map<(d0, d1) -> (0)>
module attributes {stable_mosaic.version = 14 : i64} {
  func.func @_edge_body(%arg0: i32, %arg1: i32, %arg2: memref<100000x32xf32, #tpu.memory_space<hbm>>, %arg3: memref<100000x32xf32, #tpu.memory_space<hbm>>, %arg4: memref<1601536xi32, #tpu.memory_space<hbm>>, %arg5: memref<1601536xi32, #tpu.memory_space<hbm>>, %arg6: memref<6406144xf32, #tpu.memory_space<hbm>>, %arg7: memref<4x32xf32, #tpu.memory_space<hbm>>, %arg8: memref<32xf32, #tpu.memory_space<hbm>>, %arg9: memref<3128x32xf32, #tpu.memory_space<hbm>>, %arg10: memref<100096x32xf32, #tpu.memory_space<hbm>>, %arg11: memref<128xi32, #tpu.memory_space<vmem>>, %arg12: memref<128xi32, #tpu.memory_space<vmem>>, %arg13: memref<128xi32, #tpu.memory_space<vmem>>, %arg14: memref<512xf32, #tpu.memory_space<vmem>>, %arg15: memref<128x32xf32, #tpu.memory_space<vmem>>, %arg16: memref<128x32xf32, #tpu.memory_space<vmem>>, %arg17: memref<128x32xf32, #tpu.memory_space<vmem>>, %arg18: memref<4x32xf32, #tpu.memory_space<vmem>>, %arg19: memref<32xf32, #tpu.memory_space<vmem>>, %arg20: memref<50056x32xf32, #tpu.memory_space<vmem_shared>>, %arg21: memref<!tpu.dma_semaphore, #tpu.memory_space<semaphore_mem>>, %arg22: memref<!tpu.dma_semaphore, #tpu.memory_space<semaphore_mem>>) attributes {dimension_semantics = [#tpu.dimension_semantics<core_parallel>, #tpu.dimension_semantics<subcore_parallel>], iteration_bounds = array<i64: 2, 16>, scalar_prefetch = 0 : i64, scratch_operands = 12 : i64, tpu.core_type = #tpu.core_type<sc_vector_subcore>, window_params = [{transform_indices = #map}, {transform_indices = #map}, {transform_indices = #map1}, {transform_indices = #map1}, {transform_indices = #map1}, {transform_indices = #map}, {transform_indices = #map1}, {transform_indices = #map}, {transform_indices = #map}]} {
    %mul3A = arith.constant 50048 : i32
    %mul3A_0 = arith.muli %arg0, %mul3A : i32
    "tpu.region"() ({
      %run_scoped3A = tpu.sem_alloc : memref<!tpu.dma_semaphore, #tpu.memory_space<semaphore_mem>>
      tpu.enqueue_dma source(%arg7 : memref<4x32xf32, #tpu.memory_space<hbm>>) target(%arg18 : memref<4x32xf32, #tpu.memory_space<vmem>>) target_semaphore(%run_scoped3A : memref<!tpu.dma_semaphore, #tpu.memory_space<semaphore_mem>>)
      tpu.wait_dma2 semaphore(%run_scoped3A : memref<!tpu.dma_semaphore, #tpu.memory_space<semaphore_mem>>) src(%arg7 : memref<4x32xf32, #tpu.memory_space<hbm>>) dst(%arg18 : memref<4x32xf32, #tpu.memory_space<vmem>>)
      tpu.yield
    }) : () -> ()
    "tpu.region"() ({
      %run_scoped3A = tpu.sem_alloc : memref<!tpu.dma_semaphore, #tpu.memory_space<semaphore_mem>>
      tpu.enqueue_dma source(%arg8 : memref<32xf32, #tpu.memory_space<hbm>>) target(%arg19 : memref<32xf32, #tpu.memory_space<vmem>>) target_semaphore(%run_scoped3A : memref<!tpu.dma_semaphore, #tpu.memory_space<semaphore_mem>>)
      tpu.wait_dma2 semaphore(%run_scoped3A : memref<!tpu.dma_semaphore, #tpu.memory_space<semaphore_mem>>) src(%arg8 : memref<32xf32, #tpu.memory_space<hbm>>) dst(%arg19 : memref<32xf32, #tpu.memory_space<vmem>>)
      tpu.yield
    }) : () -> ()
    %mul3A_1 = arith.constant 3128 : i32
    %mul3A_2 = arith.muli %arg1, %mul3A_1 : i32
    "tpu.region"() ({
      %run_scoped3A = tpu.sem_alloc : memref<!tpu.dma_semaphore, #tpu.memory_space<semaphore_mem>>
      %dma_start3A = arith.constant 0 : i32
      %dma_start3A_59 = tpu.memref_slice %arg20[%mul3A_2, %dma_start3A] : memref<50056x32xf32, #tpu.memory_space<vmem_shared>> -> memref<3128x32xf32, #tpu.memory_space<vmem_shared>>
      tpu.enqueue_dma source(%arg9 : memref<3128x32xf32, #tpu.memory_space<hbm>>) target(%dma_start3A_59 : memref<3128x32xf32, #tpu.memory_space<vmem_shared>>) target_semaphore(%run_scoped3A : memref<!tpu.dma_semaphore, #tpu.memory_space<semaphore_mem>>)
      %dma_wait3A = arith.constant 0 : i32
      %dma_wait3A_60 = tpu.memref_slice %arg20[%mul3A_2, %dma_wait3A] : memref<50056x32xf32, #tpu.memory_space<vmem_shared>> -> memref<3128x32xf32, #tpu.memory_space<vmem_shared>>
      tpu.wait_dma2 semaphore(%run_scoped3A : memref<!tpu.dma_semaphore, #tpu.memory_space<semaphore_mem>>) src(%arg9 : memref<3128x32xf32, #tpu.memory_space<hbm>>) dst(%dma_wait3A_60 : memref<3128x32xf32, #tpu.memory_space<vmem_shared>>)
      tpu.yield
    }) : () -> ()
    %barrier3A = arith.constant 0 : index
    tpu.barrier barrier_id(%barrier3A)
    %get3A = arith.constant 0 : i32
    %get3A_3 = arith.index_cast %get3A : i32 to index
    %get3A_4 = arith.constant 0 : index
    %get3A_5 = tpu.vector_load %arg18[%get3A_3, %get3A_4] {strides = array<i32>} : memref<4x32xf32, #tpu.memory_space<vmem>>, vector<1x16xf32>,
    %get3A_6 = vector.shape_cast %get3A_5 : vector<1x16xf32> to vector<16xf32>
    %get3A_7 = arith.constant 1 : i32
    %get3A_8 = arith.index_cast %get3A_7 : i32 to index
    %get3A_9 = arith.constant 0 : index
    %get3A_10 = tpu.vector_load %arg18[%get3A_8, %get3A_9] {strides = array<i32>} : memref<4x32xf32, #tpu.memory_space<vmem>>, vector<1x16xf32>,
    %get3A_11 = vector.shape_cast %get3A_10 : vector<1x16xf32> to vector<16xf32>
    %get3A_12 = arith.constant 2 : i32
    %get3A_13 = arith.index_cast %get3A_12 : i32 to index
    %get3A_14 = arith.constant 0 : index
    %get3A_15 = tpu.vector_load %arg18[%get3A_13, %get3A_14] {strides = array<i32>} : memref<4x32xf32, #tpu.memory_space<vmem>>, vector<1x16xf32>,
    %get3A_16 = vector.shape_cast %get3A_15 : vector<1x16xf32> to vector<16xf32>
    %get3A_17 = arith.constant 3 : i32
    %get3A_18 = arith.index_cast %get3A_17 : i32 to index
    %get3A_19 = arith.constant 0 : index
    %get3A_20 = tpu.vector_load %arg18[%get3A_18, %get3A_19] {strides = array<i32>} : memref<4x32xf32, #tpu.memory_space<vmem>>, vector<1x16xf32>,
    %get3A_21 = vector.shape_cast %get3A_20 : vector<1x16xf32> to vector<16xf32>
    %get3A_22 = arith.constant 0 : i32
    %get3A_23 = arith.index_cast %get3A_22 : i32 to index
    %get3A_24 = arith.constant 16 : index
    %get3A_25 = tpu.vector_load %arg18[%get3A_23, %get3A_24] {strides = array<i32>} : memref<4x32xf32, #tpu.memory_space<vmem>>, vector<1x16xf32>,
    %get3A_26 = vector.shape_cast %get3A_25 : vector<1x16xf32> to vector<16xf32>
    %get3A_27 = arith.constant 1 : i32
    %get3A_28 = arith.index_cast %get3A_27 : i32 to index
    %get3A_29 = arith.constant 16 : index
    %get3A_30 = tpu.vector_load %arg18[%get3A_28, %get3A_29] {strides = array<i32>} : memref<4x32xf32, #tpu.memory_space<vmem>>, vector<1x16xf32>,
    %get3A_31 = vector.shape_cast %get3A_30 : vector<1x16xf32> to vector<16xf32>
    %get3A_32 = arith.constant 2 : i32
    %get3A_33 = arith.index_cast %get3A_32 : i32 to index
    %get3A_34 = arith.constant 16 : index
    %get3A_35 = tpu.vector_load %arg18[%get3A_33, %get3A_34] {strides = array<i32>} : memref<4x32xf32, #tpu.memory_space<vmem>>, vector<1x16xf32>,
    %get3A_36 = vector.shape_cast %get3A_35 : vector<1x16xf32> to vector<16xf32>
    %get3A_37 = arith.constant 3 : i32
    %get3A_38 = arith.index_cast %get3A_37 : i32 to index
    %get3A_39 = arith.constant 16 : index
    %get3A_40 = tpu.vector_load %arg18[%get3A_38, %get3A_39] {strides = array<i32>} : memref<4x32xf32, #tpu.memory_space<vmem>>, vector<1x16xf32>,
    %get3A_41 = vector.shape_cast %get3A_40 : vector<1x16xf32> to vector<16xf32>
    %get3A_42 = arith.constant 0 : index
    %get3A_43 = tpu.vector_load %arg19[%get3A_42] {strides = array<i32>} : memref<32xf32, #tpu.memory_space<vmem>>, vector<16xf32>,
    %get3A_44 = vector.shape_cast %get3A_43 : vector<16xf32> to vector<16xf32>
    %get3A_45 = arith.constant 16 : index
    %get3A_46 = tpu.vector_load %arg19[%get3A_45] {strides = array<i32>} : memref<32xf32, #tpu.memory_space<vmem>>, vector<16xf32>,
    %get3A_47 = vector.shape_cast %get3A_46 : vector<16xf32> to vector<16xf32>
    %scan3A = arith.constant 0 : i32
    %scan3A_48 = arith.constant 0 : i32
    %scan3A_49 = arith.constant 782 : i32
    %scan3A_50 = arith.addi %scan3A_48, %scan3A_49 : i32
    %scan3A_51 = arith.constant 1 : i32
    %scan3A_52 = scf.for %scan3A_59 = %scan3A_48 to %scan3A_50 step %scan3A_51 iter_args(%scan3A_60 = %scan3A) -> (i32)  : i32 {
      %mul3A_61 = arith.constant 100096 : i32
      %mul3A_62 = arith.muli %arg1, %mul3A_61 : i32
      %mul3A_63 = arith.constant 128 : i32
      %mul3A_64 = arith.muli %scan3A_59, %mul3A_63 : i32
      %add3A_65 = arith.addi %mul3A_62, %mul3A_64 : i32
      %multiple_of3A = tpu.assume_multiple %add3A_65, 128 : i32
      "tpu.region"() ({
        %run_scoped3A = tpu.sem_alloc : memref<!tpu.dma_semaphore, #tpu.memory_space<semaphore_mem>>
        %dma_start3A_280 = tpu.memref_slice %arg4[%multiple_of3A] : memref<1601536xi32, #tpu.memory_space<hbm>> -> memref<128xi32, #tpu.memory_space<hbm>>
        %dma_start3A_281 = tpu.memref_slice %arg4[%multiple_of3A] : memref<1601536xi32, #tpu.memory_space<hbm>> -> memref<128xi32, #tpu.memory_space<hbm>>
        tpu.enqueue_dma source(%dma_start3A_281 : memref<128xi32, #tpu.memory_space<hbm>>) target(%arg11 : memref<128xi32, #tpu.memory_space<vmem>>) target_semaphore(%run_scoped3A : memref<!tpu.dma_semaphore, #tpu.memory_space<semaphore_mem>>)
        %dma_wait3A_282 = tpu.memref_slice %arg4[%multiple_of3A] : memref<1601536xi32, #tpu.memory_space<hbm>> -> memref<128xi32, #tpu.memory_space<hbm>>
        %dma_wait3A_283 = tpu.memref_slice %arg4[%multiple_of3A] : memref<1601536xi32, #tpu.memory_space<hbm>> -> memref<128xi32, #tpu.memory_space<hbm>>
        tpu.wait_dma2 semaphore(%run_scoped3A : memref<!tpu.dma_semaphore, #tpu.memory_space<semaphore_mem>>) src(%dma_wait3A_283 : memref<128xi32, #tpu.memory_space<hbm>>) dst(%arg11 : memref<128xi32, #tpu.memory_space<vmem>>)
        tpu.yield
      }) : () -> ()
      "tpu.region"() ({
        %run_scoped3A = tpu.sem_alloc : memref<!tpu.dma_semaphore, #tpu.memory_space<semaphore_mem>>
        %dma_start3A_280 = tpu.memref_slice %arg5[%multiple_of3A] : memref<1601536xi32, #tpu.memory_space<hbm>> -> memref<128xi32, #tpu.memory_space<hbm>>
        %dma_start3A_281 = tpu.memref_slice %arg5[%multiple_of3A] : memref<1601536xi32, #tpu.memory_space<hbm>> -> memref<128xi32, #tpu.memory_space<hbm>>
        tpu.enqueue_dma source(%dma_start3A_281 : memref<128xi32, #tpu.memory_space<hbm>>) target(%arg12 : memref<128xi32, #tpu.memory_space<vmem>>) target_semaphore(%run_scoped3A : memref<!tpu.dma_semaphore, #tpu.memory_space<semaphore_mem>>)
        %dma_wait3A_282 = tpu.memref_slice %arg5[%multiple_of3A] : memref<1601536xi32, #tpu.memory_space<hbm>> -> memref<128xi32, #tpu.memory_space<hbm>>
        %dma_wait3A_283 = tpu.memref_slice %arg5[%multiple_of3A] : memref<1601536xi32, #tpu.memory_space<hbm>> -> memref<128xi32, #tpu.memory_space<hbm>>
        tpu.wait_dma2 semaphore(%run_scoped3A : memref<!tpu.dma_semaphore, #tpu.memory_space<semaphore_mem>>) src(%dma_wait3A_283 : memref<128xi32, #tpu.memory_space<hbm>>) dst(%arg12 : memref<128xi32, #tpu.memory_space<vmem>>)
        tpu.yield
      }) : () -> ()
      %mul3A_66 = arith.constant 4 : i32
      %mul3A_67 = arith.muli %multiple_of3A, %mul3A_66 : i32
      "tpu.region"() ({
        %run_scoped3A = tpu.sem_alloc : memref<!tpu.dma_semaphore, #tpu.memory_space<semaphore_mem>>
        %dma_start3A_280 = tpu.memref_slice %arg6[%mul3A_67] : memref<6406144xf32, #tpu.memory_space<hbm>> -> memref<512xf32, #tpu.memory_space<hbm>>
        %dma_start3A_281 = tpu.memref_slice %arg6[%mul3A_67] : memref<6406144xf32, #tpu.memory_space<hbm>> -> memref<512xf32, #tpu.memory_space<hbm>>
        tpu.enqueue_dma source(%dma_start3A_281 : memref<512xf32, #tpu.memory_space<hbm>>) target(%arg14 : memref<512xf32, #tpu.memory_space<vmem>>) target_semaphore(%run_scoped3A : memref<!tpu.dma_semaphore, #tpu.memory_space<semaphore_mem>>)
        %dma_wait3A_282 = tpu.memref_slice %arg6[%mul3A_67] : memref<6406144xf32, #tpu.memory_space<hbm>> -> memref<512xf32, #tpu.memory_space<hbm>>
        %dma_wait3A_283 = tpu.memref_slice %arg6[%mul3A_67] : memref<6406144xf32, #tpu.memory_space<hbm>> -> memref<512xf32, #tpu.memory_space<hbm>>
        tpu.wait_dma2 semaphore(%run_scoped3A : memref<!tpu.dma_semaphore, #tpu.memory_space<semaphore_mem>>) src(%dma_wait3A_283 : memref<512xf32, #tpu.memory_space<hbm>>) dst(%arg14 : memref<512xf32, #tpu.memory_space<vmem>>)
        tpu.yield
      }) : () -> ()
      %dma_start3A = arith.constant 0 : i32
      %dma_start3A_68 = arith.constant 0 : i32
      %dma_start3A_69 = tpu.memref_slice %arg2[%dma_start3A, %dma_start3A_68] : memref<100000x32xf32, #tpu.memory_space<hbm>> -> memref<100000x32xf32, #tpu.memory_space<hbm>>
      tpu.enqueue_indirect_dma source(%dma_start3A_69 : memref<100000x32xf32, #tpu.memory_space<hbm>>) target(%arg15 : memref<128x32xf32, #tpu.memory_space<vmem>>) offsets(%arg11 : memref<128xi32, #tpu.memory_space<vmem>>) semaphore(%arg21 : memref<!tpu.dma_semaphore, #tpu.memory_space<semaphore_mem>>)
      %dma_start3A_70 = arith.constant 0 : i32
      %dma_start3A_71 = arith.constant 0 : i32
      %dma_start3A_72 = tpu.memref_slice %arg3[%dma_start3A_70, %dma_start3A_71] : memref<100000x32xf32, #tpu.memory_space<hbm>> -> memref<100000x32xf32, #tpu.memory_space<hbm>>
      tpu.enqueue_indirect_dma source(%dma_start3A_72 : memref<100000x32xf32, #tpu.memory_space<hbm>>) target(%arg16 : memref<128x32xf32, #tpu.memory_space<vmem>>) offsets(%arg12 : memref<128xi32, #tpu.memory_space<vmem>>) semaphore(%arg22 : memref<!tpu.dma_semaphore, #tpu.memory_space<semaphore_mem>>)
      %dma_wait3A = arith.constant 0 : i32
      %dma_wait3A_73 = arith.constant 0 : i32
      %dma_wait3A_74 = tpu.memref_slice %arg2[%dma_wait3A, %dma_wait3A_73] : memref<100000x32xf32, #tpu.memory_space<hbm>> -> memref<100000x32xf32, #tpu.memory_space<hbm>>
      tpu.wait_indirect_dma semaphore(%arg21 : memref<!tpu.dma_semaphore, #tpu.memory_space<semaphore_mem>>) src(%dma_wait3A_74 : memref<100000x32xf32, #tpu.memory_space<hbm>>) dst(%arg15 : memref<128x32xf32, #tpu.memory_space<vmem>>)
      %dma_wait3A_75 = arith.constant 0 : i32
      %dma_wait3A_76 = arith.constant 0 : i32
      %dma_wait3A_77 = tpu.memref_slice %arg3[%dma_wait3A_75, %dma_wait3A_76] : memref<100000x32xf32, #tpu.memory_space<hbm>> -> memref<100000x32xf32, #tpu.memory_space<hbm>>
      tpu.wait_indirect_dma semaphore(%arg22 : memref<!tpu.dma_semaphore, #tpu.memory_space<semaphore_mem>>) src(%dma_wait3A_77 : memref<100000x32xf32, #tpu.memory_space<hbm>>) dst(%arg16 : memref<128x32xf32, #tpu.memory_space<vmem>>)
      %scan3A_78 = arith.constant 0 : i32
      %scan3A_79 = arith.constant 0 : i32
      %mul3A_80 = arith.constant 16 : i32
      %mul3A_81 = arith.muli %scan3A_79, %mul3A_80 : i32
      %get3A_82 = arith.index_cast %mul3A_81 : i32 to index
      %get3A_83 = tpu.vector_load %arg12[%get3A_82] {strides = array<i32>} : memref<128xi32, #tpu.memory_space<vmem>>, vector<16xi32>,
      %get3A_84 = vector.shape_cast %get3A_83 : vector<16xi32> to vector<16xi32>
      %sub3A = vector.broadcast %mul3A_0 : i32 to vector<16xi32>
      %sub3A_85 = arith.subi %get3A_84, %sub3A : vector<16xi32>
      %ge3A = arith.constant 0 : i32
      %ge3A_86 = vector.broadcast %ge3A : i32 to vector<16xi32>
      %ge3A_87 = arith.cmpi sge, %sub3A_85, %ge3A_86 : vector<16xi32>
      %lt3A = arith.constant 50048 : i32
      %lt3A_88 = vector.broadcast %lt3A : i32 to vector<16xi32>
      %lt3A_89 = arith.cmpi slt, %sub3A_85, %lt3A_88 : vector<16xi32>
      %and3A = arith.andi %ge3A_87, %lt3A_89 : vector<16xi1>
      %jit3A = arith.constant 50048 : i32
      %broadcast_in_dim3A = vector.broadcast %jit3A : i32 to vector<16xi32>
      %select_n3A = arith.select %and3A, %sub3A_85, %broadcast_in_dim3A : vector<16xi1>, vector<16xi32>
      %mul3A_90 = arith.constant 16 : i32
      %mul3A_91 = arith.muli %scan3A_79, %mul3A_90 : i32
      %swap3A = arith.index_cast %mul3A_91 : i32 to index
      %swap3A_92 = tpu.vector_load %arg13[%swap3A] {strides = array<i32>} : memref<128xi32, #tpu.memory_space<vmem>>, vector<16xi32>,
      %swap3A_93 = vector.shape_cast %swap3A_92 : vector<16xi32> to vector<16xi32>
      %swap3A_94 = vector.shape_cast %select_n3A : vector<16xi32> to vector<16xi32>
      tpu.vector_store %arg13[%swap3A], %swap3A_94 {strides = array<i32>} : memref<128xi32, #tpu.memory_space<vmem>>, vector<16xi32>,
      %scan3A_95 = arith.constant 0 : i32
      %scan3A_96 = arith.constant 1 : i32
      %mul3A_97 = arith.constant 16 : i32
      %mul3A_98 = arith.muli %scan3A_96, %mul3A_97 : i32
      %get3A_99 = arith.index_cast %mul3A_98 : i32 to index
      %get3A_100 = tpu.vector_load %arg12[%get3A_99] {strides = array<i32>} : memref<128xi32, #tpu.memory_space<vmem>>, vector<16xi32>,
      %get3A_101 = vector.shape_cast %get3A_100 : vector<16xi32> to vector<16xi32>
      %sub3A_102 = vector.broadcast %mul3A_0 : i32 to vector<16xi32>
      %sub3A_103 = arith.subi %get3A_101, %sub3A_102 : vector<16xi32>
      %ge3A_104 = arith.constant 0 : i32
      %ge3A_105 = vector.broadcast %ge3A_104 : i32 to vector<16xi32>
      %ge3A_106 = arith.cmpi sge, %sub3A_103, %ge3A_105 : vector<16xi32>
      %lt3A_107 = arith.constant 50048 : i32
      %lt3A_108 = vector.broadcast %lt3A_107 : i32 to vector<16xi32>
      %lt3A_109 = arith.cmpi slt, %sub3A_103, %lt3A_108 : vector<16xi32>
      %and3A_110 = arith.andi %ge3A_106, %lt3A_109 : vector<16xi1>
      %jit3A_111 = arith.constant 50048 : i32
      %broadcast_in_dim3A_112 = vector.broadcast %jit3A_111 : i32 to vector<16xi32>
      %select_n3A_113 = arith.select %and3A_110, %sub3A_103, %broadcast_in_dim3A_112 : vector<16xi1>, vector<16xi32>
      %mul3A_114 = arith.constant 16 : i32
      %mul3A_115 = arith.muli %scan3A_96, %mul3A_114 : i32
      %swap3A_116 = arith.index_cast %mul3A_115 : i32 to index
      %swap3A_117 = tpu.vector_load %arg13[%swap3A_116] {strides = array<i32>} : memref<128xi32, #tpu.memory_space<vmem>>, vector<16xi32>,
      %swap3A_118 = vector.shape_cast %swap3A_117 : vector<16xi32> to vector<16xi32>
      %swap3A_119 = vector.shape_cast %select_n3A_113 : vector<16xi32> to vector<16xi32>
      tpu.vector_store %arg13[%swap3A_116], %swap3A_119 {strides = array<i32>} : memref<128xi32, #tpu.memory_space<vmem>>, vector<16xi32>,
      %scan3A_120 = arith.constant 0 : i32
      %scan3A_121 = arith.constant 2 : i32
      %mul3A_122 = arith.constant 16 : i32
      %mul3A_123 = arith.muli %scan3A_121, %mul3A_122 : i32
      %get3A_124 = arith.index_cast %mul3A_123 : i32 to index
      %get3A_125 = tpu.vector_load %arg12[%get3A_124] {strides = array<i32>} : memref<128xi32, #tpu.memory_space<vmem>>, vector<16xi32>,
      %get3A_126 = vector.shape_cast %get3A_125 : vector<16xi32> to vector<16xi32>
      %sub3A_127 = vector.broadcast %mul3A_0 : i32 to vector<16xi32>
      %sub3A_128 = arith.subi %get3A_126, %sub3A_127 : vector<16xi32>
      %ge3A_129 = arith.constant 0 : i32
      %ge3A_130 = vector.broadcast %ge3A_129 : i32 to vector<16xi32>
      %ge3A_131 = arith.cmpi sge, %sub3A_128, %ge3A_130 : vector<16xi32>
      %lt3A_132 = arith.constant 50048 : i32
      %lt3A_133 = vector.broadcast %lt3A_132 : i32 to vector<16xi32>
      %lt3A_134 = arith.cmpi slt, %sub3A_128, %lt3A_133 : vector<16xi32>
      %and3A_135 = arith.andi %ge3A_131, %lt3A_134 : vector<16xi1>
      %jit3A_136 = arith.constant 50048 : i32
      %broadcast_in_dim3A_137 = vector.broadcast %jit3A_136 : i32 to vector<16xi32>
      %select_n3A_138 = arith.select %and3A_135, %sub3A_128, %broadcast_in_dim3A_137 : vector<16xi1>, vector<16xi32>
      %mul3A_139 = arith.constant 16 : i32
      %mul3A_140 = arith.muli %scan3A_121, %mul3A_139 : i32
      %swap3A_141 = arith.index_cast %mul3A_140 : i32 to index
      %swap3A_142 = tpu.vector_load %arg13[%swap3A_141] {strides = array<i32>} : memref<128xi32, #tpu.memory_space<vmem>>, vector<16xi32>,
      %swap3A_143 = vector.shape_cast %swap3A_142 : vector<16xi32> to vector<16xi32>
      %swap3A_144 = vector.shape_cast %select_n3A_138 : vector<16xi32> to vector<16xi32>
      tpu.vector_store %arg13[%swap3A_141], %swap3A_144 {strides = array<i32>} : memref<128xi32, #tpu.memory_space<vmem>>, vector<16xi32>,
      %scan3A_145 = arith.constant 0 : i32
      %scan3A_146 = arith.constant 3 : i32
      %mul3A_147 = arith.constant 16 : i32
      %mul3A_148 = arith.muli %scan3A_146, %mul3A_147 : i32
      %get3A_149 = arith.index_cast %mul3A_148 : i32 to index
      %get3A_150 = tpu.vector_load %arg12[%get3A_149] {strides = array<i32>} : memref<128xi32, #tpu.memory_space<vmem>>, vector<16xi32>,
      %get3A_151 = vector.shape_cast %get3A_150 : vector<16xi32> to vector<16xi32>
      %sub3A_152 = vector.broadcast %mul3A_0 : i32 to vector<16xi32>
      %sub3A_153 = arith.subi %get3A_151, %sub3A_152 : vector<16xi32>
      %ge3A_154 = arith.constant 0 : i32
      %ge3A_155 = vector.broadcast %ge3A_154 : i32 to vector<16xi32>
      %ge3A_156 = arith.cmpi sge, %sub3A_153, %ge3A_155 : vector<16xi32>
      %lt3A_157 = arith.constant 50048 : i32
      %lt3A_158 = vector.broadcast %lt3A_157 : i32 to vector<16xi32>
      %lt3A_159 = arith.cmpi slt, %sub3A_153, %lt3A_158 : vector<16xi32>
      %and3A_160 = arith.andi %ge3A_156, %lt3A_159 : vector<16xi1>
      %jit3A_161 = arith.constant 50048 : i32
      %broadcast_in_dim3A_162 = vector.broadcast %jit3A_161 : i32 to vector<16xi32>
      %select_n3A_163 = arith.select %and3A_160, %sub3A_153, %broadcast_in_dim3A_162 : vector<16xi1>, vector<16xi32>
      %mul3A_164 = arith.constant 16 : i32
      %mul3A_165 = arith.muli %scan3A_146, %mul3A_164 : i32
      %swap3A_166 = arith.index_cast %mul3A_165 : i32 to index
      %swap3A_167 = tpu.vector_load %arg13[%swap3A_166] {strides = array<i32>} : memref<128xi32, #tpu.memory_space<vmem>>, vector<16xi32>,
      %swap3A_168 = vector.shape_cast %swap3A_167 : vector<16xi32> to vector<16xi32>
      %swap3A_169 = vector.shape_cast %select_n3A_163 : vector<16xi32> to vector<16xi32>
      tpu.vector_store %arg13[%swap3A_166], %swap3A_169 {strides = array<i32>} : memref<128xi32, #tpu.memory_space<vmem>>, vector<16xi32>,
      %scan3A_170 = arith.constant 0 : i32
      %scan3A_171 = arith.constant 4 : i32
      %mul3A_172 = arith.constant 16 : i32
      %mul3A_173 = arith.muli %scan3A_171, %mul3A_172 : i32
      %get3A_174 = arith.index_cast %mul3A_173 : i32 to index
      %get3A_175 = tpu.vector_load %arg12[%get3A_174] {strides = array<i32>} : memref<128xi32, #tpu.memory_space<vmem>>, vector<16xi32>,
      %get3A_176 = vector.shape_cast %get3A_175 : vector<16xi32> to vector<16xi32>
      %sub3A_177 = vector.broadcast %mul3A_0 : i32 to vector<16xi32>
      %sub3A_178 = arith.subi %get3A_176, %sub3A_177 : vector<16xi32>
      %ge3A_179 = arith.constant 0 : i32
      %ge3A_180 = vector.broadcast %ge3A_179 : i32 to vector<16xi32>
      %ge3A_181 = arith.cmpi sge, %sub3A_178, %ge3A_180 : vector<16xi32>
      %lt3A_182 = arith.constant 50048 : i32
      %lt3A_183 = vector.broadcast %lt3A_182 : i32 to vector<16xi32>
      %lt3A_184 = arith.cmpi slt, %sub3A_178, %lt3A_183 : vector<16xi32>
      %and3A_185 = arith.andi %ge3A_181, %lt3A_184 : vector<16xi1>
      %jit3A_186 = arith.constant 50048 : i32
      %broadcast_in_dim3A_187 = vector.broadcast %jit3A_186 : i32 to vector<16xi32>
      %select_n3A_188 = arith.select %and3A_185, %sub3A_178, %broadcast_in_dim3A_187 : vector<16xi1>, vector<16xi32>
      %mul3A_189 = arith.constant 16 : i32
      %mul3A_190 = arith.muli %scan3A_171, %mul3A_189 : i32
      %swap3A_191 = arith.index_cast %mul3A_190 : i32 to index
      %swap3A_192 = tpu.vector_load %arg13[%swap3A_191] {strides = array<i32>} : memref<128xi32, #tpu.memory_space<vmem>>, vector<16xi32>,
      %swap3A_193 = vector.shape_cast %swap3A_192 : vector<16xi32> to vector<16xi32>
      %swap3A_194 = vector.shape_cast %select_n3A_188 : vector<16xi32> to vector<16xi32>
      tpu.vector_store %arg13[%swap3A_191], %swap3A_194 {strides = array<i32>} : memref<128xi32, #tpu.memory_space<vmem>>, vector<16xi32>,
      %scan3A_195 = arith.constant 0 : i32
      %scan3A_196 = arith.constant 5 : i32
      %mul3A_197 = arith.constant 16 : i32
      %mul3A_198 = arith.muli %scan3A_196, %mul3A_197 : i32
      %get3A_199 = arith.index_cast %mul3A_198 : i32 to index
      %get3A_200 = tpu.vector_load %arg12[%get3A_199] {strides = array<i32>} : memref<128xi32, #tpu.memory_space<vmem>>, vector<16xi32>,
      %get3A_201 = vector.shape_cast %get3A_200 : vector<16xi32> to vector<16xi32>
      %sub3A_202 = vector.broadcast %mul3A_0 : i32 to vector<16xi32>
      %sub3A_203 = arith.subi %get3A_201, %sub3A_202 : vector<16xi32>
      %ge3A_204 = arith.constant 0 : i32
      %ge3A_205 = vector.broadcast %ge3A_204 : i32 to vector<16xi32>
      %ge3A_206 = arith.cmpi sge, %sub3A_203, %ge3A_205 : vector<16xi32>
      %lt3A_207 = arith.constant 50048 : i32
      %lt3A_208 = vector.broadcast %lt3A_207 : i32 to vector<16xi32>
      %lt3A_209 = arith.cmpi slt, %sub3A_203, %lt3A_208 : vector<16xi32>
      %and3A_210 = arith.andi %ge3A_206, %lt3A_209 : vector<16xi1>
      %jit3A_211 = arith.constant 50048 : i32
      %broadcast_in_dim3A_212 = vector.broadcast %jit3A_211 : i32 to vector<16xi32>
      %select_n3A_213 = arith.select %and3A_210, %sub3A_203, %broadcast_in_dim3A_212 : vector<16xi1>, vector<16xi32>
      %mul3A_214 = arith.constant 16 : i32
      %mul3A_215 = arith.muli %scan3A_196, %mul3A_214 : i32
      %swap3A_216 = arith.index_cast %mul3A_215 : i32 to index
      %swap3A_217 = tpu.vector_load %arg13[%swap3A_216] {strides = array<i32>} : memref<128xi32, #tpu.memory_space<vmem>>, vector<16xi32>,
      %swap3A_218 = vector.shape_cast %swap3A_217 : vector<16xi32> to vector<16xi32>
      %swap3A_219 = vector.shape_cast %select_n3A_213 : vector<16xi32> to vector<16xi32>
      tpu.vector_store %arg13[%swap3A_216], %swap3A_219 {strides = array<i32>} : memref<128xi32, #tpu.memory_space<vmem>>, vector<16xi32>,
      %scan3A_220 = arith.constant 0 : i32
      %scan3A_221 = arith.constant 6 : i32
      %mul3A_222 = arith.constant 16 : i32
      %mul3A_223 = arith.muli %scan3A_221, %mul3A_222 : i32
      %get3A_224 = arith.index_cast %mul3A_223 : i32 to index
      %get3A_225 = tpu.vector_load %arg12[%get3A_224] {strides = array<i32>} : memref<128xi32, #tpu.memory_space<vmem>>, vector<16xi32>,
      %get3A_226 = vector.shape_cast %get3A_225 : vector<16xi32> to vector<16xi32>
      %sub3A_227 = vector.broadcast %mul3A_0 : i32 to vector<16xi32>
      %sub3A_228 = arith.subi %get3A_226, %sub3A_227 : vector<16xi32>
      %ge3A_229 = arith.constant 0 : i32
      %ge3A_230 = vector.broadcast %ge3A_229 : i32 to vector<16xi32>
      %ge3A_231 = arith.cmpi sge, %sub3A_228, %ge3A_230 : vector<16xi32>
      %lt3A_232 = arith.constant 50048 : i32
      %lt3A_233 = vector.broadcast %lt3A_232 : i32 to vector<16xi32>
      %lt3A_234 = arith.cmpi slt, %sub3A_228, %lt3A_233 : vector<16xi32>
      %and3A_235 = arith.andi %ge3A_231, %lt3A_234 : vector<16xi1>
      %jit3A_236 = arith.constant 50048 : i32
      %broadcast_in_dim3A_237 = vector.broadcast %jit3A_236 : i32 to vector<16xi32>
      %select_n3A_238 = arith.select %and3A_235, %sub3A_228, %broadcast_in_dim3A_237 : vector<16xi1>, vector<16xi32>
      %mul3A_239 = arith.constant 16 : i32
      %mul3A_240 = arith.muli %scan3A_221, %mul3A_239 : i32
      %swap3A_241 = arith.index_cast %mul3A_240 : i32 to index
      %swap3A_242 = tpu.vector_load %arg13[%swap3A_241] {strides = array<i32>} : memref<128xi32, #tpu.memory_space<vmem>>, vector<16xi32>,
      %swap3A_243 = vector.shape_cast %swap3A_242 : vector<16xi32> to vector<16xi32>
      %swap3A_244 = vector.shape_cast %select_n3A_238 : vector<16xi32> to vector<16xi32>
      tpu.vector_store %arg13[%swap3A_241], %swap3A_244 {strides = array<i32>} : memref<128xi32, #tpu.memory_space<vmem>>, vector<16xi32>,
      %scan3A_245 = arith.constant 0 : i32
      %scan3A_246 = arith.constant 7 : i32
      %mul3A_247 = arith.constant 16 : i32
      %mul3A_248 = arith.muli %scan3A_246, %mul3A_247 : i32
      %get3A_249 = arith.index_cast %mul3A_248 : i32 to index
      %get3A_250 = tpu.vector_load %arg12[%get3A_249] {strides = array<i32>} : memref<128xi32, #tpu.memory_space<vmem>>, vector<16xi32>,
      %get3A_251 = vector.shape_cast %get3A_250 : vector<16xi32> to vector<16xi32>
      %sub3A_252 = vector.broadcast %mul3A_0 : i32 to vector<16xi32>
      %sub3A_253 = arith.subi %get3A_251, %sub3A_252 : vector<16xi32>
      %ge3A_254 = arith.constant 0 : i32
      %ge3A_255 = vector.broadcast %ge3A_254 : i32 to vector<16xi32>
      %ge3A_256 = arith.cmpi sge, %sub3A_253, %ge3A_255 : vector<16xi32>
      %lt3A_257 = arith.constant 50048 : i32
      %lt3A_258 = vector.broadcast %lt3A_257 : i32 to vector<16xi32>
      %lt3A_259 = arith.cmpi slt, %sub3A_253, %lt3A_258 : vector<16xi32>
      %and3A_260 = arith.andi %ge3A_256, %lt3A_259 : vector<16xi1>
      %jit3A_261 = arith.constant 50048 : i32
      %broadcast_in_dim3A_262 = vector.broadcast %jit3A_261 : i32 to vector<16xi32>
      %select_n3A_263 = arith.select %and3A_260, %sub3A_253, %broadcast_in_dim3A_262 : vector<16xi1>, vector<16xi32>
      %mul3A_264 = arith.constant 16 : i32
      %mul3A_265 = arith.muli %scan3A_246, %mul3A_264 : i32
      %swap3A_266 = arith.index_cast %mul3A_265 : i32 to index
      %swap3A_267 = tpu.vector_load %arg13[%swap3A_266] {strides = array<i32>} : memref<128xi32, #tpu.memory_space<vmem>>, vector<16xi32>,
      %swap3A_268 = vector.shape_cast %swap3A_267 : vector<16xi32> to vector<16xi32>
      %swap3A_269 = vector.shape_cast %select_n3A_263 : vector<16xi32> to vector<16xi32>
      tpu.vector_store %arg13[%swap3A_266], %swap3A_269 {strides = array<i32>} : memref<128xi32, #tpu.memory_space<vmem>>, vector<16xi32>,
      %scan3A_270 = arith.constant 0 : i32
      %scan3A_271 = arith.constant 8 : i32
      %scan3A_272 = arith.constant 0 : i32
      %scan3A_273 = arith.constant 0 : i32
      %scan3A_274 = arith.constant 32 : i32
      %scan3A_275 = arith.addi %scan3A_273, %scan3A_274 : i32
      %scan3A_276 = arith.constant 1 : i32
      %scan3A_277 = scf.for %scan3A_280 = %scan3A_273 to %scan3A_275 step %scan3A_276 iter_args(%scan3A_281 = %scan3A_272) -> (i32)  : i32 {
        %mul3A_282 = arith.constant 16 : i32
        %mul3A_283 = arith.muli %scan3A_280, %mul3A_282 : i32
        %get3A_284 = arith.index_cast %mul3A_283 : i32 to index
        %get3A_285 = tpu.vector_load %arg14[%get3A_284] {strides = array<i32>} : memref<512xf32, #tpu.memory_space<vmem>>, vector<16xf32>,
        %get3A_286 = vector.shape_cast %get3A_285 : vector<16xf32> to vector<16xf32>
        %mul3A_287 = arith.constant 4 : i32
        %mul3A_288 = arith.muli %scan3A_280, %mul3A_287 : i32
        %add3A_289 = arith.constant 0 : i32
        %add3A_290 = arith.addi %mul3A_288, %add3A_289 : i32
        %slice3A = vector.extract_strided_slice %get3A_286 {offsets = [0], sizes = [1], strides = [1]} : vector<16xf32> to vector<1xf32>
        %squeeze3A = vector.extract %slice3A[0] : f32 from vector<1xf32>
        %slice3A_291 = vector.extract_strided_slice %get3A_286 {offsets = [1], sizes = [1], strides = [1]} : vector<16xf32> to vector<1xf32>
        %squeeze3A_292 = vector.extract %slice3A_291[0] : f32 from vector<1xf32>
        %slice3A_293 = vector.extract_strided_slice %get3A_286 {offsets = [2], sizes = [1], strides = [1]} : vector<16xf32> to vector<1xf32>
        %squeeze3A_294 = vector.extract %slice3A_293[0] : f32 from vector<1xf32>
        %slice3A_295 = vector.extract_strided_slice %get3A_286 {offsets = [3], sizes = [1], strides = [1]} : vector<16xf32> to vector<1xf32>
        %squeeze3A_296 = vector.extract %slice3A_295[0] : f32 from vector<1xf32>
        %get3A_297 = arith.index_cast %add3A_290 : i32 to index
        %get3A_298 = arith.constant 0 : index
        %get3A_299 = tpu.vector_load %arg15[%get3A_297, %get3A_298] {strides = array<i32>} : memref<128x32xf32, #tpu.memory_space<vmem>>, vector<1x16xf32>,
        %get3A_300 = vector.shape_cast %get3A_299 : vector<1x16xf32> to vector<16xf32>
        %get3A_301 = arith.index_cast %add3A_290 : i32 to index
        %get3A_302 = arith.constant 0 : index
        %get3A_303 = tpu.vector_load %arg16[%get3A_301, %get3A_302] {strides = array<i32>} : memref<128x32xf32, #tpu.memory_space<vmem>>, vector<1x16xf32>,
        %get3A_304 = vector.shape_cast %get3A_303 : vector<1x16xf32> to vector<16xf32>
        %add3A_305 = arith.addf %get3A_300, %get3A_304 : vector<16xf32>
        %add3A_306 = arith.addf %add3A_305, %get3A_44 : vector<16xf32>
        %mul3A_307 = vector.broadcast %squeeze3A : f32 to vector<16xf32>
        %mul3A_308 = arith.mulf %mul3A_307, %get3A_6 : vector<16xf32>
        %add3A_309 = arith.addf %add3A_306, %mul3A_308 : vector<16xf32>
        %mul3A_310 = vector.broadcast %squeeze3A_292 : f32 to vector<16xf32>
        %mul3A_311 = arith.mulf %mul3A_310, %get3A_11 : vector<16xf32>
        %add3A_312 = arith.addf %add3A_309, %mul3A_311 : vector<16xf32>
        %mul3A_313 = vector.broadcast %squeeze3A_294 : f32 to vector<16xf32>
        %mul3A_314 = arith.mulf %mul3A_313, %get3A_16 : vector<16xf32>
        %add3A_315 = arith.addf %add3A_312, %mul3A_314 : vector<16xf32>
        %mul3A_316 = vector.broadcast %squeeze3A_296 : f32 to vector<16xf32>
        %mul3A_317 = arith.mulf %mul3A_316, %get3A_21 : vector<16xf32>
        %add3A_318 = arith.addf %add3A_315, %mul3A_317 : vector<16xf32>
        %max3A = arith.constant 0.000000e+00 : f32
        %max3A_319 = vector.broadcast %max3A : f32 to vector<16xf32>
        %max3A_320 = arith.maximumf %add3A_318, %max3A_319 : vector<16xf32>
        %swap3A_321 = arith.index_cast %add3A_290 : i32 to index
        %swap3A_322 = arith.constant 0 : index
        %swap3A_323 = tpu.vector_load %arg17[%swap3A_321, %swap3A_322] {strides = array<i32>} : memref<128x32xf32, #tpu.memory_space<vmem>>, vector<1x16xf32>,
        %swap3A_324 = vector.shape_cast %swap3A_323 : vector<1x16xf32> to vector<16xf32>
        %swap3A_325 = vector.shape_cast %max3A_320 : vector<16xf32> to vector<1x16xf32>
        tpu.vector_store %arg17[%swap3A_321, %swap3A_322], %swap3A_325 {strides = array<i32>} : memref<128x32xf32, #tpu.memory_space<vmem>>, vector<1x16xf32>,
        %get3A_326 = arith.index_cast %add3A_290 : i32 to index
        %get3A_327 = arith.constant 16 : index
        %get3A_328 = tpu.vector_load %arg15[%get3A_326, %get3A_327] {strides = array<i32>} : memref<128x32xf32, #tpu.memory_space<vmem>>, vector<1x16xf32>,
        %get3A_329 = vector.shape_cast %get3A_328 : vector<1x16xf32> to vector<16xf32>
        %get3A_330 = arith.index_cast %add3A_290 : i32 to index
        %get3A_331 = arith.constant 16 : index
        %get3A_332 = tpu.vector_load %arg16[%get3A_330, %get3A_331] {strides = array<i32>} : memref<128x32xf32, #tpu.memory_space<vmem>>, vector<1x16xf32>,
        %get3A_333 = vector.shape_cast %get3A_332 : vector<1x16xf32> to vector<16xf32>
        %add3A_334 = arith.addf %get3A_329, %get3A_333 : vector<16xf32>
        %add3A_335 = arith.addf %add3A_334, %get3A_47 : vector<16xf32>
        %mul3A_336 = vector.broadcast %squeeze3A : f32 to vector<16xf32>
        %mul3A_337 = arith.mulf %mul3A_336, %get3A_26 : vector<16xf32>
        %add3A_338 = arith.addf %add3A_335, %mul3A_337 : vector<16xf32>
        %mul3A_339 = vector.broadcast %squeeze3A_292 : f32 to vector<16xf32>
        %mul3A_340 = arith.mulf %mul3A_339, %get3A_31 : vector<16xf32>
        %add3A_341 = arith.addf %add3A_338, %mul3A_340 : vector<16xf32>
        %mul3A_342 = vector.broadcast %squeeze3A_294 : f32 to vector<16xf32>
        %mul3A_343 = arith.mulf %mul3A_342, %get3A_36 : vector<16xf32>
        %add3A_344 = arith.addf %add3A_341, %mul3A_343 : vector<16xf32>
        %mul3A_345 = vector.broadcast %squeeze3A_296 : f32 to vector<16xf32>
        %mul3A_346 = arith.mulf %mul3A_345, %get3A_41 : vector<16xf32>
        %add3A_347 = arith.addf %add3A_344, %mul3A_346 : vector<16xf32>
        %max3A_348 = arith.constant 0.000000e+00 : f32
        %max3A_349 = vector.broadcast %max3A_348 : f32 to vector<16xf32>
        %max3A_350 = arith.maximumf %add3A_347, %max3A_349 : vector<16xf32>
        %swap3A_351 = arith.index_cast %add3A_290 : i32 to index
        %swap3A_352 = arith.constant 16 : index
        %swap3A_353 = tpu.vector_load %arg17[%swap3A_351, %swap3A_352] {strides = array<i32>} : memref<128x32xf32, #tpu.memory_space<vmem>>, vector<1x16xf32>,
        %swap3A_354 = vector.shape_cast %swap3A_353 : vector<1x16xf32> to vector<16xf32>
        %swap3A_355 = vector.shape_cast %max3A_350 : vector<16xf32> to vector<1x16xf32>
        tpu.vector_store %arg17[%swap3A_351, %swap3A_352], %swap3A_355 {strides = array<i32>} : memref<128x32xf32, #tpu.memory_space<vmem>>, vector<1x16xf32>,
        %mul3A_356 = arith.constant 4 : i32
        %mul3A_357 = arith.muli %scan3A_280, %mul3A_356 : i32
        %add3A_358 = arith.constant 1 : i32
        %add3A_359 = arith.addi %mul3A_357, %add3A_358 : i32
        %slice3A_360 = vector.extract_strided_slice %get3A_286 {offsets = [4], sizes = [1], strides = [1]} : vector<16xf32> to vector<1xf32>
        %squeeze3A_361 = vector.extract %slice3A_360[0] : f32 from vector<1xf32>
        %slice3A_362 = vector.extract_strided_slice %get3A_286 {offsets = [5], sizes = [1], strides = [1]} : vector<16xf32> to vector<1xf32>
        %squeeze3A_363 = vector.extract %slice3A_362[0] : f32 from vector<1xf32>
        %slice3A_364 = vector.extract_strided_slice %get3A_286 {offsets = [6], sizes = [1], strides = [1]} : vector<16xf32> to vector<1xf32>
        %squeeze3A_365 = vector.extract %slice3A_364[0] : f32 from vector<1xf32>
        %slice3A_366 = vector.extract_strided_slice %get3A_286 {offsets = [7], sizes = [1], strides = [1]} : vector<16xf32> to vector<1xf32>
        %squeeze3A_367 = vector.extract %slice3A_366[0] : f32 from vector<1xf32>
        %get3A_368 = arith.index_cast %add3A_359 : i32 to index
        %get3A_369 = arith.constant 0 : index
        %get3A_370 = tpu.vector_load %arg15[%get3A_368, %get3A_369] {strides = array<i32>} : memref<128x32xf32, #tpu.memory_space<vmem>>, vector<1x16xf32>,
        %get3A_371 = vector.shape_cast %get3A_370 : vector<1x16xf32> to vector<16xf32>
        %get3A_372 = arith.index_cast %add3A_359 : i32 to index
        %get3A_373 = arith.constant 0 : index
        %get3A_374 = tpu.vector_load %arg16[%get3A_372, %get3A_373] {strides = array<i32>} : memref<128x32xf32, #tpu.memory_space<vmem>>, vector<1x16xf32>,
        %get3A_375 = vector.shape_cast %get3A_374 : vector<1x16xf32> to vector<16xf32>
        %add3A_376 = arith.addf %get3A_371, %get3A_375 : vector<16xf32>
        %add3A_377 = arith.addf %add3A_376, %get3A_44 : vector<16xf32>
        %mul3A_378 = vector.broadcast %squeeze3A_361 : f32 to vector<16xf32>
        %mul3A_379 = arith.mulf %mul3A_378, %get3A_6 : vector<16xf32>
        %add3A_380 = arith.addf %add3A_377, %mul3A_379 : vector<16xf32>
        %mul3A_381 = vector.broadcast %squeeze3A_363 : f32 to vector<16xf32>
        %mul3A_382 = arith.mulf %mul3A_381, %get3A_11 : vector<16xf32>
        %add3A_383 = arith.addf %add3A_380, %mul3A_382 : vector<16xf32>
        %mul3A_384 = vector.broadcast %squeeze3A_365 : f32 to vector<16xf32>
        %mul3A_385 = arith.mulf %mul3A_384, %get3A_16 : vector<16xf32>
        %add3A_386 = arith.addf %add3A_383, %mul3A_385 : vector<16xf32>
        %mul3A_387 = vector.broadcast %squeeze3A_367 : f32 to vector<16xf32>
        %mul3A_388 = arith.mulf %mul3A_387, %get3A_21 : vector<16xf32>
        %add3A_389 = arith.addf %add3A_386, %mul3A_388 : vector<16xf32>
        %max3A_390 = arith.constant 0.000000e+00 : f32
        %max3A_391 = vector.broadcast %max3A_390 : f32 to vector<16xf32>
        %max3A_392 = arith.maximumf %add3A_389, %max3A_391 : vector<16xf32>
        %swap3A_393 = arith.index_cast %add3A_359 : i32 to index
        %swap3A_394 = arith.constant 0 : index
        %swap3A_395 = tpu.vector_load %arg17[%swap3A_393, %swap3A_394] {strides = array<i32>} : memref<128x32xf32, #tpu.memory_space<vmem>>, vector<1x16xf32>,
        %swap3A_396 = vector.shape_cast %swap3A_395 : vector<1x16xf32> to vector<16xf32>
        %swap3A_397 = vector.shape_cast %max3A_392 : vector<16xf32> to vector<1x16xf32>
        tpu.vector_store %arg17[%swap3A_393, %swap3A_394], %swap3A_397 {strides = array<i32>} : memref<128x32xf32, #tpu.memory_space<vmem>>, vector<1x16xf32>,
        %get3A_398 = arith.index_cast %add3A_359 : i32 to index
        %get3A_399 = arith.constant 16 : index
        %get3A_400 = tpu.vector_load %arg15[%get3A_398, %get3A_399] {strides = array<i32>} : memref<128x32xf32, #tpu.memory_space<vmem>>, vector<1x16xf32>,
        %get3A_401 = vector.shape_cast %get3A_400 : vector<1x16xf32> to vector<16xf32>
        %get3A_402 = arith.index_cast %add3A_359 : i32 to index
        %get3A_403 = arith.constant 16 : index
        %get3A_404 = tpu.vector_load %arg16[%get3A_402, %get3A_403] {strides = array<i32>} : memref<128x32xf32, #tpu.memory_space<vmem>>, vector<1x16xf32>,
        %get3A_405 = vector.shape_cast %get3A_404 : vector<1x16xf32> to vector<16xf32>
        %add3A_406 = arith.addf %get3A_401, %get3A_405 : vector<16xf32>
        %add3A_407 = arith.addf %add3A_406, %get3A_47 : vector<16xf32>
        %mul3A_408 = vector.broadcast %squeeze3A_361 : f32 to vector<16xf32>
        %mul3A_409 = arith.mulf %mul3A_408, %get3A_26 : vector<16xf32>
        %add3A_410 = arith.addf %add3A_407, %mul3A_409 : vector<16xf32>
        %mul3A_411 = vector.broadcast %squeeze3A_363 : f32 to vector<16xf32>
        %mul3A_412 = arith.mulf %mul3A_411, %get3A_31 : vector<16xf32>
        %add3A_413 = arith.addf %add3A_410, %mul3A_412 : vector<16xf32>
        %mul3A_414 = vector.broadcast %squeeze3A_365 : f32 to vector<16xf32>
        %mul3A_415 = arith.mulf %mul3A_414, %get3A_36 : vector<16xf32>
        %add3A_416 = arith.addf %add3A_413, %mul3A_415 : vector<16xf32>
        %mul3A_417 = vector.broadcast %squeeze3A_367 : f32 to vector<16xf32>
        %mul3A_418 = arith.mulf %mul3A_417, %get3A_41 : vector<16xf32>
        %add3A_419 = arith.addf %add3A_416, %mul3A_418 : vector<16xf32>
        %max3A_420 = arith.constant 0.000000e+00 : f32
        %max3A_421 = vector.broadcast %max3A_420 : f32 to vector<16xf32>
        %max3A_422 = arith.maximumf %add3A_419, %max3A_421 : vector<16xf32>
        %swap3A_423 = arith.index_cast %add3A_359 : i32 to index
        %swap3A_424 = arith.constant 16 : index
        %swap3A_425 = tpu.vector_load %arg17[%swap3A_423, %swap3A_424] {strides = array<i32>} : memref<128x32xf32, #tpu.memory_space<vmem>>, vector<1x16xf32>,
        %swap3A_426 = vector.shape_cast %swap3A_425 : vector<1x16xf32> to vector<16xf32>
        %swap3A_427 = vector.shape_cast %max3A_422 : vector<16xf32> to vector<1x16xf32>
        tpu.vector_store %arg17[%swap3A_423, %swap3A_424], %swap3A_427 {strides = array<i32>} : memref<128x32xf32, #tpu.memory_space<vmem>>, vector<1x16xf32>,
        %mul3A_428 = arith.constant 4 : i32
        %mul3A_429 = arith.muli %scan3A_280, %mul3A_428 : i32
        %add3A_430 = arith.constant 2 : i32
        %add3A_431 = arith.addi %mul3A_429, %add3A_430 : i32
        %slice3A_432 = vector.extract_strided_slice %get3A_286 {offsets = [8], sizes = [1], strides = [1]} : vector<16xf32> to vector<1xf32>
        %squeeze3A_433 = vector.extract %slice3A_432[0] : f32 from vector<1xf32>
        %slice3A_434 = vector.extract_strided_slice %get3A_286 {offsets = [9], sizes = [1], strides = [1]} : vector<16xf32> to vector<1xf32>
        %squeeze3A_435 = vector.extract %slice3A_434[0] : f32 from vector<1xf32>
        %slice3A_436 = vector.extract_strided_slice %get3A_286 {offsets = [10], sizes = [1], strides = [1]} : vector<16xf32> to vector<1xf32>
        %squeeze3A_437 = vector.extract %slice3A_436[0] : f32 from vector<1xf32>
        %slice3A_438 = vector.extract_strided_slice %get3A_286 {offsets = [11], sizes = [1], strides = [1]} : vector<16xf32> to vector<1xf32>
        %squeeze3A_439 = vector.extract %slice3A_438[0] : f32 from vector<1xf32>
        %get3A_440 = arith.index_cast %add3A_431 : i32 to index
        %get3A_441 = arith.constant 0 : index
        %get3A_442 = tpu.vector_load %arg15[%get3A_440, %get3A_441] {strides = array<i32>} : memref<128x32xf32, #tpu.memory_space<vmem>>, vector<1x16xf32>,
        %get3A_443 = vector.shape_cast %get3A_442 : vector<1x16xf32> to vector<16xf32>
        %get3A_444 = arith.index_cast %add3A_431 : i32 to index
        %get3A_445 = arith.constant 0 : index
        %get3A_446 = tpu.vector_load %arg16[%get3A_444, %get3A_445] {strides = array<i32>} : memref<128x32xf32, #tpu.memory_space<vmem>>, vector<1x16xf32>,
        %get3A_447 = vector.shape_cast %get3A_446 : vector<1x16xf32> to vector<16xf32>
        %add3A_448 = arith.addf %get3A_443, %get3A_447 : vector<16xf32>
        %add3A_449 = arith.addf %add3A_448, %get3A_44 : vector<16xf32>
        %mul3A_450 = vector.broadcast %squeeze3A_433 : f32 to vector<16xf32>
        %mul3A_451 = arith.mulf %mul3A_450, %get3A_6 : vector<16xf32>
        %add3A_452 = arith.addf %add3A_449, %mul3A_451 : vector<16xf32>
        %mul3A_453 = vector.broadcast %squeeze3A_435 : f32 to vector<16xf32>
        %mul3A_454 = arith.mulf %mul3A_453, %get3A_11 : vector<16xf32>
        %add3A_455 = arith.addf %add3A_452, %mul3A_454 : vector<16xf32>
        %mul3A_456 = vector.broadcast %squeeze3A_437 : f32 to vector<16xf32>
        %mul3A_457 = arith.mulf %mul3A_456, %get3A_16 : vector<16xf32>
        %add3A_458 = arith.addf %add3A_455, %mul3A_457 : vector<16xf32>
        %mul3A_459 = vector.broadcast %squeeze3A_439 : f32 to vector<16xf32>
        %mul3A_460 = arith.mulf %mul3A_459, %get3A_21 : vector<16xf32>
        %add3A_461 = arith.addf %add3A_458, %mul3A_460 : vector<16xf32>
        %max3A_462 = arith.constant 0.000000e+00 : f32
        %max3A_463 = vector.broadcast %max3A_462 : f32 to vector<16xf32>
        %max3A_464 = arith.maximumf %add3A_461, %max3A_463 : vector<16xf32>
        %swap3A_465 = arith.index_cast %add3A_431 : i32 to index
        %swap3A_466 = arith.constant 0 : index
        %swap3A_467 = tpu.vector_load %arg17[%swap3A_465, %swap3A_466] {strides = array<i32>} : memref<128x32xf32, #tpu.memory_space<vmem>>, vector<1x16xf32>,
        %swap3A_468 = vector.shape_cast %swap3A_467 : vector<1x16xf32> to vector<16xf32>
        %swap3A_469 = vector.shape_cast %max3A_464 : vector<16xf32> to vector<1x16xf32>
        tpu.vector_store %arg17[%swap3A_465, %swap3A_466], %swap3A_469 {strides = array<i32>} : memref<128x32xf32, #tpu.memory_space<vmem>>, vector<1x16xf32>,
        %get3A_470 = arith.index_cast %add3A_431 : i32 to index
        %get3A_471 = arith.constant 16 : index
        %get3A_472 = tpu.vector_load %arg15[%get3A_470, %get3A_471] {strides = array<i32>} : memref<128x32xf32, #tpu.memory_space<vmem>>, vector<1x16xf32>,
        %get3A_473 = vector.shape_cast %get3A_472 : vector<1x16xf32> to vector<16xf32>
        %get3A_474 = arith.index_cast %add3A_431 : i32 to index
        %get3A_475 = arith.constant 16 : index
        %get3A_476 = tpu.vector_load %arg16[%get3A_474, %get3A_475] {strides = array<i32>} : memref<128x32xf32, #tpu.memory_space<vmem>>, vector<1x16xf32>,
        %get3A_477 = vector.shape_cast %get3A_476 : vector<1x16xf32> to vector<16xf32>
        %add3A_478 = arith.addf %get3A_473, %get3A_477 : vector<16xf32>
        %add3A_479 = arith.addf %add3A_478, %get3A_47 : vector<16xf32>
        %mul3A_480 = vector.broadcast %squeeze3A_433 : f32 to vector<16xf32>
        %mul3A_481 = arith.mulf %mul3A_480, %get3A_26 : vector<16xf32>
        %add3A_482 = arith.addf %add3A_479, %mul3A_481 : vector<16xf32>
        %mul3A_483 = vector.broadcast %squeeze3A_435 : f32 to vector<16xf32>
        %mul3A_484 = arith.mulf %mul3A_483, %get3A_31 : vector<16xf32>
        %add3A_485 = arith.addf %add3A_482, %mul3A_484 : vector<16xf32>
        %mul3A_486 = vector.broadcast %squeeze3A_437 : f32 to vector<16xf32>
        %mul3A_487 = arith.mulf %mul3A_486, %get3A_36 : vector<16xf32>
        %add3A_488 = arith.addf %add3A_485, %mul3A_487 : vector<16xf32>
        %mul3A_489 = vector.broadcast %squeeze3A_439 : f32 to vector<16xf32>
        %mul3A_490 = arith.mulf %mul3A_489, %get3A_41 : vector<16xf32>
        %add3A_491 = arith.addf %add3A_488, %mul3A_490 : vector<16xf32>
        %max3A_492 = arith.constant 0.000000e+00 : f32
        %max3A_493 = vector.broadcast %max3A_492 : f32 to vector<16xf32>
        %max3A_494 = arith.maximumf %add3A_491, %max3A_493 : vector<16xf32>
        %swap3A_495 = arith.index_cast %add3A_431 : i32 to index
        %swap3A_496 = arith.constant 16 : index
        %swap3A_497 = tpu.vector_load %arg17[%swap3A_495, %swap3A_496] {strides = array<i32>} : memref<128x32xf32, #tpu.memory_space<vmem>>, vector<1x16xf32>,
        %swap3A_498 = vector.shape_cast %swap3A_497 : vector<1x16xf32> to vector<16xf32>
        %swap3A_499 = vector.shape_cast %max3A_494 : vector<16xf32> to vector<1x16xf32>
        tpu.vector_store %arg17[%swap3A_495, %swap3A_496], %swap3A_499 {strides = array<i32>} : memref<128x32xf32, #tpu.memory_space<vmem>>, vector<1x16xf32>,
        %mul3A_500 = arith.constant 4 : i32
        %mul3A_501 = arith.muli %scan3A_280, %mul3A_500 : i32
        %add3A_502 = arith.constant 3 : i32
        %add3A_503 = arith.addi %mul3A_501, %add3A_502 : i32
        %slice3A_504 = vector.extract_strided_slice %get3A_286 {offsets = [12], sizes = [1], strides = [1]} : vector<16xf32> to vector<1xf32>
        %squeeze3A_505 = vector.extract %slice3A_504[0] : f32 from vector<1xf32>
        %slice3A_506 = vector.extract_strided_slice %get3A_286 {offsets = [13], sizes = [1], strides = [1]} : vector<16xf32> to vector<1xf32>
        %squeeze3A_507 = vector.extract %slice3A_506[0] : f32 from vector<1xf32>
        %slice3A_508 = vector.extract_strided_slice %get3A_286 {offsets = [14], sizes = [1], strides = [1]} : vector<16xf32> to vector<1xf32>
        %squeeze3A_509 = vector.extract %slice3A_508[0] : f32 from vector<1xf32>
        %slice3A_510 = vector.extract_strided_slice %get3A_286 {offsets = [15], sizes = [1], strides = [1]} : vector<16xf32> to vector<1xf32>
        %squeeze3A_511 = vector.extract %slice3A_510[0] : f32 from vector<1xf32>
        %get3A_512 = arith.index_cast %add3A_503 : i32 to index
        %get3A_513 = arith.constant 0 : index
        %get3A_514 = tpu.vector_load %arg15[%get3A_512, %get3A_513] {strides = array<i32>} : memref<128x32xf32, #tpu.memory_space<vmem>>, vector<1x16xf32>,
        %get3A_515 = vector.shape_cast %get3A_514 : vector<1x16xf32> to vector<16xf32>
        %get3A_516 = arith.index_cast %add3A_503 : i32 to index
        %get3A_517 = arith.constant 0 : index
        %get3A_518 = tpu.vector_load %arg16[%get3A_516, %get3A_517] {strides = array<i32>} : memref<128x32xf32, #tpu.memory_space<vmem>>, vector<1x16xf32>,
        %get3A_519 = vector.shape_cast %get3A_518 : vector<1x16xf32> to vector<16xf32>
        %add3A_520 = arith.addf %get3A_515, %get3A_519 : vector<16xf32>
        %add3A_521 = arith.addf %add3A_520, %get3A_44 : vector<16xf32>
        %mul3A_522 = vector.broadcast %squeeze3A_505 : f32 to vector<16xf32>
        %mul3A_523 = arith.mulf %mul3A_522, %get3A_6 : vector<16xf32>
        %add3A_524 = arith.addf %add3A_521, %mul3A_523 : vector<16xf32>
        %mul3A_525 = vector.broadcast %squeeze3A_507 : f32 to vector<16xf32>
        %mul3A_526 = arith.mulf %mul3A_525, %get3A_11 : vector<16xf32>
        %add3A_527 = arith.addf %add3A_524, %mul3A_526 : vector<16xf32>
        %mul3A_528 = vector.broadcast %squeeze3A_509 : f32 to vector<16xf32>
        %mul3A_529 = arith.mulf %mul3A_528, %get3A_16 : vector<16xf32>
        %add3A_530 = arith.addf %add3A_527, %mul3A_529 : vector<16xf32>
        %mul3A_531 = vector.broadcast %squeeze3A_511 : f32 to vector<16xf32>
        %mul3A_532 = arith.mulf %mul3A_531, %get3A_21 : vector<16xf32>
        %add3A_533 = arith.addf %add3A_530, %mul3A_532 : vector<16xf32>
        %max3A_534 = arith.constant 0.000000e+00 : f32
        %max3A_535 = vector.broadcast %max3A_534 : f32 to vector<16xf32>
        %max3A_536 = arith.maximumf %add3A_533, %max3A_535 : vector<16xf32>
        %swap3A_537 = arith.index_cast %add3A_503 : i32 to index
        %swap3A_538 = arith.constant 0 : index
        %swap3A_539 = tpu.vector_load %arg17[%swap3A_537, %swap3A_538] {strides = array<i32>} : memref<128x32xf32, #tpu.memory_space<vmem>>, vector<1x16xf32>,
        %swap3A_540 = vector.shape_cast %swap3A_539 : vector<1x16xf32> to vector<16xf32>
        %swap3A_541 = vector.shape_cast %max3A_536 : vector<16xf32> to vector<1x16xf32>
        tpu.vector_store %arg17[%swap3A_537, %swap3A_538], %swap3A_541 {strides = array<i32>} : memref<128x32xf32, #tpu.memory_space<vmem>>, vector<1x16xf32>,
        %get3A_542 = arith.index_cast %add3A_503 : i32 to index
        %get3A_543 = arith.constant 16 : index
        %get3A_544 = tpu.vector_load %arg15[%get3A_542, %get3A_543] {strides = array<i32>} : memref<128x32xf32, #tpu.memory_space<vmem>>, vector<1x16xf32>,
        %get3A_545 = vector.shape_cast %get3A_544 : vector<1x16xf32> to vector<16xf32>
        %get3A_546 = arith.index_cast %add3A_503 : i32 to index
        %get3A_547 = arith.constant 16 : index
        %get3A_548 = tpu.vector_load %arg16[%get3A_546, %get3A_547] {strides = array<i32>} : memref<128x32xf32, #tpu.memory_space<vmem>>, vector<1x16xf32>,
        %get3A_549 = vector.shape_cast %get3A_548 : vector<1x16xf32> to vector<16xf32>
        %add3A_550 = arith.addf %get3A_545, %get3A_549 : vector<16xf32>
        %add3A_551 = arith.addf %add3A_550, %get3A_47 : vector<16xf32>
        %mul3A_552 = vector.broadcast %squeeze3A_505 : f32 to vector<16xf32>
        %mul3A_553 = arith.mulf %mul3A_552, %get3A_26 : vector<16xf32>
        %add3A_554 = arith.addf %add3A_551, %mul3A_553 : vector<16xf32>
        %mul3A_555 = vector.broadcast %squeeze3A_507 : f32 to vector<16xf32>
        %mul3A_556 = arith.mulf %mul3A_555, %get3A_31 : vector<16xf32>
        %add3A_557 = arith.addf %add3A_554, %mul3A_556 : vector<16xf32>
        %mul3A_558 = vector.broadcast %squeeze3A_509 : f32 to vector<16xf32>
        %mul3A_559 = arith.mulf %mul3A_558, %get3A_36 : vector<16xf32>
        %add3A_560 = arith.addf %add3A_557, %mul3A_559 : vector<16xf32>
        %mul3A_561 = vector.broadcast %squeeze3A_511 : f32 to vector<16xf32>
        %mul3A_562 = arith.mulf %mul3A_561, %get3A_41 : vector<16xf32>
        %add3A_563 = arith.addf %add3A_560, %mul3A_562 : vector<16xf32>
        %max3A_564 = arith.constant 0.000000e+00 : f32
        %max3A_565 = vector.broadcast %max3A_564 : f32 to vector<16xf32>
        %max3A_566 = arith.maximumf %add3A_563, %max3A_565 : vector<16xf32>
        %swap3A_567 = arith.index_cast %add3A_503 : i32 to index
        %swap3A_568 = arith.constant 16 : index
        %swap3A_569 = tpu.vector_load %arg17[%swap3A_567, %swap3A_568] {strides = array<i32>} : memref<128x32xf32, #tpu.memory_space<vmem>>, vector<1x16xf32>,
        %swap3A_570 = vector.shape_cast %swap3A_569 : vector<1x16xf32> to vector<16xf32>
        %swap3A_571 = vector.shape_cast %max3A_566 : vector<16xf32> to vector<1x16xf32>
        tpu.vector_store %arg17[%swap3A_567, %swap3A_568], %swap3A_571 {strides = array<i32>} : memref<128x32xf32, #tpu.memory_space<vmem>>, vector<1x16xf32>,
        %scan3A_572 = arith.constant 0 : i32
        scf.yield %scan3A_572 : i32
      }
      %scan3A_278 = arith.constant 32 : i32
      "tpu.region"() ({
        %run_scoped3A = tpu.sem_alloc : memref<!tpu.dma_semaphore, #tpu.memory_space<semaphore_mem>>
        %dma_start3A_280 = arith.constant 0 : i32
        %dma_start3A_281 = arith.constant 0 : i32
        %dma_start3A_282 = tpu.memref_slice %arg20[%dma_start3A_280, %dma_start3A_281] : memref<50056x32xf32, #tpu.memory_space<vmem_shared>> -> memref<50056x32xf32, #tpu.memory_space<vmem_shared>>
        tpu.enqueue_indirect_dma source(%arg17 : memref<128x32xf32, #tpu.memory_space<vmem>>) target(%dma_start3A_282 : memref<50056x32xf32, #tpu.memory_space<vmem_shared>>) offsets(%arg13 : memref<128xi32, #tpu.memory_space<vmem>>) semaphore(%run_scoped3A : memref<!tpu.dma_semaphore, #tpu.memory_space<semaphore_mem>>) {add = true}
        %dma_wait3A_283 = arith.constant 0 : i32
        %dma_wait3A_284 = arith.constant 0 : i32
        %dma_wait3A_285 = tpu.memref_slice %arg20[%dma_wait3A_283, %dma_wait3A_284] : memref<50056x32xf32, #tpu.memory_space<vmem_shared>> -> memref<50056x32xf32, #tpu.memory_space<vmem_shared>>
        tpu.wait_indirect_dma semaphore(%run_scoped3A : memref<!tpu.dma_semaphore, #tpu.memory_space<semaphore_mem>>) src(%arg17 : memref<128x32xf32, #tpu.memory_space<vmem>>) dst(%dma_wait3A_285 : memref<50056x32xf32, #tpu.memory_space<vmem_shared>>)
        tpu.yield
      }) : () -> ()
      %scan3A_279 = arith.constant 0 : i32
      scf.yield %scan3A_279 : i32
    }
    %scan3A_53 = arith.constant 782 : i32
    %barrier3A_54 = arith.constant 0 : index
    tpu.barrier barrier_id(%barrier3A_54)
    %mul3A_55 = arith.constant 3128 : i32
    %mul3A_56 = arith.muli %arg1, %mul3A_55 : i32
    %mul3A_57 = arith.constant 3128 : i32
    %mul3A_58 = arith.muli %arg1, %mul3A_57 : i32
    %add3A = arith.addi %mul3A_0, %mul3A_58 : i32
    "tpu.region"() ({
      %run_scoped3A = tpu.sem_alloc : memref<!tpu.dma_semaphore, #tpu.memory_space<semaphore_mem>>
      %dma_start3A = arith.constant 0 : i32
      %dma_start3A_59 = tpu.memref_slice %arg10[%add3A, %dma_start3A] : memref<100096x32xf32, #tpu.memory_space<hbm>> -> memref<3128x32xf32, #tpu.memory_space<hbm>>
      %dma_start3A_60 = arith.constant 0 : i32
      %dma_start3A_61 = tpu.memref_slice %arg20[%mul3A_56, %dma_start3A_60] : memref<50056x32xf32, #tpu.memory_space<vmem_shared>> -> memref<3128x32xf32, #tpu.memory_space<vmem_shared>>
      tpu.enqueue_dma source(%dma_start3A_61 : memref<3128x32xf32, #tpu.memory_space<vmem_shared>>) target(%dma_start3A_59 : memref<3128x32xf32, #tpu.memory_space<hbm>>) target_semaphore(%run_scoped3A : memref<!tpu.dma_semaphore, #tpu.memory_space<semaphore_mem>>)
      %dma_wait3A = arith.constant 0 : i32
      %dma_wait3A_62 = tpu.memref_slice %arg10[%add3A, %dma_wait3A] : memref<100096x32xf32, #tpu.memory_space<hbm>> -> memref<3128x32xf32, #tpu.memory_space<hbm>>
      %dma_wait3A_63 = arith.constant 0 : i32
      %dma_wait3A_64 = tpu.memref_slice %arg20[%mul3A_56, %dma_wait3A_63] : memref<50056x32xf32, #tpu.memory_space<vmem_shared>> -> memref<3128x32xf32, #tpu.memory_space<vmem_shared>>
      tpu.wait_dma2 semaphore(%run_scoped3A : memref<!tpu.dma_semaphore, #tpu.memory_space<semaphore_mem>>) src(%dma_wait3A_64 : memref<3128x32xf32, #tpu.memory_space<vmem_shared>>) dst(%dma_wait3A_62 : memref<3128x32xf32, #tpu.memory_space<hbm>>)
      tpu.yield
    }) : () -> ()
    return
  }
}

#map = affine_map<(d0, d1) -> (0, 0)>
#map1 = affine_map<(d0, d1) -> (0)>
module attributes {stable_mosaic.version = 14 : i64} {
  func.func @_edge_body(%arg0: i32, %arg1: i32, %arg2: memref<100000x32xf32, #tpu.memory_space<hbm>>, %arg3: memref<100000x32xf32, #tpu.memory_space<hbm>>, %arg4: memref<1601536xi32, #tpu.memory_space<hbm>>, %arg5: memref<1601536xi32, #tpu.memory_space<hbm>>, %arg6: memref<6406144xf32, #tpu.memory_space<hbm>>, %arg7: memref<4x32xf32, #tpu.memory_space<hbm>>, %arg8: memref<32xf32, #tpu.memory_space<hbm>>, %arg9: memref<3128x32xf32, #tpu.memory_space<hbm>>, %arg10: memref<100096x32xf32, #tpu.memory_space<hbm>>, %arg11: memref<128xi32, #tpu.memory_space<vmem>>, %arg12: memref<128xi32, #tpu.memory_space<vmem>>, %arg13: memref<128xi32, #tpu.memory_space<vmem>>, %arg14: memref<512xf32, #tpu.memory_space<vmem>>, %arg15: memref<128x32xf32, #tpu.memory_space<vmem>>, %arg16: memref<128x32xf32, #tpu.memory_space<vmem>>, %arg17: memref<128x32xf32, #tpu.memory_space<vmem>>, %arg18: memref<4x32xf32, #tpu.memory_space<vmem>>, %arg19: memref<32xf32, #tpu.memory_space<vmem>>, %arg20: memref<50056x32xf32, #tpu.memory_space<vmem_shared>>, %arg21: memref<!tpu.dma_semaphore, #tpu.memory_space<semaphore_mem>>, %arg22: memref<!tpu.dma_semaphore, #tpu.memory_space<semaphore_mem>>) attributes {dimension_semantics = [#tpu.dimension_semantics<core_parallel>, #tpu.dimension_semantics<subcore_parallel>], iteration_bounds = array<i64: 2, 16>, scalar_prefetch = 0 : i64, scratch_operands = 12 : i64, tpu.core_type = #tpu.core_type<sc_vector_subcore>, window_params = [{transform_indices = #map}, {transform_indices = #map}, {transform_indices = #map1}, {transform_indices = #map1}, {transform_indices = #map1}, {transform_indices = #map}, {transform_indices = #map1}, {transform_indices = #map}, {transform_indices = #map}]} {
    %mul3A = arith.constant 50048 : i32
    %mul3A_0 = arith.muli %arg0, %mul3A : i32
    "tpu.region"() ({
      %run_scoped3A = tpu.sem_alloc : memref<!tpu.dma_semaphore, #tpu.memory_space<semaphore_mem>>
      tpu.enqueue_dma source(%arg7 : memref<4x32xf32, #tpu.memory_space<hbm>>) target(%arg18 : memref<4x32xf32, #tpu.memory_space<vmem>>) target_semaphore(%run_scoped3A : memref<!tpu.dma_semaphore, #tpu.memory_space<semaphore_mem>>)
      tpu.wait_dma2 semaphore(%run_scoped3A : memref<!tpu.dma_semaphore, #tpu.memory_space<semaphore_mem>>) src(%arg7 : memref<4x32xf32, #tpu.memory_space<hbm>>) dst(%arg18 : memref<4x32xf32, #tpu.memory_space<vmem>>)
      tpu.yield
    }) : () -> ()
    "tpu.region"() ({
      %run_scoped3A = tpu.sem_alloc : memref<!tpu.dma_semaphore, #tpu.memory_space<semaphore_mem>>
      tpu.enqueue_dma source(%arg8 : memref<32xf32, #tpu.memory_space<hbm>>) target(%arg19 : memref<32xf32, #tpu.memory_space<vmem>>) target_semaphore(%run_scoped3A : memref<!tpu.dma_semaphore, #tpu.memory_space<semaphore_mem>>)
      tpu.wait_dma2 semaphore(%run_scoped3A : memref<!tpu.dma_semaphore, #tpu.memory_space<semaphore_mem>>) src(%arg8 : memref<32xf32, #tpu.memory_space<hbm>>) dst(%arg19 : memref<32xf32, #tpu.memory_space<vmem>>)
      tpu.yield
    }) : () -> ()
    %mul3A_1 = arith.constant 3128 : i32
    %mul3A_2 = arith.muli %arg1, %mul3A_1 : i32
    "tpu.region"() ({
      %run_scoped3A = tpu.sem_alloc : memref<!tpu.dma_semaphore, #tpu.memory_space<semaphore_mem>>
      %dma_start3A = arith.constant 0 : i32
      %dma_start3A_59 = tpu.memref_slice %arg20[%mul3A_2, %dma_start3A] : memref<50056x32xf32, #tpu.memory_space<vmem_shared>> -> memref<3128x32xf32, #tpu.memory_space<vmem_shared>>
      tpu.enqueue_dma source(%arg9 : memref<3128x32xf32, #tpu.memory_space<hbm>>) target(%dma_start3A_59 : memref<3128x32xf32, #tpu.memory_space<vmem_shared>>) target_semaphore(%run_scoped3A : memref<!tpu.dma_semaphore, #tpu.memory_space<semaphore_mem>>)
      %dma_wait3A = arith.constant 0 : i32
      %dma_wait3A_60 = tpu.memref_slice %arg20[%mul3A_2, %dma_wait3A] : memref<50056x32xf32, #tpu.memory_space<vmem_shared>> -> memref<3128x32xf32, #tpu.memory_space<vmem_shared>>
      tpu.wait_dma2 semaphore(%run_scoped3A : memref<!tpu.dma_semaphore, #tpu.memory_space<semaphore_mem>>) src(%arg9 : memref<3128x32xf32, #tpu.memory_space<hbm>>) dst(%dma_wait3A_60 : memref<3128x32xf32, #tpu.memory_space<vmem_shared>>)
      tpu.yield
    }) : () -> ()
    %barrier3A = arith.constant 0 : index
    tpu.barrier barrier_id(%barrier3A)
    %get3A = arith.constant 0 : i32
    %get3A_3 = arith.index_cast %get3A : i32 to index
    %get3A_4 = arith.constant 0 : index
    %get3A_5 = tpu.vector_load %arg18[%get3A_3, %get3A_4] {strides = array<i32>} : memref<4x32xf32, #tpu.memory_space<vmem>>, vector<1x16xf32>,
    %get3A_6 = vector.shape_cast %get3A_5 : vector<1x16xf32> to vector<16xf32>
    %get3A_7 = arith.constant 1 : i32
    %get3A_8 = arith.index_cast %get3A_7 : i32 to index
    %get3A_9 = arith.constant 0 : index
    %get3A_10 = tpu.vector_load %arg18[%get3A_8, %get3A_9] {strides = array<i32>} : memref<4x32xf32, #tpu.memory_space<vmem>>, vector<1x16xf32>,
    %get3A_11 = vector.shape_cast %get3A_10 : vector<1x16xf32> to vector<16xf32>
    %get3A_12 = arith.constant 2 : i32
    %get3A_13 = arith.index_cast %get3A_12 : i32 to index
    %get3A_14 = arith.constant 0 : index
    %get3A_15 = tpu.vector_load %arg18[%get3A_13, %get3A_14] {strides = array<i32>} : memref<4x32xf32, #tpu.memory_space<vmem>>, vector<1x16xf32>,
    %get3A_16 = vector.shape_cast %get3A_15 : vector<1x16xf32> to vector<16xf32>
    %get3A_17 = arith.constant 3 : i32
    %get3A_18 = arith.index_cast %get3A_17 : i32 to index
    %get3A_19 = arith.constant 0 : index
    %get3A_20 = tpu.vector_load %arg18[%get3A_18, %get3A_19] {strides = array<i32>} : memref<4x32xf32, #tpu.memory_space<vmem>>, vector<1x16xf32>,
    %get3A_21 = vector.shape_cast %get3A_20 : vector<1x16xf32> to vector<16xf32>
    %get3A_22 = arith.constant 0 : i32
    %get3A_23 = arith.index_cast %get3A_22 : i32 to index
    %get3A_24 = arith.constant 16 : index
    %get3A_25 = tpu.vector_load %arg18[%get3A_23, %get3A_24] {strides = array<i32>} : memref<4x32xf32, #tpu.memory_space<vmem>>, vector<1x16xf32>,
    %get3A_26 = vector.shape_cast %get3A_25 : vector<1x16xf32> to vector<16xf32>
    %get3A_27 = arith.constant 1 : i32
    %get3A_28 = arith.index_cast %get3A_27 : i32 to index
    %get3A_29 = arith.constant 16 : index
    %get3A_30 = tpu.vector_load %arg18[%get3A_28, %get3A_29] {strides = array<i32>} : memref<4x32xf32, #tpu.memory_space<vmem>>, vector<1x16xf32>,
    %get3A_31 = vector.shape_cast %get3A_30 : vector<1x16xf32> to vector<16xf32>
    %get3A_32 = arith.constant 2 : i32
    %get3A_33 = arith.index_cast %get3A_32 : i32 to index
    %get3A_34 = arith.constant 16 : index
    %get3A_35 = tpu.vector_load %arg18[%get3A_33, %get3A_34] {strides = array<i32>} : memref<4x32xf32, #tpu.memory_space<vmem>>, vector<1x16xf32>,
    %get3A_36 = vector.shape_cast %get3A_35 : vector<1x16xf32> to vector<16xf32>
    %get3A_37 = arith.constant 3 : i32
    %get3A_38 = arith.index_cast %get3A_37 : i32 to index
    %get3A_39 = arith.constant 16 : index
    %get3A_40 = tpu.vector_load %arg18[%get3A_38, %get3A_39] {strides = array<i32>} : memref<4x32xf32, #tpu.memory_space<vmem>>, vector<1x16xf32>,
    %get3A_41 = vector.shape_cast %get3A_40 : vector<1x16xf32> to vector<16xf32>
    %get3A_42 = arith.constant 0 : index
    %get3A_43 = tpu.vector_load %arg19[%get3A_42] {strides = array<i32>} : memref<32xf32, #tpu.memory_space<vmem>>, vector<16xf32>,
    %get3A_44 = vector.shape_cast %get3A_43 : vector<16xf32> to vector<16xf32>
    %get3A_45 = arith.constant 16 : index
    %get3A_46 = tpu.vector_load %arg19[%get3A_45] {strides = array<i32>} : memref<32xf32, #tpu.memory_space<vmem>>, vector<16xf32>,
    %get3A_47 = vector.shape_cast %get3A_46 : vector<16xf32> to vector<16xf32>
    %scan3A = arith.constant 0 : i32
    %scan3A_48 = arith.constant 0 : i32
    %scan3A_49 = arith.constant 782 : i32
    %scan3A_50 = arith.addi %scan3A_48, %scan3A_49 : i32
    %scan3A_51 = arith.constant 1 : i32
    %scan3A_52 = scf.for %scan3A_59 = %scan3A_48 to %scan3A_50 step %scan3A_51 iter_args(%scan3A_60 = %scan3A) -> (i32)  : i32 {
      %mul3A_61 = arith.constant 100096 : i32
      %mul3A_62 = arith.muli %arg1, %mul3A_61 : i32
      %mul3A_63 = arith.constant 128 : i32
      %mul3A_64 = arith.muli %scan3A_59, %mul3A_63 : i32
      %add3A_65 = arith.addi %mul3A_62, %mul3A_64 : i32
      %multiple_of3A = tpu.assume_multiple %add3A_65, 128 : i32
      "tpu.region"() ({
        %run_scoped3A = tpu.sem_alloc : memref<!tpu.dma_semaphore, #tpu.memory_space<semaphore_mem>>
        %dma_start3A_280 = tpu.memref_slice %arg4[%multiple_of3A] : memref<1601536xi32, #tpu.memory_space<hbm>> -> memref<128xi32, #tpu.memory_space<hbm>>
        %dma_start3A_281 = tpu.memref_slice %arg4[%multiple_of3A] : memref<1601536xi32, #tpu.memory_space<hbm>> -> memref<128xi32, #tpu.memory_space<hbm>>
        tpu.enqueue_dma source(%dma_start3A_281 : memref<128xi32, #tpu.memory_space<hbm>>) target(%arg11 : memref<128xi32, #tpu.memory_space<vmem>>) target_semaphore(%run_scoped3A : memref<!tpu.dma_semaphore, #tpu.memory_space<semaphore_mem>>)
        %dma_wait3A_282 = tpu.memref_slice %arg4[%multiple_of3A] : memref<1601536xi32, #tpu.memory_space<hbm>> -> memref<128xi32, #tpu.memory_space<hbm>>
        %dma_wait3A_283 = tpu.memref_slice %arg4[%multiple_of3A] : memref<1601536xi32, #tpu.memory_space<hbm>> -> memref<128xi32, #tpu.memory_space<hbm>>
        tpu.wait_dma2 semaphore(%run_scoped3A : memref<!tpu.dma_semaphore, #tpu.memory_space<semaphore_mem>>) src(%dma_wait3A_283 : memref<128xi32, #tpu.memory_space<hbm>>) dst(%arg11 : memref<128xi32, #tpu.memory_space<vmem>>)
        tpu.yield
      }) : () -> ()
      "tpu.region"() ({
        %run_scoped3A = tpu.sem_alloc : memref<!tpu.dma_semaphore, #tpu.memory_space<semaphore_mem>>
        %dma_start3A_280 = tpu.memref_slice %arg5[%multiple_of3A] : memref<1601536xi32, #tpu.memory_space<hbm>> -> memref<128xi32, #tpu.memory_space<hbm>>
        %dma_start3A_281 = tpu.memref_slice %arg5[%multiple_of3A] : memref<1601536xi32, #tpu.memory_space<hbm>> -> memref<128xi32, #tpu.memory_space<hbm>>
        tpu.enqueue_dma source(%dma_start3A_281 : memref<128xi32, #tpu.memory_space<hbm>>) target(%arg12 : memref<128xi32, #tpu.memory_space<vmem>>) target_semaphore(%run_scoped3A : memref<!tpu.dma_semaphore, #tpu.memory_space<semaphore_mem>>)
        %dma_wait3A_282 = tpu.memref_slice %arg5[%multiple_of3A] : memref<1601536xi32, #tpu.memory_space<hbm>> -> memref<128xi32, #tpu.memory_space<hbm>>
        %dma_wait3A_283 = tpu.memref_slice %arg5[%multiple_of3A] : memref<1601536xi32, #tpu.memory_space<hbm>> -> memref<128xi32, #tpu.memory_space<hbm>>
        tpu.wait_dma2 semaphore(%run_scoped3A : memref<!tpu.dma_semaphore, #tpu.memory_space<semaphore_mem>>) src(%dma_wait3A_283 : memref<128xi32, #tpu.memory_space<hbm>>) dst(%arg12 : memref<128xi32, #tpu.memory_space<vmem>>)
        tpu.yield
      }) : () -> ()
      %mul3A_66 = arith.constant 4 : i32
      %mul3A_67 = arith.muli %multiple_of3A, %mul3A_66 : i32
      "tpu.region"() ({
        %run_scoped3A = tpu.sem_alloc : memref<!tpu.dma_semaphore, #tpu.memory_space<semaphore_mem>>
        %dma_start3A_280 = tpu.memref_slice %arg6[%mul3A_67] : memref<6406144xf32, #tpu.memory_space<hbm>> -> memref<512xf32, #tpu.memory_space<hbm>>
        %dma_start3A_281 = tpu.memref_slice %arg6[%mul3A_67] : memref<6406144xf32, #tpu.memory_space<hbm>> -> memref<512xf32, #tpu.memory_space<hbm>>
        tpu.enqueue_dma source(%dma_start3A_281 : memref<512xf32, #tpu.memory_space<hbm>>) target(%arg14 : memref<512xf32, #tpu.memory_space<vmem>>) target_semaphore(%run_scoped3A : memref<!tpu.dma_semaphore, #tpu.memory_space<semaphore_mem>>)
        %dma_wait3A_282 = tpu.memref_slice %arg6[%mul3A_67] : memref<6406144xf32, #tpu.memory_space<hbm>> -> memref<512xf32, #tpu.memory_space<hbm>>
        %dma_wait3A_283 = tpu.memref_slice %arg6[%mul3A_67] : memref<6406144xf32, #tpu.memory_space<hbm>> -> memref<512xf32, #tpu.memory_space<hbm>>
        tpu.wait_dma2 semaphore(%run_scoped3A : memref<!tpu.dma_semaphore, #tpu.memory_space<semaphore_mem>>) src(%dma_wait3A_283 : memref<512xf32, #tpu.memory_space<hbm>>) dst(%arg14 : memref<512xf32, #tpu.memory_space<vmem>>)
        tpu.yield
      }) : () -> ()
      %dma_start3A = arith.constant 0 : i32
      %dma_start3A_68 = arith.constant 0 : i32
      %dma_start3A_69 = tpu.memref_slice %arg2[%dma_start3A, %dma_start3A_68] : memref<100000x32xf32, #tpu.memory_space<hbm>> -> memref<100000x32xf32, #tpu.memory_space<hbm>>
      tpu.enqueue_indirect_dma source(%dma_start3A_69 : memref<100000x32xf32, #tpu.memory_space<hbm>>) target(%arg15 : memref<128x32xf32, #tpu.memory_space<vmem>>) offsets(%arg11 : memref<128xi32, #tpu.memory_space<vmem>>) semaphore(%arg21 : memref<!tpu.dma_semaphore, #tpu.memory_space<semaphore_mem>>)
      %dma_start3A_70 = arith.constant 0 : i32
      %dma_start3A_71 = arith.constant 0 : i32
      %dma_start3A_72 = tpu.memref_slice %arg3[%dma_start3A_70, %dma_start3A_71] : memref<100000x32xf32, #tpu.memory_space<hbm>> -> memref<100000x32xf32, #tpu.memory_space<hbm>>
      tpu.enqueue_indirect_dma source(%dma_start3A_72 : memref<100000x32xf32, #tpu.memory_space<hbm>>) target(%arg16 : memref<128x32xf32, #tpu.memory_space<vmem>>) offsets(%arg12 : memref<128xi32, #tpu.memory_space<vmem>>) semaphore(%arg22 : memref<!tpu.dma_semaphore, #tpu.memory_space<semaphore_mem>>)
      %dma_wait3A = arith.constant 0 : i32
      %dma_wait3A_73 = arith.constant 0 : i32
      %dma_wait3A_74 = tpu.memref_slice %arg2[%dma_wait3A, %dma_wait3A_73] : memref<100000x32xf32, #tpu.memory_space<hbm>> -> memref<100000x32xf32, #tpu.memory_space<hbm>>
      tpu.wait_indirect_dma semaphore(%arg21 : memref<!tpu.dma_semaphore, #tpu.memory_space<semaphore_mem>>) src(%dma_wait3A_74 : memref<100000x32xf32, #tpu.memory_space<hbm>>) dst(%arg15 : memref<128x32xf32, #tpu.memory_space<vmem>>)
      %dma_wait3A_75 = arith.constant 0 : i32
      %dma_wait3A_76 = arith.constant 0 : i32
      %dma_wait3A_77 = tpu.memref_slice %arg3[%dma_wait3A_75, %dma_wait3A_76] : memref<100000x32xf32, #tpu.memory_space<hbm>> -> memref<100000x32xf32, #tpu.memory_space<hbm>>
      tpu.wait_indirect_dma semaphore(%arg22 : memref<!tpu.dma_semaphore, #tpu.memory_space<semaphore_mem>>) src(%dma_wait3A_77 : memref<100000x32xf32, #tpu.memory_space<hbm>>) dst(%arg16 : memref<128x32xf32, #tpu.memory_space<vmem>>)
      %scan3A_78 = arith.constant 0 : i32
      %scan3A_79 = arith.constant 0 : i32
      %mul3A_80 = arith.constant 16 : i32
      %mul3A_81 = arith.muli %scan3A_79, %mul3A_80 : i32
      %get3A_82 = arith.index_cast %mul3A_81 : i32 to index
      %get3A_83 = tpu.vector_load %arg12[%get3A_82] {strides = array<i32>} : memref<128xi32, #tpu.memory_space<vmem>>, vector<16xi32>,
      %get3A_84 = vector.shape_cast %get3A_83 : vector<16xi32> to vector<16xi32>
      %sub3A = vector.broadcast %mul3A_0 : i32 to vector<16xi32>
      %sub3A_85 = arith.subi %get3A_84, %sub3A : vector<16xi32>
      %ge3A = arith.constant 0 : i32
      %ge3A_86 = vector.broadcast %ge3A : i32 to vector<16xi32>
      %ge3A_87 = arith.cmpi sge, %sub3A_85, %ge3A_86 : vector<16xi32>
      %lt3A = arith.constant 50048 : i32
      %lt3A_88 = vector.broadcast %lt3A : i32 to vector<16xi32>
      %lt3A_89 = arith.cmpi slt, %sub3A_85, %lt3A_88 : vector<16xi32>
      %and3A = arith.andi %ge3A_87, %lt3A_89 : vector<16xi1>
      %jit3A = arith.constant 50048 : i32
      %broadcast_in_dim3A = vector.broadcast %jit3A : i32 to vector<16xi32>
      %select_n3A = arith.select %and3A, %sub3A_85, %broadcast_in_dim3A : vector<16xi1>, vector<16xi32>
      %mul3A_90 = arith.constant 16 : i32
      %mul3A_91 = arith.muli %scan3A_79, %mul3A_90 : i32
      %swap3A = arith.index_cast %mul3A_91 : i32 to index
      %swap3A_92 = tpu.vector_load %arg13[%swap3A] {strides = array<i32>} : memref<128xi32, #tpu.memory_space<vmem>>, vector<16xi32>,
      %swap3A_93 = vector.shape_cast %swap3A_92 : vector<16xi32> to vector<16xi32>
      %swap3A_94 = vector.shape_cast %select_n3A : vector<16xi32> to vector<16xi32>
      tpu.vector_store %arg13[%swap3A], %swap3A_94 {strides = array<i32>} : memref<128xi32, #tpu.memory_space<vmem>>, vector<16xi32>,
      %scan3A_95 = arith.constant 0 : i32
      %scan3A_96 = arith.constant 1 : i32
      %mul3A_97 = arith.constant 16 : i32
      %mul3A_98 = arith.muli %scan3A_96, %mul3A_97 : i32
      %get3A_99 = arith.index_cast %mul3A_98 : i32 to index
      %get3A_100 = tpu.vector_load %arg12[%get3A_99] {strides = array<i32>} : memref<128xi32, #tpu.memory_space<vmem>>, vector<16xi32>,
      %get3A_101 = vector.shape_cast %get3A_100 : vector<16xi32> to vector<16xi32>
      %sub3A_102 = vector.broadcast %mul3A_0 : i32 to vector<16xi32>
      %sub3A_103 = arith.subi %get3A_101, %sub3A_102 : vector<16xi32>
      %ge3A_104 = arith.constant 0 : i32
      %ge3A_105 = vector.broadcast %ge3A_104 : i32 to vector<16xi32>
      %ge3A_106 = arith.cmpi sge, %sub3A_103, %ge3A_105 : vector<16xi32>
      %lt3A_107 = arith.constant 50048 : i32
      %lt3A_108 = vector.broadcast %lt3A_107 : i32 to vector<16xi32>
      %lt3A_109 = arith.cmpi slt, %sub3A_103, %lt3A_108 : vector<16xi32>
      %and3A_110 = arith.andi %ge3A_106, %lt3A_109 : vector<16xi1>
      %jit3A_111 = arith.constant 50048 : i32
      %broadcast_in_dim3A_112 = vector.broadcast %jit3A_111 : i32 to vector<16xi32>
      %select_n3A_113 = arith.select %and3A_110, %sub3A_103, %broadcast_in_dim3A_112 : vector<16xi1>, vector<16xi32>
      %mul3A_114 = arith.constant 16 : i32
      %mul3A_115 = arith.muli %scan3A_96, %mul3A_114 : i32
      %swap3A_116 = arith.index_cast %mul3A_115 : i32 to index
      %swap3A_117 = tpu.vector_load %arg13[%swap3A_116] {strides = array<i32>} : memref<128xi32, #tpu.memory_space<vmem>>, vector<16xi32>,
      %swap3A_118 = vector.shape_cast %swap3A_117 : vector<16xi32> to vector<16xi32>
      %swap3A_119 = vector.shape_cast %select_n3A_113 : vector<16xi32> to vector<16xi32>
      tpu.vector_store %arg13[%swap3A_116], %swap3A_119 {strides = array<i32>} : memref<128xi32, #tpu.memory_space<vmem>>, vector<16xi32>,
      %scan3A_120 = arith.constant 0 : i32
      %scan3A_121 = arith.constant 2 : i32
      %mul3A_122 = arith.constant 16 : i32
      %mul3A_123 = arith.muli %scan3A_121, %mul3A_122 : i32
      %get3A_124 = arith.index_cast %mul3A_123 : i32 to index
      %get3A_125 = tpu.vector_load %arg12[%get3A_124] {strides = array<i32>} : memref<128xi32, #tpu.memory_space<vmem>>, vector<16xi32>,
      %get3A_126 = vector.shape_cast %get3A_125 : vector<16xi32> to vector<16xi32>
      %sub3A_127 = vector.broadcast %mul3A_0 : i32 to vector<16xi32>
      %sub3A_128 = arith.subi %get3A_126, %sub3A_127 : vector<16xi32>
      %ge3A_129 = arith.constant 0 : i32
      %ge3A_130 = vector.broadcast %ge3A_129 : i32 to vector<16xi32>
      %ge3A_131 = arith.cmpi sge, %sub3A_128, %ge3A_130 : vector<16xi32>
      %lt3A_132 = arith.constant 50048 : i32
      %lt3A_133 = vector.broadcast %lt3A_132 : i32 to vector<16xi32>
      %lt3A_134 = arith.cmpi slt, %sub3A_128, %lt3A_133 : vector<16xi32>
      %and3A_135 = arith.andi %ge3A_131, %lt3A_134 : vector<16xi1>
      %jit3A_136 = arith.constant 50048 : i32
      %broadcast_in_dim3A_137 = vector.broadcast %jit3A_136 : i32 to vector<16xi32>
      %select_n3A_138 = arith.select %and3A_135, %sub3A_128, %broadcast_in_dim3A_137 : vector<16xi1>, vector<16xi32>
      %mul3A_139 = arith.constant 16 : i32
      %mul3A_140 = arith.muli %scan3A_121, %mul3A_139 : i32
      %swap3A_141 = arith.index_cast %mul3A_140 : i32 to index
      %swap3A_142 = tpu.vector_load %arg13[%swap3A_141] {strides = array<i32>} : memref<128xi32, #tpu.memory_space<vmem>>, vector<16xi32>,
      %swap3A_143 = vector.shape_cast %swap3A_142 : vector<16xi32> to vector<16xi32>
      %swap3A_144 = vector.shape_cast %select_n3A_138 : vector<16xi32> to vector<16xi32>
      tpu.vector_store %arg13[%swap3A_141], %swap3A_144 {strides = array<i32>} : memref<128xi32, #tpu.memory_space<vmem>>, vector<16xi32>,
      %scan3A_145 = arith.constant 0 : i32
      %scan3A_146 = arith.constant 3 : i32
      %mul3A_147 = arith.constant 16 : i32
      %mul3A_148 = arith.muli %scan3A_146, %mul3A_147 : i32
      %get3A_149 = arith.index_cast %mul3A_148 : i32 to index
      %get3A_150 = tpu.vector_load %arg12[%get3A_149] {strides = array<i32>} : memref<128xi32, #tpu.memory_space<vmem>>, vector<16xi32>,
      %get3A_151 = vector.shape_cast %get3A_150 : vector<16xi32> to vector<16xi32>
      %sub3A_152 = vector.broadcast %mul3A_0 : i32 to vector<16xi32>
      %sub3A_153 = arith.subi %get3A_151, %sub3A_152 : vector<16xi32>
      %ge3A_154 = arith.constant 0 : i32
      %ge3A_155 = vector.broadcast %ge3A_154 : i32 to vector<16xi32>
      %ge3A_156 = arith.cmpi sge, %sub3A_153, %ge3A_155 : vector<16xi32>
      %lt3A_157 = arith.constant 50048 : i32
      %lt3A_158 = vector.broadcast %lt3A_157 : i32 to vector<16xi32>
      %lt3A_159 = arith.cmpi slt, %sub3A_153, %lt3A_158 : vector<16xi32>
      %and3A_160 = arith.andi %ge3A_156, %lt3A_159 : vector<16xi1>
      %jit3A_161 = arith.constant 50048 : i32
      %broadcast_in_dim3A_162 = vector.broadcast %jit3A_161 : i32 to vector<16xi32>
      %select_n3A_163 = arith.select %and3A_160, %sub3A_153, %broadcast_in_dim3A_162 : vector<16xi1>, vector<16xi32>
      %mul3A_164 = arith.constant 16 : i32
      %mul3A_165 = arith.muli %scan3A_146, %mul3A_164 : i32
      %swap3A_166 = arith.index_cast %mul3A_165 : i32 to index
      %swap3A_167 = tpu.vector_load %arg13[%swap3A_166] {strides = array<i32>} : memref<128xi32, #tpu.memory_space<vmem>>, vector<16xi32>,
      %swap3A_168 = vector.shape_cast %swap3A_167 : vector<16xi32> to vector<16xi32>
      %swap3A_169 = vector.shape_cast %select_n3A_163 : vector<16xi32> to vector<16xi32>
      tpu.vector_store %arg13[%swap3A_166], %swap3A_169 {strides = array<i32>} : memref<128xi32, #tpu.memory_space<vmem>>, vector<16xi32>,
      %scan3A_170 = arith.constant 0 : i32
      %scan3A_171 = arith.constant 4 : i32
      %mul3A_172 = arith.constant 16 : i32
      %mul3A_173 = arith.muli %scan3A_171, %mul3A_172 : i32
      %get3A_174 = arith.index_cast %mul3A_173 : i32 to index
      %get3A_175 = tpu.vector_load %arg12[%get3A_174] {strides = array<i32>} : memref<128xi32, #tpu.memory_space<vmem>>, vector<16xi32>,
      %get3A_176 = vector.shape_cast %get3A_175 : vector<16xi32> to vector<16xi32>
      %sub3A_177 = vector.broadcast %mul3A_0 : i32 to vector<16xi32>
      %sub3A_178 = arith.subi %get3A_176, %sub3A_177 : vector<16xi32>
      %ge3A_179 = arith.constant 0 : i32
      %ge3A_180 = vector.broadcast %ge3A_179 : i32 to vector<16xi32>
      %ge3A_181 = arith.cmpi sge, %sub3A_178, %ge3A_180 : vector<16xi32>
      %lt3A_182 = arith.constant 50048 : i32
      %lt3A_183 = vector.broadcast %lt3A_182 : i32 to vector<16xi32>
      %lt3A_184 = arith.cmpi slt, %sub3A_178, %lt3A_183 : vector<16xi32>
      %and3A_185 = arith.andi %ge3A_181, %lt3A_184 : vector<16xi1>
      %jit3A_186 = arith.constant 50048 : i32
      %broadcast_in_dim3A_187 = vector.broadcast %jit3A_186 : i32 to vector<16xi32>
      %select_n3A_188 = arith.select %and3A_185, %sub3A_178, %broadcast_in_dim3A_187 : vector<16xi1>, vector<16xi32>
      %mul3A_189 = arith.constant 16 : i32
      %mul3A_190 = arith.muli %scan3A_171, %mul3A_189 : i32
      %swap3A_191 = arith.index_cast %mul3A_190 : i32 to index
      %swap3A_192 = tpu.vector_load %arg13[%swap3A_191] {strides = array<i32>} : memref<128xi32, #tpu.memory_space<vmem>>, vector<16xi32>,
      %swap3A_193 = vector.shape_cast %swap3A_192 : vector<16xi32> to vector<16xi32>
      %swap3A_194 = vector.shape_cast %select_n3A_188 : vector<16xi32> to vector<16xi32>
      tpu.vector_store %arg13[%swap3A_191], %swap3A_194 {strides = array<i32>} : memref<128xi32, #tpu.memory_space<vmem>>, vector<16xi32>,
      %scan3A_195 = arith.constant 0 : i32
      %scan3A_196 = arith.constant 5 : i32
      %mul3A_197 = arith.constant 16 : i32
      %mul3A_198 = arith.muli %scan3A_196, %mul3A_197 : i32
      %get3A_199 = arith.index_cast %mul3A_198 : i32 to index
      %get3A_200 = tpu.vector_load %arg12[%get3A_199] {strides = array<i32>} : memref<128xi32, #tpu.memory_space<vmem>>, vector<16xi32>,
      %get3A_201 = vector.shape_cast %get3A_200 : vector<16xi32> to vector<16xi32>
      %sub3A_202 = vector.broadcast %mul3A_0 : i32 to vector<16xi32>
      %sub3A_203 = arith.subi %get3A_201, %sub3A_202 : vector<16xi32>
      %ge3A_204 = arith.constant 0 : i32
      %ge3A_205 = vector.broadcast %ge3A_204 : i32 to vector<16xi32>
      %ge3A_206 = arith.cmpi sge, %sub3A_203, %ge3A_205 : vector<16xi32>
      %lt3A_207 = arith.constant 50048 : i32
      %lt3A_208 = vector.broadcast %lt3A_207 : i32 to vector<16xi32>
      %lt3A_209 = arith.cmpi slt, %sub3A_203, %lt3A_208 : vector<16xi32>
      %and3A_210 = arith.andi %ge3A_206, %lt3A_209 : vector<16xi1>
      %jit3A_211 = arith.constant 50048 : i32
      %broadcast_in_dim3A_212 = vector.broadcast %jit3A_211 : i32 to vector<16xi32>
      %select_n3A_213 = arith.select %and3A_210, %sub3A_203, %broadcast_in_dim3A_212 : vector<16xi1>, vector<16xi32>
      %mul3A_214 = arith.constant 16 : i32
      %mul3A_215 = arith.muli %scan3A_196, %mul3A_214 : i32
      %swap3A_216 = arith.index_cast %mul3A_215 : i32 to index
      %swap3A_217 = tpu.vector_load %arg13[%swap3A_216] {strides = array<i32>} : memref<128xi32, #tpu.memory_space<vmem>>, vector<16xi32>,
      %swap3A_218 = vector.shape_cast %swap3A_217 : vector<16xi32> to vector<16xi32>
      %swap3A_219 = vector.shape_cast %select_n3A_213 : vector<16xi32> to vector<16xi32>
      tpu.vector_store %arg13[%swap3A_216], %swap3A_219 {strides = array<i32>} : memref<128xi32, #tpu.memory_space<vmem>>, vector<16xi32>,
      %scan3A_220 = arith.constant 0 : i32
      %scan3A_221 = arith.constant 6 : i32
      %mul3A_222 = arith.constant 16 : i32
      %mul3A_223 = arith.muli %scan3A_221, %mul3A_222 : i32
      %get3A_224 = arith.index_cast %mul3A_223 : i32 to index
      %get3A_225 = tpu.vector_load %arg12[%get3A_224] {strides = array<i32>} : memref<128xi32, #tpu.memory_space<vmem>>, vector<16xi32>,
      %get3A_226 = vector.shape_cast %get3A_225 : vector<16xi32> to vector<16xi32>
      %sub3A_227 = vector.broadcast %mul3A_0 : i32 to vector<16xi32>
      %sub3A_228 = arith.subi %get3A_226, %sub3A_227 : vector<16xi32>
      %ge3A_229 = arith.constant 0 : i32
      %ge3A_230 = vector.broadcast %ge3A_229 : i32 to vector<16xi32>
      %ge3A_231 = arith.cmpi sge, %sub3A_228, %ge3A_230 : vector<16xi32>
      %lt3A_232 = arith.constant 50048 : i32
      %lt3A_233 = vector.broadcast %lt3A_232 : i32 to vector<16xi32>
      %lt3A_234 = arith.cmpi slt, %sub3A_228, %lt3A_233 : vector<16xi32>
      %and3A_235 = arith.andi %ge3A_231, %lt3A_234 : vector<16xi1>
      %jit3A_236 = arith.constant 50048 : i32
      %broadcast_in_dim3A_237 = vector.broadcast %jit3A_236 : i32 to vector<16xi32>
      %select_n3A_238 = arith.select %and3A_235, %sub3A_228, %broadcast_in_dim3A_237 : vector<16xi1>, vector<16xi32>
      %mul3A_239 = arith.constant 16 : i32
      %mul3A_240 = arith.muli %scan3A_221, %mul3A_239 : i32
      %swap3A_241 = arith.index_cast %mul3A_240 : i32 to index
      %swap3A_242 = tpu.vector_load %arg13[%swap3A_241] {strides = array<i32>} : memref<128xi32, #tpu.memory_space<vmem>>, vector<16xi32>,
      %swap3A_243 = vector.shape_cast %swap3A_242 : vector<16xi32> to vector<16xi32>
      %swap3A_244 = vector.shape_cast %select_n3A_238 : vector<16xi32> to vector<16xi32>
      tpu.vector_store %arg13[%swap3A_241], %swap3A_244 {strides = array<i32>} : memref<128xi32, #tpu.memory_space<vmem>>, vector<16xi32>,
      %scan3A_245 = arith.constant 0 : i32
      %scan3A_246 = arith.constant 7 : i32
      %mul3A_247 = arith.constant 16 : i32
      %mul3A_248 = arith.muli %scan3A_246, %mul3A_247 : i32
      %get3A_249 = arith.index_cast %mul3A_248 : i32 to index
      %get3A_250 = tpu.vector_load %arg12[%get3A_249] {strides = array<i32>} : memref<128xi32, #tpu.memory_space<vmem>>, vector<16xi32>,
      %get3A_251 = vector.shape_cast %get3A_250 : vector<16xi32> to vector<16xi32>
      %sub3A_252 = vector.broadcast %mul3A_0 : i32 to vector<16xi32>
      %sub3A_253 = arith.subi %get3A_251, %sub3A_252 : vector<16xi32>
      %ge3A_254 = arith.constant 0 : i32
      %ge3A_255 = vector.broadcast %ge3A_254 : i32 to vector<16xi32>
      %ge3A_256 = arith.cmpi sge, %sub3A_253, %ge3A_255 : vector<16xi32>
      %lt3A_257 = arith.constant 50048 : i32
      %lt3A_258 = vector.broadcast %lt3A_257 : i32 to vector<16xi32>
      %lt3A_259 = arith.cmpi slt, %sub3A_253, %lt3A_258 : vector<16xi32>
      %and3A_260 = arith.andi %ge3A_256, %lt3A_259 : vector<16xi1>
      %jit3A_261 = arith.constant 50048 : i32
      %broadcast_in_dim3A_262 = vector.broadcast %jit3A_261 : i32 to vector<16xi32>
      %select_n3A_263 = arith.select %and3A_260, %sub3A_253, %broadcast_in_dim3A_262 : vector<16xi1>, vector<16xi32>
      %mul3A_264 = arith.constant 16 : i32
      %mul3A_265 = arith.muli %scan3A_246, %mul3A_264 : i32
      %swap3A_266 = arith.index_cast %mul3A_265 : i32 to index
      %swap3A_267 = tpu.vector_load %arg13[%swap3A_266] {strides = array<i32>} : memref<128xi32, #tpu.memory_space<vmem>>, vector<16xi32>,
      %swap3A_268 = vector.shape_cast %swap3A_267 : vector<16xi32> to vector<16xi32>
      %swap3A_269 = vector.shape_cast %select_n3A_263 : vector<16xi32> to vector<16xi32>
      tpu.vector_store %arg13[%swap3A_266], %swap3A_269 {strides = array<i32>} : memref<128xi32, #tpu.memory_space<vmem>>, vector<16xi32>,
      %scan3A_270 = arith.constant 0 : i32
      %scan3A_271 = arith.constant 8 : i32
      %scan3A_272 = arith.constant 0 : i32
      %scan3A_273 = arith.constant 0 : i32
      %scan3A_274 = arith.constant 32 : i32
      %scan3A_275 = arith.addi %scan3A_273, %scan3A_274 : i32
      %scan3A_276 = arith.constant 1 : i32
      %scan3A_277 = scf.for %scan3A_280 = %scan3A_273 to %scan3A_275 step %scan3A_276 iter_args(%scan3A_281 = %scan3A_272) -> (i32)  : i32 {
        %mul3A_282 = arith.constant 16 : i32
        %mul3A_283 = arith.muli %scan3A_280, %mul3A_282 : i32
        %get3A_284 = arith.index_cast %mul3A_283 : i32 to index
        %get3A_285 = tpu.vector_load %arg14[%get3A_284] {strides = array<i32>} : memref<512xf32, #tpu.memory_space<vmem>>, vector<16xf32>,
        %get3A_286 = vector.shape_cast %get3A_285 : vector<16xf32> to vector<16xf32>
        %mul3A_287 = arith.constant 4 : i32
        %mul3A_288 = arith.muli %scan3A_280, %mul3A_287 : i32
        %add3A_289 = arith.constant 0 : i32
        %add3A_290 = arith.addi %mul3A_288, %add3A_289 : i32
        %slice3A = vector.extract_strided_slice %get3A_286 {offsets = [0], sizes = [1], strides = [1]} : vector<16xf32> to vector<1xf32>
        %squeeze3A = vector.extract %slice3A[0] : f32 from vector<1xf32>
        %slice3A_291 = vector.extract_strided_slice %get3A_286 {offsets = [1], sizes = [1], strides = [1]} : vector<16xf32> to vector<1xf32>
        %squeeze3A_292 = vector.extract %slice3A_291[0] : f32 from vector<1xf32>
        %slice3A_293 = vector.extract_strided_slice %get3A_286 {offsets = [2], sizes = [1], strides = [1]} : vector<16xf32> to vector<1xf32>
        %squeeze3A_294 = vector.extract %slice3A_293[0] : f32 from vector<1xf32>
        %slice3A_295 = vector.extract_strided_slice %get3A_286 {offsets = [3], sizes = [1], strides = [1]} : vector<16xf32> to vector<1xf32>
        %squeeze3A_296 = vector.extract %slice3A_295[0] : f32 from vector<1xf32>
        %get3A_297 = arith.index_cast %add3A_290 : i32 to index
        %get3A_298 = arith.constant 0 : index
        %get3A_299 = tpu.vector_load %arg15[%get3A_297, %get3A_298] {strides = array<i32>} : memref<128x32xf32, #tpu.memory_space<vmem>>, vector<1x16xf32>,
        %get3A_300 = vector.shape_cast %get3A_299 : vector<1x16xf32> to vector<16xf32>
        %get3A_301 = arith.index_cast %add3A_290 : i32 to index
        %get3A_302 = arith.constant 0 : index
        %get3A_303 = tpu.vector_load %arg16[%get3A_301, %get3A_302] {strides = array<i32>} : memref<128x32xf32, #tpu.memory_space<vmem>>, vector<1x16xf32>,
        %get3A_304 = vector.shape_cast %get3A_303 : vector<1x16xf32> to vector<16xf32>
        %add3A_305 = arith.addf %get3A_300, %get3A_304 : vector<16xf32>
        %add3A_306 = arith.addf %add3A_305, %get3A_44 : vector<16xf32>
        %mul3A_307 = vector.broadcast %squeeze3A : f32 to vector<16xf32>
        %mul3A_308 = arith.mulf %mul3A_307, %get3A_6 : vector<16xf32>
        %add3A_309 = arith.addf %add3A_306, %mul3A_308 : vector<16xf32>
        %mul3A_310 = vector.broadcast %squeeze3A_292 : f32 to vector<16xf32>
        %mul3A_311 = arith.mulf %mul3A_310, %get3A_11 : vector<16xf32>
        %add3A_312 = arith.addf %add3A_309, %mul3A_311 : vector<16xf32>
        %mul3A_313 = vector.broadcast %squeeze3A_294 : f32 to vector<16xf32>
        %mul3A_314 = arith.mulf %mul3A_313, %get3A_16 : vector<16xf32>
        %add3A_315 = arith.addf %add3A_312, %mul3A_314 : vector<16xf32>
        %mul3A_316 = vector.broadcast %squeeze3A_296 : f32 to vector<16xf32>
        %mul3A_317 = arith.mulf %mul3A_316, %get3A_21 : vector<16xf32>
        %add3A_318 = arith.addf %add3A_315, %mul3A_317 : vector<16xf32>
        %max3A = arith.constant 0.000000e+00 : f32
        %max3A_319 = vector.broadcast %max3A : f32 to vector<16xf32>
        %max3A_320 = arith.maximumf %add3A_318, %max3A_319 : vector<16xf32>
        %swap3A_321 = arith.index_cast %add3A_290 : i32 to index
        %swap3A_322 = arith.constant 0 : index
        %swap3A_323 = tpu.vector_load %arg17[%swap3A_321, %swap3A_322] {strides = array<i32>} : memref<128x32xf32, #tpu.memory_space<vmem>>, vector<1x16xf32>,
        %swap3A_324 = vector.shape_cast %swap3A_323 : vector<1x16xf32> to vector<16xf32>
        %swap3A_325 = vector.shape_cast %max3A_320 : vector<16xf32> to vector<1x16xf32>
        tpu.vector_store %arg17[%swap3A_321, %swap3A_322], %swap3A_325 {strides = array<i32>} : memref<128x32xf32, #tpu.memory_space<vmem>>, vector<1x16xf32>,
        %get3A_326 = arith.index_cast %add3A_290 : i32 to index
        %get3A_327 = arith.constant 16 : index
        %get3A_328 = tpu.vector_load %arg15[%get3A_326, %get3A_327] {strides = array<i32>} : memref<128x32xf32, #tpu.memory_space<vmem>>, vector<1x16xf32>,
        %get3A_329 = vector.shape_cast %get3A_328 : vector<1x16xf32> to vector<16xf32>
        %get3A_330 = arith.index_cast %add3A_290 : i32 to index
        %get3A_331 = arith.constant 16 : index
        %get3A_332 = tpu.vector_load %arg16[%get3A_330, %get3A_331] {strides = array<i32>} : memref<128x32xf32, #tpu.memory_space<vmem>>, vector<1x16xf32>,
        %get3A_333 = vector.shape_cast %get3A_332 : vector<1x16xf32> to vector<16xf32>
        %add3A_334 = arith.addf %get3A_329, %get3A_333 : vector<16xf32>
        %add3A_335 = arith.addf %add3A_334, %get3A_47 : vector<16xf32>
        %mul3A_336 = vector.broadcast %squeeze3A : f32 to vector<16xf32>
        %mul3A_337 = arith.mulf %mul3A_336, %get3A_26 : vector<16xf32>
        %add3A_338 = arith.addf %add3A_335, %mul3A_337 : vector<16xf32>
        %mul3A_339 = vector.broadcast %squeeze3A_292 : f32 to vector<16xf32>
        %mul3A_340 = arith.mulf %mul3A_339, %get3A_31 : vector<16xf32>
        %add3A_341 = arith.addf %add3A_338, %mul3A_340 : vector<16xf32>
        %mul3A_342 = vector.broadcast %squeeze3A_294 : f32 to vector<16xf32>
        %mul3A_343 = arith.mulf %mul3A_342, %get3A_36 : vector<16xf32>
        %add3A_344 = arith.addf %add3A_341, %mul3A_343 : vector<16xf32>
        %mul3A_345 = vector.broadcast %squeeze3A_296 : f32 to vector<16xf32>
        %mul3A_346 = arith.mulf %mul3A_345, %get3A_41 : vector<16xf32>
        %add3A_347 = arith.addf %add3A_344, %mul3A_346 : vector<16xf32>
        %max3A_348 = arith.constant 0.000000e+00 : f32
        %max3A_349 = vector.broadcast %max3A_348 : f32 to vector<16xf32>
        %max3A_350 = arith.maximumf %add3A_347, %max3A_349 : vector<16xf32>
        %swap3A_351 = arith.index_cast %add3A_290 : i32 to index
        %swap3A_352 = arith.constant 16 : index
        %swap3A_353 = tpu.vector_load %arg17[%swap3A_351, %swap3A_352] {strides = array<i32>} : memref<128x32xf32, #tpu.memory_space<vmem>>, vector<1x16xf32>,
        %swap3A_354 = vector.shape_cast %swap3A_353 : vector<1x16xf32> to vector<16xf32>
        %swap3A_355 = vector.shape_cast %max3A_350 : vector<16xf32> to vector<1x16xf32>
        tpu.vector_store %arg17[%swap3A_351, %swap3A_352], %swap3A_355 {strides = array<i32>} : memref<128x32xf32, #tpu.memory_space<vmem>>, vector<1x16xf32>,
        %mul3A_356 = arith.constant 4 : i32
        %mul3A_357 = arith.muli %scan3A_280, %mul3A_356 : i32
        %add3A_358 = arith.constant 1 : i32
        %add3A_359 = arith.addi %mul3A_357, %add3A_358 : i32
        %slice3A_360 = vector.extract_strided_slice %get3A_286 {offsets = [4], sizes = [1], strides = [1]} : vector<16xf32> to vector<1xf32>
        %squeeze3A_361 = vector.extract %slice3A_360[0] : f32 from vector<1xf32>
        %slice3A_362 = vector.extract_strided_slice %get3A_286 {offsets = [5], sizes = [1], strides = [1]} : vector<16xf32> to vector<1xf32>
        %squeeze3A_363 = vector.extract %slice3A_362[0] : f32 from vector<1xf32>
        %slice3A_364 = vector.extract_strided_slice %get3A_286 {offsets = [6], sizes = [1], strides = [1]} : vector<16xf32> to vector<1xf32>
        %squeeze3A_365 = vector.extract %slice3A_364[0] : f32 from vector<1xf32>
        %slice3A_366 = vector.extract_strided_slice %get3A_286 {offsets = [7], sizes = [1], strides = [1]} : vector<16xf32> to vector<1xf32>
        %squeeze3A_367 = vector.extract %slice3A_366[0] : f32 from vector<1xf32>
        %get3A_368 = arith.index_cast %add3A_359 : i32 to index
        %get3A_369 = arith.constant 0 : index
        %get3A_370 = tpu.vector_load %arg15[%get3A_368, %get3A_369] {strides = array<i32>} : memref<128x32xf32, #tpu.memory_space<vmem>>, vector<1x16xf32>,
        %get3A_371 = vector.shape_cast %get3A_370 : vector<1x16xf32> to vector<16xf32>
        %get3A_372 = arith.index_cast %add3A_359 : i32 to index
        %get3A_373 = arith.constant 0 : index
        %get3A_374 = tpu.vector_load %arg16[%get3A_372, %get3A_373] {strides = array<i32>} : memref<128x32xf32, #tpu.memory_space<vmem>>, vector<1x16xf32>,
        %get3A_375 = vector.shape_cast %get3A_374 : vector<1x16xf32> to vector<16xf32>
        %add3A_376 = arith.addf %get3A_371, %get3A_375 : vector<16xf32>
        %add3A_377 = arith.addf %add3A_376, %get3A_44 : vector<16xf32>
        %mul3A_378 = vector.broadcast %squeeze3A_361 : f32 to vector<16xf32>
        %mul3A_379 = arith.mulf %mul3A_378, %get3A_6 : vector<16xf32>
        %add3A_380 = arith.addf %add3A_377, %mul3A_379 : vector<16xf32>
        %mul3A_381 = vector.broadcast %squeeze3A_363 : f32 to vector<16xf32>
        %mul3A_382 = arith.mulf %mul3A_381, %get3A_11 : vector<16xf32>
        %add3A_383 = arith.addf %add3A_380, %mul3A_382 : vector<16xf32>
        %mul3A_384 = vector.broadcast %squeeze3A_365 : f32 to vector<16xf32>
        %mul3A_385 = arith.mulf %mul3A_384, %get3A_16 : vector<16xf32>
        %add3A_386 = arith.addf %add3A_383, %mul3A_385 : vector<16xf32>
        %mul3A_387 = vector.broadcast %squeeze3A_367 : f32 to vector<16xf32>
        %mul3A_388 = arith.mulf %mul3A_387, %get3A_21 : vector<16xf32>
        %add3A_389 = arith.addf %add3A_386, %mul3A_388 : vector<16xf32>
        %max3A_390 = arith.constant 0.000000e+00 : f32
        %max3A_391 = vector.broadcast %max3A_390 : f32 to vector<16xf32>
        %max3A_392 = arith.maximumf %add3A_389, %max3A_391 : vector<16xf32>
        %swap3A_393 = arith.index_cast %add3A_359 : i32 to index
        %swap3A_394 = arith.constant 0 : index
        %swap3A_395 = tpu.vector_load %arg17[%swap3A_393, %swap3A_394] {strides = array<i32>} : memref<128x32xf32, #tpu.memory_space<vmem>>, vector<1x16xf32>,
        %swap3A_396 = vector.shape_cast %swap3A_395 : vector<1x16xf32> to vector<16xf32>
        %swap3A_397 = vector.shape_cast %max3A_392 : vector<16xf32> to vector<1x16xf32>
        tpu.vector_store %arg17[%swap3A_393, %swap3A_394], %swap3A_397 {strides = array<i32>} : memref<128x32xf32, #tpu.memory_space<vmem>>, vector<1x16xf32>,
        %get3A_398 = arith.index_cast %add3A_359 : i32 to index
        %get3A_399 = arith.constant 16 : index
        %get3A_400 = tpu.vector_load %arg15[%get3A_398, %get3A_399] {strides = array<i32>} : memref<128x32xf32, #tpu.memory_space<vmem>>, vector<1x16xf32>,
        %get3A_401 = vector.shape_cast %get3A_400 : vector<1x16xf32> to vector<16xf32>
        %get3A_402 = arith.index_cast %add3A_359 : i32 to index
        %get3A_403 = arith.constant 16 : index
        %get3A_404 = tpu.vector_load %arg16[%get3A_402, %get3A_403] {strides = array<i32>} : memref<128x32xf32, #tpu.memory_space<vmem>>, vector<1x16xf32>,
        %get3A_405 = vector.shape_cast %get3A_404 : vector<1x16xf32> to vector<16xf32>
        %add3A_406 = arith.addf %get3A_401, %get3A_405 : vector<16xf32>
        %add3A_407 = arith.addf %add3A_406, %get3A_47 : vector<16xf32>
        %mul3A_408 = vector.broadcast %squeeze3A_361 : f32 to vector<16xf32>
        %mul3A_409 = arith.mulf %mul3A_408, %get3A_26 : vector<16xf32>
        %add3A_410 = arith.addf %add3A_407, %mul3A_409 : vector<16xf32>
        %mul3A_411 = vector.broadcast %squeeze3A_363 : f32 to vector<16xf32>
        %mul3A_412 = arith.mulf %mul3A_411, %get3A_31 : vector<16xf32>
        %add3A_413 = arith.addf %add3A_410, %mul3A_412 : vector<16xf32>
        %mul3A_414 = vector.broadcast %squeeze3A_365 : f32 to vector<16xf32>
        %mul3A_415 = arith.mulf %mul3A_414, %get3A_36 : vector<16xf32>
        %add3A_416 = arith.addf %add3A_413, %mul3A_415 : vector<16xf32>
        %mul3A_417 = vector.broadcast %squeeze3A_367 : f32 to vector<16xf32>
        %mul3A_418 = arith.mulf %mul3A_417, %get3A_41 : vector<16xf32>
        %add3A_419 = arith.addf %add3A_416, %mul3A_418 : vector<16xf32>
        %max3A_420 = arith.constant 0.000000e+00 : f32
        %max3A_421 = vector.broadcast %max3A_420 : f32 to vector<16xf32>
        %max3A_422 = arith.maximumf %add3A_419, %max3A_421 : vector<16xf32>
        %swap3A_423 = arith.index_cast %add3A_359 : i32 to index
        %swap3A_424 = arith.constant 16 : index
        %swap3A_425 = tpu.vector_load %arg17[%swap3A_423, %swap3A_424] {strides = array<i32>} : memref<128x32xf32, #tpu.memory_space<vmem>>, vector<1x16xf32>,
        %swap3A_426 = vector.shape_cast %swap3A_425 : vector<1x16xf32> to vector<16xf32>
        %swap3A_427 = vector.shape_cast %max3A_422 : vector<16xf32> to vector<1x16xf32>
        tpu.vector_store %arg17[%swap3A_423, %swap3A_424], %swap3A_427 {strides = array<i32>} : memref<128x32xf32, #tpu.memory_space<vmem>>, vector<1x16xf32>,
        %mul3A_428 = arith.constant 4 : i32
        %mul3A_429 = arith.muli %scan3A_280, %mul3A_428 : i32
        %add3A_430 = arith.constant 2 : i32
        %add3A_431 = arith.addi %mul3A_429, %add3A_430 : i32
        %slice3A_432 = vector.extract_strided_slice %get3A_286 {offsets = [8], sizes = [1], strides = [1]} : vector<16xf32> to vector<1xf32>
        %squeeze3A_433 = vector.extract %slice3A_432[0] : f32 from vector<1xf32>
        %slice3A_434 = vector.extract_strided_slice %get3A_286 {offsets = [9], sizes = [1], strides = [1]} : vector<16xf32> to vector<1xf32>
        %squeeze3A_435 = vector.extract %slice3A_434[0] : f32 from vector<1xf32>
        %slice3A_436 = vector.extract_strided_slice %get3A_286 {offsets = [10], sizes = [1], strides = [1]} : vector<16xf32> to vector<1xf32>
        %squeeze3A_437 = vector.extract %slice3A_436[0] : f32 from vector<1xf32>
        %slice3A_438 = vector.extract_strided_slice %get3A_286 {offsets = [11], sizes = [1], strides = [1]} : vector<16xf32> to vector<1xf32>
        %squeeze3A_439 = vector.extract %slice3A_438[0] : f32 from vector<1xf32>
        %get3A_440 = arith.index_cast %add3A_431 : i32 to index
        %get3A_441 = arith.constant 0 : index
        %get3A_442 = tpu.vector_load %arg15[%get3A_440, %get3A_441] {strides = array<i32>} : memref<128x32xf32, #tpu.memory_space<vmem>>, vector<1x16xf32>,
        %get3A_443 = vector.shape_cast %get3A_442 : vector<1x16xf32> to vector<16xf32>
        %get3A_444 = arith.index_cast %add3A_431 : i32 to index
        %get3A_445 = arith.constant 0 : index
        %get3A_446 = tpu.vector_load %arg16[%get3A_444, %get3A_445] {strides = array<i32>} : memref<128x32xf32, #tpu.memory_space<vmem>>, vector<1x16xf32>,
        %get3A_447 = vector.shape_cast %get3A_446 : vector<1x16xf32> to vector<16xf32>
        %add3A_448 = arith.addf %get3A_443, %get3A_447 : vector<16xf32>
        %add3A_449 = arith.addf %add3A_448, %get3A_44 : vector<16xf32>
        %mul3A_450 = vector.broadcast %squeeze3A_433 : f32 to vector<16xf32>
        %mul3A_451 = arith.mulf %mul3A_450, %get3A_6 : vector<16xf32>
        %add3A_452 = arith.addf %add3A_449, %mul3A_451 : vector<16xf32>
        %mul3A_453 = vector.broadcast %squeeze3A_435 : f32 to vector<16xf32>
        %mul3A_454 = arith.mulf %mul3A_453, %get3A_11 : vector<16xf32>
        %add3A_455 = arith.addf %add3A_452, %mul3A_454 : vector<16xf32>
        %mul3A_456 = vector.broadcast %squeeze3A_437 : f32 to vector<16xf32>
        %mul3A_457 = arith.mulf %mul3A_456, %get3A_16 : vector<16xf32>
        %add3A_458 = arith.addf %add3A_455, %mul3A_457 : vector<16xf32>
        %mul3A_459 = vector.broadcast %squeeze3A_439 : f32 to vector<16xf32>
        %mul3A_460 = arith.mulf %mul3A_459, %get3A_21 : vector<16xf32>
        %add3A_461 = arith.addf %add3A_458, %mul3A_460 : vector<16xf32>
        %max3A_462 = arith.constant 0.000000e+00 : f32
        %max3A_463 = vector.broadcast %max3A_462 : f32 to vector<16xf32>
        %max3A_464 = arith.maximumf %add3A_461, %max3A_463 : vector<16xf32>
        %swap3A_465 = arith.index_cast %add3A_431 : i32 to index
        %swap3A_466 = arith.constant 0 : index
        %swap3A_467 = tpu.vector_load %arg17[%swap3A_465, %swap3A_466] {strides = array<i32>} : memref<128x32xf32, #tpu.memory_space<vmem>>, vector<1x16xf32>,
        %swap3A_468 = vector.shape_cast %swap3A_467 : vector<1x16xf32> to vector<16xf32>
        %swap3A_469 = vector.shape_cast %max3A_464 : vector<16xf32> to vector<1x16xf32>
        tpu.vector_store %arg17[%swap3A_465, %swap3A_466], %swap3A_469 {strides = array<i32>} : memref<128x32xf32, #tpu.memory_space<vmem>>, vector<1x16xf32>,
        %get3A_470 = arith.index_cast %add3A_431 : i32 to index
        %get3A_471 = arith.constant 16 : index
        %get3A_472 = tpu.vector_load %arg15[%get3A_470, %get3A_471] {strides = array<i32>} : memref<128x32xf32, #tpu.memory_space<vmem>>, vector<1x16xf32>,
        %get3A_473 = vector.shape_cast %get3A_472 : vector<1x16xf32> to vector<16xf32>
        %get3A_474 = arith.index_cast %add3A_431 : i32 to index
        %get3A_475 = arith.constant 16 : index
        %get3A_476 = tpu.vector_load %arg16[%get3A_474, %get3A_475] {strides = array<i32>} : memref<128x32xf32, #tpu.memory_space<vmem>>, vector<1x16xf32>,
        %get3A_477 = vector.shape_cast %get3A_476 : vector<1x16xf32> to vector<16xf32>
        %add3A_478 = arith.addf %get3A_473, %get3A_477 : vector<16xf32>
        %add3A_479 = arith.addf %add3A_478, %get3A_47 : vector<16xf32>
        %mul3A_480 = vector.broadcast %squeeze3A_433 : f32 to vector<16xf32>
        %mul3A_481 = arith.mulf %mul3A_480, %get3A_26 : vector<16xf32>
        %add3A_482 = arith.addf %add3A_479, %mul3A_481 : vector<16xf32>
        %mul3A_483 = vector.broadcast %squeeze3A_435 : f32 to vector<16xf32>
        %mul3A_484 = arith.mulf %mul3A_483, %get3A_31 : vector<16xf32>
        %add3A_485 = arith.addf %add3A_482, %mul3A_484 : vector<16xf32>
        %mul3A_486 = vector.broadcast %squeeze3A_437 : f32 to vector<16xf32>
        %mul3A_487 = arith.mulf %mul3A_486, %get3A_36 : vector<16xf32>
        %add3A_488 = arith.addf %add3A_485, %mul3A_487 : vector<16xf32>
        %mul3A_489 = vector.broadcast %squeeze3A_439 : f32 to vector<16xf32>
        %mul3A_490 = arith.mulf %mul3A_489, %get3A_41 : vector<16xf32>
        %add3A_491 = arith.addf %add3A_488, %mul3A_490 : vector<16xf32>
        %max3A_492 = arith.constant 0.000000e+00 : f32
        %max3A_493 = vector.broadcast %max3A_492 : f32 to vector<16xf32>
        %max3A_494 = arith.maximumf %add3A_491, %max3A_493 : vector<16xf32>
        %swap3A_495 = arith.index_cast %add3A_431 : i32 to index
        %swap3A_496 = arith.constant 16 : index
        %swap3A_497 = tpu.vector_load %arg17[%swap3A_495, %swap3A_496] {strides = array<i32>} : memref<128x32xf32, #tpu.memory_space<vmem>>, vector<1x16xf32>,
        %swap3A_498 = vector.shape_cast %swap3A_497 : vector<1x16xf32> to vector<16xf32>
        %swap3A_499 = vector.shape_cast %max3A_494 : vector<16xf32> to vector<1x16xf32>
        tpu.vector_store %arg17[%swap3A_495, %swap3A_496], %swap3A_499 {strides = array<i32>} : memref<128x32xf32, #tpu.memory_space<vmem>>, vector<1x16xf32>,
        %mul3A_500 = arith.constant 4 : i32
        %mul3A_501 = arith.muli %scan3A_280, %mul3A_500 : i32
        %add3A_502 = arith.constant 3 : i32
        %add3A_503 = arith.addi %mul3A_501, %add3A_502 : i32
        %slice3A_504 = vector.extract_strided_slice %get3A_286 {offsets = [12], sizes = [1], strides = [1]} : vector<16xf32> to vector<1xf32>
        %squeeze3A_505 = vector.extract %slice3A_504[0] : f32 from vector<1xf32>
        %slice3A_506 = vector.extract_strided_slice %get3A_286 {offsets = [13], sizes = [1], strides = [1]} : vector<16xf32> to vector<1xf32>
        %squeeze3A_507 = vector.extract %slice3A_506[0] : f32 from vector<1xf32>
        %slice3A_508 = vector.extract_strided_slice %get3A_286 {offsets = [14], sizes = [1], strides = [1]} : vector<16xf32> to vector<1xf32>
        %squeeze3A_509 = vector.extract %slice3A_508[0] : f32 from vector<1xf32>
        %slice3A_510 = vector.extract_strided_slice %get3A_286 {offsets = [15], sizes = [1], strides = [1]} : vector<16xf32> to vector<1xf32>
        %squeeze3A_511 = vector.extract %slice3A_510[0] : f32 from vector<1xf32>
        %get3A_512 = arith.index_cast %add3A_503 : i32 to index
        %get3A_513 = arith.constant 0 : index
        %get3A_514 = tpu.vector_load %arg15[%get3A_512, %get3A_513] {strides = array<i32>} : memref<128x32xf32, #tpu.memory_space<vmem>>, vector<1x16xf32>,
        %get3A_515 = vector.shape_cast %get3A_514 : vector<1x16xf32> to vector<16xf32>
        %get3A_516 = arith.index_cast %add3A_503 : i32 to index
        %get3A_517 = arith.constant 0 : index
        %get3A_518 = tpu.vector_load %arg16[%get3A_516, %get3A_517] {strides = array<i32>} : memref<128x32xf32, #tpu.memory_space<vmem>>, vector<1x16xf32>,
        %get3A_519 = vector.shape_cast %get3A_518 : vector<1x16xf32> to vector<16xf32>
        %add3A_520 = arith.addf %get3A_515, %get3A_519 : vector<16xf32>
        %add3A_521 = arith.addf %add3A_520, %get3A_44 : vector<16xf32>
        %mul3A_522 = vector.broadcast %squeeze3A_505 : f32 to vector<16xf32>
        %mul3A_523 = arith.mulf %mul3A_522, %get3A_6 : vector<16xf32>
        %add3A_524 = arith.addf %add3A_521, %mul3A_523 : vector<16xf32>
        %mul3A_525 = vector.broadcast %squeeze3A_507 : f32 to vector<16xf32>
        %mul3A_526 = arith.mulf %mul3A_525, %get3A_11 : vector<16xf32>
        %add3A_527 = arith.addf %add3A_524, %mul3A_526 : vector<16xf32>
        %mul3A_528 = vector.broadcast %squeeze3A_509 : f32 to vector<16xf32>
        %mul3A_529 = arith.mulf %mul3A_528, %get3A_16 : vector<16xf32>
        %add3A_530 = arith.addf %add3A_527, %mul3A_529 : vector<16xf32>
        %mul3A_531 = vector.broadcast %squeeze3A_511 : f32 to vector<16xf32>
        %mul3A_532 = arith.mulf %mul3A_531, %get3A_21 : vector<16xf32>
        %add3A_533 = arith.addf %add3A_530, %mul3A_532 : vector<16xf32>
        %max3A_534 = arith.constant 0.000000e+00 : f32
        %max3A_535 = vector.broadcast %max3A_534 : f32 to vector<16xf32>
        %max3A_536 = arith.maximumf %add3A_533, %max3A_535 : vector<16xf32>
        %swap3A_537 = arith.index_cast %add3A_503 : i32 to index
        %swap3A_538 = arith.constant 0 : index
        %swap3A_539 = tpu.vector_load %arg17[%swap3A_537, %swap3A_538] {strides = array<i32>} : memref<128x32xf32, #tpu.memory_space<vmem>>, vector<1x16xf32>,
        %swap3A_540 = vector.shape_cast %swap3A_539 : vector<1x16xf32> to vector<16xf32>
        %swap3A_541 = vector.shape_cast %max3A_536 : vector<16xf32> to vector<1x16xf32>
        tpu.vector_store %arg17[%swap3A_537, %swap3A_538], %swap3A_541 {strides = array<i32>} : memref<128x32xf32, #tpu.memory_space<vmem>>, vector<1x16xf32>,
        %get3A_542 = arith.index_cast %add3A_503 : i32 to index
        %get3A_543 = arith.constant 16 : index
        %get3A_544 = tpu.vector_load %arg15[%get3A_542, %get3A_543] {strides = array<i32>} : memref<128x32xf32, #tpu.memory_space<vmem>>, vector<1x16xf32>,
        %get3A_545 = vector.shape_cast %get3A_544 : vector<1x16xf32> to vector<16xf32>
        %get3A_546 = arith.index_cast %add3A_503 : i32 to index
        %get3A_547 = arith.constant 16 : index
        %get3A_548 = tpu.vector_load %arg16[%get3A_546, %get3A_547] {strides = array<i32>} : memref<128x32xf32, #tpu.memory_space<vmem>>, vector<1x16xf32>,
        %get3A_549 = vector.shape_cast %get3A_548 : vector<1x16xf32> to vector<16xf32>
        %add3A_550 = arith.addf %get3A_545, %get3A_549 : vector<16xf32>
        %add3A_551 = arith.addf %add3A_550, %get3A_47 : vector<16xf32>
        %mul3A_552 = vector.broadcast %squeeze3A_505 : f32 to vector<16xf32>
        %mul3A_553 = arith.mulf %mul3A_552, %get3A_26 : vector<16xf32>
        %add3A_554 = arith.addf %add3A_551, %mul3A_553 : vector<16xf32>
        %mul3A_555 = vector.broadcast %squeeze3A_507 : f32 to vector<16xf32>
        %mul3A_556 = arith.mulf %mul3A_555, %get3A_31 : vector<16xf32>
        %add3A_557 = arith.addf %add3A_554, %mul3A_556 : vector<16xf32>
        %mul3A_558 = vector.broadcast %squeeze3A_509 : f32 to vector<16xf32>
        %mul3A_559 = arith.mulf %mul3A_558, %get3A_36 : vector<16xf32>
        %add3A_560 = arith.addf %add3A_557, %mul3A_559 : vector<16xf32>
        %mul3A_561 = vector.broadcast %squeeze3A_511 : f32 to vector<16xf32>
        %mul3A_562 = arith.mulf %mul3A_561, %get3A_41 : vector<16xf32>
        %add3A_563 = arith.addf %add3A_560, %mul3A_562 : vector<16xf32>
        %max3A_564 = arith.constant 0.000000e+00 : f32
        %max3A_565 = vector.broadcast %max3A_564 : f32 to vector<16xf32>
        %max3A_566 = arith.maximumf %add3A_563, %max3A_565 : vector<16xf32>
        %swap3A_567 = arith.index_cast %add3A_503 : i32 to index
        %swap3A_568 = arith.constant 16 : index
        %swap3A_569 = tpu.vector_load %arg17[%swap3A_567, %swap3A_568] {strides = array<i32>} : memref<128x32xf32, #tpu.memory_space<vmem>>, vector<1x16xf32>,
        %swap3A_570 = vector.shape_cast %swap3A_569 : vector<1x16xf32> to vector<16xf32>
        %swap3A_571 = vector.shape_cast %max3A_566 : vector<16xf32> to vector<1x16xf32>
        tpu.vector_store %arg17[%swap3A_567, %swap3A_568], %swap3A_571 {strides = array<i32>} : memref<128x32xf32, #tpu.memory_space<vmem>>, vector<1x16xf32>,
        %scan3A_572 = arith.constant 0 : i32
        scf.yield %scan3A_572 : i32
      }
      %scan3A_278 = arith.constant 32 : i32
      "tpu.region"() ({
        %run_scoped3A = tpu.sem_alloc : memref<!tpu.dma_semaphore, #tpu.memory_space<semaphore_mem>>
        %dma_start3A_280 = arith.constant 0 : i32
        %dma_start3A_281 = arith.constant 0 : i32
        %dma_start3A_282 = tpu.memref_slice %arg20[%dma_start3A_280, %dma_start3A_281] : memref<50056x32xf32, #tpu.memory_space<vmem_shared>> -> memref<50056x32xf32, #tpu.memory_space<vmem_shared>>
        tpu.enqueue_indirect_dma source(%arg17 : memref<128x32xf32, #tpu.memory_space<vmem>>) target(%dma_start3A_282 : memref<50056x32xf32, #tpu.memory_space<vmem_shared>>) offsets(%arg13 : memref<128xi32, #tpu.memory_space<vmem>>) semaphore(%run_scoped3A : memref<!tpu.dma_semaphore, #tpu.memory_space<semaphore_mem>>) {add = true}
        %dma_wait3A_283 = arith.constant 0 : i32
        %dma_wait3A_284 = arith.constant 0 : i32
        %dma_wait3A_285 = tpu.memref_slice %arg20[%dma_wait3A_283, %dma_wait3A_284] : memref<50056x32xf32, #tpu.memory_space<vmem_shared>> -> memref<50056x32xf32, #tpu.memory_space<vmem_shared>>
        tpu.wait_indirect_dma semaphore(%run_scoped3A : memref<!tpu.dma_semaphore, #tpu.memory_space<semaphore_mem>>) src(%arg17 : memref<128x32xf32, #tpu.memory_space<vmem>>) dst(%dma_wait3A_285 : memref<50056x32xf32, #tpu.memory_space<vmem_shared>>)
        tpu.yield
      }) : () -> ()
      %scan3A_279 = arith.constant 0 : i32
      scf.yield %scan3A_279 : i32
    }
    %scan3A_53 = arith.constant 782 : i32
    %barrier3A_54 = arith.constant 0 : index
    tpu.barrier barrier_id(%barrier3A_54)
    %mul3A_55 = arith.constant 3128 : i32
    %mul3A_56 = arith.muli %arg1, %mul3A_55 : i32
    %mul3A_57 = arith.constant 3128 : i32
    %mul3A_58 = arith.muli %arg1, %mul3A_57 : i32
    %add3A = arith.addi %mul3A_0, %mul3A_58 : i32
    "tpu.region"() ({
      %run_scoped3A = tpu.sem_alloc : memref<!tpu.dma_semaphore, #tpu.memory_space<semaphore_mem>>
      %dma_start3A = arith.constant 0 : i32
      %dma_start3A_59 = tpu.memref_slice %arg10[%add3A, %dma_start3A] : memref<100096x32xf32, #tpu.memory_space<hbm>> -> memref<3128x32xf32, #tpu.memory_space<hbm>>
      %dma_start3A_60 = arith.constant 0 : i32
      %dma_start3A_61 = tpu.memref_slice %arg20[%mul3A_56, %dma_start3A_60] : memref<50056x32xf32, #tpu.memory_space<vmem_shared>> -> memref<3128x32xf32, #tpu.memory_space<vmem_shared>>
      tpu.enqueue_dma source(%dma_start3A_61 : memref<3128x32xf32, #tpu.memory_space<vmem_shared>>) target(%dma_start3A_59 : memref<3128x32xf32, #tpu.memory_space<hbm>>) target_semaphore(%run_scoped3A : memref<!tpu.dma_semaphore, #tpu.memory_space<semaphore_mem>>)
      %dma_wait3A = arith.constant 0 : i32
      %dma_wait3A_62 = tpu.memref_slice %arg10[%add3A, %dma_wait3A] : memref<100096x32xf32, #tpu.memory_space<hbm>> -> memref<3128x32xf32, #tpu.memory_space<hbm>>
      %dma_wait3A_63 = arith.constant 0 : i32
      %dma_wait3A_64 = tpu.memref_slice %arg20[%mul3A_56, %dma_wait3A_63] : memref<50056x32xf32, #tpu.memory_space<vmem_shared>> -> memref<3128x32xf32, #tpu.memory_space<vmem_shared>>
      tpu.wait_dma2 semaphore(%run_scoped3A : memref<!tpu.dma_semaphore, #tpu.memory_space<semaphore_mem>>) src(%dma_wait3A_64 : memref<3128x32xf32, #tpu.memory_space<vmem_shared>>) dst(%dma_wait3A_62 : memref<3128x32xf32, #tpu.memory_space<hbm>>)
      tpu.yield
    }) : () -> ()
    return
  }
}

module attributes {stable_mosaic.version = 14 : i64} {
  func.func @_pre_body(%arg0: i32, %arg1: memref<2000x32xf32, #tpu.memory_space<vmem>>, %arg2: memref<32x32xf32, #tpu.memory_space<vmem>>, %arg3: memref<1x32xf32, #tpu.memory_space<vmem>>, %arg4: memref<32x32xf32, #tpu.memory_space<vmem>>, %arg5: memref<32x32xf32, #tpu.memory_space<vmem>>, %arg6: memref<2000x32xf32, #tpu.memory_space<vmem>>, %arg7: memref<2000x32xf32, #tpu.memory_space<vmem>>, %arg8: memref<2000x32xf32, #tpu.memory_space<vmem>>) attributes {dimension_semantics = [#tpu.dimension_semantics<arbitrary>], iteration_bounds = array<i64: 50>, scalar_prefetch = 0 : i64, scratch_operands = 0 : i64, tpu.core_type = #tpu.core_type<tc>, window_params = [{transform_indices = @transform_0, window_bounds = array<i64: 2000, 32>}, {pipeline_mode = #tpu.pipeline_mode<synchronous>, transform_indices = @transform_1, window_bounds = array<i64: 32, 32>}, {pipeline_mode = #tpu.pipeline_mode<synchronous>, transform_indices = @transform_2, window_bounds = array<i64: 1, 32>}, {pipeline_mode = #tpu.pipeline_mode<synchronous>, transform_indices = @transform_3, window_bounds = array<i64: 32, 32>}, {pipeline_mode = #tpu.pipeline_mode<synchronous>, transform_indices = @transform_4, window_bounds = array<i64: 32, 32>}, {transform_indices = @transform_5, window_bounds = array<i64: 2000, 32>}, {transform_indices = @transform_6, window_bounds = array<i64: 2000, 32>}, {transform_indices = @transform_7, window_bounds = array<i64: 2000, 32>}]} {
    %get3A = arith.constant 0 : index
    %get3A_0 = arith.constant 0 : index
    %get3A_1 = vector.load %arg1[%get3A, %get3A_0] : memref<2000x32xf32, #tpu.memory_space<vmem>>, vector<2000x32xf32>
    %get3A_2 = arith.constant 0 : index
    %get3A_3 = arith.constant 0 : index
    %get3A_4 = vector.load %arg2[%get3A_2, %get3A_3] : memref<32x32xf32, #tpu.memory_space<vmem>>, vector<32x32xf32>
    %dot_general3A = arith.constant dense<0.000000e+00> : vector<2000x32xf32>
    %dot_general3A_5 = tpu.matmul %get3A_1, %get3A_4, %dot_general3A {dimension_numbers = #tpu.dot_dimension_numbers<[1], [0], [0], [1], [0, 0, 1, 1], [], []>, precision = #tpu.contract_precision<fp32>, transpose_lhs_hint = false} : vector<2000x32xf32>, vector<32x32xf32>, vector<2000x32xf32> -> vector<2000x32xf32>
    %get3A_6 = arith.constant 0 : index
    %get3A_7 = arith.constant 0 : index
    %get3A_8 = vector.load %arg3[%get3A_6, %get3A_7] : memref<1x32xf32, #tpu.memory_space<vmem>>, vector<1x32xf32>
    %add3A = vector.broadcast %get3A_8 : vector<1x32xf32> to vector<2000x32xf32>
    %add3A_9 = arith.addf %dot_general3A_5, %add3A : vector<2000x32xf32>
    %swap3A = arith.constant 0 : index
    %swap3A_10 = arith.constant 0 : index
    %swap3A_11 = vector.load %arg6[%swap3A, %swap3A_10] : memref<2000x32xf32, #tpu.memory_space<vmem>>, vector<2000x32xf32>
    tpu.vector_store %arg6[%swap3A, %swap3A_10], %add3A_9 {strides = array<i32>} : memref<2000x32xf32, #tpu.memory_space<vmem>>, vector<2000x32xf32>,
    %get3A_12 = arith.constant 0 : index
    %get3A_13 = arith.constant 0 : index
    %get3A_14 = vector.load %arg4[%get3A_12, %get3A_13] : memref<32x32xf32, #tpu.memory_space<vmem>>, vector<32x32xf32>
    %dot_general3A_15 = arith.constant dense<0.000000e+00> : vector<2000x32xf32>
    %dot_general3A_16 = tpu.matmul %add3A_9, %get3A_14, %dot_general3A_15 {dimension_numbers = #tpu.dot_dimension_numbers<[1], [0], [0], [1], [0, 0, 1, 1], [], []>, precision = #tpu.contract_precision<fp32>, transpose_lhs_hint = false} : vector<2000x32xf32>, vector<32x32xf32>, vector<2000x32xf32> -> vector<2000x32xf32>
    %swap3A_17 = arith.constant 0 : index
    %swap3A_18 = arith.constant 0 : index
    %swap3A_19 = vector.load %arg7[%swap3A_17, %swap3A_18] : memref<2000x32xf32, #tpu.memory_space<vmem>>, vector<2000x32xf32>
    tpu.vector_store %arg7[%swap3A_17, %swap3A_18], %dot_general3A_16 {strides = array<i32>} : memref<2000x32xf32, #tpu.memory_space<vmem>>, vector<2000x32xf32>,
    %get3A_20 = arith.constant 0 : index
    %get3A_21 = arith.constant 0 : index
    %get3A_22 = vector.load %arg5[%get3A_20, %get3A_21] : memref<32x32xf32, #tpu.memory_space<vmem>>, vector<32x32xf32>
    %dot_general3A_23 = arith.constant dense<0.000000e+00> : vector<2000x32xf32>
    %dot_general3A_24 = tpu.matmul %add3A_9, %get3A_22, %dot_general3A_23 {dimension_numbers = #tpu.dot_dimension_numbers<[1], [0], [0], [1], [0, 0, 1, 1], [], []>, precision = #tpu.contract_precision<fp32>, transpose_lhs_hint = false} : vector<2000x32xf32>, vector<32x32xf32>, vector<2000x32xf32> -> vector<2000x32xf32>
    %swap3A_25 = arith.constant 0 : index
    %swap3A_26 = arith.constant 0 : index
    %swap3A_27 = vector.load %arg8[%swap3A_25, %swap3A_26] : memref<2000x32xf32, #tpu.memory_space<vmem>>, vector<2000x32xf32>
    tpu.vector_store %arg8[%swap3A_25, %swap3A_26], %dot_general3A_24 {strides = array<i32>} : memref<2000x32xf32, #tpu.memory_space<vmem>>, vector<2000x32xf32>,
    return
  }
  func.func @transform_0(%arg0: i32) -> (i32, i32) {
    %c0_i32 = arith.constant 0 : i32
    %c0_i32_0 = arith.constant 0 : i32
    return %arg0, %c0_i32 : i32, i32
  }
  func.func @transform_1(%arg0: i32) -> (i32, i32) {
    %c0_i32 = arith.constant 0 : i32
    %c0_i32_0 = arith.constant 0 : i32
    %c0_i32_1 = arith.constant 0 : i32
    return %c0_i32, %c0_i32_0 : i32, i32
  }
  func.func @transform_2(%arg0: i32) -> (i32, i32) {
    %c0_i32 = arith.constant 0 : i32
    %c0_i32_0 = arith.constant 0 : i32
    %c0_i32_1 = arith.constant 0 : i32
    return %c0_i32, %c0_i32_0 : i32, i32
  }
  func.func @transform_3(%arg0: i32) -> (i32, i32) {
    %c0_i32 = arith.constant 0 : i32
    %c0_i32_0 = arith.constant 0 : i32
    %c0_i32_1 = arith.constant 0 : i32
    return %c0_i32, %c0_i32_0 : i32, i32
  }
  func.func @transform_4(%arg0: i32) -> (i32, i32) {
    %c0_i32 = arith.constant 0 : i32
    %c0_i32_0 = arith.constant 0 : i32
    %c0_i32_1 = arith.constant 0 : i32
    return %c0_i32, %c0_i32_0 : i32, i32
  }
  func.func @transform_5(%arg0: i32) -> (i32, i32) {
    %c0_i32 = arith.constant 0 : i32
    %c0_i32_0 = arith.constant 0 : i32
    return %arg0, %c0_i32 : i32, i32
  }
  func.func @transform_6(%arg0: i32) -> (i32, i32) {
    %c0_i32 = arith.constant 0 : i32
    %c0_i32_0 = arith.constant 0 : i32
    return %arg0, %c0_i32 : i32, i32
  }
  func.func @transform_7(%arg0: i32) -> (i32, i32) {
    %c0_i32 = arith.constant 0 : i32
    %c0_i32_0 = arith.constant 0 : i32
    return %arg0, %c0_i32 : i32, i32
  }
}

module attributes {stable_mosaic.version = 14 : i64} {
  func.func @_upd_body(%arg0: i32, %arg1: memref<2000x32xf32, #tpu.memory_space<vmem>>, %arg2: memref<2000x32xf32, #tpu.memory_space<vmem>>, %arg3: memref<32x32xf32, #tpu.memory_space<vmem>>, %arg4: memref<32x32xf32, #tpu.memory_space<vmem>>, %arg5: memref<1x32xf32, #tpu.memory_space<vmem>>, %arg6: memref<32x32xf32, #tpu.memory_space<vmem>>, %arg7: memref<32x32xf32, #tpu.memory_space<vmem>>, %arg8: memref<2000x32xf32, #tpu.memory_space<vmem>>, %arg9: memref<2000x32xf32, #tpu.memory_space<vmem>>, %arg10: memref<2000x32xf32, #tpu.memory_space<vmem>>) attributes {dimension_semantics = [#tpu.dimension_semantics<arbitrary>], iteration_bounds = array<i64: 50>, scalar_prefetch = 0 : i64, scratch_operands = 0 : i64, tpu.core_type = #tpu.core_type<tc>, window_params = [{transform_indices = @transform_0, window_bounds = array<i64: 2000, 32>}, {transform_indices = @transform_1, window_bounds = array<i64: 2000, 32>}, {pipeline_mode = #tpu.pipeline_mode<synchronous>, transform_indices = @transform_2, window_bounds = array<i64: 32, 32>}, {pipeline_mode = #tpu.pipeline_mode<synchronous>, transform_indices = @transform_3, window_bounds = array<i64: 32, 32>}, {pipeline_mode = #tpu.pipeline_mode<synchronous>, transform_indices = @transform_4, window_bounds = array<i64: 1, 32>}, {pipeline_mode = #tpu.pipeline_mode<synchronous>, transform_indices = @transform_5, window_bounds = array<i64: 32, 32>}, {pipeline_mode = #tpu.pipeline_mode<synchronous>, transform_indices = @transform_6, window_bounds = array<i64: 32, 32>}, {transform_indices = @transform_7, window_bounds = array<i64: 2000, 32>}, {transform_indices = @transform_8, window_bounds = array<i64: 2000, 32>}, {transform_indices = @transform_9, window_bounds = array<i64: 2000, 32>}]} {
    %get3A = arith.constant 0 : index
    %get3A_0 = arith.constant 0 : index
    %get3A_1 = vector.load %arg1[%get3A, %get3A_0] : memref<2000x32xf32, #tpu.memory_space<vmem>>, vector<2000x32xf32>
    %get3A_2 = arith.constant 0 : index
    %get3A_3 = arith.constant 0 : index
    %get3A_4 = vector.load %arg3[%get3A_2, %get3A_3] : memref<32x32xf32, #tpu.memory_space<vmem>>, vector<32x32xf32>
    %dot_general3A = arith.constant dense<0.000000e+00> : vector<2000x32xf32>
    %dot_general3A_5 = tpu.matmul %get3A_1, %get3A_4, %dot_general3A {dimension_numbers = #tpu.dot_dimension_numbers<[1], [0], [0], [1], [0, 0, 1, 1], [], []>, precision = #tpu.contract_precision<fp32>, transpose_lhs_hint = false} : vector<2000x32xf32>, vector<32x32xf32>, vector<2000x32xf32> -> vector<2000x32xf32>
    %get3A_6 = arith.constant 0 : index
    %get3A_7 = arith.constant 0 : index
    %get3A_8 = vector.load %arg2[%get3A_6, %get3A_7] : memref<2000x32xf32, #tpu.memory_space<vmem>>, vector<2000x32xf32>
    %get3A_9 = arith.constant 0 : index
    %get3A_10 = arith.constant 0 : index
    %get3A_11 = vector.load %arg4[%get3A_9, %get3A_10] : memref<32x32xf32, #tpu.memory_space<vmem>>, vector<32x32xf32>
    %dot_general3A_12 = arith.constant dense<0.000000e+00> : vector<2000x32xf32>
    %dot_general3A_13 = tpu.matmul %get3A_8, %get3A_11, %dot_general3A_12 {dimension_numbers = #tpu.dot_dimension_numbers<[1], [0], [0], [1], [0, 0, 1, 1], [], []>, precision = #tpu.contract_precision<fp32>, transpose_lhs_hint = false} : vector<2000x32xf32>, vector<32x32xf32>, vector<2000x32xf32> -> vector<2000x32xf32>
    %add3A = arith.addf %dot_general3A_5, %dot_general3A_13 : vector<2000x32xf32>
    %get3A_14 = arith.constant 0 : index
    %get3A_15 = arith.constant 0 : index
    %get3A_16 = vector.load %arg5[%get3A_14, %get3A_15] : memref<1x32xf32, #tpu.memory_space<vmem>>, vector<1x32xf32>
    %add3A_17 = vector.broadcast %get3A_16 : vector<1x32xf32> to vector<2000x32xf32>
    %add3A_18 = arith.addf %add3A, %add3A_17 : vector<2000x32xf32>
    %max3A = arith.constant 0.000000e+00 : f32
    %max3A_19 = vector.broadcast %max3A : f32 to vector<2000x32xf32>
    %max3A_20 = arith.maximumf %add3A_18, %max3A_19 : vector<2000x32xf32>
    %add3A_21 = arith.addf %get3A_1, %max3A_20 : vector<2000x32xf32>
    %swap3A = arith.constant 0 : index
    %swap3A_22 = arith.constant 0 : index
    %swap3A_23 = vector.load %arg8[%swap3A, %swap3A_22] : memref<2000x32xf32, #tpu.memory_space<vmem>>, vector<2000x32xf32>
    tpu.vector_store %arg8[%swap3A, %swap3A_22], %add3A_21 {strides = array<i32>} : memref<2000x32xf32, #tpu.memory_space<vmem>>, vector<2000x32xf32>,
    %get3A_24 = arith.constant 0 : index
    %get3A_25 = arith.constant 0 : index
    %get3A_26 = vector.load %arg6[%get3A_24, %get3A_25] : memref<32x32xf32, #tpu.memory_space<vmem>>, vector<32x32xf32>
    %dot_general3A_27 = arith.constant dense<0.000000e+00> : vector<2000x32xf32>
    %dot_general3A_28 = tpu.matmul %add3A_21, %get3A_26, %dot_general3A_27 {dimension_numbers = #tpu.dot_dimension_numbers<[1], [0], [0], [1], [0, 0, 1, 1], [], []>, precision = #tpu.contract_precision<fp32>, transpose_lhs_hint = false} : vector<2000x32xf32>, vector<32x32xf32>, vector<2000x32xf32> -> vector<2000x32xf32>
    %swap3A_29 = arith.constant 0 : index
    %swap3A_30 = arith.constant 0 : index
    %swap3A_31 = vector.load %arg9[%swap3A_29, %swap3A_30] : memref<2000x32xf32, #tpu.memory_space<vmem>>, vector<2000x32xf32>
    tpu.vector_store %arg9[%swap3A_29, %swap3A_30], %dot_general3A_28 {strides = array<i32>} : memref<2000x32xf32, #tpu.memory_space<vmem>>, vector<2000x32xf32>,
    %get3A_32 = arith.constant 0 : index
    %get3A_33 = arith.constant 0 : index
    %get3A_34 = vector.load %arg7[%get3A_32, %get3A_33] : memref<32x32xf32, #tpu.memory_space<vmem>>, vector<32x32xf32>
    %dot_general3A_35 = arith.constant dense<0.000000e+00> : vector<2000x32xf32>
    %dot_general3A_36 = tpu.matmul %add3A_21, %get3A_34, %dot_general3A_35 {dimension_numbers = #tpu.dot_dimension_numbers<[1], [0], [0], [1], [0, 0, 1, 1], [], []>, precision = #tpu.contract_precision<fp32>, transpose_lhs_hint = false} : vector<2000x32xf32>, vector<32x32xf32>, vector<2000x32xf32> -> vector<2000x32xf32>
    %swap3A_37 = arith.constant 0 : index
    %swap3A_38 = arith.constant 0 : index
    %swap3A_39 = vector.load %arg10[%swap3A_37, %swap3A_38] : memref<2000x32xf32, #tpu.memory_space<vmem>>, vector<2000x32xf32>
    tpu.vector_store %arg10[%swap3A_37, %swap3A_38], %dot_general3A_36 {strides = array<i32>} : memref<2000x32xf32, #tpu.memory_space<vmem>>, vector<2000x32xf32>,
    return
  }
  func.func @transform_0(%arg0: i32) -> (i32, i32) {
    %c0_i32 = arith.constant 0 : i32
    %c0_i32_0 = arith.constant 0 : i32
    return %arg0, %c0_i32 : i32, i32
  }
  func.func @transform_1(%arg0: i32) -> (i32, i32) {
    %c0_i32 = arith.constant 0 : i32
    %c0_i32_0 = arith.constant 0 : i32
    return %arg0, %c0_i32 : i32, i32
  }
  func.func @transform_2(%arg0: i32) -> (i32, i32) {
    %c0_i32 = arith.constant 0 : i32
    %c0_i32_0 = arith.constant 0 : i32
    %c0_i32_1 = arith.constant 0 : i32
    return %c0_i32, %c0_i32_0 : i32, i32
  }
  func.func @transform_3(%arg0: i32) -> (i32, i32) {
    %c0_i32 = arith.constant 0 : i32
    %c0_i32_0 = arith.constant 0 : i32
    %c0_i32_1 = arith.constant 0 : i32
    return %c0_i32, %c0_i32_0 : i32, i32
  }
  func.func @transform_4(%arg0: i32) -> (i32, i32) {
    %c0_i32 = arith.constant 0 : i32
    %c0_i32_0 = arith.constant 0 : i32
    %c0_i32_1 = arith.constant 0 : i32
    return %c0_i32, %c0_i32_0 : i32, i32
  }
  func.func @transform_5(%arg0: i32) -> (i32, i32) {
    %c0_i32 = arith.constant 0 : i32
    %c0_i32_0 = arith.constant 0 : i32
    %c0_i32_1 = arith.constant 0 : i32
    return %c0_i32, %c0_i32_0 : i32, i32
  }
  func.func @transform_6(%arg0: i32) -> (i32, i32) {
    %c0_i32 = arith.constant 0 : i32
    %c0_i32_0 = arith.constant 0 : i32
    %c0_i32_1 = arith.constant 0 : i32
    return %c0_i32, %c0_i32_0 : i32, i32
  }
  func.func @transform_7(%arg0: i32) -> (i32, i32) {
    %c0_i32 = arith.constant 0 : i32
    %c0_i32_0 = arith.constant 0 : i32
    return %arg0, %c0_i32 : i32, i32
  }
  func.func @transform_8(%arg0: i32) -> (i32, i32) {
    %c0_i32 = arith.constant 0 : i32
    %c0_i32_0 = arith.constant 0 : i32
    return %arg0, %c0_i32 : i32, i32
  }
  func.func @transform_9(%arg0: i32) -> (i32, i32) {
    %c0_i32 = arith.constant 0 : i32
    %c0_i32_0 = arith.constant 0 : i32
    return %arg0, %c0_i32 : i32, i32
  }
}

module attributes {stable_mosaic.version = 14 : i64} {
  func.func @_upd_body(%arg0: i32, %arg1: memref<2000x32xf32, #tpu.memory_space<vmem>>, %arg2: memref<2000x32xf32, #tpu.memory_space<vmem>>, %arg3: memref<32x32xf32, #tpu.memory_space<vmem>>, %arg4: memref<32x32xf32, #tpu.memory_space<vmem>>, %arg5: memref<1x32xf32, #tpu.memory_space<vmem>>, %arg6: memref<32x32xf32, #tpu.memory_space<vmem>>, %arg7: memref<32x32xf32, #tpu.memory_space<vmem>>, %arg8: memref<2000x32xf32, #tpu.memory_space<vmem>>) attributes {dimension_semantics = [#tpu.dimension_semantics<arbitrary>], iteration_bounds = array<i64: 50>, scalar_prefetch = 0 : i64, scratch_operands = 0 : i64, tpu.core_type = #tpu.core_type<tc>, window_params = [{transform_indices = @transform_0, window_bounds = array<i64: 2000, 32>}, {transform_indices = @transform_1, window_bounds = array<i64: 2000, 32>}, {pipeline_mode = #tpu.pipeline_mode<synchronous>, transform_indices = @transform_2, window_bounds = array<i64: 32, 32>}, {pipeline_mode = #tpu.pipeline_mode<synchronous>, transform_indices = @transform_3, window_bounds = array<i64: 32, 32>}, {pipeline_mode = #tpu.pipeline_mode<synchronous>, transform_indices = @transform_4, window_bounds = array<i64: 1, 32>}, {pipeline_mode = #tpu.pipeline_mode<synchronous>, transform_indices = @transform_5, window_bounds = array<i64: 32, 32>}, {pipeline_mode = #tpu.pipeline_mode<synchronous>, transform_indices = @transform_6, window_bounds = array<i64: 32, 32>}, {transform_indices = @transform_7, window_bounds = array<i64: 2000, 32>}]} {
    %get3A = arith.constant 0 : index
    %get3A_0 = arith.constant 0 : index
    %get3A_1 = vector.load %arg1[%get3A, %get3A_0] : memref<2000x32xf32, #tpu.memory_space<vmem>>, vector<2000x32xf32>
    %get3A_2 = arith.constant 0 : index
    %get3A_3 = arith.constant 0 : index
    %get3A_4 = vector.load %arg3[%get3A_2, %get3A_3] : memref<32x32xf32, #tpu.memory_space<vmem>>, vector<32x32xf32>
    %dot_general3A = arith.constant dense<0.000000e+00> : vector<2000x32xf32>
    %dot_general3A_5 = tpu.matmul %get3A_1, %get3A_4, %dot_general3A {dimension_numbers = #tpu.dot_dimension_numbers<[1], [0], [0], [1], [0, 0, 1, 1], [], []>, precision = #tpu.contract_precision<fp32>, transpose_lhs_hint = false} : vector<2000x32xf32>, vector<32x32xf32>, vector<2000x32xf32> -> vector<2000x32xf32>
    %get3A_6 = arith.constant 0 : index
    %get3A_7 = arith.constant 0 : index
    %get3A_8 = vector.load %arg2[%get3A_6, %get3A_7] : memref<2000x32xf32, #tpu.memory_space<vmem>>, vector<2000x32xf32>
    %get3A_9 = arith.constant 0 : index
    %get3A_10 = arith.constant 0 : index
    %get3A_11 = vector.load %arg4[%get3A_9, %get3A_10] : memref<32x32xf32, #tpu.memory_space<vmem>>, vector<32x32xf32>
    %dot_general3A_12 = arith.constant dense<0.000000e+00> : vector<2000x32xf32>
    %dot_general3A_13 = tpu.matmul %get3A_8, %get3A_11, %dot_general3A_12 {dimension_numbers = #tpu.dot_dimension_numbers<[1], [0], [0], [1], [0, 0, 1, 1], [], []>, precision = #tpu.contract_precision<fp32>, transpose_lhs_hint = false} : vector<2000x32xf32>, vector<32x32xf32>, vector<2000x32xf32> -> vector<2000x32xf32>
    %add3A = arith.addf %dot_general3A_5, %dot_general3A_13 : vector<2000x32xf32>
    %get3A_14 = arith.constant 0 : index
    %get3A_15 = arith.constant 0 : index
    %get3A_16 = vector.load %arg5[%get3A_14, %get3A_15] : memref<1x32xf32, #tpu.memory_space<vmem>>, vector<1x32xf32>
    %add3A_17 = vector.broadcast %get3A_16 : vector<1x32xf32> to vector<2000x32xf32>
    %add3A_18 = arith.addf %add3A, %add3A_17 : vector<2000x32xf32>
    %max3A = arith.constant 0.000000e+00 : f32
    %max3A_19 = vector.broadcast %max3A : f32 to vector<2000x32xf32>
    %max3A_20 = arith.maximumf %add3A_18, %max3A_19 : vector<2000x32xf32>
    %add3A_21 = arith.addf %get3A_1, %max3A_20 : vector<2000x32xf32>
    %swap3A = arith.constant 0 : index
    %swap3A_22 = arith.constant 0 : index
    %swap3A_23 = vector.load %arg8[%swap3A, %swap3A_22] : memref<2000x32xf32, #tpu.memory_space<vmem>>, vector<2000x32xf32>
    tpu.vector_store %arg8[%swap3A, %swap3A_22], %add3A_21 {strides = array<i32>} : memref<2000x32xf32, #tpu.memory_space<vmem>>, vector<2000x32xf32>,
    return
  }
  func.func @transform_0(%arg0: i32) -> (i32, i32) {
    %c0_i32 = arith.constant 0 : i32
    %c0_i32_0 = arith.constant 0 : i32
    return %arg0, %c0_i32 : i32, i32
  }
  func.func @transform_1(%arg0: i32) -> (i32, i32) {
    %c0_i32 = arith.constant 0 : i32
    %c0_i32_0 = arith.constant 0 : i32
    return %arg0, %c0_i32 : i32, i32
  }
  func.func @transform_2(%arg0: i32) -> (i32, i32) {
    %c0_i32 = arith.constant 0 : i32
    %c0_i32_0 = arith.constant 0 : i32
    %c0_i32_1 = arith.constant 0 : i32
    return %c0_i32, %c0_i32_0 : i32, i32
  }
  func.func @transform_3(%arg0: i32) -> (i32, i32) {
    %c0_i32 = arith.constant 0 : i32
    %c0_i32_0 = arith.constant 0 : i32
    %c0_i32_1 = arith.constant 0 : i32
    return %c0_i32, %c0_i32_0 : i32, i32
  }
  func.func @transform_4(%arg0: i32) -> (i32, i32) {
    %c0_i32 = arith.constant 0 : i32
    %c0_i32_0 = arith.constant 0 : i32
    %c0_i32_1 = arith.constant 0 : i32
    return %c0_i32, %c0_i32_0 : i32, i32
  }
  func.func @transform_5(%arg0: i32) -> (i32, i32) {
    %c0_i32 = arith.constant 0 : i32
    %c0_i32_0 = arith.constant 0 : i32
    %c0_i32_1 = arith.constant 0 : i32
    return %c0_i32, %c0_i32_0 : i32, i32
  }
  func.func @transform_6(%arg0: i32) -> (i32, i32) {
    %c0_i32 = arith.constant 0 : i32
    %c0_i32_0 = arith.constant 0 : i32
    %c0_i32_1 = arith.constant 0 : i32
    return %c0_i32, %c0_i32_0 : i32, i32
  }
  func.func @transform_7(%arg0: i32) -> (i32, i32) {
    %c0_i32 = arith.constant 0 : i32
    %c0_i32_0 = arith.constant 0 : i32
    return %arg0, %c0_i32 : i32, i32
  }
}

module attributes {stable_mosaic.version = 14 : i64} {
  func.func @_pool_body(%arg0: i32, %arg1: memref<2000x32xf32, #tpu.memory_space<vmem>>, %arg2: memref<1x1x2000xi32, #tpu.memory_space<vmem>>, %arg3: memref<1x32xf32, #tpu.memory_space<vmem>>, %arg4: memref<1x1xf32, #tpu.memory_space<vmem>>, %arg5: memref<1x128xf32, #tpu.memory_space<vmem>>, %arg6: memref<128x32xf32, #tpu.memory_space<vmem>>, %arg7: memref<1x128xf32, #tpu.memory_space<vmem>>) attributes {dimension_semantics = [#tpu.dimension_semantics<arbitrary>], iteration_bounds = array<i64: 50>, scalar_prefetch = 0 : i64, scratch_operands = 2 : i64, tpu.core_type = #tpu.core_type<tc>, window_params = [{transform_indices = @transform_0, window_bounds = array<i64: 2000, 32>}, {transform_indices = @transform_1, window_bounds = array<i64: 1, 1, 2000>}, {pipeline_mode = #tpu.pipeline_mode<synchronous>, transform_indices = @transform_2, window_bounds = array<i64: 1, 32>}, {pipeline_mode = #tpu.pipeline_mode<synchronous>, transform_indices = @transform_3, window_bounds = array<i64: 1, 1>}, {pipeline_mode = #tpu.pipeline_mode<synchronous>, transform_indices = @transform_4, window_bounds = array<i64: 1, 128>}]} {
    %eq3A = arith.constant 0 : i32
    %eq3A_0 = arith.cmpi eq, %arg0, %eq3A : i32
    %convert_element_type3A = arith.extui %eq3A_0 : i1 to i32
    %cond3A = arith.constant 0 : i32
    %cond3A_1 = arith.cmpi ne, %convert_element_type3A, %cond3A : i32
    scf.if %cond3A_1 {
      %broadcast_in_dim3A_32 = arith.constant 0.000000e+00 : f32
      %broadcast_in_dim3A_33 = vector.broadcast %broadcast_in_dim3A_32 : f32 to vector<128x32xf32>
      %swap3A_34 = arith.constant 0 : index
      %swap3A_35 = arith.constant 0 : index
      %swap3A_36 = vector.load %arg6[%swap3A_34, %swap3A_35] : memref<128x32xf32, #tpu.memory_space<vmem>>, vector<128x32xf32>
      tpu.vector_store %arg6[%swap3A_34, %swap3A_35], %broadcast_in_dim3A_33 {strides = array<i32>} : memref<128x32xf32, #tpu.memory_space<vmem>>, vector<128x32xf32>,
      %broadcast_in_dim3A_37 = arith.constant 0.000000e+00 : f32
      %broadcast_in_dim3A_38 = vector.broadcast %broadcast_in_dim3A_37 : f32 to vector<1x128xf32>
      %swap3A_39 = arith.constant 0 : index
      %swap3A_40 = arith.constant 0 : index
      %swap3A_41 = vector.load %arg7[%swap3A_39, %swap3A_40] : memref<1x128xf32, #tpu.memory_space<vmem>>, vector<1x128xf32>
      tpu.vector_store %arg7[%swap3A_39, %swap3A_40], %broadcast_in_dim3A_38 {strides = array<i32>} : memref<1x128xf32, #tpu.memory_space<vmem>>, vector<1x128xf32>,
    } else {
    }
    %get3A = arith.constant 0 : index
    %get3A_2 = arith.constant 0 : index
    %get3A_3 = arith.constant 0 : index
    %get3A_4 = vector.load %arg2[%get3A, %get3A_2, %get3A_3] : memref<1x1x2000xi32, #tpu.memory_space<vmem>>, vector<1x1x2000xi32>
    %get3A_5 = vector.shape_cast %get3A_4 : vector<1x1x2000xi32> to vector<2000xi32>
    %iota3A = tpu.iota {dimensions = array<i32: 1>} : vector<2000x128xi32>
    %broadcast_in_dim3A = vector.shape_cast %get3A_5 : vector<2000xi32> to vector<2000x1xi32>
    %eq3A_6 = vector.broadcast %broadcast_in_dim3A : vector<2000x1xi32> to vector<2000x128xi32>
    %eq3A_7 = arith.cmpi eq, %eq3A_6, %iota3A : vector<2000x128xi32>
    %convert_element_type3A_8 = arith.extui %eq3A_7 : vector<2000x128xi1> to vector<2000x128xi32>
    %convert_element_type3A_9 = arith.sitofp %convert_element_type3A_8 : vector<2000x128xi32> to vector<2000x128xf32>
    %get3A_10 = arith.constant 0 : index
    %get3A_11 = arith.constant 0 : index
    %get3A_12 = vector.load %arg6[%get3A_10, %get3A_11] : memref<128x32xf32, #tpu.memory_space<vmem>>, vector<128x32xf32>
    %get3A_13 = arith.constant 0 : index
    %get3A_14 = arith.constant 0 : index
    %get3A_15 = vector.load %arg1[%get3A_13, %get3A_14] : memref<2000x32xf32, #tpu.memory_space<vmem>>, vector<2000x32xf32>
    %dot_general3A = arith.constant dense<0.000000e+00> : vector<128x32xf32>
    %dot_general3A_16 = tpu.matmul %convert_element_type3A_9, %get3A_15, %dot_general3A {dimension_numbers = #tpu.dot_dimension_numbers<[0], [0], [1], [1], [0, 1, 1, 1], [], []>, precision = #tpu.contract_precision<fp32>, transpose_lhs_hint = false} : vector<2000x128xf32>, vector<2000x32xf32>, vector<128x32xf32> -> vector<128x32xf32>
    %add3A = arith.addf %get3A_12, %dot_general3A_16 : vector<128x32xf32>
    %swap3A = arith.constant 0 : index
    %swap3A_17 = arith.constant 0 : index
    %swap3A_18 = vector.load %arg6[%swap3A, %swap3A_17] : memref<128x32xf32, #tpu.memory_space<vmem>>, vector<128x32xf32>
    tpu.vector_store %arg6[%swap3A, %swap3A_17], %add3A {strides = array<i32>} : memref<128x32xf32, #tpu.memory_space<vmem>>, vector<128x32xf32>,
    %get3A_19 = arith.constant 0 : index
    %get3A_20 = arith.constant 0 : index
    %get3A_21 = vector.load %arg7[%get3A_19, %get3A_20] : memref<1x128xf32, #tpu.memory_space<vmem>>, vector<1x128xf32>
    %reduce_sum3A = arith.constant dense<0.000000e+00> : vector<128xf32>
    %reduce_sum3A_22 = vector.multi_reduction <add>, %convert_element_type3A_9, %reduce_sum3A [0] : vector<2000x128xf32> to vector<128xf32>
    %reshape3A = vector.shape_cast %reduce_sum3A_22 : vector<128xf32> to vector<1x128xf32>
    %add3A_23 = arith.addf %get3A_21, %reshape3A : vector<1x128xf32>
    %swap3A_24 = arith.constant 0 : index
    %swap3A_25 = arith.constant 0 : index
    %swap3A_26 = vector.load %arg7[%swap3A_24, %swap3A_25] : memref<1x128xf32, #tpu.memory_space<vmem>>, vector<1x128xf32>
    tpu.vector_store %arg7[%swap3A_24, %swap3A_25], %add3A_23 {strides = array<i32>} : memref<1x128xf32, #tpu.memory_space<vmem>>, vector<1x128xf32>,
    %eq3A_27 = arith.constant 49 : i32
    %eq3A_28 = arith.cmpi eq, %arg0, %eq3A_27 : i32
    %convert_element_type3A_29 = arith.extui %eq3A_28 : i1 to i32
    %cond3A_30 = arith.constant 0 : i32
    %cond3A_31 = arith.cmpi ne, %convert_element_type3A_29, %cond3A_30 : i32
    scf.if %cond3A_31 {
      %get3A_32 = arith.constant 0 : index
      %get3A_33 = arith.constant 0 : index
      %get3A_34 = vector.load %arg7[%get3A_32, %get3A_33] : memref<1x128xf32, #tpu.memory_space<vmem>>, vector<1x128xf32>
      %get3A_35 = vector.shape_cast %get3A_34 : vector<1x128xf32> to vector<128xf32>
      %max3A = arith.constant 1.000000e+00 : f32
      %max3A_36 = vector.broadcast %max3A : f32 to vector<128xf32>
      %max3A_37 = arith.maximumf %get3A_35, %max3A_36 : vector<128xf32>
      %get3A_38 = arith.constant 0 : index
      %get3A_39 = arith.constant 0 : index
      %get3A_40 = vector.load %arg6[%get3A_38, %get3A_39] : memref<128x32xf32, #tpu.memory_space<vmem>>, vector<128x32xf32>
      %broadcast_in_dim3A_41 = vector.shape_cast %max3A_37 : vector<128xf32> to vector<128x1xf32>
      %div3A = vector.broadcast %broadcast_in_dim3A_41 : vector<128x1xf32> to vector<128x32xf32>
      %div3A_42 = arith.divf %get3A_40, %div3A : vector<128x32xf32>
      %get3A_43 = arith.constant 0 : index
      %get3A_44 = arith.constant 0 : index
      %get3A_45 = vector.load %arg3[%get3A_43, %get3A_44] : memref<1x32xf32, #tpu.memory_space<vmem>>, vector<1x32xf32>
      %mul3A = vector.broadcast %get3A_45 : vector<1x32xf32> to vector<128x32xf32>
      %mul3A_46 = arith.mulf %div3A_42, %mul3A : vector<128x32xf32>
      %reduce_sum3A_47 = arith.constant dense<0.000000e+00> : vector<128xf32>
      %reduce_sum3A_48 = vector.multi_reduction <add>, %mul3A_46, %reduce_sum3A_47 [1] : vector<128x32xf32> to vector<128xf32>
      %get3A_49 = arith.constant 0 : index
      %get3A_50 = arith.constant 0 : index
      %get3A_51 = vector.load %arg4[%get3A_49, %get3A_50] : memref<1x1xf32, #tpu.memory_space<vmem>>, vector<1x1xf32>
      %get3A_52 = vector.extract %get3A_51[0, 0] : f32 from vector<1x1xf32>
      %add3A_53 = vector.broadcast %get3A_52 : f32 to vector<128xf32>
      %add3A_54 = arith.addf %reduce_sum3A_48, %add3A_53 : vector<128xf32>
      %swap3A_55 = arith.constant 0 : index
      %swap3A_56 = arith.constant 0 : index
      %swap3A_57 = vector.load %arg5[%swap3A_55, %swap3A_56] : memref<1x128xf32, #tpu.memory_space<vmem>>, vector<1x128xf32>
      %swap3A_58 = vector.shape_cast %swap3A_57 : vector<1x128xf32> to vector<128xf32>
      %swap3A_59 = vector.shape_cast %add3A_54 : vector<128xf32> to vector<1x128xf32>
      tpu.vector_store %arg5[%swap3A_55, %swap3A_56], %swap3A_59 {strides = array<i32>} : memref<1x128xf32, #tpu.memory_space<vmem>>, vector<1x128xf32>,
    } else {
    }
    return
  }
  func.func @transform_0(%arg0: i32) -> (i32, i32) {
    %c0_i32 = arith.constant 0 : i32
    %c0_i32_0 = arith.constant 0 : i32
    return %arg0, %c0_i32 : i32, i32
  }
  func.func @transform_1(%arg0: i32) -> (i32, i32, i32) {
    %c0_i32 = arith.constant 0 : i32
    %c0_i32_0 = arith.constant 0 : i32
    %c0_i32_1 = arith.constant 0 : i32
    return %arg0, %c0_i32, %c0_i32_0 : i32, i32, i32
  }
  func.func @transform_2(%arg0: i32) -> (i32, i32) {
    %c0_i32 = arith.constant 0 : i32
    %c0_i32_0 = arith.constant 0 : i32
    %c0_i32_1 = arith.constant 0 : i32
    return %c0_i32, %c0_i32_0 : i32, i32
  }
  func.func @transform_3(%arg0: i32) -> (i32, i32) {
    %c0_i32 = arith.constant 0 : i32
    %c0_i32_0 = arith.constant 0 : i32
    %c0_i32_1 = arith.constant 0 : i32
    return %c0_i32, %c0_i32_0 : i32, i32
  }
  func.func @transform_4(%arg0: i32) -> (i32, i32) {
    %c0_i32 = arith.constant 0 : i32
    %c0_i32_0 = arith.constant 0 : i32
    %c0_i32_1 = arith.constant 0 : i32
    return %c0_i32, %c0_i32_0 : i32, i32
  }
}

</mosaic_0001>

<sc_bundles>
// kernel: kernel.12.cloned.1.call-start
scs
__scs_entry_jumppad:
0x0: {  	(pc) =	sbr.rel $0x88, $3  }
0x1: {  	(tag) =	ssettag $0x0;
	lr =	simm.s32 $0x1  }
0x2: {  	[smem:$0x3F95] =	sst lr;
	_ =	strace $0xD0000000  }
0x3: {  	_ = 	snop  }
0x4: {  	_ = 	snop  }
0x5: {  	_ = 	snop  }
0x6: {  	_ = 	snop  }
0x7: {  	_ = 	snop  }
__scs_overlays_trampoline_lowered:
0x8: {  	[smem:$0x3FA4] =	sst s0  }
0x9: {  	[smem:$0x3FA5] =	sst s1  }
0xa: {  	[smem:$0x3FA6] =	sst s2  }
0xb: {  	[smem:$0x3FA7] =	sst s3  }
0xc: {  	[smem:$0x3FA8] =	sst s4  }
0xd: {  	[smem:$0x3FA9] =	sst s5  }
0xe: {  	[smem:$0x3FAA] =	sst s6  }
0xf: {  	[smem:$0x3FAB] =	sst s7  }
0x10: {  	[smem:$0x3FAC] =	sst s8  }
0x11: {  	[smem:$0x3FAD] =	sst s9;
	s0 =	simm.s32 @!p0 $0x0  }
0x12: {  	s1 =	sld [smem:$0x3F93];
	s0 =	simm.s32 @p0 $0x1  }
0x13: {  	[smem:$0x3FAE] =	sst s0;
	s0 =	simm.s32 @!p1 $0x0  }
0x14: {  	s2 =	sld [smem:$0x3F92];
	s0 =	simm.s32 @p1 $0x1  }
0x15: {  	[smem:$0x3FAF] =	sst s0;
	s0 =	simm.s32 @!p2 $0x0  }
0x16: {  	s3 =	sld [smem:$0x3FDB];
	s0 =	simm.s32 @p2 $0x1  }
0x17: {  	s4 =	simm.s32 $0x1BF5;
	[smem:$0x3FB1] =	sst s0  }
0x18: {  	s0 =	sld [smem:$0x3F94];
	_ =	swait.ge [sflag:s4], $0x0  }
0x19: {  	s7 =	sld [smem:$0x3F95]  }
0x1a: {  	s8 =	sadd.s32 $0xFFFFE003, lr  }
0x1b: {  	s9 =	sadd.s32 $0xFFFFFEF7, lr;
	s5 =	simm.s32 $0xFFFFFFFF;
	p2 =	slt.u32 s8, $0xFFFFF086  }
0x1c: {  	p1 =	slt.u32 s9, $0xF7A;
	s5 =	simm.s32 @!p2 $0x0  }
0x1d: {  	s5 =	simm.s32 @p1 $0x1;
	p0 =	seq.s32 s7, s2  }
0x1e: {  	s7 =	smul.u32 @!p0 $0xF7A, s2;
	p2 =	seq.s32 @!p0 s5, $0x0  }
0x1f: {  	s9 =	smul.u32 $0xF7A, s1;
	s8 =	simm.s32 @!p0 $0x1BF5;
	p2 =	por !p2, p0  }
0x20: {  	[sflag:s8] =	ssyncset.s32 @!p0 $0xFFFFF086;
	s6 =	sadd.s32 @!p0 s3, s7;
	s7 =	simm.s32 @!p0 $0x108  }
0x21: {  	s3 =	sadd.s32 s3, s9;
	s6 =	sadd.s32 @!p0 $0x88, s6;
	s7 =	simm.s32 @p2 $0x1082  }
0x22: {  	[simem:s7], [sflag:s8] =	dma.local @!p0 [hbm:s6], $0xF7A  }
0x23: {  	s9 =	sor.u32 $0xD0000000, s2;
	s6 =	simm.s32 $0x108;
	_ =	swait.ge @!p0 [sflag:s8], $0x0  }
0x24: {  	s3 =	sadd.s32 $0x88, s3;
	s6 =	simm.s32 @!p1 $0x1082;
	[sflag:s4] =	ssyncset.s32 $0xFFFFF086  }
0x25: {  	[simem:s6], [sflag:s4] =	dma.local [hbm:s3], $0xF7A  }
0x26: {  	[smem:$0x3F95] =	sst s1;
	(tag) =	ssettag s2;
	_ =	strace s9  }
0x27: {  	s1 =	sld [smem:$0x3FA5]  }
0x28: {  	s2 =	sld [smem:$0x3FA6]  }
0x29: {  	s4 =	sld [smem:$0x3FA8]  }
0x2a: {  	p0 =	seq.s32 s5, $0x0;
	s5 =	sld [smem:$0x3FA9]  }
0x2b: {  	s6 =	sld [smem:$0x3FAA]  }
0x2c: {  	s7 =	sld [smem:$0x3FAB]  }
0x2d: {  	s3 =	simm.s32 $0x108;
	s8 =	sld [smem:$0x3FAC]  }
0x2e: {  	s3 =	simm.s32 @!p0 $0x1082;
	s9 =	sld [smem:$0x3FAD]  }
0x2f: {  	lr =	sadd.s32 s0, s3;
	s0 =	sld [smem:$0x3FA4]  }
0x30: {  	s3 =	sld [smem:$0x3FA7]  }
0x31: {  	[smem:$0x3FB0] =	sst s10  }
0x32: {  	s10 =	sld [smem:$0x3FAE];
	_ =	sdelay $0x3  }
0x33: {  	p0 =	seq.s32 s10, $0x1;
	s10 =	sld [smem:$0x3FB0];
	_ =	sdelay $0x3  }
0x34: {  	[smem:$0x3FB0] =	sst s10  }
0x35: {  	s10 =	sld [smem:$0x3FAF];
	_ =	sdelay $0x3  }
0x36: {  	p1 =	seq.s32 s10, $0x1;
	s10 =	sld [smem:$0x3FB0];
	_ =	sdelay $0x3  }
0x37: {  	[smem:$0x3FB0] =	sst s10  }
0x38: {  	s10 =	sld [smem:$0x3FB1]  }
0x39: {  	_ = 	snop;
	(pc) =	sbr.ind lr, $3  }
0x3a: {  	_ = 	snop  }
0x3b: {  	_ = 	snop  }
0x3c: {  	p2 =	seq.s32 s10, $0x1;
	s10 =	sld [smem:$0x3FB0]  }
0x3d: {  	_ =	shalt  }
0x3e: {  	_ =	shalt  }
0x3f: {  	_ =	shalt  }
0x40: {  	_ =	shalt  }
0x41: {  	_ =	shalt  }
0x42: {  	_ =	shalt  }
0x43: {  	_ =	shalt  }
0x44: {  	_ =	shalt  }
0x45: {  	_ =	shalt  }
0x46: {  	_ =	shalt  }
0x47: {  	_ =	shalt  }
0x48: {  	_ =	shalt  }
0x49: {  	_ =	shalt  }
0x4a: {  	_ =	shalt  }
0x4b: {  	_ =	shalt  }
0x4c: {  	_ =	shalt  }
0x4d: {  	_ =	shalt  }
0x4e: {  	_ =	shalt  }
0x4f: {  	_ =	shalt  }
0x50: {  	_ =	shalt  }
0x51: {  	_ =	shalt  }
0x52: {  	_ =	shalt  }
0x53: {  	_ =	shalt  }
0x54: {  	_ =	shalt  }
0x55: {  	_ =	shalt  }
0x56: {  	_ =	shalt  }
0x57: {  	_ =	shalt  }
0x58: {  	_ =	shalt  }
0x59: {  	_ =	shalt  }
0x5a: {  	_ =	shalt  }
0x5b: {  	_ =	shalt  }
0x5c: {  	_ =	shalt  }
0x5d: {  	_ =	shalt  }
0x5e: {  	_ =	shalt  }
0x5f: {  	_ =	shalt  }
0x60: {  	_ =	shalt  }
0x61: {  	_ =	shalt  }
0x62: {  	_ =	shalt  }
0x63: {  	_ =	shalt  }
0x64: {  	_ =	shalt  }
0x65: {  	_ =	shalt  }
0x66: {  	_ =	shalt  }
0x67: {  	_ =	shalt  }
0x68: {  	_ =	shalt  }
0x69: {  	_ =	shalt  }
0x6a: {  	_ =	shalt  }
0x6b: {  	_ =	shalt  }
0x6c: {  	_ =	shalt  }
0x6d: {  	_ =	shalt  }
0x6e: {  	_ =	shalt  }
0x6f: {  	_ =	shalt  }
0x70: {  	_ =	shalt  }
0x71: {  	_ =	shalt  }
0x72: {  	_ =	shalt  }
0x73: {  	_ =	shalt  }
0x74: {  	_ =	shalt  }
0x75: {  	_ =	shalt  }
0x76: {  	_ =	shalt  }
0x77: {  	_ =	shalt  }
0x78: {  	_ =	shalt  }
0x79: {  	_ =	shalt  }
0x7a: {  	_ =	shalt  }
0x7b: {  	_ =	shalt  }
0x7c: {  	_ =	shalt  }
0x7d: {  	_ =	shalt  }
0x7e: {  	_ =	shalt  }
0x7f: {  	_ =	shalt  }
0x80: {  	_ =	shalt  }
0x81: {  	_ =	shalt  }
0x82: {  	_ =	shalt  }
0x83: {  	_ =	shalt  }
0x84: {  	_ =	shalt  }
0x85: {  	_ =	shalt  }
0x86: {  	_ =	shalt  }
0x87: {  	_ =	shalt  }
.Lfunc_end0:
.L_simem_size_0:
called_computation_lowered:
.L_overlay_start_0:
0x88: {  	s2 =	sld [smem:$0x3FD9]  }
0x89: {  	s3 =	sld [smem:$0x3FFE];
	_ =	sdelay $0x1  }
0x8a: {  	s1 =	srdreg.scid  }
0x8b: {  	s0 =	sand.u32 $0x1, s1  }
0x8c: {  	s17 =	sshll.u32 s0, $0xA;
	s2 =	sadd.s32 s3, s2  }
0x8d: {  	s2 =	sadd.s32 s2, s17  }
0x8e: {  	[smem:$0x3FBC] =	sst s2  }
0x8f: {  	_ = 	snop  }
0x90: {  	s2 =	sld [smem:$0x3FD0];
	(tm) =	ssettm $0x1  }
0x91: {  	s18 =	sld [smem:$0x3FFB];
	_ =	sdelay $0x3  }
0x92: {  	_ =	strace s18  }
0x93: {  	s3 =	sld [smem:$0x3FFC];
	_ =	sdelay $0x3  }
0x94: {  	_ =	strace s3  }
0x95: {  	s3 =	sld [smem:$0x3FFD];
	_ =	sdelay $0x3  }
0x96: {  	_ =	strace s3  }
0x97: {  	_ =	strace $0x8FFFFFFF  }
0x98: {  	s19 =	sld [smem:$0x3FDB];
	_ =	sdelay $0x1  }
0x99: {  	s4 =	simm.s32 $_scs_section_size  }
0x9a: {  	s5 =	simm.s32 $_size__tile_overlayer_lowered;
	s6 =	simm.s32 $_tile_overlayer_lowered  }
0x9b: {  	s22 =	simm.s32 $0x1BFF;
	s21 =	sshll.u32 s6, $0x1;
	s3 =	sadd.s32 s4, s19  }
0x9c: {  	s7 =	simm.s32 $0x0;
	s20 =	sshll.u32 s5, $0x1;
	s5 =	sadd.s32 s21, s3  }
0x9d: {  	[timem:s7], [sflag:s22] =	dma.local [hbm:s5], s20  }
0x9e: {  	_ =	swait.ge [sflag:s22], s20  }
0x9f: {  	s4 =	ssub.s32 $0x0, s20;
	[sflag:s22] =	ssyncset.done $0x0  }
0xa0: {  	[sflag:s22] =	ssyncadd.s32 s4;
	_ =	sdelay $0x1  }
0xa1: {  	s23 =	simm.s32 $0x1B8B  }
0xa2: {  	_ =	swait.ge [sflag:s23], $0x1  }
0xa3: {  	[sflag:s23] =	ssyncset.done $0x0  }
0xa4: {  	s25 =	simm.s32 $0x1B8E;
	s24 =	sld [smem:$0x3FFE];
	[sflag:s23] =	ssyncadd.s32 $0xFFFFFFFF  }
0xa5: {  	s26 =	simm.s32 $execute0_lowered;
	[smem:$0x3FD2] =	sst s25  }
0xa6: {  	s5 =	sshll.u32 s26, $0x1;
	_ =	strace $0x80000046;
	[dreg:$0x1] =	wrdreg $0xFFFFFFFF  }
0xa7: {  	s28 =	simm.s32 $_size_execute0_lowered;
	s3 =	sadd.s32 s3, s5;
	[dreg:$0x0] =	wrdreg $0x0  }
0xa8: {  	s5 =	sshll.u32 s28, $0x1;
	[dreg:$0x2] =	wrdreg s3  }
0xa9: {  	[dreg:$0x3] =	wrdreg s5  }
0xaa: {  	[dreg:$0x4] =	wrdreg $0xC0  }
0xab: {  	_ =	task [dreg:s7], $0x5FFFF  }
0xac: {  	[dreg:$0x1] =	wrdreg $0xFFFFFFFF  }
0xad: {  	[dreg:$0x0] =	wrdreg $0x60  }
0xae: {  	[dreg:$0x2] =	wrdreg s24  }
0xaf: {  	[dreg:$0x3] =	wrdreg s2  }
0xb0: {  	[dreg:$0x4] =	wrdreg $0x34200  }
0xb1: {  	[dreg:$0x5] =	wrdreg $0x9  }
0xb2: {  	_ =	task.clear_ibuf [dreg:s7], $0x6FFFF;
	_ =	strace $0x90000046  }
0xb3: {  	s29 =	simm.s32 $0x9;
	_ =	strace $0x80000048  }
0xb4: {  	_ =	swait.ge [sflag:s29], $0x1  }
0xb5: {  	[sflag:s29] =	ssyncadd.s32 $0xFFFFFFFF  }
0xb6: {  	_ =	strace $0x90000048  }
0xb7: {  	_ =	sfence  }
0xb8: {  	s30 =	sld [smem:$0x0];
	_ =	sdelay $0x2  }
0xb9: {  	s31 =	sshll.u32 s1, $0xD;
	s1 =	sshrl.u32 s1, $0x2  }
0xba: {  	s3 =	sand.u32 $0x4000, s31;
	s1 =	sadd.s32 s1, s30  }
0xbb: {  	s0 =	sor.u32 s3, s0;
	s1 =	sshll.u32 s1, $0x11  }
0xbc: {  	s0 =	sor.u32 s1, s0  }
0xbd: {  	s0 =	sadd.s32 $0x8F2B, s0  }
0xbe: {  	[sflag:s0] =	ssyncadd.remote.s32 $0x1  }
0xbf: {  	_ =	sfence.sel $0xFFFF  }
0xc0: {  	[dreg:$0x0] =	wrdreg $0xFFFFFFFF;
	(pc) =	sbr.abs _section_cstart, $3  }
0xc1: {  	[dreg:$0x1] =	wrdreg $0xFFFFFFFF  }
0xc2: {  	_ =	task.clear_ibuf [dreg:s7], $0x2FFFF;
	_ =	strace $0x9FFFFFFF  }
0xc3: {  	(tm) =	ssettm $0x7FFFFFFF  }
tec
execute0_lowered:
.L_overlay_start_1:
0x0: {  	(tag) =	ssettag $0x1  }
0x1: {  	s0 =	rddreg [dreg:$0x0]  }
0x2: {  	s2 =	rddreg [dreg:$0x2]  }
0x3: {  	s3 =	simm.s32 $0x0;
	s4 =	srdreg.scid;
	s1 =	stileid.u32  }
0x4: {  	s15 =	simm.s32 $0x3380;
	s16 =	simm.s32 $0x3;
	s17 =	simm.s32 $0x3400  }
0x5: {  	s20 =	simm.s32 $0x80;
	s21 =	simm.s32 $0x380;
	s22 =	simm.s32 $0x1380  }
0x6: {  	s23 =	simm.s32 $0x1;
	s24 =	simm.s32 $0x2;
	s26 =	simm.s32 $0x2380  }
0x7: {  	s28 =	simm.s32 $0x0;
	[smem:$0x7FF] =	sst s3;
	s5 =	sadd.s32 $0x69600, s0  }
0x8: {  	s4 =	sand.u32 $0x1, s4;
	s6 =	sadd.s32 $0x7A00, s0;
	s8 =	sadd.s32 $0x1F0E00, s0  }
0x9: {  	s7 =	sadd.s32 $0xCB200, s0;
	s11 =	smul.u32 $0xC38, s1;
	s9 =	sadd.s32 $0x12CE00, s0  }
0xa: {  	s10 =	sadd.s32 $0x1F0600, s0;
	s13 =	smul.u32 $0x61C00, s1;
	s31 =	sshll.u32 s1, $0x6  }
0xb: {  	_ =	strace $0x80000047;
	s25 =	smul.u32 $0xC380, s4;
	s4 =	ssub.s32 $0x2, s4  }
0xc: {  	s18 =	sor.u32 $0x1C03, s31;
	s14 =	sshrl.u32 s4, $0x1;
	s30 =	sshrl.u32 s13, $0x2  }
0xd: {  	s12 =	sadd.s32 s11, s25;
	s11 =	sadd.s32 $0xFC000, s0;
	s4 =	ssub.s32 s4, s14  }
0xe: {  	s19 =	sadd.s32 s30, s2;
	v0 =	vmov s25;
	s25 =	simm.s32 $0x100;
	s12 =	sshll.u32 s12, $0x2  }
0xf: {  	s14 =	smax.u32 s4, $0x1;
	s19 =	sshrl.u32 s19, $0x3;
	s0 =	sadd.s32 s12, s0  }
0x10: {  	s12 =	smul.u32 $0x18700, s1;
	s1 =	simm.s32 $0x0;
	s13 =	sadd.s32 $0x221C00, s0  }
.LBB2_1:
0x11: {  	s0 =	rddreg [dreg:$0x1]  }
0x12: {  	[tilespmem:s15], [sflag:$0x3] =	stream.linear.gather [hbm4b:s0+s3], $0x80, $0x38;
	[tilespmem:$0x1BB30] =	vst v63  }
0x13: {  	_ =	swait.ge [sflag:s16], $0x80  }
0x14: {  	[sflag:s16] =	ssyncset.done $0x0  }
0x15: {  	[sflag:s16] =	ssyncadd.s32 $0xFFFFFF80  }
0x16: {  	[tilespmem:s17], [sflag:$0x3] =	stream.linear.gather [hbm4b:s10+s3], $0x20, $0x38;
	[tilespmem:$0x1BB30] =	vst v63  }
0x17: {  	_ =	swait.ge [sflag:s16], $0x20  }
0x18: {  	[sflag:s16] =	ssyncset.done $0x0  }
0x19: {  	[sflag:s16] =	ssyncadd.s32 $0xFFFFFFE0  }
0x1a: {  	[spmem:s19], [sflag:s18] =	dma.local [hbm:s11], $0x30E0  }
0x1b: {  	_ =	swait.ge [sflag:s16], $0x30E0  }
0x1c: {  	[sflag:s16] =	ssyncset.done $0x0  }
0x1d: {  	[sflag:s16] =	ssyncadd.s32 $0xFFFFCF20  }
0x1e: {  	[bflag:$0x0] =	sbarrier.arrive $0xFFFF  }
0x1f: {  	v1 =	vld [tilespmem:$0x3380]  }
0x20: {  	v2 =	vld [tilespmem:$0x33A0]  }
0x21: {  	v3 =	vld [tilespmem:$0x33C0]  }
0x22: {  	v4 =	vld [tilespmem:$0x33E0]  }
0x23: {  	v5 =	vld [tilespmem:$0x3390]  }
0x24: {  	v6 =	vld [tilespmem:$0x33B0]  }
0x25: {  	v7 =	vld [tilespmem:$0x33D0]  }
0x26: {  	v8 =	vld [tilespmem:$0x33F0]  }
0x27: {  	v9 =	vld [tilespmem:$0x3400]  }
0x28: {  	s29 =	simm.s32 $0x0;
	v10 =	vld [tilespmem:$0x3410]  }
.LBB2_2:
0x29: {  	s0 =	sshll.u32 s29, $0x7  }
0x2a: {  	s0 =	sadd.s32 s12, s0  }
0x2b: {  	s4 =	sshrl.u32 s0, $0x3  }
0x2c: {  	s30 =	sadd.s32 s7, s4  }
0x2d: {  	[tilespmem:s1], [sflag:$0x3] =	stream.linear.gather [hbm4b:s30+s1], $0x80, $0x38;
	[tilespmem:$0x1BB30] =	vst v63  }
0x2e: {  	_ =	swait.ge [sflag:s16], $0x80  }
0x2f: {  	[sflag:s16] =	ssyncset.done $0x0  }
0x30: {  	s4 =	sadd.s32 s8, s4;
	[sflag:s16] =	ssyncadd.s32 $0xFFFFFF80  }
0x31: {  	[tilespmem:s20], [sflag:$0x3] =	stream.linear.gather [hbm4b:s4+s1], $0x80, $0x38;
	[tilespmem:$0x1BB30] =	vst v63  }
0x32: {  	_ =	swait.ge [sflag:s16], $0x80  }
0x33: {  	s0 =	sshrl.u32 s0, $0x1;
	[sflag:s16] =	ssyncset.done $0x0  }
0x34: {  	s31 =	simm.s32 $0x180;
	s0 =	sadd.s32 s9, s0;
	[sflag:s16] =	ssyncadd.s32 $0xFFFFFF80  }
0x35: {  	[tilespmem:s31], [sflag:$0x3] =	stream.linear.gather [hbm4b:s0+s1], $0x200, $0x38;
	[tilespmem:$0x1BB30] =	vst v63  }
0x36: {  	_ =	swait.ge [sflag:s16], $0x200  }
0x37: {  	[sflag:s16] =	ssyncset.done $0x0  }
0x38: {  	[sflag:s16] =	ssyncadd.s32 $0xFFFFFE00  }
0x39: {  	[tilespmem:s21], [sflag:$0x1] =	stream.indirect.gather [hbm4b:s5+s20], $0x20, s1, s20, $0xb8;
	[tilespmem:$0x1BB30] =	vst v63  }
0x3a: {  	_ = 	snop  }
0x3b: {  	[tilespmem:s22], [sflag:$0x2] =	stream.indirect.gather [hbm4b:s6+s20], $0x20, s20, s20, $0xb8;
	[tilespmem:$0x1BB30] =	vst v63  }
0x3c: {  	_ =	swait.ge [sflag:s23], $0x1000  }
0x3d: {  	[sflag:s23] =	ssyncset.done $0x0  }
0x3e: {  	[sflag:s23] =	ssyncadd.s32 $0xFFFFF000  }
0x3f: {  	_ =	swait.ge [sflag:s24], $0x1000  }
0x40: {  	[sflag:s24] =	ssyncset.done $0x0  }
0x41: {  	[sflag:s24] =	ssyncadd.s32 $0xFFFFF000  }
0x42: {  	v11 =	vld [tilespmem:$0x80]  }
0x43: {  	v12 =	vld [tilespmem:$0x90]  }
0x44: {  	v13 =	vld [tilespmem:$0xA0]  }
0x45: {  	v14 =	vld [tilespmem:$0xB0]  }
0x46: {  	v15 =	vld [tilespmem:$0xC0]  }
0x47: {  	v16 =	vld [tilespmem:$0xD0];
	v11 =	vsub.s32 v11, v0  }
0x48: {  	v17 =	vld [tilespmem:$0xE0];
	v12 =	vsub.s32 v12, v0;
	v11 =	vmin.u32 v11, $0xC380  }
0x49: {  	[tilespmem:$0x100] =	vst v11;
	v11 =	vmin.u32 v12, $0xC380;
	v12 =	vsub.s32 v13, v0;
	v13 =	vld [tilespmem:$0xF0]  }
0x4a: {  	[tilespmem:$0x110] =	vst v11;
	v11 =	vmin.u32 v12, $0xC380;
	v12 =	vsub.s32 v14, v0  }
0x4b: {  	[tilespmem:$0x120] =	vst v11;
	v11 =	vmin.u32 v12, $0xC380;
	v12 =	vsub.s32 v15, v0  }
0x4c: {  	[tilespmem:$0x130] =	vst v11;
	v11 =	vmin.u32 v12, $0xC380;
	v12 =	vsub.s32 v16, v0  }
0x4d: {  	[tilespmem:$0x140] =	vst v11;
	v11 =	vmin.u32 v12, $0xC380;
	v12 =	vsub.s32 v17, v0  }
0x4e: {  	[tilespmem:$0x150] =	vst v11;
	v11 =	vmin.u32 v12, $0xC380;
	v12 =	vsub.s32 v13, v0  }
0x4f: {  	[tilespmem:$0x160] =	vst v11;
	v11 =	vmin.u32 v12, $0xC380  }
0x50: {  	s30 =	simm.s32 $0x0;
	[tilespmem:$0x170] =	vst v11  }
0x51: {  	v11 =	vld [tilespmem:s30+$0x380]  }
0x52: {  	v12 =	vld [tilespmem:s30+$0x1380]  }
0x53: {  	v13 =	vld [tilespmem:s30+$0x390]  }
0x54: {  	v14 =	vld [tilespmem:s30+$0x1390]  }
0x55: {  	v15 =	vld [tilespmem:s30+$0x3A0]  }
0x56: {  	v16 =	vld [tilespmem:s30+$0x13A0]  }
0x57: {  	v17 =	vld [tilespmem:s30+$0x3B0]  }
0x58: {  	v18 =	vld [tilespmem:s30+$0x13B0]  }
0x59: {  	v19 =	vld [tilespmem:s30+$0x3C0]  }
0x5a: {  	v20 =	vld [tilespmem:s30+$0x13C0]  }
0x5b: {  	v21 =	vld [tilespmem:s30+$0x3D0]  }
0x5c: {  	v22 =	vld [tilespmem:s30+$0x13D0]  }
0x5d: {  	v23 =	vld [tilespmem:s30+$0x3E0]  }
0x5e: {  	v25 =	vld [tilespmem:s30+$0x13E0]  }
0x5f: {  	v24 =	vld [tilespmem:s30+$0x3F0]  }
0x60: {  	s0 =	simm.s32 $0x200;
	v26 =	vld [tilespmem:s30+$0x13F0]  }
.LBB2_3:
0x61: {  	p0 =	sne.s32 s0, $0x3E00;
	v27 =	vld [tilespmem:s31+$0x0];
	v11 =	vadd.f32 v12, v11  }
0x62: {  	v12 =	vadd.f32 v14, v13;
	v13 =	vadd.f32 v16, v15  }
0x63: {  	v14 =	vadd.f32 v18, v17;
	v15 =	vadd.f32 v20, v19  }
0x64: {  	v16 =	vadd.f32 v22, v21;
	v17 =	vadd.f32 v25, v23  }
0x65: {  	v11 =	vadd.f32 v11, v9;
	v18 =	vadd.f32 v26, v24  }
0x66: {  	v12 =	vadd.f32 v12, v10;
	v19 =	vbroadcast v27, $0x0;
	v20 =	vbroadcast v27, $0x4  }
0x67: {  	v13 =	vadd.f32 v13, v9;
	v21 =	vbroadcast v27, $0x5;
	v22 =	vbroadcast v27, $0x6  }
0x68: {  	v14 =	vadd.f32 v14, v10;
	v24 =	vbroadcast v27, $0x1;
	v23 =	vmul.f32 v19, v1  }
0x69: {  	v15 =	vadd.f32 v15, v9;
	v19 =	vmul.f32 v19, v5;
	v25 =	vmul.f32 v20, v1  }
0x6a: {  	v26 =	vbroadcast v27, $0x2;
	v11 =	vadd.f32 v11, v23;
	v23 =	vmul.f32 v24, v2  }
0x6b: {  	v12 =	vadd.f32 v12, v19;
	v19 =	vmul.f32 v24, v6;
	v13 =	vadd.f32 v13, v25  }
0x6c: {  	v24 =	vbroadcast v27, $0x3;
	v11 =	vadd.f32 v11, v23;
	v23 =	vmul.f32 v26, v3  }
0x6d: {  	v25 =	vmul.f32 v21, v2;
	v12 =	vadd.f32 v12, v19;
	v19 =	vmul.f32 v26, v7  }
0x6e: {  	v11 =	vadd.f32 v11, v23;
	v23 =	vmul.f32 v24, v4;
	v24 =	vmul.f32 v24, v8  }
0x6f: {  	v13 =	vadd.f32 v13, v25;
	v12 =	vadd.f32 v12, v19;
	v19 =	vmul.f32 v22, v3  }
0x70: {  	v20 =	vmul.f32 v20, v5;
	v11 =	vadd.f32 v11, v23;
	v23 =	vbroadcast v27, $0x7  }
0x71: {  	v12 =	vadd.f32 v12, v24;
	v13 =	vadd.f32 v13, v19;
	v19 =	vmul.f32 v21, v6  }
0x72: {  	v14 =	vadd.f32 v14, v20;
	v11 =	vmax.f32 v11, $0.0e+00;
	v21 =	vmul.f32 v23, v4  }
0x73: {  	v20 =	vmul.f32 v23, v8;
	[tilespmem:s30+$0x2380] =	vst v11;
	v11 =	vmax.f32 v12, $0.0e+00;
	v12 =	vmul.f32 v22, v7  }
0x74: {  	[tilespmem:s30+$0x2390] =	vst v11;
	v11 =	vadd.f32 v13, v21;
	v13 =	vadd.f32 v14, v19;
	v14 =	vbroadcast v27, $0x8  }
0x75: {  	v16 =	vadd.f32 v16, v10;
	v19 =	vbroadcast v27, $0x9;
	v21 =	vbroadcast v27, $0xA  }
0x76: {  	v11 =	vmax.f32 v11, $0.0e+00;
	v12 =	vadd.f32 v13, v12;
	v13 =	vmul.f32 v14, v1  }
0x77: {  	v17 =	vadd.f32 v17, v9;
	v22 =	vmul.f32 v21, v3;
	[tilespmem:s30+$0x23A0] =	vst v11;
	v11 =	vmul.f32 v19, v2  }
0x78: {  	v12 =	vadd.f32 v12, v20;
	v13 =	vadd.f32 v15, v13;
	v15 =	vbroadcast v27, $0xB  }
0x79: {  	v18 =	vadd.f32 v18, v10;
	v14 =	vmul.f32 v14, v5;
	v19 =	vmul.f32 v19, v6  }
0x7a: {  	v12 =	vmax.f32 v12, $0.0e+00;
	v13 =	vadd.f32 v13, v11;
	v20 =	vmul.f32 v15, v4  }
0x7b: {  	s4 =	sshra.s32 s0, $0x2;
	v14 =	vadd.f32 v16, v14;
	v16 =	vmul.f32 v21, v7;
	v21 =	vmul.f32 v15, v8;
	[tilespmem:s30+$0x23B0] =	vst v12  }
0x7c: {  	v23 =	vbroadcast v27, $0xD;
	v11 =	vld [tilespmem:s4+$0x380];
	v15 =	vadd.f32 v13, v22;
	v22 =	vbroadcast v27, $0xC  }
0x7d: {  	v25 =	vbroadcast v27, $0xF;
	v24 =	vbroadcast v27, $0xE;
	v19 =	vadd.f32 v14, v19;
	v12 =	vld [tilespmem:s4+$0x1380]  }
0x7e: {  	v27 =	vmul.f32 v23, v2;
	v13 =	vld [tilespmem:s4+$0x390];
	v20 =	vadd.f32 v15, v20;
	v26 =	vmul.f32 v22, v1  }
0x7f: {  	v29 =	vmul.f32 v25, v4;
	v28 =	vmul.f32 v24, v3;
	v19 =	vadd.f32 v19, v16;
	v14 =	vld [tilespmem:s4+$0x1390]  }
0x80: {  	v22 =	vmul.f32 v22, v5;
	v15 =	vld [tilespmem:s4+$0x3A0];
	v20 =	vmax.f32 v20, $0.0e+00;
	v26 =	vadd.f32 v17, v26  }
0x81: {  	v19 =	vadd.f32 v19, v21;
	v16 =	vld [tilespmem:s4+$0x13A0];
	[tilespmem:s30+$0x23C0] =	vst v20;
	v20 =	vmul.f32 v23, v6;
	v23 =	vmul.f32 v24, v7  }
0x82: {  	v22 =	vadd.f32 v18, v22;
	v24 =	vmul.f32 v25, v8;
	v17 =	vld [tilespmem:s4+$0x3B0];
	v21 =	vadd.f32 v26, v27  }
0x83: {  	v25 =	vmax.f32 v19, $0.0e+00;
	v18 =	vld [tilespmem:s4+$0x13B0]  }
0x84: {  	v22 =	vadd.f32 v22, v20;
	v19 =	vld [tilespmem:s4+$0x3C0];
	[tilespmem:s30+$0x23D0] =	vst v25;
	v25 =	vadd.f32 v21, v28  }
0x85: {  	v20 =	vld [tilespmem:s4+$0x13C0]  }
0x86: {  	v26 =	vadd.f32 v22, v23;
	v21 =	vld [tilespmem:s4+$0x3D0];
	v25 =	vadd.f32 v25, v29  }
.Ltmp0:
0x87: {  	v22 =	vld [tilespmem:s4+$0x13D0];
	(pc) =	sbr.rel @p0 .LBB2_3-.Ltmp0, $4  }
0x88: {  	v26 =	vadd.f32 v26, v24;
	v23 =	vld [tilespmem:s4+$0x3E0];
	v27 =	vmax.f32 v25, $0.0e+00  }
0x89: {  	v25 =	vld [tilespmem:s4+$0x13E0];
	[tilespmem:s30+$0x23E0] =	vst v27  }
0x8a: {  	v27 =	vmax.f32 v26, $0.0e+00;
	v24 =	vld [tilespmem:s4+$0x3F0]  }
0x8b: {  	s0 =	sadd.s32 $0x200, s0;
	s31 =	sadd.s32 $0x10, s31;
	v26 =	vld [tilespmem:s4+$0x13F0];
	[tilespmem:s30+$0x23F0] =	vst v27;
	s30 =	smov.u32 s4  }
0x8c: {  	v27 =	vld [tilespmem:s31+$0x0];
	_ =	sdelay $0x4  }
0x8d: {  	v58 =	vbroadcast v27, $0x0  }
0x8e: {  	v51 =	vadd.f32 v14, v13;
	v59 =	vbroadcast v27, $0x4;
	v60 =	vbroadcast v27, $0x5  }
0x8f: {  	v52 =	vadd.f32 v16, v15;
	v61 =	vbroadcast v27, $0x6;
	v63 =	vbroadcast v27, $0x1  }
0x90: {  	v53 =	vadd.f32 v18, v17;
	v30 =	vbroadcast v27, $0x2;
	v33 =	vbroadcast v27, $0x3  }
0x91: {  	v54 =	vadd.f32 v20, v19;
	v38 =	vbroadcast v27, $0x7;
	v43 =	vbroadcast v27, $0x8  }
0x92: {  	v56 =	vadd.f32 v25, v23;
	v44 =	vbroadcast v27, $0x9;
	v45 =	vbroadcast v27, $0xA  }
0x93: {  	v13 =	vadd.f32 v52, v9;
	v49 =	vbroadcast v27, $0xB;
	v50 =	vbroadcast v27, $0xC  }
0x94: {  	v15 =	vadd.f32 v54, v9;
	v52 =	vbroadcast v27, $0xD;
	v54 =	vbroadcast v27, $0xE  }
0x95: {  	v17 =	vadd.f32 v56, v9;
	v56 =	vbroadcast v27, $0xF;
	v62 =	vmul.f32 v58, v1  }
0x96: {  	v19 =	vmul.f32 v58, v5;
	v28 =	vmul.f32 v59, v1  }
0x97: {  	v29 =	vmul.f32 v63, v2;
	v31 =	vmul.f32 v63, v6  }
0x98: {  	v11 =	vadd.f32 v12, v11;
	v32 =	vmul.f32 v30, v3;
	v34 =	vmul.f32 v30, v7  }
0x99: {  	v55 =	vadd.f32 v22, v21;
	v35 =	vmul.f32 v60, v2;
	v36 =	vmul.f32 v33, v4  }
0x9a: {  	v57 =	vadd.f32 v26, v24;
	v24 =	vmul.f32 v33, v8;
	v37 =	vmul.f32 v61, v3  }
0x9b: {  	v11 =	vadd.f32 v11, v9;
	v20 =	vmul.f32 v59, v5;
	v39 =	vmul.f32 v60, v6  }
0x9c: {  	v12 =	vadd.f32 v51, v10;
	v40 =	vmul.f32 v38, v4;
	v41 =	vmul.f32 v61, v7  }
0x9d: {  	v14 =	vadd.f32 v53, v10;
	v42 =	vmul.f32 v38, v8;
	v46 =	vmul.f32 v43, v1  }
0x9e: {  	v16 =	vadd.f32 v55, v10;
	v47 =	vmul.f32 v44, v2;
	v48 =	vmul.f32 v45, v3  }
0x9f: {  	v18 =	vadd.f32 v57, v10;
	v51 =	vmul.f32 v49, v4;
	v23 =	vmul.f32 v45, v7  }
0xa0: {  	v53 =	vmul.f32 v50, v1;
	v11 =	vadd.f32 v11, v62;
	v12 =	vadd.f32 v12, v19  }
0xa1: {  	v21 =	vmul.f32 v50, v5;
	v13 =	vadd.f32 v13, v28;
	v14 =	vadd.f32 v14, v20  }
0xa2: {  	v22 =	vmul.f32 v49, v8;
	v15 =	vadd.f32 v15, v46;
	v17 =	vadd.f32 v17, v53  }
0xa3: {  	v55 =	vmul.f32 v52, v2;
	v18 =	vadd.f32 v18, v21;
	v11 =	vadd.f32 v11, v29  }
0xa4: {  	v19 =	vmul.f32 v43, v5;
	v12 =	vadd.f32 v12, v31;
	v13 =	vadd.f32 v13, v35  }
0xa5: {  	v57 =	vmul.f32 v54, v3;
	v14 =	vadd.f32 v14, v39;
	v15 =	vadd.f32 v15, v47  }
0xa6: {  	v58 =	vmul.f32 v54, v7;
	v16 =	vadd.f32 v16, v19;
	v17 =	vadd.f32 v17, v55  }
0xa7: {  	v60 =	vmul.f32 v56, v4;
	v11 =	vadd.f32 v11, v32;
	v12 =	vadd.f32 v12, v34  }
0xa8: {  	v20 =	vmul.f32 v44, v6;
	v13 =	vadd.f32 v13, v37;
	v14 =	vadd.f32 v14, v41  }
0xa9: {  	v19 =	vmul.f32 v52, v6;
	v15 =	vadd.f32 v15, v48;
	v11 =	vadd.f32 v11, v36  }
0xaa: {  	v61 =	vmul.f32 v56, v8;
	v16 =	vadd.f32 v16, v20;
	v12 =	vadd.f32 v12, v24  }
0xab: {  	v18 =	vadd.f32 v18, v19;
	v13 =	vadd.f32 v13, v40;
	v11 =	vmax.f32 v11, $0.0e+00  }
0xac: {  	v14 =	vadd.f32 v14, v42;
	v12 =	vmax.f32 v12, $0.0e+00;
	[tilespmem:s30+$0x2380] =	vst v11;
	v11 =	vadd.f32 v16, v23  }
0xad: {  	v17 =	vadd.f32 v17, v57;
	v59 =	vadd.f32 v15, v51;
	v13 =	vmax.f32 v13, $0.0e+00;
	[tilespmem:s30+$0x2390] =	vst v12  }
0xae: {  	v14 =	vmax.f32 v14, $0.0e+00;
	[tilespmem:s30+$0x23A0] =	vst v13;
	v16 =	vadd.f32 v18, v58;
	v11 =	vadd.f32 v11, v22  }
0xaf: {  	v62 =	vadd.f32 v17, v60;
	[tilespmem:s30+$0x23B0] =	vst v14;
	v12 =	vmax.f32 v59, $0.0e+00  }
0xb0: {  	[tilespmem:s30+$0x23C0] =	vst v12;
	v63 =	vadd.f32 v16, v61;
	v11 =	vmax.f32 v11, $0.0e+00  }
0xb1: {  	s29 =	sadd.s32 $0x1, s29;
	[tilespmem:s30+$0x23D0] =	vst v11;
	v11 =	vmax.f32 v62, $0.0e+00  }
0xb2: {  	p0 =	sne.s32 s29, $0x30E;
	[tilespmem:s30+$0x23E0] =	vst v11;
	v11 =	vmax.f32 v63, $0.0e+00  }
.Ltmp1:
0xb3: {  	[tilespmem:s30+$0x23F0] =	vst v11;
	(pc) =	sbr.rel @p0 .LBB2_2-.Ltmp1, $4  }
0xb4: {  	[spmem:s2] =	stream.indirect.scatter.add.f32 [tilespmem:s26], [sflag:$0x3], $0x20, s25, s20, $0xb8;
	[tilespmem:$0x1BB30] =	vst v63  }
0xb5: {  	_ =	swait.ge [sflag:s16], $0x1000  }
0xb6: {  	[sflag:s16] =	ssyncset.done $0x0  }
0xb7: {  	[sflag:s16] =	ssyncadd.s32 $0xFFFFF000  }
0xb8: {  	s28 =	sadd.s32 $0x1, s28  }
0xb9: {  	p0 =	sne.s32 s28, s14  }
.Ltmp2:
0xba: {  	[bflag:$0x0] =	sbarrier.arrive $0xFFFF;
	(pc) =	sbr.rel @p0 .LBB2_1-.Ltmp2, $4  }
0xbb: {  	[hbm:s13], [sflag:s18] =	dma.local [spmem:s19], $0x30E0  }
0xbc: {  	_ =	swait.ge [sflag:s16], $0x30E0  }
0xbd: {  	[sflag:s16] =	ssyncset.done $0x0  }
0xbe: {  	[sflag:s16] =	ssyncadd.s32 $0xFFFFCF20  }
0xbf: {  	_ =	sfence.sel $0x180000  }
0xc0: {  	[bflag:$0x0] =	sbarrier.arrive $0xFFFF  }
0xc1: {  	_ =	strace $0x90000047  }
0xc2: {  	s0 =	stileid.u32;
	[bflag:$0x2] =	sbarrier.arrive $0xFFFF  }
0xc3: {  	p0 =	sne.s32 s0, $0x0;
	s0 =	rddreg [dreg:$0x3]  }
0xc4: {  	s0 =	sadd.s32 @!p0 $0x100000, s0  }
0xc5: {  	[sflag:s0] =	ssyncadd.tile.s32 @!p0 $0x1;
	_ =	shalt  }
.Lfunc_end2:
_tile_overlayer_lowered:
.L_overlay_start_2:
0xc6: {  	(tag) =	ssettag $0x2  }
0xc7: {  	s0 =	rddreg [dreg:$0x0];
	s2 =	stileid.u32  }
0xc8: {  	s1 =	rddreg [dreg:$0x1];
	p0 =	sne.s32 s2, $0x0  }
0xc9: {  	s3 =	rddreg [dreg:$0x2];
	[bflag:$0x3] =	sbarrier.arrive $0xFFFF;
	s2 =	simm.s32 @!p0 $0x1C03  }
0xca: {  	[timem:s3], [sflag:s2] =	dma.local @!p0 [hbm:s0], s1  }
0xcb: {  	s0 =	simm.s32 @!p0 $0x3  }
0xcc: {  	_ =	swait.ge @!p0 [sflag:s0], s1  }
0xcd: {  	s1 =	ssub.s32 @!p0 $0x0, s1;
	[sflag:s0] =	ssyncset.done @!p0 $0x0  }
0xce: {  	[sflag:s0] =	ssyncadd.s32 @!p0 s1  }
0xcf: {  	[bflag:$0x3] =	sbarrier.arrive $0xFFFF  }
0xd0: {  	_ =	shalt  }

// kernel: kernel.15.cloned.1.call-start
scs
__scs_entry_jumppad:
0x0: {  	(pc) =	sbr.rel $0x88, $3  }
0x1: {  	(tag) =	ssettag $0x0;
	lr =	simm.s32 $0x1  }
0x2: {  	[smem:$0x3F95] =	sst lr;
	_ =	strace $0xD0000000  }
0x3: {  	_ = 	snop  }
0x4: {  	_ = 	snop  }
0x5: {  	_ = 	snop  }
0x6: {  	_ = 	snop  }
0x7: {  	_ = 	snop  }
__scs_overlays_trampoline_lowered:
0x8: {  	[smem:$0x3FA4] =	sst s0  }
0x9: {  	[smem:$0x3FA5] =	sst s1  }
0xa: {  	[smem:$0x3FA6] =	sst s2  }
0xb: {  	[smem:$0x3FA7] =	sst s3  }
0xc: {  	[smem:$0x3FA8] =	sst s4  }
0xd: {  	[smem:$0x3FA9] =	sst s5  }
0xe: {  	[smem:$0x3FAA] =	sst s6  }
0xf: {  	[smem:$0x3FAB] =	sst s7  }
0x10: {  	[smem:$0x3FAC] =	sst s8  }
0x11: {  	[smem:$0x3FAD] =	sst s9;
	s0 =	simm.s32 @!p0 $0x0  }
0x12: {  	s1 =	sld [smem:$0x3F93];
	s0 =	simm.s32 @p0 $0x1  }
0x13: {  	[smem:$0x3FAE] =	sst s0;
	s0 =	simm.s32 @!p1 $0x0  }
0x14: {  	s2 =	sld [smem:$0x3F92];
	s0 =	simm.s32 @p1 $0x1  }
0x15: {  	[smem:$0x3FAF] =	sst s0;
	s0 =	simm.s32 @!p2 $0x0  }
0x16: {  	s3 =	sld [smem:$0x3FDB];
	s0 =	simm.s32 @p2 $0x1  }
0x17: {  	s4 =	simm.s32 $0x1BF5;
	[smem:$0x3FB1] =	sst s0  }
0x18: {  	s0 =	sld [smem:$0x3F94];
	_ =	swait.ge [sflag:s4], $0x0  }
0x19: {  	s7 =	sld [smem:$0x3F95]  }
0x1a: {  	s8 =	sadd.s32 $0xFFFFE003, lr  }
0x1b: {  	s9 =	sadd.s32 $0xFFFFFEF7, lr;
	s5 =	simm.s32 $0xFFFFFFFF;
	p2 =	slt.u32 s8, $0xFFFFF086  }
0x1c: {  	p1 =	slt.u32 s9, $0xF7A;
	s5 =	simm.s32 @!p2 $0x0  }
0x1d: {  	s5 =	simm.s32 @p1 $0x1;
	p0 =	seq.s32 s7, s2  }
0x1e: {  	s7 =	smul.u32 @!p0 $0xF7A, s2;
	p2 =	seq.s32 @!p0 s5, $0x0  }
0x1f: {  	s9 =	smul.u32 $0xF7A, s1;
	s8 =	simm.s32 @!p0 $0x1BF5;
	p2 =	por !p2, p0  }
0x20: {  	[sflag:s8] =	ssyncset.s32 @!p0 $0xFFFFF086;
	s6 =	sadd.s32 @!p0 s3, s7;
	s7 =	simm.s32 @!p0 $0x108  }
0x21: {  	s3 =	sadd.s32 s3, s9;
	s6 =	sadd.s32 @!p0 $0x88, s6;
	s7 =	simm.s32 @p2 $0x1082  }
0x22: {  	[simem:s7], [sflag:s8] =	dma.local @!p0 [hbm:s6], $0xF7A  }
0x23: {  	s9 =	sor.u32 $0xD0000000, s2;
	s6 =	simm.s32 $0x108;
	_ =	swait.ge @!p0 [sflag:s8], $0x0  }
0x24: {  	s3 =	sadd.s32 $0x88, s3;
	s6 =	simm.s32 @!p1 $0x1082;
	[sflag:s4] =	ssyncset.s32 $0xFFFFF086  }
0x25: {  	[simem:s6], [sflag:s4] =	dma.local [hbm:s3], $0xF7A  }
0x26: {  	[smem:$0x3F95] =	sst s1;
	(tag) =	ssettag s2;
	_ =	strace s9  }
0x27: {  	s1 =	sld [smem:$0x3FA5]  }
0x28: {  	s2 =	sld [smem:$0x3FA6]  }
0x29: {  	s4 =	sld [smem:$0x3FA8]  }
0x2a: {  	p0 =	seq.s32 s5, $0x0;
	s5 =	sld [smem:$0x3FA9]  }
0x2b: {  	s6 =	sld [smem:$0x3FAA]  }
0x2c: {  	s7 =	sld [smem:$0x3FAB]  }
0x2d: {  	s3 =	simm.s32 $0x108;
	s8 =	sld [smem:$0x3FAC]  }
0x2e: {  	s3 =	simm.s32 @!p0 $0x1082;
	s9 =	sld [smem:$0x3FAD]  }
0x2f: {  	lr =	sadd.s32 s0, s3;
	s0 =	sld [smem:$0x3FA4]  }
0x30: {  	s3 =	sld [smem:$0x3FA7]  }
0x31: {  	[smem:$0x3FB0] =	sst s10  }
0x32: {  	s10 =	sld [smem:$0x3FAE];
	_ =	sdelay $0x3  }
0x33: {  	p0 =	seq.s32 s10, $0x1;
	s10 =	sld [smem:$0x3FB0];
	_ =	sdelay $0x3  }
0x34: {  	[smem:$0x3FB0] =	sst s10  }
0x35: {  	s10 =	sld [smem:$0x3FAF];
	_ =	sdelay $0x3  }
0x36: {  	p1 =	seq.s32 s10, $0x1;
	s10 =	sld [smem:$0x3FB0];
	_ =	sdelay $0x3  }
0x37: {  	[smem:$0x3FB0] =	sst s10  }
0x38: {  	s10 =	sld [smem:$0x3FB1]  }
0x39: {  	_ = 	snop;
	(pc) =	sbr.ind lr, $3  }
0x3a: {  	_ = 	snop  }
0x3b: {  	_ = 	snop  }
0x3c: {  	p2 =	seq.s32 s10, $0x1;
	s10 =	sld [smem:$0x3FB0]  }
0x3d: {  	_ =	shalt  }
0x3e: {  	_ =	shalt  }
0x3f: {  	_ =	shalt  }
0x40: {  	_ =	shalt  }
0x41: {  	_ =	shalt  }
0x42: {  	_ =	shalt  }
0x43: {  	_ =	shalt  }
0x44: {  	_ =	shalt  }
0x45: {  	_ =	shalt  }
0x46: {  	_ =	shalt  }
0x47: {  	_ =	shalt  }
0x48: {  	_ =	shalt  }
0x49: {  	_ =	shalt  }
0x4a: {  	_ =	shalt  }
0x4b: {  	_ =	shalt  }
0x4c: {  	_ =	shalt  }
0x4d: {  	_ =	shalt  }
0x4e: {  	_ =	shalt  }
0x4f: {  	_ =	shalt  }
0x50: {  	_ =	shalt  }
0x51: {  	_ =	shalt  }
0x52: {  	_ =	shalt  }
0x53: {  	_ =	shalt  }
0x54: {  	_ =	shalt  }
0x55: {  	_ =	shalt  }
0x56: {  	_ =	shalt  }
0x57: {  	_ =	shalt  }
0x58: {  	_ =	shalt  }
0x59: {  	_ =	shalt  }
0x5a: {  	_ =	shalt  }
0x5b: {  	_ =	shalt  }
0x5c: {  	_ =	shalt  }
0x5d: {  	_ =	shalt  }
0x5e: {  	_ =	shalt  }
0x5f: {  	_ =	shalt  }
0x60: {  	_ =	shalt  }
0x61: {  	_ =	shalt  }
0x62: {  	_ =	shalt  }
0x63: {  	_ =	shalt  }
0x64: {  	_ =	shalt  }
0x65: {  	_ =	shalt  }
0x66: {  	_ =	shalt  }
0x67: {  	_ =	shalt  }
0x68: {  	_ =	shalt  }
0x69: {  	_ =	shalt  }
0x6a: {  	_ =	shalt  }
0x6b: {  	_ =	shalt  }
0x6c: {  	_ =	shalt  }
0x6d: {  	_ =	shalt  }
0x6e: {  	_ =	shalt  }
0x6f: {  	_ =	shalt  }
0x70: {  	_ =	shalt  }
0x71: {  	_ =	shalt  }
0x72: {  	_ =	shalt  }
0x73: {  	_ =	shalt  }
0x74: {  	_ =	shalt  }
0x75: {  	_ =	shalt  }
0x76: {  	_ =	shalt  }
0x77: {  	_ =	shalt  }
0x78: {  	_ =	shalt  }
0x79: {  	_ =	shalt  }
0x7a: {  	_ =	shalt  }
0x7b: {  	_ =	shalt  }
0x7c: {  	_ =	shalt  }
0x7d: {  	_ =	shalt  }
0x7e: {  	_ =	shalt  }
0x7f: {  	_ =	shalt  }
0x80: {  	_ =	shalt  }
0x81: {  	_ =	shalt  }
0x82: {  	_ =	shalt  }
0x83: {  	_ =	shalt  }
0x84: {  	_ =	shalt  }
0x85: {  	_ =	shalt  }
0x86: {  	_ =	shalt  }
0x87: {  	_ =	shalt  }
.Lfunc_end0:
.L_simem_size_0:
called_computation.1_lowered:
.L_overlay_start_0:
0x88: {  	s2 =	sld [smem:$0x3FD9]  }
0x89: {  	s3 =	sld [smem:$0x3FFE];
	_ =	sdelay $0x1  }
0x8a: {  	s1 =	srdreg.scid  }
0x8b: {  	s0 =	sand.u32 $0x1, s1  }
0x8c: {  	s16 =	sshll.u32 s0, $0xA;
	s2 =	sadd.s32 s3, s2  }
0x8d: {  	s2 =	sadd.s32 s2, s16  }
0x8e: {  	[smem:$0x3FBC] =	sst s2  }
0x8f: {  	_ = 	snop  }
0x90: {  	(tm) =	ssettm $0x1  }
0x91: {  	s17 =	sld [smem:$0x3FFB];
	_ =	sdelay $0x3  }
0x92: {  	_ =	strace s17  }
0x93: {  	s2 =	sld [smem:$0x3FFC];
	_ =	sdelay $0x3  }
0x94: {  	_ =	strace s2  }
0x95: {  	s2 =	sld [smem:$0x3FFD];
	_ =	sdelay $0x3  }
0x96: {  	_ =	strace s2  }
0x97: {  	_ =	strace $0x8FFFFFFF  }
0x98: {  	s18 =	sld [smem:$0x3FDB];
	_ =	sdelay $0x1  }
0x99: {  	s19 =	simm.s32 $_scs_section_size  }
0x9a: {  	s4 =	simm.s32 $_size__tile_overlayer_lowered;
	s5 =	simm.s32 $_tile_overlayer_lowered  }
0x9b: {  	s22 =	simm.s32 $0x1BFF;
	s21 =	sshll.u32 s5, $0x1;
	s2 =	sadd.s32 s19, s18  }
0x9c: {  	s6 =	simm.s32 $0x0;
	s20 =	sshll.u32 s4, $0x1;
	s4 =	sadd.s32 s21, s2  }
0x9d: {  	[timem:s6], [sflag:s22] =	dma.local [hbm:s4], s20  }
0x9e: {  	_ =	swait.ge [sflag:s22], s20  }
0x9f: {  	s3 =	ssub.s32 $0x0, s20;
	[sflag:s22] =	ssyncset.done $0x0  }
0xa0: {  	[sflag:s22] =	ssyncadd.s32 s3;
	_ =	sdelay $0x1  }
0xa1: {  	s23 =	simm.s32 $0x1B8B  }
0xa2: {  	_ =	swait.ge [sflag:s23], $0x1  }
0xa3: {  	[sflag:s23] =	ssyncset.done $0x0  }
0xa4: {  	s25 =	simm.s32 $0x1B8E;
	s24 =	sld [smem:$0x3FFE];
	[sflag:s23] =	ssyncadd.s32 $0xFFFFFFFF  }
0xa5: {  	s26 =	simm.s32 $execute0_lowered;
	[smem:$0x3FD2] =	sst s25  }
0xa6: {  	s4 =	sshll.u32 s26, $0x1;
	_ =	strace $0x80000049;
	[dreg:$0x1] =	wrdreg $0xFFFFFFFF  }
0xa7: {  	s28 =	simm.s32 $_size_execute0_lowered;
	s2 =	sadd.s32 s2, s4;
	[dreg:$0x0] =	wrdreg $0x0  }
0xa8: {  	s4 =	sshll.u32 s28, $0x1;
	[dreg:$0x2] =	wrdreg s2  }
0xa9: {  	[dreg:$0x3] =	wrdreg s4  }
0xaa: {  	[dreg:$0x4] =	wrdreg $0xC0  }
0xab: {  	_ =	task [dreg:s6], $0x5FFFF  }
0xac: {  	[dreg:$0x1] =	wrdreg $0xFFFFFFFF  }
0xad: {  	[dreg:$0x0] =	wrdreg $0x60  }
0xae: {  	[dreg:$0x2] =	wrdreg s24  }
0xaf: {  	[dreg:$0x3] =	wrdreg $0x34200  }
0xb0: {  	[dreg:$0x4] =	wrdreg $0x9  }
0xb1: {  	_ =	task.clear_ibuf [dreg:s6], $0x5FFFF;
	_ =	strace $0x90000049  }
0xb2: {  	s29 =	simm.s32 $0x9;
	_ =	strace $0x8000004B  }
0xb3: {  	_ =	swait.ge [sflag:s29], $0x1  }
0xb4: {  	[sflag:s29] =	ssyncadd.s32 $0xFFFFFFFF  }
0xb5: {  	_ =	strace $0x9000004B  }
0xb6: {  	_ =	sfence  }
0xb7: {  	s30 =	sld [smem:$0x0];
	_ =	sdelay $0x2  }
0xb8: {  	s31 =	sshll.u32 s1, $0xD;
	s1 =	sshrl.u32 s1, $0x2  }
0xb9: {  	s3 =	sand.u32 $0x4000, s31;
	s1 =	sadd.s32 s1, s30  }
0xba: {  	s0 =	sor.u32 s3, s0;
	s1 =	sshll.u32 s1, $0x11  }
0xbb: {  	s0 =	sor.u32 s1, s0  }
0xbc: {  	s0 =	sadd.s32 $0x8F2B, s0  }
0xbd: {  	[sflag:s0] =	ssyncadd.remote.s32 $0x1  }
0xbe: {  	_ =	sfence.sel $0xFFFF  }
0xbf: {  	[dreg:$0x0] =	wrdreg $0xFFFFFFFF;
	(pc) =	sbr.abs _section_cstart, $3  }
0xc0: {  	[dreg:$0x1] =	wrdreg $0xFFFFFFFF  }
0xc1: {  	_ =	task.clear_ibuf [dreg:s6], $0x2FFFF;
	_ =	strace $0x9FFFFFFF  }
0xc2: {  	(tm) =	ssettm $0x7FFFFFFF  }
0xc3: {  	_ =	shalt  }
tec
execute0_lowered:
.L_overlay_start_1:
0x0: {  	(tag) =	ssettag $0x1  }
0x1: {  	s0 =	rddreg [dreg:$0x0]  }
0x2: {  	s1 =	rddreg [dreg:$0x1]  }
0x3: {  	s2 =	simm.s32 $0x0;
	s3 =	srdreg.scid;
	s15 =	stileid.u32  }
0x4: {  	s16 =	simm.s32 $0x3;
	s17 =	simm.s32 $0x3400;
	s20 =	simm.s32 $0x80  }
0x5: {  	s21 =	simm.s32 $0x380;
	s22 =	simm.s32 $0x1380;
	s23 =	simm.s32 $0x1  }
0x6: {  	s24 =	simm.s32 $0x2;
	s26 =	simm.s32 $0x2380;
	s28 =	simm.s32 $0x0  }
0x7: {  	[smem:$0x7FF] =	sst s2;
	s4 =	sadd.s32 $0x69600, s0;
	s5 =	sadd.s32 $0x1F0E00, s0  }
0x8: {  	s3 =	sand.u32 $0x1, s3;
	s6 =	sadd.s32 $0x7A00, s0;
	s7 =	sadd.s32 $0x12CE00, s0  }
0x9: {  	s11 =	smul.u32 $0xC38, s15;
	s8 =	sadd.s32 $0xCB200, s0;
	s9 =	sadd.s32 $0x7400, s0  }
0xa: {  	s10 =	sadd.s32 $0x1F0800, s0;
	s13 =	smul.u32 $0x61C00, s15;
	s31 =	sshll.u32 s15, $0x6  }
0xb: {  	_ =	strace $0x8000004A;
	s25 =	smul.u32 $0xC380, s3;
	s3 =	ssub.s32 $0x2, s3  }
0xc: {  	s18 =	sor.u32 $0x1C03, s31;
	s14 =	sshrl.u32 s3, $0x1;
	s30 =	sshrl.u32 s13, $0x2  }
0xd: {  	s12 =	sadd.s32 s11, s25;
	s11 =	sadd.s32 $0xFC000, s0;
	s3 =	ssub.s32 s3, s14  }
0xe: {  	s19 =	sadd.s32 s30, s1;
	v0 =	vmov s25;
	s25 =	simm.s32 $0x100;
	s12 =	sshll.u32 s12, $0x2  }
0xf: {  	s14 =	smax.u32 s3, $0x1;
	s19 =	sshrl.u32 s19, $0x3;
	s0 =	sadd.s32 s12, s0  }
0x10: {  	s12 =	smul.u32 $0x18700, s15;
	s15 =	simm.s32 $0x0;
	s13 =	sadd.s32 $0x221C00, s0  }
.LBB2_1:
0x11: {  	s0 =	simm.s32 $0x3380  }
0x12: {  	[tilespmem:s0], [sflag:$0x3] =	stream.linear.gather [hbm4b:s9+s2], $0x80, $0x38;
	[tilespmem:$0x1BB30] =	vst v63  }
0x13: {  	_ =	swait.ge [sflag:s16], $0x80  }
0x14: {  	[sflag:s16] =	ssyncset.done $0x0  }
0x15: {  	[sflag:s16] =	ssyncadd.s32 $0xFFFFFF80  }
0x16: {  	[tilespmem:s17], [sflag:$0x3] =	stream.linear.gather [hbm4b:s10+s2], $0x20, $0x38;
	[tilespmem:$0x1BB30] =	vst v63  }
0x17: {  	_ =	swait.ge [sflag:s16], $0x20  }
0x18: {  	[sflag:s16] =	ssyncset.done $0x0  }
0x19: {  	[sflag:s16] =	ssyncadd.s32 $0xFFFFFFE0  }
0x1a: {  	[spmem:s19], [sflag:s18] =	dma.local [hbm:s11], $0x30E0  }
0x1b: {  	_ =	swait.ge [sflag:s16], $0x30E0  }
0x1c: {  	[sflag:s16] =	ssyncset.done $0x0  }
0x1d: {  	[sflag:s16] =	ssyncadd.s32 $0xFFFFCF20  }
0x1e: {  	[bflag:$0x0] =	sbarrier.arrive $0xFFFF  }
0x1f: {  	v1 =	vld [tilespmem:$0x3380]  }
0x20: {  	v2 =	vld [tilespmem:$0x33A0]  }
0x21: {  	v3 =	vld [tilespmem:$0x33C0]  }
0x22: {  	v4 =	vld [tilespmem:$0x33E0]  }
0x23: {  	v5 =	vld [tilespmem:$0x3390]  }
0x24: {  	v6 =	vld [tilespmem:$0x33B0]  }
0x25: {  	v7 =	vld [tilespmem:$0x33D0]  }
0x26: {  	v8 =	vld [tilespmem:$0x33F0]  }
0x27: {  	v9 =	vld [tilespmem:$0x3400]  }
0x28: {  	s29 =	simm.s32 $0x0;
	v10 =	vld [tilespmem:$0x3410]  }
.LBB2_2:
0x29: {  	s0 =	sshll.u32 s29, $0x7  }
0x2a: {  	s0 =	sadd.s32 s12, s0  }
0x2b: {  	s3 =	sshrl.u32 s0, $0x3  }
0x2c: {  	s30 =	sadd.s32 s8, s3  }
0x2d: {  	[tilespmem:s15], [sflag:$0x3] =	stream.linear.gather [hbm4b:s30+s15], $0x80, $0x38;
	[tilespmem:$0x1BB30] =	vst v63  }
0x2e: {  	_ =	swait.ge [sflag:s16], $0x80  }
0x2f: {  	[sflag:s16] =	ssyncset.done $0x0  }
0x30: {  	s3 =	sadd.s32 s5, s3;
	[sflag:s16] =	ssyncadd.s32 $0xFFFFFF80  }
0x31: {  	[tilespmem:s20], [sflag:$0x3] =	stream.linear.gather [hbm4b:s3+s15], $0x80, $0x38;
	[tilespmem:$0x1BB30] =	vst v63  }
0x32: {  	_ =	swait.ge [sflag:s16], $0x80  }
0x33: {  	s0 =	sshrl.u32 s0, $0x1;
	[sflag:s16] =	ssyncset.done $0x0  }
0x34: {  	s31 =	simm.s32 $0x180;
	s0 =	sadd.s32 s7, s0;
	[sflag:s16] =	ssyncadd.s32 $0xFFFFFF80  }
0x35: {  	[tilespmem:s31], [sflag:$0x3] =	stream.linear.gather [hbm4b:s0+s15], $0x200, $0x38;
	[tilespmem:$0x1BB30] =	vst v63  }
0x36: {  	_ =	swait.ge [sflag:s16], $0x200  }
0x37: {  	[sflag:s16] =	ssyncset.done $0x0  }
0x38: {  	[sflag:s16] =	ssyncadd.s32 $0xFFFFFE00  }
0x39: {  	[tilespmem:s21], [sflag:$0x1] =	stream.indirect.gather [hbm4b:s4+s20], $0x20, s15, s20, $0xb8;
	[tilespmem:$0x1BB30] =	vst v63  }
0x3a: {  	_ = 	snop  }
0x3b: {  	[tilespmem:s22], [sflag:$0x2] =	stream.indirect.gather [hbm4b:s6+s20], $0x20, s20, s20, $0xb8;
	[tilespmem:$0x1BB30] =	vst v63  }
0x3c: {  	_ =	swait.ge [sflag:s23], $0x1000  }
0x3d: {  	[sflag:s23] =	ssyncset.done $0x0  }
0x3e: {  	[sflag:s23] =	ssyncadd.s32 $0xFFFFF000  }
0x3f: {  	_ =	swait.ge [sflag:s24], $0x1000  }
0x40: {  	[sflag:s24] =	ssyncset.done $0x0  }
0x41: {  	[sflag:s24] =	ssyncadd.s32 $0xFFFFF000  }
0x42: {  	v11 =	vld [tilespmem:$0x80]  }
0x43: {  	v12 =	vld [tilespmem:$0x90]  }
0x44: {  	v13 =	vld [tilespmem:$0xA0]  }
0x45: {  	v14 =	vld [tilespmem:$0xB0]  }
0x46: {  	v15 =	vld [tilespmem:$0xC0]  }
0x47: {  	v16 =	vld [tilespmem:$0xD0];
	v11 =	vsub.s32 v11, v0  }
0x48: {  	v17 =	vld [tilespmem:$0xE0];
	v12 =	vsub.s32 v12, v0;
	v11 =	vmin.u32 v11, $0xC380  }
0x49: {  	[tilespmem:$0x100] =	vst v11;
	v11 =	vmin.u32 v12, $0xC380;
	v12 =	vsub.s32 v13, v0;
	v13 =	vld [tilespmem:$0xF0]  }
0x4a: {  	[tilespmem:$0x110] =	vst v11;
	v11 =	vmin.u32 v12, $0xC380;
	v12 =	vsub.s32 v14, v0  }
0x4b: {  	[tilespmem:$0x120] =	vst v11;
	v11 =	vmin.u32 v12, $0xC380;
	v12 =	vsub.s32 v15, v0  }
0x4c: {  	[tilespmem:$0x130] =	vst v11;
	v11 =	vmin.u32 v12, $0xC380;
	v12 =	vsub.s32 v16, v0  }
0x4d: {  	[tilespmem:$0x140] =	vst v11;
	v11 =	vmin.u32 v12, $0xC380;
	v12 =	vsub.s32 v17, v0  }
0x4e: {  	[tilespmem:$0x150] =	vst v11;
	v11 =	vmin.u32 v12, $0xC380;
	v12 =	vsub.s32 v13, v0  }
0x4f: {  	[tilespmem:$0x160] =	vst v11;
	v11 =	vmin.u32 v12, $0xC380  }
0x50: {  	s30 =	simm.s32 $0x0;
	[tilespmem:$0x170] =	vst v11  }
0x51: {  	v11 =	vld [tilespmem:s30+$0x380]  }
0x52: {  	v12 =	vld [tilespmem:s30+$0x1380]  }
0x53: {  	v13 =	vld [tilespmem:s30+$0x390]  }
0x54: {  	v14 =	vld [tilespmem:s30+$0x1390]  }
0x55: {  	v15 =	vld [tilespmem:s30+$0x3A0]  }
0x56: {  	v16 =	vld [tilespmem:s30+$0x13A0]  }
0x57: {  	v17 =	vld [tilespmem:s30+$0x3B0]  }
0x58: {  	v18 =	vld [tilespmem:s30+$0x13B0]  }
0x59: {  	v19 =	vld [tilespmem:s30+$0x3C0]  }
0x5a: {  	v20 =	vld [tilespmem:s30+$0x13C0]  }
0x5b: {  	v21 =	vld [tilespmem:s30+$0x3D0]  }
0x5c: {  	v22 =	vld [tilespmem:s30+$0x13D0]  }
0x5d: {  	v23 =	vld [tilespmem:s30+$0x3E0]  }
0x5e: {  	v25 =	vld [tilespmem:s30+$0x13E0]  }
0x5f: {  	v24 =	vld [tilespmem:s30+$0x3F0]  }
0x60: {  	s0 =	simm.s32 $0x200;
	v26 =	vld [tilespmem:s30+$0x13F0]  }
.LBB2_3:
0x61: {  	p0 =	sne.s32 s0, $0x3E00;
	v27 =	vld [tilespmem:s31+$0x0];
	v11 =	vadd.f32 v12, v11  }
0x62: {  	v12 =	vadd.f32 v14, v13;
	v13 =	vadd.f32 v16, v15  }
0x63: {  	v14 =	vadd.f32 v18, v17;
	v15 =	vadd.f32 v20, v19  }
0x64: {  	v16 =	vadd.f32 v22, v21;
	v17 =	vadd.f32 v25, v23  }
0x65: {  	v11 =	vadd.f32 v11, v9;
	v18 =	vadd.f32 v26, v24  }
0x66: {  	v12 =	vadd.f32 v12, v10;
	v19 =	vbroadcast v27, $0x0;
	v20 =	vbroadcast v27, $0x4  }
0x67: {  	v13 =	vadd.f32 v13, v9;
	v21 =	vbroadcast v27, $0x5;
	v22 =	vbroadcast v27, $0x6  }
0x68: {  	v14 =	vadd.f32 v14, v10;
	v24 =	vbroadcast v27, $0x1;
	v23 =	vmul.f32 v19, v1  }
0x69: {  	v15 =	vadd.f32 v15, v9;
	v19 =	vmul.f32 v19, v5;
	v25 =	vmul.f32 v20, v1  }
0x6a: {  	v26 =	vbroadcast v27, $0x2;
	v11 =	vadd.f32 v11, v23;
	v23 =	vmul.f32 v24, v2  }
0x6b: {  	v12 =	vadd.f32 v12, v19;
	v19 =	vmul.f32 v24, v6;
	v13 =	vadd.f32 v13, v25  }
0x6c: {  	v24 =	vbroadcast v27, $0x3;
	v11 =	vadd.f32 v11, v23;
	v23 =	vmul.f32 v26, v3  }
0x6d: {  	v25 =	vmul.f32 v21, v2;
	v12 =	vadd.f32 v12, v19;
	v19 =	vmul.f32 v26, v7  }
0x6e: {  	v11 =	vadd.f32 v11, v23;
	v23 =	vmul.f32 v24, v4;
	v24 =	vmul.f32 v24, v8  }
0x6f: {  	v13 =	vadd.f32 v13, v25;
	v12 =	vadd.f32 v12, v19;
	v19 =	vmul.f32 v22, v3  }
0x70: {  	v20 =	vmul.f32 v20, v5;
	v11 =	vadd.f32 v11, v23;
	v23 =	vbroadcast v27, $0x7  }
0x71: {  	v12 =	vadd.f32 v12, v24;
	v13 =	vadd.f32 v13, v19;
	v19 =	vmul.f32 v21, v6  }
0x72: {  	v14 =	vadd.f32 v14, v20;
	v11 =	vmax.f32 v11, $0.0e+00;
	v21 =	vmul.f32 v23, v4  }
0x73: {  	v20 =	vmul.f32 v23, v8;
	[tilespmem:s30+$0x2380] =	vst v11;
	v11 =	vmax.f32 v12, $0.0e+00;
	v12 =	vmul.f32 v22, v7  }
0x74: {  	[tilespmem:s30+$0x2390] =	vst v11;
	v11 =	vadd.f32 v13, v21;
	v13 =	vadd.f32 v14, v19;
	v14 =	vbroadcast v27, $0x8  }
0x75: {  	v16 =	vadd.f32 v16, v10;
	v19 =	vbroadcast v27, $0x9;
	v21 =	vbroadcast v27, $0xA  }
0x76: {  	v11 =	vmax.f32 v11, $0.0e+00;
	v12 =	vadd.f32 v13, v12;
	v13 =	vmul.f32 v14, v1  }
0x77: {  	v17 =	vadd.f32 v17, v9;
	v22 =	vmul.f32 v21, v3;
	[tilespmem:s30+$0x23A0] =	vst v11;
	v11 =	vmul.f32 v19, v2  }
0x78: {  	v12 =	vadd.f32 v12, v20;
	v13 =	vadd.f32 v15, v13;
	v15 =	vbroadcast v27, $0xB  }
0x79: {  	v18 =	vadd.f32 v18, v10;
	v14 =	vmul.f32 v14, v5;
	v19 =	vmul.f32 v19, v6  }
0x7a: {  	v12 =	vmax.f32 v12, $0.0e+00;
	v13 =	vadd.f32 v13, v11;
	v20 =	vmul.f32 v15, v4  }
0x7b: {  	s3 =	sshra.s32 s0, $0x2;
	v14 =	vadd.f32 v16, v14;
	v16 =	vmul.f32 v21, v7;
	v21 =	vmul.f32 v15, v8;
	[tilespmem:s30+$0x23B0] =	vst v12  }
0x7c: {  	v23 =	vbroadcast v27, $0xD;
	v11 =	vld [tilespmem:s3+$0x380];
	v15 =	vadd.f32 v13, v22;
	v22 =	vbroadcast v27, $0xC  }
0x7d: {  	v25 =	vbroadcast v27, $0xF;
	v24 =	vbroadcast v27, $0xE;
	v19 =	vadd.f32 v14, v19;
	v12 =	vld [tilespmem:s3+$0x1380]  }
0x7e: {  	v27 =	vmul.f32 v23, v2;
	v13 =	vld [tilespmem:s3+$0x390];
	v20 =	vadd.f32 v15, v20;
	v26 =	vmul.f32 v22, v1  }
0x7f: {  	v29 =	vmul.f32 v25, v4;
	v28 =	vmul.f32 v24, v3;
	v19 =	vadd.f32 v19, v16;
	v14 =	vld [tilespmem:s3+$0x1390]  }
0x80: {  	v22 =	vmul.f32 v22, v5;
	v15 =	vld [tilespmem:s3+$0x3A0];
	v20 =	vmax.f32 v20, $0.0e+00;
	v26 =	vadd.f32 v17, v26  }
0x81: {  	v19 =	vadd.f32 v19, v21;
	v16 =	vld [tilespmem:s3+$0x13A0];
	[tilespmem:s30+$0x23C0] =	vst v20;
	v20 =	vmul.f32 v23, v6;
	v23 =	vmul.f32 v24, v7  }
0x82: {  	v22 =	vadd.f32 v18, v22;
	v24 =	vmul.f32 v25, v8;
	v17 =	vld [tilespmem:s3+$0x3B0];
	v21 =	vadd.f32 v26, v27  }
0x83: {  	v25 =	vmax.f32 v19, $0.0e+00;
	v18 =	vld [tilespmem:s3+$0x13B0]  }
0x84: {  	v22 =	vadd.f32 v22, v20;
	v19 =	vld [tilespmem:s3+$0x3C0];
	[tilespmem:s30+$0x23D0] =	vst v25;
	v25 =	vadd.f32 v21, v28  }
0x85: {  	v20 =	vld [tilespmem:s3+$0x13C0]  }
0x86: {  	v26 =	vadd.f32 v22, v23;
	v21 =	vld [tilespmem:s3+$0x3D0];
	v25 =	vadd.f32 v25, v29  }
.Ltmp0:
0x87: {  	v22 =	vld [tilespmem:s3+$0x13D0];
	(pc) =	sbr.rel @p0 .LBB2_3-.Ltmp0, $4  }
0x88: {  	v26 =	vadd.f32 v26, v24;
	v23 =	vld [tilespmem:s3+$0x3E0];
	v27 =	vmax.f32 v25, $0.0e+00  }
0x89: {  	v25 =	vld [tilespmem:s3+$0x13E0];
	[tilespmem:s30+$0x23E0] =	vst v27  }
0x8a: {  	v27 =	vmax.f32 v26, $0.0e+00;
	v24 =	vld [tilespmem:s3+$0x3F0]  }
0x8b: {  	s0 =	sadd.s32 $0x200, s0;
	s31 =	sadd.s32 $0x10, s31;
	v26 =	vld [tilespmem:s3+$0x13F0];
	[tilespmem:s30+$0x23F0] =	vst v27;
	s30 =	smov.u32 s3  }
0x8c: {  	v27 =	vld [tilespmem:s31+$0x0];
	_ =	sdelay $0x4  }
0x8d: {  	v58 =	vbroadcast v27, $0x0  }
0x8e: {  	v51 =	vadd.f32 v14, v13;
	v59 =	vbroadcast v27, $0x4;
	v60 =	vbroadcast v27, $0x5  }
0x8f: {  	v52 =	vadd.f32 v16, v15;
	v61 =	vbroadcast v27, $0x6;
	v63 =	vbroadcast v27, $0x1  }
0x90: {  	v53 =	vadd.f32 v18, v17;
	v30 =	vbroadcast v27, $0x2;
	v33 =	vbroadcast v27, $0x3  }
0x91: {  	v54 =	vadd.f32 v20, v19;
	v38 =	vbroadcast v27, $0x7;
	v43 =	vbroadcast v27, $0x8  }
0x92: {  	v56 =	vadd.f32 v25, v23;
	v44 =	vbroadcast v27, $0x9;
	v45 =	vbroadcast v27, $0xA  }
0x93: {  	v13 =	vadd.f32 v52, v9;
	v49 =	vbroadcast v27, $0xB;
	v50 =	vbroadcast v27, $0xC  }
0x94: {  	v15 =	vadd.f32 v54, v9;
	v52 =	vbroadcast v27, $0xD;
	v54 =	vbroadcast v27, $0xE  }
0x95: {  	v17 =	vadd.f32 v56, v9;
	v56 =	vbroadcast v27, $0xF;
	v62 =	vmul.f32 v58, v1  }
0x96: {  	v19 =	vmul.f32 v58, v5;
	v28 =	vmul.f32 v59, v1  }
0x97: {  	v29 =	vmul.f32 v63, v2;
	v31 =	vmul.f32 v63, v6  }
0x98: {  	v11 =	vadd.f32 v12, v11;
	v32 =	vmul.f32 v30, v3;
	v34 =	vmul.f32 v30, v7  }
0x99: {  	v55 =	vadd.f32 v22, v21;
	v35 =	vmul.f32 v60, v2;
	v36 =	vmul.f32 v33, v4  }
0x9a: {  	v57 =	vadd.f32 v26, v24;
	v24 =	vmul.f32 v33, v8;
	v37 =	vmul.f32 v61, v3  }
0x9b: {  	v11 =	vadd.f32 v11, v9;
	v20 =	vmul.f32 v59, v5;
	v39 =	vmul.f32 v60, v6  }
0x9c: {  	v12 =	vadd.f32 v51, v10;
	v40 =	vmul.f32 v38, v4;
	v41 =	vmul.f32 v61, v7  }
0x9d: {  	v14 =	vadd.f32 v53, v10;
	v42 =	vmul.f32 v38, v8;
	v46 =	vmul.f32 v43, v1  }
0x9e: {  	v16 =	vadd.f32 v55, v10;
	v47 =	vmul.f32 v44, v2;
	v48 =	vmul.f32 v45, v3  }
0x9f: {  	v18 =	vadd.f32 v57, v10;
	v51 =	vmul.f32 v49, v4;
	v23 =	vmul.f32 v45, v7  }
0xa0: {  	v53 =	vmul.f32 v50, v1;
	v11 =	vadd.f32 v11, v62;
	v12 =	vadd.f32 v12, v19  }
0xa1: {  	v21 =	vmul.f32 v50, v5;
	v13 =	vadd.f32 v13, v28;
	v14 =	vadd.f32 v14, v20  }
0xa2: {  	v22 =	vmul.f32 v49, v8;
	v15 =	vadd.f32 v15, v46;
	v17 =	vadd.f32 v17, v53  }
0xa3: {  	v55 =	vmul.f32 v52, v2;
	v18 =	vadd.f32 v18, v21;
	v11 =	vadd.f32 v11, v29  }
0xa4: {  	v19 =	vmul.f32 v43, v5;
	v12 =	vadd.f32 v12, v31;
	v13 =	vadd.f32 v13, v35  }
0xa5: {  	v57 =	vmul.f32 v54, v3;
	v14 =	vadd.f32 v14, v39;
	v15 =	vadd.f32 v15, v47  }
0xa6: {  	v58 =	vmul.f32 v54, v7;
	v16 =	vadd.f32 v16, v19;
	v17 =	vadd.f32 v17, v55  }
0xa7: {  	v60 =	vmul.f32 v56, v4;
	v11 =	vadd.f32 v11, v32;
	v12 =	vadd.f32 v12, v34  }
0xa8: {  	v20 =	vmul.f32 v44, v6;
	v13 =	vadd.f32 v13, v37;
	v14 =	vadd.f32 v14, v41  }
0xa9: {  	v19 =	vmul.f32 v52, v6;
	v15 =	vadd.f32 v15, v48;
	v11 =	vadd.f32 v11, v36  }
0xaa: {  	v61 =	vmul.f32 v56, v8;
	v16 =	vadd.f32 v16, v20;
	v12 =	vadd.f32 v12, v24  }
0xab: {  	v18 =	vadd.f32 v18, v19;
	v13 =	vadd.f32 v13, v40;
	v11 =	vmax.f32 v11, $0.0e+00  }
0xac: {  	v14 =	vadd.f32 v14, v42;
	v12 =	vmax.f32 v12, $0.0e+00;
	[tilespmem:s30+$0x2380] =	vst v11;
	v11 =	vadd.f32 v16, v23  }
0xad: {  	v17 =	vadd.f32 v17, v57;
	v59 =	vadd.f32 v15, v51;
	v13 =	vmax.f32 v13, $0.0e+00;
	[tilespmem:s30+$0x2390] =	vst v12  }
0xae: {  	v14 =	vmax.f32 v14, $0.0e+00;
	[tilespmem:s30+$0x23A0] =	vst v13;
	v16 =	vadd.f32 v18, v58;
	v11 =	vadd.f32 v11, v22  }
0xaf: {  	v62 =	vadd.f32 v17, v60;
	[tilespmem:s30+$0x23B0] =	vst v14;
	v12 =	vmax.f32 v59, $0.0e+00  }
0xb0: {  	[tilespmem:s30+$0x23C0] =	vst v12;
	v63 =	vadd.f32 v16, v61;
	v11 =	vmax.f32 v11, $0.0e+00  }
0xb1: {  	s29 =	sadd.s32 $0x1, s29;
	[tilespmem:s30+$0x23D0] =	vst v11;
	v11 =	vmax.f32 v62, $0.0e+00  }
0xb2: {  	p0 =	sne.s32 s29, $0x30E;
	[tilespmem:s30+$0x23E0] =	vst v11;
	v11 =	vmax.f32 v63, $0.0e+00  }
.Ltmp1:
0xb3: {  	[tilespmem:s30+$0x23F0] =	vst v11;
	(pc) =	sbr.rel @p0 .LBB2_2-.Ltmp1, $4  }
0xb4: {  	[spmem:s1] =	stream.indirect.scatter.add.f32 [tilespmem:s26], [sflag:$0x3], $0x20, s25, s20, $0xb8;
	[tilespmem:$0x1BB30] =	vst v63  }
0xb5: {  	_ =	swait.ge [sflag:s16], $0x1000  }
0xb6: {  	[sflag:s16] =	ssyncset.done $0x0  }
0xb7: {  	[sflag:s16] =	ssyncadd.s32 $0xFFFFF000  }
0xb8: {  	s28 =	sadd.s32 $0x1, s28  }
0xb9: {  	p0 =	sne.s32 s28, s14  }
.Ltmp2:
0xba: {  	[bflag:$0x0] =	sbarrier.arrive $0xFFFF;
	(pc) =	sbr.rel @p0 .LBB2_1-.Ltmp2, $4  }
0xbb: {  	[hbm:s13], [sflag:s18] =	dma.local [spmem:s19], $0x30E0  }
0xbc: {  	_ =	swait.ge [sflag:s16], $0x30E0  }
0xbd: {  	[sflag:s16] =	ssyncset.done $0x0  }
0xbe: {  	[sflag:s16] =	ssyncadd.s32 $0xFFFFCF20  }
0xbf: {  	_ =	sfence.sel $0x180000  }
0xc0: {  	[bflag:$0x0] =	sbarrier.arrive $0xFFFF  }
0xc1: {  	_ =	strace $0x9000004A  }
0xc2: {  	s0 =	stileid.u32;
	[bflag:$0x2] =	sbarrier.arrive $0xFFFF  }
0xc3: {  	p0 =	sne.s32 s0, $0x0;
	s0 =	rddreg [dreg:$0x2]  }
0xc4: {  	s0 =	sadd.s32 @!p0 $0x100000, s0  }
0xc5: {  	[sflag:s0] =	ssyncadd.tile.s32 @!p0 $0x1;
	_ =	shalt  }
.Lfunc_end2:
_tile_overlayer_lowered:
.L_overlay_start_2:
0xc6: {  	(tag) =	ssettag $0x2  }
0xc7: {  	s0 =	rddreg [dreg:$0x0];
	s2 =	stileid.u32  }
0xc8: {  	s1 =	rddreg [dreg:$0x1];
	p0 =	sne.s32 s2, $0x0  }
0xc9: {  	s3 =	rddreg [dreg:$0x2];
	[bflag:$0x3] =	sbarrier.arrive $0xFFFF;
	s2 =	simm.s32 @!p0 $0x1C03  }
0xca: {  	[timem:s3], [sflag:s2] =	dma.local @!p0 [hbm:s0], s1  }
0xcb: {  	s0 =	simm.s32 @!p0 $0x3  }
0xcc: {  	_ =	swait.ge @!p0 [sflag:s0], s1  }
0xcd: {  	s1 =	ssub.s32 @!p0 $0x0, s1;
	[sflag:s0] =	ssyncset.done @!p0 $0x0  }
0xce: {  	[sflag:s0] =	ssyncadd.s32 @!p0 s1  }
0xcf: {  	[bflag:$0x3] =	sbarrier.arrive $0xFFFF  }
0xd0: {  	_ =	shalt  }

// kernel: kernel.18.cloned.1.call-start
scs
__scs_entry_jumppad:
0x0: {  	(pc) =	sbr.rel $0x88, $3  }
0x1: {  	(tag) =	ssettag $0x0;
	lr =	simm.s32 $0x1  }
0x2: {  	[smem:$0x3F95] =	sst lr;
	_ =	strace $0xD0000000  }
0x3: {  	_ = 	snop  }
0x4: {  	_ = 	snop  }
0x5: {  	_ = 	snop  }
0x6: {  	_ = 	snop  }
0x7: {  	_ = 	snop  }
__scs_overlays_trampoline_lowered:
0x8: {  	[smem:$0x3FA4] =	sst s0  }
0x9: {  	[smem:$0x3FA5] =	sst s1  }
0xa: {  	[smem:$0x3FA6] =	sst s2  }
0xb: {  	[smem:$0x3FA7] =	sst s3  }
0xc: {  	[smem:$0x3FA8] =	sst s4  }
0xd: {  	[smem:$0x3FA9] =	sst s5  }
0xe: {  	[smem:$0x3FAA] =	sst s6  }
0xf: {  	[smem:$0x3FAB] =	sst s7  }
0x10: {  	[smem:$0x3FAC] =	sst s8  }
0x11: {  	[smem:$0x3FAD] =	sst s9;
	s0 =	simm.s32 @!p0 $0x0  }
0x12: {  	s1 =	sld [smem:$0x3F93];
	s0 =	simm.s32 @p0 $0x1  }
0x13: {  	[smem:$0x3FAE] =	sst s0;
	s0 =	simm.s32 @!p1 $0x0  }
0x14: {  	s2 =	sld [smem:$0x3F92];
	s0 =	simm.s32 @p1 $0x1  }
0x15: {  	[smem:$0x3FAF] =	sst s0;
	s0 =	simm.s32 @!p2 $0x0  }
0x16: {  	s3 =	sld [smem:$0x3FDB];
	s0 =	simm.s32 @p2 $0x1  }
0x17: {  	s4 =	simm.s32 $0x1BF5;
	[smem:$0x3FB1] =	sst s0  }
0x18: {  	s0 =	sld [smem:$0x3F94];
	_ =	swait.ge [sflag:s4], $0x0  }
0x19: {  	s7 =	sld [smem:$0x3F95]  }
0x1a: {  	s8 =	sadd.s32 $0xFFFFE003, lr  }
0x1b: {  	s9 =	sadd.s32 $0xFFFFFEF7, lr;
	s5 =	simm.s32 $0xFFFFFFFF;
	p2 =	slt.u32 s8, $0xFFFFF086  }
0x1c: {  	p1 =	slt.u32 s9, $0xF7A;
	s5 =	simm.s32 @!p2 $0x0  }
0x1d: {  	s5 =	simm.s32 @p1 $0x1;
	p0 =	seq.s32 s7, s2  }
0x1e: {  	s7 =	smul.u32 @!p0 $0xF7A, s2;
	p2 =	seq.s32 @!p0 s5, $0x0  }
0x1f: {  	s9 =	smul.u32 $0xF7A, s1;
	s8 =	simm.s32 @!p0 $0x1BF5;
	p2 =	por !p2, p0  }
0x20: {  	[sflag:s8] =	ssyncset.s32 @!p0 $0xFFFFF086;
	s6 =	sadd.s32 @!p0 s3, s7;
	s7 =	simm.s32 @!p0 $0x108  }
0x21: {  	s3 =	sadd.s32 s3, s9;
	s6 =	sadd.s32 @!p0 $0x88, s6;
	s7 =	simm.s32 @p2 $0x1082  }
0x22: {  	[simem:s7], [sflag:s8] =	dma.local @!p0 [hbm:s6], $0xF7A  }
0x23: {  	s9 =	sor.u32 $0xD0000000, s2;
	s6 =	simm.s32 $0x108;
	_ =	swait.ge @!p0 [sflag:s8], $0x0  }
0x24: {  	s3 =	sadd.s32 $0x88, s3;
	s6 =	simm.s32 @!p1 $0x1082;
	[sflag:s4] =	ssyncset.s32 $0xFFFFF086  }
0x25: {  	[simem:s6], [sflag:s4] =	dma.local [hbm:s3], $0xF7A  }
0x26: {  	[smem:$0x3F95] =	sst s1;
	(tag) =	ssettag s2;
	_ =	strace s9  }
0x27: {  	s1 =	sld [smem:$0x3FA5]  }
0x28: {  	s2 =	sld [smem:$0x3FA6]  }
0x29: {  	s4 =	sld [smem:$0x3FA8]  }
0x2a: {  	p0 =	seq.s32 s5, $0x0;
	s5 =	sld [smem:$0x3FA9]  }
0x2b: {  	s6 =	sld [smem:$0x3FAA]  }
0x2c: {  	s7 =	sld [smem:$0x3FAB]  }
0x2d: {  	s3 =	simm.s32 $0x108;
	s8 =	sld [smem:$0x3FAC]  }
0x2e: {  	s3 =	simm.s32 @!p0 $0x1082;
	s9 =	sld [smem:$0x3FAD]  }
0x2f: {  	lr =	sadd.s32 s0, s3;
	s0 =	sld [smem:$0x3FA4]  }
0x30: {  	s3 =	sld [smem:$0x3FA7]  }
0x31: {  	[smem:$0x3FB0] =	sst s10  }
0x32: {  	s10 =	sld [smem:$0x3FAE];
	_ =	sdelay $0x3  }
0x33: {  	p0 =	seq.s32 s10, $0x1;
	s10 =	sld [smem:$0x3FB0];
	_ =	sdelay $0x3  }
0x34: {  	[smem:$0x3FB0] =	sst s10  }
0x35: {  	s10 =	sld [smem:$0x3FAF];
	_ =	sdelay $0x3  }
0x36: {  	p1 =	seq.s32 s10, $0x1;
	s10 =	sld [smem:$0x3FB0];
	_ =	sdelay $0x3  }
0x37: {  	[smem:$0x3FB0] =	sst s10  }
0x38: {  	s10 =	sld [smem:$0x3FB1]  }
0x39: {  	_ = 	snop;
	(pc) =	sbr.ind lr, $3  }
0x3a: {  	_ = 	snop  }
0x3b: {  	_ = 	snop  }
0x3c: {  	p2 =	seq.s32 s10, $0x1;
	s10 =	sld [smem:$0x3FB0]  }
0x3d: {  	_ =	shalt  }
0x3e: {  	_ =	shalt  }
0x3f: {  	_ =	shalt  }
0x40: {  	_ =	shalt  }
0x41: {  	_ =	shalt  }
0x42: {  	_ =	shalt  }
0x43: {  	_ =	shalt  }
0x44: {  	_ =	shalt  }
0x45: {  	_ =	shalt  }
0x46: {  	_ =	shalt  }
0x47: {  	_ =	shalt  }
0x48: {  	_ =	shalt  }
0x49: {  	_ =	shalt  }
0x4a: {  	_ =	shalt  }
0x4b: {  	_ =	shalt  }
0x4c: {  	_ =	shalt  }
0x4d: {  	_ =	shalt  }
0x4e: {  	_ =	shalt  }
0x4f: {  	_ =	shalt  }
0x50: {  	_ =	shalt  }
0x51: {  	_ =	shalt  }
0x52: {  	_ =	shalt  }
0x53: {  	_ =	shalt  }
0x54: {  	_ =	shalt  }
0x55: {  	_ =	shalt  }
0x56: {  	_ =	shalt  }
0x57: {  	_ =	shalt  }
0x58: {  	_ =	shalt  }
0x59: {  	_ =	shalt  }
0x5a: {  	_ =	shalt  }
0x5b: {  	_ =	shalt  }
0x5c: {  	_ =	shalt  }
0x5d: {  	_ =	shalt  }
0x5e: {  	_ =	shalt  }
0x5f: {  	_ =	shalt  }
0x60: {  	_ =	shalt  }
0x61: {  	_ =	shalt  }
0x62: {  	_ =	shalt  }
0x63: {  	_ =	shalt  }
0x64: {  	_ =	shalt  }
0x65: {  	_ =	shalt  }
0x66: {  	_ =	shalt  }
0x67: {  	_ =	shalt  }
0x68: {  	_ =	shalt  }
0x69: {  	_ =	shalt  }
0x6a: {  	_ =	shalt  }
0x6b: {  	_ =	shalt  }
0x6c: {  	_ =	shalt  }
0x6d: {  	_ =	shalt  }
0x6e: {  	_ =	shalt  }
0x6f: {  	_ =	shalt  }
0x70: {  	_ =	shalt  }
0x71: {  	_ =	shalt  }
0x72: {  	_ =	shalt  }
0x73: {  	_ =	shalt  }
0x74: {  	_ =	shalt  }
0x75: {  	_ =	shalt  }
0x76: {  	_ =	shalt  }
0x77: {  	_ =	shalt  }
0x78: {  	_ =	shalt  }
0x79: {  	_ =	shalt  }
0x7a: {  	_ =	shalt  }
0x7b: {  	_ =	shalt  }
0x7c: {  	_ =	shalt  }
0x7d: {  	_ =	shalt  }
0x7e: {  	_ =	shalt  }
0x7f: {  	_ =	shalt  }
0x80: {  	_ =	shalt  }
0x81: {  	_ =	shalt  }
0x82: {  	_ =	shalt  }
0x83: {  	_ =	shalt  }
0x84: {  	_ =	shalt  }
0x85: {  	_ =	shalt  }
0x86: {  	_ =	shalt  }
0x87: {  	_ =	shalt  }
.Lfunc_end0:
.L_simem_size_0:
called_computation.2_lowered:
.L_overlay_start_0:
0x88: {  	s2 =	sld [smem:$0x3FD9]  }
0x89: {  	s3 =	sld [smem:$0x3FFE];
	_ =	sdelay $0x1  }
0x8a: {  	s1 =	srdreg.scid  }
0x8b: {  	s0 =	sand.u32 $0x1, s1  }
0x8c: {  	s17 =	sshll.u32 s0, $0xA;
	s2 =	sadd.s32 s3, s2  }
0x8d: {  	s2 =	sadd.s32 s2, s17  }
0x8e: {  	[smem:$0x3FBC] =	sst s2  }
0x8f: {  	_ = 	snop  }
0x90: {  	s2 =	sld [smem:$0x3FD0];
	(tm) =	ssettm $0x1  }
0x91: {  	s18 =	sld [smem:$0x3FFB];
	_ =	sdelay $0x3  }
0x92: {  	_ =	strace s18  }
0x93: {  	s3 =	sld [smem:$0x3FFC];
	_ =	sdelay $0x3  }
0x94: {  	_ =	strace s3  }
0x95: {  	s3 =	sld [smem:$0x3FFD];
	_ =	sdelay $0x3  }
0x96: {  	_ =	strace s3  }
0x97: {  	_ =	strace $0x8FFFFFFF  }
0x98: {  	s19 =	sld [smem:$0x3FDB];
	_ =	sdelay $0x1  }
0x99: {  	s4 =	simm.s32 $_scs_section_size  }
0x9a: {  	s5 =	simm.s32 $_size__tile_overlayer_lowered;
	s6 =	simm.s32 $_tile_overlayer_lowered  }
0x9b: {  	s22 =	simm.s32 $0x1BFF;
	s21 =	sshll.u32 s6, $0x1;
	s3 =	sadd.s32 s4, s19  }
0x9c: {  	s7 =	simm.s32 $0x0;
	s20 =	sshll.u32 s5, $0x1;
	s5 =	sadd.s32 s21, s3  }
0x9d: {  	[timem:s7], [sflag:s22] =	dma.local [hbm:s5], s20  }
0x9e: {  	_ =	swait.ge [sflag:s22], s20  }
0x9f: {  	s4 =	ssub.s32 $0x0, s20;
	[sflag:s22] =	ssyncset.done $0x0  }
0xa0: {  	[sflag:s22] =	ssyncadd.s32 s4;
	_ =	sdelay $0x1  }
0xa1: {  	s23 =	simm.s32 $0x1B8B  }
0xa2: {  	_ =	swait.ge [sflag:s23], $0x1  }
0xa3: {  	[sflag:s23] =	ssyncset.done $0x0  }
0xa4: {  	s25 =	simm.s32 $0x1B8E;
	s24 =	sld [smem:$0x3FFE];
	[sflag:s23] =	ssyncadd.s32 $0xFFFFFFFF  }
0xa5: {  	s26 =	simm.s32 $execute0_lowered;
	[smem:$0x3FD2] =	sst s25  }
0xa6: {  	s5 =	sshll.u32 s26, $0x1;
	_ =	strace $0x8000004C;
	[dreg:$0x1] =	wrdreg $0xFFFFFFFF  }
0xa7: {  	s28 =	simm.s32 $_size_execute0_lowered;
	s3 =	sadd.s32 s3, s5;
	[dreg:$0x0] =	wrdreg $0x0  }
0xa8: {  	s5 =	sshll.u32 s28, $0x1;
	[dreg:$0x2] =	wrdreg s3  }
0xa9: {  	[dreg:$0x3] =	wrdreg s5  }
0xaa: {  	[dreg:$0x4] =	wrdreg $0xC0  }
0xab: {  	_ =	task [dreg:s7], $0x5FFFF  }
0xac: {  	[dreg:$0x1] =	wrdreg $0xFFFFFFFF  }
0xad: {  	[dreg:$0x0] =	wrdreg $0x60  }
0xae: {  	[dreg:$0x2] =	wrdreg s24  }
0xaf: {  	[dreg:$0x3] =	wrdreg s2  }
0xb0: {  	[dreg:$0x4] =	wrdreg $0x34200  }
0xb1: {  	[dreg:$0x5] =	wrdreg $0x9  }
0xb2: {  	_ =	task.clear_ibuf [dreg:s7], $0x6FFFF;
	_ =	strace $0x9000004C  }
0xb3: {  	s29 =	simm.s32 $0x9;
	_ =	strace $0x8000004E  }
0xb4: {  	_ =	swait.ge [sflag:s29], $0x1  }
0xb5: {  	[sflag:s29] =	ssyncadd.s32 $0xFFFFFFFF  }
0xb6: {  	_ =	strace $0x9000004E  }
0xb7: {  	_ =	sfence  }
0xb8: {  	s30 =	sld [smem:$0x0];
	_ =	sdelay $0x2  }
0xb9: {  	s31 =	sshll.u32 s1, $0xD;
	s1 =	sshrl.u32 s1, $0x2  }
0xba: {  	s3 =	sand.u32 $0x4000, s31;
	s1 =	sadd.s32 s1, s30  }
0xbb: {  	s0 =	sor.u32 s3, s0;
	s1 =	sshll.u32 s1, $0x11  }
0xbc: {  	s0 =	sor.u32 s1, s0  }
0xbd: {  	s0 =	sadd.s32 $0x8F2B, s0  }
0xbe: {  	[sflag:s0] =	ssyncadd.remote.s32 $0x1  }
0xbf: {  	_ =	sfence.sel $0xFFFF  }
0xc0: {  	[dreg:$0x0] =	wrdreg $0xFFFFFFFF;
	(pc) =	sbr.abs _section_cstart, $3  }
0xc1: {  	[dreg:$0x1] =	wrdreg $0xFFFFFFFF  }
0xc2: {  	_ =	task.clear_ibuf [dreg:s7], $0x2FFFF;
	_ =	strace $0x9FFFFFFF  }
0xc3: {  	(tm) =	ssettm $0x7FFFFFFF  }
tec
execute0_lowered:
.L_overlay_start_1:
0x0: {  	(tag) =	ssettag $0x1  }
0x1: {  	s0 =	rddreg [dreg:$0x0]  }
0x2: {  	s2 =	rddreg [dreg:$0x2]  }
0x3: {  	s3 =	simm.s32 $0x0;
	s4 =	srdreg.scid;
	s1 =	stileid.u32  }
0x4: {  	s15 =	simm.s32 $0x3380;
	s16 =	simm.s32 $0x3;
	s17 =	simm.s32 $0x3400  }
0x5: {  	s20 =	simm.s32 $0x80;
	s21 =	simm.s32 $0x380;
	s22 =	simm.s32 $0x1380  }
0x6: {  	s23 =	simm.s32 $0x1;
	s24 =	simm.s32 $0x2;
	s26 =	simm.s32 $0x2380  }
0x7: {  	s28 =	simm.s32 $0x0;
	[smem:$0x7FF] =	sst s3;
	s5 =	sadd.s32 $0x69600, s0  }
0x8: {  	s4 =	sand.u32 $0x1, s4;
	s6 =	sadd.s32 $0x7A00, s0;
	s8 =	sadd.s32 $0x1F0E00, s0  }
0x9: {  	s7 =	sadd.s32 $0xCB200, s0;
	s11 =	smul.u32 $0xC38, s1;
	s9 =	sadd.s32 $0x12CE00, s0  }
0xa: {  	s10 =	sadd.s32 $0x1F0A00, s0;
	s13 =	smul.u32 $0x61C00, s1;
	s31 =	sshll.u32 s1, $0x6  }
0xb: {  	_ =	strace $0x8000004D;
	s25 =	smul.u32 $0xC380, s4;
	s4 =	ssub.s32 $0x2, s4  }
0xc: {  	s18 =	sor.u32 $0x1C03, s31;
	s14 =	sshrl.u32 s4, $0x1;
	s30 =	sshrl.u32 s13, $0x2  }
0xd: {  	s12 =	sadd.s32 s11, s25;
	s11 =	sadd.s32 $0xFC000, s0;
	s4 =	ssub.s32 s4, s14  }
0xe: {  	s19 =	sadd.s32 s30, s2;
	v0 =	vmov s25;
	s25 =	simm.s32 $0x100;
	s12 =	sshll.u32 s12, $0x2  }
0xf: {  	s14 =	smax.u32 s4, $0x1;
	s19 =	sshrl.u32 s19, $0x3;
	s0 =	sadd.s32 s12, s0  }
0x10: {  	s12 =	smul.u32 $0x18700, s1;
	s1 =	simm.s32 $0x0;
	s13 =	sadd.s32 $0x221C00, s0  }
.LBB2_1:
0x11: {  	s0 =	rddreg [dreg:$0x1]  }
0x12: {  	[tilespmem:s15], [sflag:$0x3] =	stream.linear.gather [hbm4b:s0+s3], $0x80, $0x38;
	[tilespmem:$0x1BB30] =	vst v63  }
0x13: {  	_ =	swait.ge [sflag:s16], $0x80  }
0x14: {  	[sflag:s16] =	ssyncset.done $0x0  }
0x15: {  	[sflag:s16] =	ssyncadd.s32 $0xFFFFFF80  }
0x16: {  	[tilespmem:s17], [sflag:$0x3] =	stream.linear.gather [hbm4b:s10+s3], $0x20, $0x38;
	[tilespmem:$0x1BB30] =	vst v63  }
0x17: {  	_ =	swait.ge [sflag:s16], $0x20  }
0x18: {  	[sflag:s16] =	ssyncset.done $0x0  }
0x19: {  	[sflag:s16] =	ssyncadd.s32 $0xFFFFFFE0  }
0x1a: {  	[spmem:s19], [sflag:s18] =	dma.local [hbm:s11], $0x30E0  }
0x1b: {  	_ =	swait.ge [sflag:s16], $0x30E0  }
0x1c: {  	[sflag:s16] =	ssyncset.done $0x0  }
0x1d: {  	[sflag:s16] =	ssyncadd.s32 $0xFFFFCF20  }
0x1e: {  	[bflag:$0x0] =	sbarrier.arrive $0xFFFF  }
0x1f: {  	v1 =	vld [tilespmem:$0x3380]  }
0x20: {  	v2 =	vld [tilespmem:$0x33A0]  }
0x21: {  	v3 =	vld [tilespmem:$0x33C0]  }
0x22: {  	v4 =	vld [tilespmem:$0x33E0]  }
0x23: {  	v5 =	vld [tilespmem:$0x3390]  }
0x24: {  	v6 =	vld [tilespmem:$0x33B0]  }
0x25: {  	v7 =	vld [tilespmem:$0x33D0]  }
0x26: {  	v8 =	vld [tilespmem:$0x33F0]  }
0x27: {  	v9 =	vld [tilespmem:$0x3400]  }
0x28: {  	s29 =	simm.s32 $0x0;
	v10 =	vld [tilespmem:$0x3410]  }
.LBB2_2:
0x29: {  	s0 =	sshll.u32 s29, $0x7  }
0x2a: {  	s0 =	sadd.s32 s12, s0  }
0x2b: {  	s4 =	sshrl.u32 s0, $0x3  }
0x2c: {  	s30 =	sadd.s32 s7, s4  }
0x2d: {  	[tilespmem:s1], [sflag:$0x3] =	stream.linear.gather [hbm4b:s30+s1], $0x80, $0x38;
	[tilespmem:$0x1BB30] =	vst v63  }
0x2e: {  	_ =	swait.ge [sflag:s16], $0x80  }
0x2f: {  	[sflag:s16] =	ssyncset.done $0x0  }
0x30: {  	s4 =	sadd.s32 s8, s4;
	[sflag:s16] =	ssyncadd.s32 $0xFFFFFF80  }
0x31: {  	[tilespmem:s20], [sflag:$0x3] =	stream.linear.gather [hbm4b:s4+s1], $0x80, $0x38;
	[tilespmem:$0x1BB30] =	vst v63  }
0x32: {  	_ =	swait.ge [sflag:s16], $0x80  }
0x33: {  	s0 =	sshrl.u32 s0, $0x1;
	[sflag:s16] =	ssyncset.done $0x0  }
0x34: {  	s31 =	simm.s32 $0x180;
	s0 =	sadd.s32 s9, s0;
	[sflag:s16] =	ssyncadd.s32 $0xFFFFFF80  }
0x35: {  	[tilespmem:s31], [sflag:$0x3] =	stream.linear.gather [hbm4b:s0+s1], $0x200, $0x38;
	[tilespmem:$0x1BB30] =	vst v63  }
0x36: {  	_ =	swait.ge [sflag:s16], $0x200  }
0x37: {  	[sflag:s16] =	ssyncset.done $0x0  }
0x38: {  	[sflag:s16] =	ssyncadd.s32 $0xFFFFFE00  }
0x39: {  	[tilespmem:s21], [sflag:$0x1] =	stream.indirect.gather [hbm4b:s5+s20], $0x20, s1, s20, $0xb8;
	[tilespmem:$0x1BB30] =	vst v63  }
0x3a: {  	_ = 	snop  }
0x3b: {  	[tilespmem:s22], [sflag:$0x2] =	stream.indirect.gather [hbm4b:s6+s20], $0x20, s20, s20, $0xb8;
	[tilespmem:$0x1BB30] =	vst v63  }
0x3c: {  	_ =	swait.ge [sflag:s23], $0x1000  }
0x3d: {  	[sflag:s23] =	ssyncset.done $0x0  }
0x3e: {  	[sflag:s23] =	ssyncadd.s32 $0xFFFFF000  }
0x3f: {  	_ =	swait.ge [sflag:s24], $0x1000  }
0x40: {  	[sflag:s24] =	ssyncset.done $0x0  }
0x41: {  	[sflag:s24] =	ssyncadd.s32 $0xFFFFF000  }
0x42: {  	v11 =	vld [tilespmem:$0x80]  }
0x43: {  	v12 =	vld [tilespmem:$0x90]  }
0x44: {  	v13 =	vld [tilespmem:$0xA0]  }
0x45: {  	v14 =	vld [tilespmem:$0xB0]  }
0x46: {  	v15 =	vld [tilespmem:$0xC0]  }
0x47: {  	v16 =	vld [tilespmem:$0xD0];
	v11 =	vsub.s32 v11, v0  }
0x48: {  	v17 =	vld [tilespmem:$0xE0];
	v12 =	vsub.s32 v12, v0;
	v11 =	vmin.u32 v11, $0xC380  }
0x49: {  	[tilespmem:$0x100] =	vst v11;
	v11 =	vmin.u32 v12, $0xC380;
	v12 =	vsub.s32 v13, v0;
	v13 =	vld [tilespmem:$0xF0]  }
0x4a: {  	[tilespmem:$0x110] =	vst v11;
	v11 =	vmin.u32 v12, $0xC380;
	v12 =	vsub.s32 v14, v0  }
0x4b: {  	[tilespmem:$0x120] =	vst v11;
	v11 =	vmin.u32 v12, $0xC380;
	v12 =	vsub.s32 v15, v0  }
0x4c: {  	[tilespmem:$0x130] =	vst v11;
	v11 =	vmin.u32 v12, $0xC380;
	v12 =	vsub.s32 v16, v0  }
0x4d: {  	[tilespmem:$0x140] =	vst v11;
	v11 =	vmin.u32 v12, $0xC380;
	v12 =	vsub.s32 v17, v0  }
0x4e: {  	[tilespmem:$0x150] =	vst v11;
	v11 =	vmin.u32 v12, $0xC380;
	v12 =	vsub.s32 v13, v0  }
0x4f: {  	[tilespmem:$0x160] =	vst v11;
	v11 =	vmin.u32 v12, $0xC380  }
0x50: {  	s30 =	simm.s32 $0x0;
	[tilespmem:$0x170] =	vst v11  }
0x51: {  	v11 =	vld [tilespmem:s30+$0x380]  }
0x52: {  	v12 =	vld [tilespmem:s30+$0x1380]  }
0x53: {  	v13 =	vld [tilespmem:s30+$0x390]  }
0x54: {  	v14 =	vld [tilespmem:s30+$0x1390]  }
0x55: {  	v15 =	vld [tilespmem:s30+$0x3A0]  }
0x56: {  	v16 =	vld [tilespmem:s30+$0x13A0]  }
0x57: {  	v17 =	vld [tilespmem:s30+$0x3B0]  }
0x58: {  	v18 =	vld [tilespmem:s30+$0x13B0]  }
0x59: {  	v19 =	vld [tilespmem:s30+$0x3C0]  }
0x5a: {  	v20 =	vld [tilespmem:s30+$0x13C0]  }
0x5b: {  	v21 =	vld [tilespmem:s30+$0x3D0]  }
0x5c: {  	v22 =	vld [tilespmem:s30+$0x13D0]  }
0x5d: {  	v23 =	vld [tilespmem:s30+$0x3E0]  }
0x5e: {  	v25 =	vld [tilespmem:s30+$0x13E0]  }
0x5f: {  	v24 =	vld [tilespmem:s30+$0x3F0]  }
0x60: {  	s0 =	simm.s32 $0x200;
	v26 =	vld [tilespmem:s30+$0x13F0]  }
.LBB2_3:
0x61: {  	p0 =	sne.s32 s0, $0x3E00;
	v27 =	vld [tilespmem:s31+$0x0];
	v11 =	vadd.f32 v12, v11  }
0x62: {  	v12 =	vadd.f32 v14, v13;
	v13 =	vadd.f32 v16, v15  }
0x63: {  	v14 =	vadd.f32 v18, v17;
	v15 =	vadd.f32 v20, v19  }
0x64: {  	v16 =	vadd.f32 v22, v21;
	v17 =	vadd.f32 v25, v23  }
0x65: {  	v11 =	vadd.f32 v11, v9;
	v18 =	vadd.f32 v26, v24  }
0x66: {  	v12 =	vadd.f32 v12, v10;
	v19 =	vbroadcast v27, $0x0;
	v20 =	vbroadcast v27, $0x4  }
0x67: {  	v13 =	vadd.f32 v13, v9;
	v21 =	vbroadcast v27, $0x5;
	v22 =	vbroadcast v27, $0x6  }
0x68: {  	v14 =	vadd.f32 v14, v10;
	v24 =	vbroadcast v27, $0x1;
	v23 =	vmul.f32 v19, v1  }
0x69: {  	v15 =	vadd.f32 v15, v9;
	v19 =	vmul.f32 v19, v5;
	v25 =	vmul.f32 v20, v1  }
0x6a: {  	v26 =	vbroadcast v27, $0x2;
	v11 =	vadd.f32 v11, v23;
	v23 =	vmul.f32 v24, v2  }
0x6b: {  	v12 =	vadd.f32 v12, v19;
	v19 =	vmul.f32 v24, v6;
	v13 =	vadd.f32 v13, v25  }
0x6c: {  	v24 =	vbroadcast v27, $0x3;
	v11 =	vadd.f32 v11, v23;
	v23 =	vmul.f32 v26, v3  }
0x6d: {  	v25 =	vmul.f32 v21, v2;
	v12 =	vadd.f32 v12, v19;
	v19 =	vmul.f32 v26, v7  }
0x6e: {  	v11 =	vadd.f32 v11, v23;
	v23 =	vmul.f32 v24, v4;
	v24 =	vmul.f32 v24, v8  }
0x6f: {  	v13 =	vadd.f32 v13, v25;
	v12 =	vadd.f32 v12, v19;
	v19 =	vmul.f32 v22, v3  }
0x70: {  	v20 =	vmul.f32 v20, v5;
	v11 =	vadd.f32 v11, v23;
	v23 =	vbroadcast v27, $0x7  }
0x71: {  	v12 =	vadd.f32 v12, v24;
	v13 =	vadd.f32 v13, v19;
	v19 =	vmul.f32 v21, v6  }
0x72: {  	v14 =	vadd.f32 v14, v20;
	v11 =	vmax.f32 v11, $0.0e+00;
	v21 =	vmul.f32 v23, v4  }
0x73: {  	v20 =	vmul.f32 v23, v8;
	[tilespmem:s30+$0x2380] =	vst v11;
	v11 =	vmax.f32 v12, $0.0e+00;
	v12 =	vmul.f32 v22, v7  }
0x74: {  	[tilespmem:s30+$0x2390] =	vst v11;
	v11 =	vadd.f32 v13, v21;
	v13 =	vadd.f32 v14, v19;
	v14 =	vbroadcast v27, $0x8  }
0x75: {  	v16 =	vadd.f32 v16, v10;
	v19 =	vbroadcast v27, $0x9;
	v21 =	vbroadcast v27, $0xA  }
0x76: {  	v11 =	vmax.f32 v11, $0.0e+00;
	v12 =	vadd.f32 v13, v12;
	v13 =	vmul.f32 v14, v1  }
0x77: {  	v17 =	vadd.f32 v17, v9;
	v22 =	vmul.f32 v21, v3;
	[tilespmem:s30+$0x23A0] =	vst v11;
	v11 =	vmul.f32 v19, v2  }
0x78: {  	v12 =	vadd.f32 v12, v20;
	v13 =	vadd.f32 v15, v13;
	v15 =	vbroadcast v27, $0xB  }
0x79: {  	v18 =	vadd.f32 v18, v10;
	v14 =	vmul.f32 v14, v5;
	v19 =	vmul.f32 v19, v6  }
0x7a: {  	v12 =	vmax.f32 v12, $0.0e+00;
	v13 =	vadd.f32 v13, v11;
	v20 =	vmul.f32 v15, v4  }
0x7b: {  	s4 =	sshra.s32 s0, $0x2;
	v14 =	vadd.f32 v16, v14;
	v16 =	vmul.f32 v21, v7;
	v21 =	vmul.f32 v15, v8;
	[tilespmem:s30+$0x23B0] =	vst v12  }
0x7c: {  	v23 =	vbroadcast v27, $0xD;
	v11 =	vld [tilespmem:s4+$0x380];
	v15 =	vadd.f32 v13, v22;
	v22 =	vbroadcast v27, $0xC  }
0x7d: {  	v25 =	vbroadcast v27, $0xF;
	v24 =	vbroadcast v27, $0xE;
	v19 =	vadd.f32 v14, v19;
	v12 =	vld [tilespmem:s4+$0x1380]  }
0x7e: {  	v27 =	vmul.f32 v23, v2;
	v13 =	vld [tilespmem:s4+$0x390];
	v20 =	vadd.f32 v15, v20;
	v26 =	vmul.f32 v22, v1  }
0x7f: {  	v29 =	vmul.f32 v25, v4;
	v28 =	vmul.f32 v24, v3;
	v19 =	vadd.f32 v19, v16;
	v14 =	vld [tilespmem:s4+$0x1390]  }
0x80: {  	v22 =	vmul.f32 v22, v5;
	v15 =	vld [tilespmem:s4+$0x3A0];
	v20 =	vmax.f32 v20, $0.0e+00;
	v26 =	vadd.f32 v17, v26  }
0x81: {  	v19 =	vadd.f32 v19, v21;
	v16 =	vld [tilespmem:s4+$0x13A0];
	[tilespmem:s30+$0x23C0] =	vst v20;
	v20 =	vmul.f32 v23, v6;
	v23 =	vmul.f32 v24, v7  }
0x82: {  	v22 =	vadd.f32 v18, v22;
	v24 =	vmul.f32 v25, v8;
	v17 =	vld [tilespmem:s4+$0x3B0];
	v21 =	vadd.f32 v26, v27  }
0x83: {  	v25 =	vmax.f32 v19, $0.0e+00;
	v18 =	vld [tilespmem:s4+$0x13B0]  }
0x84: {  	v22 =	vadd.f32 v22, v20;
	v19 =	vld [tilespmem:s4+$0x3C0];
	[tilespmem:s30+$0x23D0] =	vst v25;
	v25 =	vadd.f32 v21, v28  }
0x85: {  	v20 =	vld [tilespmem:s4+$0x13C0]  }
0x86: {  	v26 =	vadd.f32 v22, v23;
	v21 =	vld [tilespmem:s4+$0x3D0];
	v25 =	vadd.f32 v25, v29  }
.Ltmp0:
0x87: {  	v22 =	vld [tilespmem:s4+$0x13D0];
	(pc) =	sbr.rel @p0 .LBB2_3-.Ltmp0, $4  }
0x88: {  	v26 =	vadd.f32 v26, v24;
	v23 =	vld [tilespmem:s4+$0x3E0];
	v27 =	vmax.f32 v25, $0.0e+00  }
0x89: {  	v25 =	vld [tilespmem:s4+$0x13E0];
	[tilespmem:s30+$0x23E0] =	vst v27  }
0x8a: {  	v27 =	vmax.f32 v26, $0.0e+00;
	v24 =	vld [tilespmem:s4+$0x3F0]  }
0x8b: {  	s0 =	sadd.s32 $0x200, s0;
	s31 =	sadd.s32 $0x10, s31;
	v26 =	vld [tilespmem:s4+$0x13F0];
	[tilespmem:s30+$0x23F0] =	vst v27;
	s30 =	smov.u32 s4  }
0x8c: {  	v27 =	vld [tilespmem:s31+$0x0];
	_ =	sdelay $0x4  }
0x8d: {  	v58 =	vbroadcast v27, $0x0  }
0x8e: {  	v51 =	vadd.f32 v14, v13;
	v59 =	vbroadcast v27, $0x4;
	v60 =	vbroadcast v27, $0x5  }
0x8f: {  	v52 =	vadd.f32 v16, v15;
	v61 =	vbroadcast v27, $0x6;
	v63 =	vbroadcast v27, $0x1  }
0x90: {  	v53 =	vadd.f32 v18, v17;
	v30 =	vbroadcast v27, $0x2;
	v33 =	vbroadcast v27, $0x3  }
0x91: {  	v54 =	vadd.f32 v20, v19;
	v38 =	vbroadcast v27, $0x7;
	v43 =	vbroadcast v27, $0x8  }
0x92: {  	v56 =	vadd.f32 v25, v23;
	v44 =	vbroadcast v27, $0x9;
	v45 =	vbroadcast v27, $0xA  }
0x93: {  	v13 =	vadd.f32 v52, v9;
	v49 =	vbroadcast v27, $0xB;
	v50 =	vbroadcast v27, $0xC  }
0x94: {  	v15 =	vadd.f32 v54, v9;
	v52 =	vbroadcast v27, $0xD;
	v54 =	vbroadcast v27, $0xE  }
0x95: {  	v17 =	vadd.f32 v56, v9;
	v56 =	vbroadcast v27, $0xF;
	v62 =	vmul.f32 v58, v1  }
0x96: {  	v19 =	vmul.f32 v58, v5;
	v28 =	vmul.f32 v59, v1  }
0x97: {  	v29 =	vmul.f32 v63, v2;
	v31 =	vmul.f32 v63, v6  }
0x98: {  	v11 =	vadd.f32 v12, v11;
	v32 =	vmul.f32 v30, v3;
	v34 =	vmul.f32 v30, v7  }
0x99: {  	v55 =	vadd.f32 v22, v21;
	v35 =	vmul.f32 v60, v2;
	v36 =	vmul.f32 v33, v4  }
0x9a: {  	v57 =	vadd.f32 v26, v24;
	v24 =	vmul.f32 v33, v8;
	v37 =	vmul.f32 v61, v3  }
0x9b: {  	v11 =	vadd.f32 v11, v9;
	v20 =	vmul.f32 v59, v5;
	v39 =	vmul.f32 v60, v6  }
0x9c: {  	v12 =	vadd.f32 v51, v10;
	v40 =	vmul.f32 v38, v4;
	v41 =	vmul.f32 v61, v7  }
0x9d: {  	v14 =	vadd.f32 v53, v10;
	v42 =	vmul.f32 v38, v8;
	v46 =	vmul.f32 v43, v1  }
0x9e: {  	v16 =	vadd.f32 v55, v10;
	v47 =	vmul.f32 v44, v2;
	v48 =	vmul.f32 v45, v3  }
0x9f: {  	v18 =	vadd.f32 v57, v10;
	v51 =	vmul.f32 v49, v4;
	v23 =	vmul.f32 v45, v7  }
0xa0: {  	v53 =	vmul.f32 v50, v1;
	v11 =	vadd.f32 v11, v62;
	v12 =	vadd.f32 v12, v19  }
0xa1: {  	v21 =	vmul.f32 v50, v5;
	v13 =	vadd.f32 v13, v28;
	v14 =	vadd.f32 v14, v20  }
0xa2: {  	v22 =	vmul.f32 v49, v8;
	v15 =	vadd.f32 v15, v46;
	v17 =	vadd.f32 v17, v53  }
0xa3: {  	v55 =	vmul.f32 v52, v2;
	v18 =	vadd.f32 v18, v21;
	v11 =	vadd.f32 v11, v29  }
0xa4: {  	v19 =	vmul.f32 v43, v5;
	v12 =	vadd.f32 v12, v31;
	v13 =	vadd.f32 v13, v35  }
0xa5: {  	v57 =	vmul.f32 v54, v3;
	v14 =	vadd.f32 v14, v39;
	v15 =	vadd.f32 v15, v47  }
0xa6: {  	v58 =	vmul.f32 v54, v7;
	v16 =	vadd.f32 v16, v19;
	v17 =	vadd.f32 v17, v55  }
0xa7: {  	v60 =	vmul.f32 v56, v4;
	v11 =	vadd.f32 v11, v32;
	v12 =	vadd.f32 v12, v34  }
0xa8: {  	v20 =	vmul.f32 v44, v6;
	v13 =	vadd.f32 v13, v37;
	v14 =	vadd.f32 v14, v41  }
0xa9: {  	v19 =	vmul.f32 v52, v6;
	v15 =	vadd.f32 v15, v48;
	v11 =	vadd.f32 v11, v36  }
0xaa: {  	v61 =	vmul.f32 v56, v8;
	v16 =	vadd.f32 v16, v20;
	v12 =	vadd.f32 v12, v24  }
0xab: {  	v18 =	vadd.f32 v18, v19;
	v13 =	vadd.f32 v13, v40;
	v11 =	vmax.f32 v11, $0.0e+00  }
0xac: {  	v14 =	vadd.f32 v14, v42;
	v12 =	vmax.f32 v12, $0.0e+00;
	[tilespmem:s30+$0x2380] =	vst v11;
	v11 =	vadd.f32 v16, v23  }
0xad: {  	v17 =	vadd.f32 v17, v57;
	v59 =	vadd.f32 v15, v51;
	v13 =	vmax.f32 v13, $0.0e+00;
	[tilespmem:s30+$0x2390] =	vst v12  }
0xae: {  	v14 =	vmax.f32 v14, $0.0e+00;
	[tilespmem:s30+$0x23A0] =	vst v13;
	v16 =	vadd.f32 v18, v58;
	v11 =	vadd.f32 v11, v22  }
0xaf: {  	v62 =	vadd.f32 v17, v60;
	[tilespmem:s30+$0x23B0] =	vst v14;
	v12 =	vmax.f32 v59, $0.0e+00  }
0xb0: {  	[tilespmem:s30+$0x23C0] =	vst v12;
	v63 =	vadd.f32 v16, v61;
	v11 =	vmax.f32 v11, $0.0e+00  }
0xb1: {  	s29 =	sadd.s32 $0x1, s29;
	[tilespmem:s30+$0x23D0] =	vst v11;
	v11 =	vmax.f32 v62, $0.0e+00  }
0xb2: {  	p0 =	sne.s32 s29, $0x30E;
	[tilespmem:s30+$0x23E0] =	vst v11;
	v11 =	vmax.f32 v63, $0.0e+00  }
.Ltmp1:
0xb3: {  	[tilespmem:s30+$0x23F0] =	vst v11;
	(pc) =	sbr.rel @p0 .LBB2_2-.Ltmp1, $4  }
0xb4: {  	[spmem:s2] =	stream.indirect.scatter.add.f32 [tilespmem:s26], [sflag:$0x3], $0x20, s25, s20, $0xb8;
	[tilespmem:$0x1BB30] =	vst v63  }
0xb5: {  	_ =	swait.ge [sflag:s16], $0x1000  }
0xb6: {  	[sflag:s16] =	ssyncset.done $0x0  }
0xb7: {  	[sflag:s16] =	ssyncadd.s32 $0xFFFFF000  }
0xb8: {  	s28 =	sadd.s32 $0x1, s28  }
0xb9: {  	p0 =	sne.s32 s28, s14  }
.Ltmp2:
0xba: {  	[bflag:$0x0] =	sbarrier.arrive $0xFFFF;
	(pc) =	sbr.rel @p0 .LBB2_1-.Ltmp2, $4  }
0xbb: {  	[hbm:s13], [sflag:s18] =	dma.local [spmem:s19], $0x30E0  }
0xbc: {  	_ =	swait.ge [sflag:s16], $0x30E0  }
0xbd: {  	[sflag:s16] =	ssyncset.done $0x0  }
0xbe: {  	[sflag:s16] =	ssyncadd.s32 $0xFFFFCF20  }
0xbf: {  	_ =	sfence.sel $0x180000  }
0xc0: {  	[bflag:$0x0] =	sbarrier.arrive $0xFFFF  }
0xc1: {  	_ =	strace $0x9000004D  }
0xc2: {  	s0 =	stileid.u32;
	[bflag:$0x2] =	sbarrier.arrive $0xFFFF  }
0xc3: {  	p0 =	sne.s32 s0, $0x0;
	s0 =	rddreg [dreg:$0x3]  }
0xc4: {  	s0 =	sadd.s32 @!p0 $0x100000, s0  }
0xc5: {  	[sflag:s0] =	ssyncadd.tile.s32 @!p0 $0x1;
	_ =	shalt  }
.Lfunc_end2:
_tile_overlayer_lowered:
.L_overlay_start_2:
0xc6: {  	(tag) =	ssettag $0x2  }
0xc7: {  	s0 =	rddreg [dreg:$0x0];
	s2 =	stileid.u32  }
0xc8: {  	s1 =	rddreg [dreg:$0x1];
	p0 =	sne.s32 s2, $0x0  }
0xc9: {  	s3 =	rddreg [dreg:$0x2];
	[bflag:$0x3] =	sbarrier.arrive $0xFFFF;
	s2 =	simm.s32 @!p0 $0x1C03  }
0xca: {  	[timem:s3], [sflag:s2] =	dma.local @!p0 [hbm:s0], s1  }
0xcb: {  	s0 =	simm.s32 @!p0 $0x3  }
0xcc: {  	_ =	swait.ge @!p0 [sflag:s0], s1  }
0xcd: {  	s1 =	ssub.s32 @!p0 $0x0, s1;
	[sflag:s0] =	ssyncset.done @!p0 $0x0  }
0xce: {  	[sflag:s0] =	ssyncadd.s32 @!p0 s1  }
0xcf: {  	[bflag:$0x3] =	sbarrier.arrive $0xFFFF  }
0xd0: {  	_ =	shalt  }

// kernel: kernel.21.cloned.1.call-start
scs
__scs_entry_jumppad:
0x0: {  	(pc) =	sbr.rel $0x88, $3  }
0x1: {  	(tag) =	ssettag $0x0;
	lr =	simm.s32 $0x1  }
0x2: {  	[smem:$0x3F95] =	sst lr;
	_ =	strace $0xD0000000  }
0x3: {  	_ = 	snop  }
0x4: {  	_ = 	snop  }
0x5: {  	_ = 	snop  }
0x6: {  	_ = 	snop  }
0x7: {  	_ = 	snop  }
__scs_overlays_trampoline_lowered:
0x8: {  	[smem:$0x3FA4] =	sst s0  }
0x9: {  	[smem:$0x3FA5] =	sst s1  }
0xa: {  	[smem:$0x3FA6] =	sst s2  }
0xb: {  	[smem:$0x3FA7] =	sst s3  }
0xc: {  	[smem:$0x3FA8] =	sst s4  }
0xd: {  	[smem:$0x3FA9] =	sst s5  }
0xe: {  	[smem:$0x3FAA] =	sst s6  }
0xf: {  	[smem:$0x3FAB] =	sst s7  }
0x10: {  	[smem:$0x3FAC] =	sst s8  }
0x11: {  	[smem:$0x3FAD] =	sst s9;
	s0 =	simm.s32 @!p0 $0x0  }
0x12: {  	s1 =	sld [smem:$0x3F93];
	s0 =	simm.s32 @p0 $0x1  }
0x13: {  	[smem:$0x3FAE] =	sst s0;
	s0 =	simm.s32 @!p1 $0x0  }
0x14: {  	s2 =	sld [smem:$0x3F92];
	s0 =	simm.s32 @p1 $0x1  }
0x15: {  	[smem:$0x3FAF] =	sst s0;
	s0 =	simm.s32 @!p2 $0x0  }
0x16: {  	s3 =	sld [smem:$0x3FDB];
	s0 =	simm.s32 @p2 $0x1  }
0x17: {  	s4 =	simm.s32 $0x1BF5;
	[smem:$0x3FB1] =	sst s0  }
0x18: {  	s0 =	sld [smem:$0x3F94];
	_ =	swait.ge [sflag:s4], $0x0  }
0x19: {  	s7 =	sld [smem:$0x3F95]  }
0x1a: {  	s8 =	sadd.s32 $0xFFFFE003, lr  }
0x1b: {  	s9 =	sadd.s32 $0xFFFFFEF7, lr;
	s5 =	simm.s32 $0xFFFFFFFF;
	p2 =	slt.u32 s8, $0xFFFFF086  }
0x1c: {  	p1 =	slt.u32 s9, $0xF7A;
	s5 =	simm.s32 @!p2 $0x0  }
0x1d: {  	s5 =	simm.s32 @p1 $0x1;
	p0 =	seq.s32 s7, s2  }
0x1e: {  	s7 =	smul.u32 @!p0 $0xF7A, s2;
	p2 =	seq.s32 @!p0 s5, $0x0  }
0x1f: {  	s9 =	smul.u32 $0xF7A, s1;
	s8 =	simm.s32 @!p0 $0x1BF5;
	p2 =	por !p2, p0  }
0x20: {  	[sflag:s8] =	ssyncset.s32 @!p0 $0xFFFFF086;
	s6 =	sadd.s32 @!p0 s3, s7;
	s7 =	simm.s32 @!p0 $0x108  }
0x21: {  	s3 =	sadd.s32 s3, s9;
	s6 =	sadd.s32 @!p0 $0x88, s6;
	s7 =	simm.s32 @p2 $0x1082  }
0x22: {  	[simem:s7], [sflag:s8] =	dma.local @!p0 [hbm:s6], $0xF7A  }
0x23: {  	s9 =	sor.u32 $0xD0000000, s2;
	s6 =	simm.s32 $0x108;
	_ =	swait.ge @!p0 [sflag:s8], $0x0  }
0x24: {  	s3 =	sadd.s32 $0x88, s3;
	s6 =	simm.s32 @!p1 $0x1082;
	[sflag:s4] =	ssyncset.s32 $0xFFFFF086  }
0x25: {  	[simem:s6], [sflag:s4] =	dma.local [hbm:s3], $0xF7A  }
0x26: {  	[smem:$0x3F95] =	sst s1;
	(tag) =	ssettag s2;
	_ =	strace s9  }
0x27: {  	s1 =	sld [smem:$0x3FA5]  }
0x28: {  	s2 =	sld [smem:$0x3FA6]  }
0x29: {  	s4 =	sld [smem:$0x3FA8]  }
0x2a: {  	p0 =	seq.s32 s5, $0x0;
	s5 =	sld [smem:$0x3FA9]  }
0x2b: {  	s6 =	sld [smem:$0x3FAA]  }
0x2c: {  	s7 =	sld [smem:$0x3FAB]  }
0x2d: {  	s3 =	simm.s32 $0x108;
	s8 =	sld [smem:$0x3FAC]  }
0x2e: {  	s3 =	simm.s32 @!p0 $0x1082;
	s9 =	sld [smem:$0x3FAD]  }
0x2f: {  	lr =	sadd.s32 s0, s3;
	s0 =	sld [smem:$0x3FA4]  }
0x30: {  	s3 =	sld [smem:$0x3FA7]  }
0x31: {  	[smem:$0x3FB0] =	sst s10  }
0x32: {  	s10 =	sld [smem:$0x3FAE];
	_ =	sdelay $0x3  }
0x33: {  	p0 =	seq.s32 s10, $0x1;
	s10 =	sld [smem:$0x3FB0];
	_ =	sdelay $0x3  }
0x34: {  	[smem:$0x3FB0] =	sst s10  }
0x35: {  	s10 =	sld [smem:$0x3FAF];
	_ =	sdelay $0x3  }
0x36: {  	p1 =	seq.s32 s10, $0x1;
	s10 =	sld [smem:$0x3FB0];
	_ =	sdelay $0x3  }
0x37: {  	[smem:$0x3FB0] =	sst s10  }
0x38: {  	s10 =	sld [smem:$0x3FB1]  }
0x39: {  	_ = 	snop;
	(pc) =	sbr.ind lr, $3  }
0x3a: {  	_ = 	snop  }
0x3b: {  	_ = 	snop  }
0x3c: {  	p2 =	seq.s32 s10, $0x1;
	s10 =	sld [smem:$0x3FB0]  }
0x3d: {  	_ =	shalt  }
0x3e: {  	_ =	shalt  }
0x3f: {  	_ =	shalt  }
0x40: {  	_ =	shalt  }
0x41: {  	_ =	shalt  }
0x42: {  	_ =	shalt  }
0x43: {  	_ =	shalt  }
0x44: {  	_ =	shalt  }
0x45: {  	_ =	shalt  }
0x46: {  	_ =	shalt  }
0x47: {  	_ =	shalt  }
0x48: {  	_ =	shalt  }
0x49: {  	_ =	shalt  }
0x4a: {  	_ =	shalt  }
0x4b: {  	_ =	shalt  }
0x4c: {  	_ =	shalt  }
0x4d: {  	_ =	shalt  }
0x4e: {  	_ =	shalt  }
0x4f: {  	_ =	shalt  }
0x50: {  	_ =	shalt  }
0x51: {  	_ =	shalt  }
0x52: {  	_ =	shalt  }
0x53: {  	_ =	shalt  }
0x54: {  	_ =	shalt  }
0x55: {  	_ =	shalt  }
0x56: {  	_ =	shalt  }
0x57: {  	_ =	shalt  }
0x58: {  	_ =	shalt  }
0x59: {  	_ =	shalt  }
0x5a: {  	_ =	shalt  }
0x5b: {  	_ =	shalt  }
0x5c: {  	_ =	shalt  }
0x5d: {  	_ =	shalt  }
0x5e: {  	_ =	shalt  }
0x5f: {  	_ =	shalt  }
0x60: {  	_ =	shalt  }
0x61: {  	_ =	shalt  }
0x62: {  	_ =	shalt  }
0x63: {  	_ =	shalt  }
0x64: {  	_ =	shalt  }
0x65: {  	_ =	shalt  }
0x66: {  	_ =	shalt  }
0x67: {  	_ =	shalt  }
0x68: {  	_ =	shalt  }
0x69: {  	_ =	shalt  }
0x6a: {  	_ =	shalt  }
0x6b: {  	_ =	shalt  }
0x6c: {  	_ =	shalt  }
0x6d: {  	_ =	shalt  }
0x6e: {  	_ =	shalt  }
0x6f: {  	_ =	shalt  }
0x70: {  	_ =	shalt  }
0x71: {  	_ =	shalt  }
0x72: {  	_ =	shalt  }
0x73: {  	_ =	shalt  }
0x74: {  	_ =	shalt  }
0x75: {  	_ =	shalt  }
0x76: {  	_ =	shalt  }
0x77: {  	_ =	shalt  }
0x78: {  	_ =	shalt  }
0x79: {  	_ =	shalt  }
0x7a: {  	_ =	shalt  }
0x7b: {  	_ =	shalt  }
0x7c: {  	_ =	shalt  }
0x7d: {  	_ =	shalt  }
0x7e: {  	_ =	shalt  }
0x7f: {  	_ =	shalt  }
0x80: {  	_ =	shalt  }
0x81: {  	_ =	shalt  }
0x82: {  	_ =	shalt  }
0x83: {  	_ =	shalt  }
0x84: {  	_ =	shalt  }
0x85: {  	_ =	shalt  }
0x86: {  	_ =	shalt  }
0x87: {  	_ =	shalt  }
.Lfunc_end0:
.L_simem_size_0:
called_computation.3_lowered:
.L_overlay_start_0:
0x88: {  	s2 =	sld [smem:$0x3FD9]  }
0x89: {  	s3 =	sld [smem:$0x3FFE];
	_ =	sdelay $0x1  }
0x8a: {  	s1 =	srdreg.scid  }
0x8b: {  	s0 =	sand.u32 $0x1, s1  }
0x8c: {  	s16 =	sshll.u32 s0, $0xA;
	s2 =	sadd.s32 s3, s2  }
0x8d: {  	s2 =	sadd.s32 s2, s16  }
0x8e: {  	[smem:$0x3FBC] =	sst s2  }
0x8f: {  	_ = 	snop  }
0x90: {  	(tm) =	ssettm $0x1  }
0x91: {  	s17 =	sld [smem:$0x3FFB];
	_ =	sdelay $0x3  }
0x92: {  	_ =	strace s17  }
0x93: {  	s2 =	sld [smem:$0x3FFC];
	_ =	sdelay $0x3  }
0x94: {  	_ =	strace s2  }
0x95: {  	s2 =	sld [smem:$0x3FFD];
	_ =	sdelay $0x3  }
0x96: {  	_ =	strace s2  }
0x97: {  	_ =	strace $0x8FFFFFFF  }
0x98: {  	s18 =	sld [smem:$0x3FDB];
	_ =	sdelay $0x1  }
0x99: {  	s19 =	simm.s32 $_scs_section_size  }
0x9a: {  	s4 =	simm.s32 $_size__tile_overlayer_lowered;
	s5 =	simm.s32 $_tile_overlayer_lowered  }
0x9b: {  	s22 =	simm.s32 $0x1BFF;
	s21 =	sshll.u32 s5, $0x1;
	s2 =	sadd.s32 s19, s18  }
0x9c: {  	s6 =	simm.s32 $0x0;
	s20 =	sshll.u32 s4, $0x1;
	s4 =	sadd.s32 s21, s2  }
0x9d: {  	[timem:s6], [sflag:s22] =	dma.local [hbm:s4], s20  }
0x9e: {  	_ =	swait.ge [sflag:s22], s20  }
0x9f: {  	s3 =	ssub.s32 $0x0, s20;
	[sflag:s22] =	ssyncset.done $0x0  }
0xa0: {  	[sflag:s22] =	ssyncadd.s32 s3;
	_ =	sdelay $0x1  }
0xa1: {  	s23 =	simm.s32 $0x1B8B  }
0xa2: {  	_ =	swait.ge [sflag:s23], $0x1  }
0xa3: {  	[sflag:s23] =	ssyncset.done $0x0  }
0xa4: {  	s25 =	simm.s32 $0x1B8E;
	s24 =	sld [smem:$0x3FFE];
	[sflag:s23] =	ssyncadd.s32 $0xFFFFFFFF  }
0xa5: {  	s26 =	simm.s32 $execute0_lowered;
	[smem:$0x3FD2] =	sst s25  }
0xa6: {  	s4 =	sshll.u32 s26, $0x1;
	_ =	strace $0x8000004F;
	[dreg:$0x1] =	wrdreg $0xFFFFFFFF  }
0xa7: {  	s28 =	simm.s32 $_size_execute0_lowered;
	s2 =	sadd.s32 s2, s4;
	[dreg:$0x0] =	wrdreg $0x0  }
0xa8: {  	s4 =	sshll.u32 s28, $0x1;
	[dreg:$0x2] =	wrdreg s2  }
0xa9: {  	[dreg:$0x3] =	wrdreg s4  }
0xaa: {  	[dreg:$0x4] =	wrdreg $0xC0  }
0xab: {  	_ =	task [dreg:s6], $0x5FFFF  }
0xac: {  	[dreg:$0x1] =	wrdreg $0xFFFFFFFF  }
0xad: {  	[dreg:$0x0] =	wrdreg $0x60  }
0xae: {  	[dreg:$0x2] =	wrdreg s24  }
0xaf: {  	[dreg:$0x3] =	wrdreg $0x34200  }
0xb0: {  	[dreg:$0x4] =	wrdreg $0x9  }
0xb1: {  	_ =	task.clear_ibuf [dreg:s6], $0x5FFFF;
	_ =	strace $0x9000004F  }
0xb2: {  	s29 =	simm.s32 $0x9;
	_ =	strace $0x80000051  }
0xb3: {  	_ =	swait.ge [sflag:s29], $0x1  }
0xb4: {  	[sflag:s29] =	ssyncadd.s32 $0xFFFFFFFF  }
0xb5: {  	_ =	strace $0x90000051  }
0xb6: {  	_ =	sfence  }
0xb7: {  	s30 =	sld [smem:$0x0];
	_ =	sdelay $0x2  }
0xb8: {  	s31 =	sshll.u32 s1, $0xD;
	s1 =	sshrl.u32 s1, $0x2  }
0xb9: {  	s3 =	sand.u32 $0x4000, s31;
	s1 =	sadd.s32 s1, s30  }
0xba: {  	s0 =	sor.u32 s3, s0;
	s1 =	sshll.u32 s1, $0x11  }
0xbb: {  	s0 =	sor.u32 s1, s0  }
0xbc: {  	s0 =	sadd.s32 $0x8F2B, s0  }
0xbd: {  	[sflag:s0] =	ssyncadd.remote.s32 $0x1  }
0xbe: {  	_ =	sfence.sel $0xFFFF  }
0xbf: {  	[dreg:$0x0] =	wrdreg $0xFFFFFFFF;
	(pc) =	sbr.abs _section_cstart, $3  }
0xc0: {  	[dreg:$0x1] =	wrdreg $0xFFFFFFFF  }
0xc1: {  	_ =	task.clear_ibuf [dreg:s6], $0x2FFFF;
	_ =	strace $0x9FFFFFFF  }
0xc2: {  	(tm) =	ssettm $0x7FFFFFFF  }
0xc3: {  	_ =	shalt  }
tec
execute0_lowered:
.L_overlay_start_1:
0x0: {  	(tag) =	ssettag $0x1  }
0x1: {  	s0 =	rddreg [dreg:$0x0]  }
0x2: {  	s1 =	rddreg [dreg:$0x1]  }
0x3: {  	s2 =	simm.s32 $0x0;
	s3 =	srdreg.scid;
	s15 =	stileid.u32  }
0x4: {  	s16 =	simm.s32 $0x3;
	s17 =	simm.s32 $0x3400;
	s20 =	simm.s32 $0x80  }
0x5: {  	s21 =	simm.s32 $0x380;
	s22 =	simm.s32 $0x1380;
	s23 =	simm.s32 $0x1  }
0x6: {  	s24 =	simm.s32 $0x2;
	s26 =	simm.s32 $0x2380;
	s28 =	simm.s32 $0x0  }
0x7: {  	[smem:$0x7FF] =	sst s2;
	s4 =	sadd.s32 $0x68A00, s0;
	s5 =	sadd.s32 $0x1F0E00, s0  }
0x8: {  	s3 =	sand.u32 $0x1, s3;
	s6 =	sadd.s32 $0x6E00, s0;
	s7 =	sadd.s32 $0x12CE00, s0  }
0x9: {  	s11 =	smul.u32 $0xC38, s15;
	s8 =	sadd.s32 $0xCB200, s0;
	s9 =	sadd.s32 $0xFFC00, s0  }
0xa: {  	s10 =	sadd.s32 $0x1F0C00, s0;
	s13 =	smul.u32 $0x61C00, s15;
	s31 =	sshll.u32 s15, $0x6  }
0xb: {  	_ =	strace $0x80000050;
	s25 =	smul.u32 $0xC380, s3;
	s3 =	ssub.s32 $0x2, s3  }
0xc: {  	s18 =	sor.u32 $0x1C03, s31;
	s14 =	sshrl.u32 s3, $0x1;
	s30 =	sshrl.u32 s13, $0x2  }
0xd: {  	s12 =	sadd.s32 s11, s25;
	s11 =	sadd.s32 $0xFC000, s0;
	s3 =	ssub.s32 s3, s14  }
0xe: {  	s19 =	sadd.s32 s30, s1;
	v0 =	vmov s25;
	s25 =	simm.s32 $0x100;
	s12 =	sshll.u32 s12, $0x2  }
0xf: {  	s14 =	smax.u32 s3, $0x1;
	s19 =	sshrl.u32 s19, $0x3;
	s0 =	sadd.s32 s12, s0  }
0x10: {  	s12 =	smul.u32 $0x18700, s15;
	s15 =	simm.s32 $0x0;
	s13 =	sadd.s32 $0x221C00, s0  }
.LBB2_1:
0x11: {  	s0 =	simm.s32 $0x3380  }
0x12: {  	[tilespmem:s0], [sflag:$0x3] =	stream.linear.gather [hbm4b:s9+s2], $0x80, $0x38;
	[tilespmem:$0x1BB30] =	vst v63  }
0x13: {  	_ =	swait.ge [sflag:s16], $0x80  }
0x14: {  	[sflag:s16] =	ssyncset.done $0x0  }
0x15: {  	[sflag:s16] =	ssyncadd.s32 $0xFFFFFF80  }
0x16: {  	[tilespmem:s17], [sflag:$0x3] =	stream.linear.gather [hbm4b:s10+s2], $0x20, $0x38;
	[tilespmem:$0x1BB30] =	vst v63  }
0x17: {  	_ =	swait.ge [sflag:s16], $0x20  }
0x18: {  	[sflag:s16] =	ssyncset.done $0x0  }
0x19: {  	[sflag:s16] =	ssyncadd.s32 $0xFFFFFFE0  }
0x1a: {  	[spmem:s19], [sflag:s18] =	dma.local [hbm:s11], $0x30E0  }
0x1b: {  	_ =	swait.ge [sflag:s16], $0x30E0  }
0x1c: {  	[sflag:s16] =	ssyncset.done $0x0  }
0x1d: {  	[sflag:s16] =	ssyncadd.s32 $0xFFFFCF20  }
0x1e: {  	[bflag:$0x0] =	sbarrier.arrive $0xFFFF  }
0x1f: {  	v1 =	vld [tilespmem:$0x3380]  }
0x20: {  	v2 =	vld [tilespmem:$0x33A0]  }
0x21: {  	v3 =	vld [tilespmem:$0x33C0]  }
0x22: {  	v4 =	vld [tilespmem:$0x33E0]  }
0x23: {  	v5 =	vld [tilespmem:$0x3390]  }
0x24: {  	v6 =	vld [tilespmem:$0x33B0]  }
0x25: {  	v7 =	vld [tilespmem:$0x33D0]  }
0x26: {  	v8 =	vld [tilespmem:$0x33F0]  }
0x27: {  	v9 =	vld [tilespmem:$0x3400]  }
0x28: {  	s29 =	simm.s32 $0x0;
	v10 =	vld [tilespmem:$0x3410]  }
.LBB2_2:
0x29: {  	s0 =	sshll.u32 s29, $0x7  }
0x2a: {  	s0 =	sadd.s32 s12, s0  }
0x2b: {  	s3 =	sshrl.u32 s0, $0x3  }
0x2c: {  	s30 =	sadd.s32 s8, s3  }
0x2d: {  	[tilespmem:s15], [sflag:$0x3] =	stream.linear.gather [hbm4b:s30+s15], $0x80, $0x38;
	[tilespmem:$0x1BB30] =	vst v63  }
0x2e: {  	_ =	swait.ge [sflag:s16], $0x80  }
0x2f: {  	[sflag:s16] =	ssyncset.done $0x0  }
0x30: {  	s3 =	sadd.s32 s5, s3;
	[sflag:s16] =	ssyncadd.s32 $0xFFFFFF80  }
0x31: {  	[tilespmem:s20], [sflag:$0x3] =	stream.linear.gather [hbm4b:s3+s15], $0x80, $0x38;
	[tilespmem:$0x1BB30] =	vst v63  }
0x32: {  	_ =	swait.ge [sflag:s16], $0x80  }
0x33: {  	s0 =	sshrl.u32 s0, $0x1;
	[sflag:s16] =	ssyncset.done $0x0  }
0x34: {  	s31 =	simm.s32 $0x180;
	s0 =	sadd.s32 s7, s0;
	[sflag:s16] =	ssyncadd.s32 $0xFFFFFF80  }
0x35: {  	[tilespmem:s31], [sflag:$0x3] =	stream.linear.gather [hbm4b:s0+s15], $0x200, $0x38;
	[tilespmem:$0x1BB30] =	vst v63  }
0x36: {  	_ =	swait.ge [sflag:s16], $0x200  }
0x37: {  	[sflag:s16] =	ssyncset.done $0x0  }
0x38: {  	[sflag:s16] =	ssyncadd.s32 $0xFFFFFE00  }
0x39: {  	[tilespmem:s21], [sflag:$0x1] =	stream.indirect.gather [hbm4b:s4+s20], $0x20, s15, s20, $0xb8;
	[tilespmem:$0x1BB30] =	vst v63  }
0x3a: {  	_ = 	snop  }
0x3b: {  	[tilespmem:s22], [sflag:$0x2] =	stream.indirect.gather [hbm4b:s6+s20], $0x20, s20, s20, $0xb8;
	[tilespmem:$0x1BB30] =	vst v63  }
0x3c: {  	_ =	swait.ge [sflag:s23], $0x1000  }
0x3d: {  	[sflag:s23] =	ssyncset.done $0x0  }
0x3e: {  	[sflag:s23] =	ssyncadd.s32 $0xFFFFF000  }
0x3f: {  	_ =	swait.ge [sflag:s24], $0x1000  }
0x40: {  	[sflag:s24] =	ssyncset.done $0x0  }
0x41: {  	[sflag:s24] =	ssyncadd.s32 $0xFFFFF000  }
0x42: {  	v11 =	vld [tilespmem:$0x80]  }
0x43: {  	v12 =	vld [tilespmem:$0x90]  }
0x44: {  	v13 =	vld [tilespmem:$0xA0]  }
0x45: {  	v14 =	vld [tilespmem:$0xB0]  }
0x46: {  	v15 =	vld [tilespmem:$0xC0]  }
0x47: {  	v16 =	vld [tilespmem:$0xD0];
	v11 =	vsub.s32 v11, v0  }
0x48: {  	v17 =	vld [tilespmem:$0xE0];
	v12 =	vsub.s32 v12, v0;
	v11 =	vmin.u32 v11, $0xC380  }
0x49: {  	[tilespmem:$0x100] =	vst v11;
	v11 =	vmin.u32 v12, $0xC380;
	v12 =	vsub.s32 v13, v0;
	v13 =	vld [tilespmem:$0xF0]  }
0x4a: {  	[tilespmem:$0x110] =	vst v11;
	v11 =	vmin.u32 v12, $0xC380;
	v12 =	vsub.s32 v14, v0  }
0x4b: {  	[tilespmem:$0x120] =	vst v11;
	v11 =	vmin.u32 v12, $0xC380;
	v12 =	vsub.s32 v15, v0  }
0x4c: {  	[tilespmem:$0x130] =	vst v11;
	v11 =	vmin.u32 v12, $0xC380;
	v12 =	vsub.s32 v16, v0  }
0x4d: {  	[tilespmem:$0x140] =	vst v11;
	v11 =	vmin.u32 v12, $0xC380;
	v12 =	vsub.s32 v17, v0  }
0x4e: {  	[tilespmem:$0x150] =	vst v11;
	v11 =	vmin.u32 v12, $0xC380;
	v12 =	vsub.s32 v13, v0  }
0x4f: {  	[tilespmem:$0x160] =	vst v11;
	v11 =	vmin.u32 v12, $0xC380  }
0x50: {  	s30 =	simm.s32 $0x0;
	[tilespmem:$0x170] =	vst v11  }
0x51: {  	v11 =	vld [tilespmem:s30+$0x380]  }
0x52: {  	v12 =	vld [tilespmem:s30+$0x1380]  }
0x53: {  	v13 =	vld [tilespmem:s30+$0x390]  }
0x54: {  	v14 =	vld [tilespmem:s30+$0x1390]  }
0x55: {  	v15 =	vld [tilespmem:s30+$0x3A0]  }
0x56: {  	v16 =	vld [tilespmem:s30+$0x13A0]  }
0x57: {  	v17 =	vld [tilespmem:s30+$0x3B0]  }
0x58: {  	v18 =	vld [tilespmem:s30+$0x13B0]  }
0x59: {  	v19 =	vld [tilespmem:s30+$0x3C0]  }
0x5a: {  	v20 =	vld [tilespmem:s30+$0x13C0]  }
0x5b: {  	v21 =	vld [tilespmem:s30+$0x3D0]  }
0x5c: {  	v22 =	vld [tilespmem:s30+$0x13D0]  }
0x5d: {  	v23 =	vld [tilespmem:s30+$0x3E0]  }
0x5e: {  	v25 =	vld [tilespmem:s30+$0x13E0]  }
0x5f: {  	v24 =	vld [tilespmem:s30+$0x3F0]  }
0x60: {  	s0 =	simm.s32 $0x200;
	v26 =	vld [tilespmem:s30+$0x13F0]  }
.LBB2_3:
0x61: {  	p0 =	sne.s32 s0, $0x3E00;
	v27 =	vld [tilespmem:s31+$0x0];
	v11 =	vadd.f32 v12, v11  }
0x62: {  	v12 =	vadd.f32 v14, v13;
	v13 =	vadd.f32 v16, v15  }
0x63: {  	v14 =	vadd.f32 v18, v17;
	v15 =	vadd.f32 v20, v19  }
0x64: {  	v16 =	vadd.f32 v22, v21;
	v17 =	vadd.f32 v25, v23  }
0x65: {  	v11 =	vadd.f32 v11, v9;
	v18 =	vadd.f32 v26, v24  }
0x66: {  	v12 =	vadd.f32 v12, v10;
	v19 =	vbroadcast v27, $0x0;
	v20 =	vbroadcast v27, $0x4  }
0x67: {  	v13 =	vadd.f32 v13, v9;
	v21 =	vbroadcast v27, $0x5;
	v22 =	vbroadcast v27, $0x6  }
0x68: {  	v14 =	vadd.f32 v14, v10;
	v24 =	vbroadcast v27, $0x1;
	v23 =	vmul.f32 v19, v1  }
0x69: {  	v15 =	vadd.f32 v15, v9;
	v19 =	vmul.f32 v19, v5;
	v25 =	vmul.f32 v20, v1  }
0x6a: {  	v26 =	vbroadcast v27, $0x2;
	v11 =	vadd.f32 v11, v23;
	v23 =	vmul.f32 v24, v2  }
0x6b: {  	v12 =	vadd.f32 v12, v19;
	v19 =	vmul.f32 v24, v6;
	v13 =	vadd.f32 v13, v25  }
0x6c: {  	v24 =	vbroadcast v27, $0x3;
	v11 =	vadd.f32 v11, v23;
	v23 =	vmul.f32 v26, v3  }
0x6d: {  	v25 =	vmul.f32 v21, v2;
	v12 =	vadd.f32 v12, v19;
	v19 =	vmul.f32 v26, v7  }
0x6e: {  	v11 =	vadd.f32 v11, v23;
	v23 =	vmul.f32 v24, v4;
	v24 =	vmul.f32 v24, v8  }
0x6f: {  	v13 =	vadd.f32 v13, v25;
	v12 =	vadd.f32 v12, v19;
	v19 =	vmul.f32 v22, v3  }
0x70: {  	v20 =	vmul.f32 v20, v5;
	v11 =	vadd.f32 v11, v23;
	v23 =	vbroadcast v27, $0x7  }
0x71: {  	v12 =	vadd.f32 v12, v24;
	v13 =	vadd.f32 v13, v19;
	v19 =	vmul.f32 v21, v6  }
0x72: {  	v14 =	vadd.f32 v14, v20;
	v11 =	vmax.f32 v11, $0.0e+00;
	v21 =	vmul.f32 v23, v4  }
0x73: {  	v20 =	vmul.f32 v23, v8;
	[tilespmem:s30+$0x2380] =	vst v11;
	v11 =	vmax.f32 v12, $0.0e+00;
	v12 =	vmul.f32 v22, v7  }
0x74: {  	[tilespmem:s30+$0x2390] =	vst v11;
	v11 =	vadd.f32 v13, v21;
	v13 =	vadd.f32 v14, v19;
	v14 =	vbroadcast v27, $0x8  }
0x75: {  	v16 =	vadd.f32 v16, v10;
	v19 =	vbroadcast v27, $0x9;
	v21 =	vbroadcast v27, $0xA  }
0x76: {  	v11 =	vmax.f32 v11, $0.0e+00;
	v12 =	vadd.f32 v13, v12;
	v13 =	vmul.f32 v14, v1  }
0x77: {  	v17 =	vadd.f32 v17, v9;
	v22 =	vmul.f32 v21, v3;
	[tilespmem:s30+$0x23A0] =	vst v11;
	v11 =	vmul.f32 v19, v2  }
0x78: {  	v12 =	vadd.f32 v12, v20;
	v13 =	vadd.f32 v15, v13;
	v15 =	vbroadcast v27, $0xB  }
0x79: {  	v18 =	vadd.f32 v18, v10;
	v14 =	vmul.f32 v14, v5;
	v19 =	vmul.f32 v19, v6  }
0x7a: {  	v12 =	vmax.f32 v12, $0.0e+00;
	v13 =	vadd.f32 v13, v11;
	v20 =	vmul.f32 v15, v4  }
0x7b: {  	s3 =	sshra.s32 s0, $0x2;
	v14 =	vadd.f32 v16, v14;
	v16 =	vmul.f32 v21, v7;
	v21 =	vmul.f32 v15, v8;
	[tilespmem:s30+$0x23B0] =	vst v12  }
0x7c: {  	v23 =	vbroadcast v27, $0xD;
	v11 =	vld [tilespmem:s3+$0x380];
	v15 =	vadd.f32 v13, v22;
	v22 =	vbroadcast v27, $0xC  }
0x7d: {  	v25 =	vbroadcast v27, $0xF;
	v24 =	vbroadcast v27, $0xE;
	v19 =	vadd.f32 v14, v19;
	v12 =	vld [tilespmem:s3+$0x1380]  }
0x7e: {  	v27 =	vmul.f32 v23, v2;
	v13 =	vld [tilespmem:s3+$0x390];
	v20 =	vadd.f32 v15, v20;
	v26 =	vmul.f32 v22, v1  }
0x7f: {  	v29 =	vmul.f32 v25, v4;
	v28 =	vmul.f32 v24, v3;
	v19 =	vadd.f32 v19, v16;
	v14 =	vld [tilespmem:s3+$0x1390]  }
0x80: {  	v22 =	vmul.f32 v22, v5;
	v15 =	vld [tilespmem:s3+$0x3A0];
	v20 =	vmax.f32 v20, $0.0e+00;
	v26 =	vadd.f32 v17, v26  }
0x81: {  	v19 =	vadd.f32 v19, v21;
	v16 =	vld [tilespmem:s3+$0x13A0];
	[tilespmem:s30+$0x23C0] =	vst v20;
	v20 =	vmul.f32 v23, v6;
	v23 =	vmul.f32 v24, v7  }
0x82: {  	v22 =	vadd.f32 v18, v22;
	v24 =	vmul.f32 v25, v8;
	v17 =	vld [tilespmem:s3+$0x3B0];
	v21 =	vadd.f32 v26, v27  }
0x83: {  	v25 =	vmax.f32 v19, $0.0e+00;
	v18 =	vld [tilespmem:s3+$0x13B0]  }
0x84: {  	v22 =	vadd.f32 v22, v20;
	v19 =	vld [tilespmem:s3+$0x3C0];
	[tilespmem:s30+$0x23D0] =	vst v25;
	v25 =	vadd.f32 v21, v28  }
0x85: {  	v20 =	vld [tilespmem:s3+$0x13C0]  }
0x86: {  	v26 =	vadd.f32 v22, v23;
	v21 =	vld [tilespmem:s3+$0x3D0];
	v25 =	vadd.f32 v25, v29  }
.Ltmp0:
0x87: {  	v22 =	vld [tilespmem:s3+$0x13D0];
	(pc) =	sbr.rel @p0 .LBB2_3-.Ltmp0, $4  }
0x88: {  	v26 =	vadd.f32 v26, v24;
	v23 =	vld [tilespmem:s3+$0x3E0];
	v27 =	vmax.f32 v25, $0.0e+00  }
0x89: {  	v25 =	vld [tilespmem:s3+$0x13E0];
	[tilespmem:s30+$0x23E0] =	vst v27  }
0x8a: {  	v27 =	vmax.f32 v26, $0.0e+00;
	v24 =	vld [tilespmem:s3+$0x3F0]  }
0x8b: {  	s0 =	sadd.s32 $0x200, s0;
	s31 =	sadd.s32 $0x10, s31;
	v26 =	vld [tilespmem:s3+$0x13F0];
	[tilespmem:s30+$0x23F0] =	vst v27;
	s30 =	smov.u32 s3  }
0x8c: {  	v27 =	vld [tilespmem:s31+$0x0];
	_ =	sdelay $0x4  }
0x8d: {  	v58 =	vbroadcast v27, $0x0  }
0x8e: {  	v51 =	vadd.f32 v14, v13;
	v59 =	vbroadcast v27, $0x4;
	v60 =	vbroadcast v27, $0x5  }
0x8f: {  	v52 =	vadd.f32 v16, v15;
	v61 =	vbroadcast v27, $0x6;
	v63 =	vbroadcast v27, $0x1  }
0x90: {  	v53 =	vadd.f32 v18, v17;
	v30 =	vbroadcast v27, $0x2;
	v33 =	vbroadcast v27, $0x3  }
0x91: {  	v54 =	vadd.f32 v20, v19;
	v38 =	vbroadcast v27, $0x7;
	v43 =	vbroadcast v27, $0x8  }
0x92: {  	v56 =	vadd.f32 v25, v23;
	v44 =	vbroadcast v27, $0x9;
	v45 =	vbroadcast v27, $0xA  }
0x93: {  	v13 =	vadd.f32 v52, v9;
	v49 =	vbroadcast v27, $0xB;
	v50 =	vbroadcast v27, $0xC  }
0x94: {  	v15 =	vadd.f32 v54, v9;
	v52 =	vbroadcast v27, $0xD;
	v54 =	vbroadcast v27, $0xE  }
0x95: {  	v17 =	vadd.f32 v56, v9;
	v56 =	vbroadcast v27, $0xF;
	v62 =	vmul.f32 v58, v1  }
0x96: {  	v19 =	vmul.f32 v58, v5;
	v28 =	vmul.f32 v59, v1  }
0x97: {  	v29 =	vmul.f32 v63, v2;
	v31 =	vmul.f32 v63, v6  }
0x98: {  	v11 =	vadd.f32 v12, v11;
	v32 =	vmul.f32 v30, v3;
	v34 =	vmul.f32 v30, v7  }
0x99: {  	v55 =	vadd.f32 v22, v21;
	v35 =	vmul.f32 v60, v2;
	v36 =	vmul.f32 v33, v4  }
0x9a: {  	v57 =	vadd.f32 v26, v24;
	v24 =	vmul.f32 v33, v8;
	v37 =	vmul.f32 v61, v3  }
0x9b: {  	v11 =	vadd.f32 v11, v9;
	v20 =	vmul.f32 v59, v5;
	v39 =	vmul.f32 v60, v6  }
0x9c: {  	v12 =	vadd.f32 v51, v10;
	v40 =	vmul.f32 v38, v4;
	v41 =	vmul.f32 v61, v7  }
0x9d: {  	v14 =	vadd.f32 v53, v10;
	v42 =	vmul.f32 v38, v8;
	v46 =	vmul.f32 v43, v1  }
0x9e: {  	v16 =	vadd.f32 v55, v10;
	v47 =	vmul.f32 v44, v2;
	v48 =	vmul.f32 v45, v3  }
0x9f: {  	v18 =	vadd.f32 v57, v10;
	v51 =	vmul.f32 v49, v4;
	v23 =	vmul.f32 v45, v7  }
0xa0: {  	v53 =	vmul.f32 v50, v1;
	v11 =	vadd.f32 v11, v62;
	v12 =	vadd.f32 v12, v19  }
0xa1: {  	v21 =	vmul.f32 v50, v5;
	v13 =	vadd.f32 v13, v28;
	v14 =	vadd.f32 v14, v20  }
0xa2: {  	v22 =	vmul.f32 v49, v8;
	v15 =	vadd.f32 v15, v46;
	v17 =	vadd.f32 v17, v53  }
0xa3: {  	v55 =	vmul.f32 v52, v2;
	v18 =	vadd.f32 v18, v21;
	v11 =	vadd.f32 v11, v29  }
0xa4: {  	v19 =	vmul.f32 v43, v5;
	v12 =	vadd.f32 v12, v31;
	v13 =	vadd.f32 v13, v35  }
0xa5: {  	v57 =	vmul.f32 v54, v3;
	v14 =	vadd.f32 v14, v39;
	v15 =	vadd.f32 v15, v47  }
0xa6: {  	v58 =	vmul.f32 v54, v7;
	v16 =	vadd.f32 v16, v19;
	v17 =	vadd.f32 v17, v55  }
0xa7: {  	v60 =	vmul.f32 v56, v4;
	v11 =	vadd.f32 v11, v32;
	v12 =	vadd.f32 v12, v34  }
0xa8: {  	v20 =	vmul.f32 v44, v6;
	v13 =	vadd.f32 v13, v37;
	v14 =	vadd.f32 v14, v41  }
0xa9: {  	v19 =	vmul.f32 v52, v6;
	v15 =	vadd.f32 v15, v48;
	v11 =	vadd.f32 v11, v36  }
0xaa: {  	v61 =	vmul.f32 v56, v8;
	v16 =	vadd.f32 v16, v20;
	v12 =	vadd.f32 v12, v24  }
0xab: {  	v18 =	vadd.f32 v18, v19;
	v13 =	vadd.f32 v13, v40;
	v11 =	vmax.f32 v11, $0.0e+00  }
0xac: {  	v14 =	vadd.f32 v14, v42;
	v12 =	vmax.f32 v12, $0.0e+00;
	[tilespmem:s30+$0x2380] =	vst v11;
	v11 =	vadd.f32 v16, v23  }
0xad: {  	v17 =	vadd.f32 v17, v57;
	v59 =	vadd.f32 v15, v51;
	v13 =	vmax.f32 v13, $0.0e+00;
	[tilespmem:s30+$0x2390] =	vst v12  }
0xae: {  	v14 =	vmax.f32 v14, $0.0e+00;
	[tilespmem:s30+$0x23A0] =	vst v13;
	v16 =	vadd.f32 v18, v58;
	v11 =	vadd.f32 v11, v22  }
0xaf: {  	v62 =	vadd.f32 v17, v60;
	[tilespmem:s30+$0x23B0] =	vst v14;
	v12 =	vmax.f32 v59, $0.0e+00  }
0xb0: {  	[tilespmem:s30+$0x23C0] =	vst v12;
	v63 =	vadd.f32 v16, v61;
	v11 =	vmax.f32 v11, $0.0e+00  }
0xb1: {  	s29 =	sadd.s32 $0x1, s29;
	[tilespmem:s30+$0x23D0] =	vst v11;
	v11 =	vmax.f32 v62, $0.0e+00  }
0xb2: {  	p0 =	sne.s32 s29, $0x30E;
	[tilespmem:s30+$0x23E0] =	vst v11;
	v11 =	vmax.f32 v63, $0.0e+00  }
.Ltmp1:
0xb3: {  	[tilespmem:s30+$0x23F0] =	vst v11;
	(pc) =	sbr.rel @p0 .LBB2_2-.Ltmp1, $4  }
0xb4: {  	[spmem:s1] =	stream.indirect.scatter.add.f32 [tilespmem:s26], [sflag:$0x3], $0x20, s25, s20, $0xb8;
	[tilespmem:$0x1BB30] =	vst v63  }
0xb5: {  	_ =	swait.ge [sflag:s16], $0x1000  }
0xb6: {  	[sflag:s16] =	ssyncset.done $0x0  }
0xb7: {  	[sflag:s16] =	ssyncadd.s32 $0xFFFFF000  }
0xb8: {  	s28 =	sadd.s32 $0x1, s28  }
0xb9: {  	p0 =	sne.s32 s28, s14  }
.Ltmp2:
0xba: {  	[bflag:$0x0] =	sbarrier.arrive $0xFFFF;
	(pc) =	sbr.rel @p0 .LBB2_1-.Ltmp2, $4  }
0xbb: {  	[hbm:s13], [sflag:s18] =	dma.local [spmem:s19], $0x30E0  }
0xbc: {  	_ =	swait.ge [sflag:s16], $0x30E0  }
0xbd: {  	[sflag:s16] =	ssyncset.done $0x0  }
0xbe: {  	[sflag:s16] =	ssyncadd.s32 $0xFFFFCF20  }
0xbf: {  	_ =	sfence.sel $0x180000  }
0xc0: {  	[bflag:$0x0] =	sbarrier.arrive $0xFFFF  }
0xc1: {  	_ =	strace $0x90000050  }
0xc2: {  	s0 =	stileid.u32;
	[bflag:$0x2] =	sbarrier.arrive $0xFFFF  }
0xc3: {  	p0 =	sne.s32 s0, $0x0;
	s0 =	rddreg [dreg:$0x2]  }
0xc4: {  	s0 =	sadd.s32 @!p0 $0x100000, s0  }
0xc5: {  	[sflag:s0] =	ssyncadd.tile.s32 @!p0 $0x1;
	_ =	shalt  }
.Lfunc_end2:
_tile_overlayer_lowered:
.L_overlay_start_2:
0xc6: {  	(tag) =	ssettag $0x2  }
0xc7: {  	s0 =	rddreg [dreg:$0x0];
	s2 =	stileid.u32  }
0xc8: {  	s1 =	rddreg [dreg:$0x1];
	p0 =	sne.s32 s2, $0x0  }
0xc9: {  	s3 =	rddreg [dreg:$0x2];
	[bflag:$0x3] =	sbarrier.arrive $0xFFFF;
	s2 =	simm.s32 @!p0 $0x1C03  }
0xca: {  	[timem:s3], [sflag:s2] =	dma.local @!p0 [hbm:s0], s1  }
0xcb: {  	s0 =	simm.s32 @!p0 $0x3  }
0xcc: {  	_ =	swait.ge @!p0 [sflag:s0], s1  }
0xcd: {  	s1 =	ssub.s32 @!p0 $0x0, s1;
	[sflag:s0] =	ssyncset.done @!p0 $0x0  }
0xce: {  	[sflag:s0] =	ssyncadd.s32 @!p0 s1  }
0xcf: {  	[bflag:$0x3] =	sbarrier.arrive $0xFFFF  }
0xd0: {  	_ =	shalt  }

</sc_bundles>
